<compile_context>
chip_gen: v7x
topology: tpu7x:2x2x1
jax: 0.10.2.dev20260603
libtpu: 0.0.44.dev20260713+nightly
codegen_flags: <defaults>
</compile_context>

<pallas_src>
import functools

import jax
import jax.numpy as jnp
from jax import lax
from jax.experimental import pallas as pl
from jax.experimental.pallas import tpu as pltpu
from jax.experimental.pallas import tpu_sc as plsc

G = 64


_NSUB = 16
_CHUNK = 128


def _sc_mesh():
    return plsc.VectorSubcoreMesh(core_axis_name="c", subcore_axis_name="s")


def _make_deg_kernel(C, A, Dd):
    nz = A // (_NSUB * _CHUNK)

    @functools.partial(
        pl.kernel,
        mesh=_sc_mesh(),
        out_type=jax.ShapeDtypeStruct((2, A, Dd), jnp.float32),
        scratch_types=[
            pltpu.VMEM((_CHUNK,), jnp.int32),
            pltpu.VMEM((_CHUNK,), jnp.int32),
            pltpu.VMEM((_CHUNK, Dd), jnp.float32),
            pltpu.VMEM((_CHUNK, Dd), jnp.float32),
            pltpu.VMEM_SHARED((A, Dd), jnp.float32),
            pltpu.SemaphoreType.DMA,
            pltpu.SemaphoreType.DMA,
        ],
    )
    def deg_kernel(dst_hbm, zeros_hbm, ones_hbm, deg_out,
                   dstA, dstB, rows_v, ones_v, acc, sDA, sDB):
        c = lax.axis_index("c")
        s = lax.axis_index("s")
        pltpu.sync_copy(zeros_hbm, rows_v)
        for k in range(nz):
            pltpu.sync_copy(rows_v, acc.at[pl.ds((s * nz + k) * _CHUNK, _CHUNK)])
        pltpu.sync_copy(ones_hbm, ones_v)
        pltpu.async_copy(dst_hbm.at[c, s, 0], dstA, sDA)
        pltpu.async_copy(dst_hbm.at[c, s, 1], dstB, sDB)
        plsc.subcore_barrier()
        pltpu.make_async_copy(dst_hbm.at[c, s, 0], dstA, sDA).wait()

        def body(t, carry):
            j0 = 2 * t
            pltpu.sync_copy(ones_v, acc.at[dstA], add=True)
            pltpu.async_copy(dst_hbm.at[c, s, j0 + 2], dstA, sDA)
            pltpu.make_async_copy(dst_hbm.at[c, s, 0], dstB, sDB).wait()
            pltpu.sync_copy(ones_v, acc.at[dstB], add=True)
            pltpu.async_copy(dst_hbm.at[c, s, j0 + 3], dstB, sDB)
            pltpu.make_async_copy(dst_hbm.at[c, s, 0], dstA, sDA).wait()
            return carry

        lax.fori_loop(0, C // 2, body, 0)
        pltpu.make_async_copy(dst_hbm.at[c, s, 0], dstB, sDB).wait()
        plsc.subcore_barrier()
        for k in range(nz):
            r0 = (s * nz + k) * _CHUNK
            pltpu.sync_copy(acc.at[pl.ds(r0, _CHUNK)], rows_v)
            pltpu.sync_copy(rows_v, deg_out.at[c, pl.ds(r0, _CHUNK)])

    return deg_kernel


def _make_edge_kernel(C, A, Dd):
    nz = A // (_NSUB * _CHUNK)

    @functools.partial(
        pl.kernel,
        mesh=_sc_mesh(),
        out_type=jax.ShapeDtypeStruct((2, A, Dd), jnp.float32),
        scratch_types=[
            pltpu.VMEM((_CHUNK,), jnp.int32),
            pltpu.VMEM((_CHUNK,), jnp.int32),
            pltpu.VMEM((_CHUNK,), jnp.int32),
            pltpu.VMEM((_CHUNK,), jnp.int32),
            pltpu.VMEM((_CHUNK, Dd), jnp.float32),
            pltpu.VMEM((_CHUNK, Dd), jnp.float32),
            pltpu.VMEM_SHARED((A, Dd), jnp.float32),
            pltpu.SemaphoreType.DMA,
            pltpu.SemaphoreType.DMA,
            pltpu.SemaphoreType.DMA,
            pltpu.SemaphoreType.DMA,
            pltpu.SemaphoreType.DMA,
            pltpu.SemaphoreType.DMA,
        ],
    )
    def edge_kernel(y_hbm, src_hbm, dst_hbm, zeros_hbm, acc_out,
                    srcA, dstA, srcB, dstB, rowsA, rowsB, acc,
                    gsA, gsB, sSA, sDA, sSB, sDB):
        c = lax.axis_index("c")
        s = lax.axis_index("s")

        def gather2(src_v, rows_v, sem):
            pltpu.async_copy(y_hbm.at[src_v], rows_v, sem)

        def gwait(src_v, rows_v, sem):
            pltpu.make_async_copy(y_hbm.at[src_v], rows_v, sem).wait()
        pltpu.sync_copy(zeros_hbm, rowsA)
        for k in range(nz):
            pltpu.sync_copy(rowsA, acc.at[pl.ds((s * nz + k) * _CHUNK, _CHUNK)])
        pltpu.async_copy(src_hbm.at[c, s, 0], srcA, sSA)
        pltpu.async_copy(dst_hbm.at[c, s, 0], dstA, sDA)
        pltpu.async_copy(src_hbm.at[c, s, 1], srcB, sSB)
        pltpu.async_copy(dst_hbm.at[c, s, 1], dstB, sDB)
        plsc.subcore_barrier()
        pltpu.make_async_copy(src_hbm.at[c, s, 0], srcA, sSA).wait()
        pltpu.make_async_copy(dst_hbm.at[c, s, 0], dstA, sDA).wait()
        gather2(srcA, rowsA, gsA)

        def body(t, carry):
            j0 = 2 * t
            pltpu.make_async_copy(src_hbm.at[c, s, 0], srcB, sSB).wait()
            pltpu.make_async_copy(dst_hbm.at[c, s, 0], dstB, sDB).wait()
            gather2(srcB, rowsB, gsB)
            gwait(srcA, rowsA, gsA)
            pltpu.sync_copy(rowsA, acc.at[dstA], add=True)
            pltpu.async_copy(src_hbm.at[c, s, j0 + 2], srcA, sSA)
            pltpu.async_copy(dst_hbm.at[c, s, j0 + 2], dstA, sDA)
            pltpu.make_async_copy(src_hbm.at[c, s, 0], srcA, sSA).wait()
            pltpu.make_async_copy(dst_hbm.at[c, s, 0], dstA, sDA).wait()
            gather2(srcA, rowsA, gsA)
            gwait(srcB, rowsB, gsB)
            pltpu.sync_copy(rowsB, acc.at[dstB], add=True)
            pltpu.async_copy(src_hbm.at[c, s, j0 + 3], srcB, sSB)
            pltpu.async_copy(dst_hbm.at[c, s, j0 + 3], dstB, sDB)
            return carry

        lax.fori_loop(0, C // 2, body, 0)
        gwait(srcA, rowsA, gsA)
        pltpu.make_async_copy(src_hbm.at[c, s, 0], srcB, sSB).wait()
        pltpu.make_async_copy(dst_hbm.at[c, s, 0], dstB, sDB).wait()
        plsc.subcore_barrier()
        for k in range(nz):
            r0 = (s * nz + k) * _CHUNK
            pltpu.sync_copy(acc.at[pl.ds(r0, _CHUNK)], rowsA)
            pltpu.sync_copy(rowsA, acc_out.at[c, pl.ds(r0, _CHUNK)])

    return edge_kernel



_BR = 1024


def _dinv(d_ref):
    return lax.rsqrt(jnp.maximum(d_ref[:, 0:1], 1.0))


def _mm_pre_body(x_ref, d_ref, w_ref, o_ref):
    o_ref[...] = jnp.dot(x_ref[...] * _dinv(d_ref), w_ref[...],
                         preferred_element_type=jnp.float32)


def _mm_mid_body(a_ref, d_ref, b_ref, w_ref, o_ref):
    dinv = _dinv(d_ref)
    h = jnp.maximum(a_ref[...] * dinv + b_ref[...], 0.0)
    o_ref[...] = jnp.dot(h * dinv, w_ref[...],
                         preferred_element_type=jnp.float32)


def _pool_body(a_ref, d_ref, b_ref, batch_ref, o_ref, acc_ref):
    i = pl.program_id(0)

    @pl.when(i == 0)
    def _():
        acc_ref[...] = jnp.zeros_like(acc_ref)

    h3 = a_ref[...] * _dinv(d_ref) + b_ref[...]
    he = jnp.concatenate(
        [h3, jnp.ones((h3.shape[0], 128), jnp.float32)], axis=1)
    seg = batch_ref[0]
    qt = (lax.broadcasted_iota(jnp.int32, (128, h3.shape[0]), 0)
          == seg).astype(jnp.float32)
    acc_ref[...] += jnp.dot(qt, he, preferred_element_type=jnp.float32)

    @pl.when(i == pl.num_programs(0) - 1)
    def _():
        o_ref[...] = acc_ref[...]


def _head_body(p_ref, w1_ref, b1_ref, w2_ref, b2_ref, w3_ref, b3_ref, o_ref):
    pooled = p_ref[...]
    cnt = jnp.maximum(pooled[:, 128:129], 1.0)
    mean = pooled[:, :128] / cnt
    h = jnp.concatenate([mean[:G], mean[G:2 * G]], axis=1)
    h = jnp.maximum(jnp.dot(h, w1_ref[...],
                            preferred_element_type=jnp.float32) + b1_ref[...],
                    0.0)
    h = jnp.maximum(jnp.dot(h, w2_ref[...],
                            preferred_element_type=jnp.float32) + b2_ref[...],
                    0.0)
    o_ref[...] = jnp.dot(h, w3_ref[...],
                         preferred_element_type=jnp.float32) + b3_ref[...]



def kernel(x1, edge_index1, batch1, x2, edge_index2, batch2,
           W1, b1, W2, b2, W3, b3,
           fc1_W, fc1_b, fc2_W, fc2_b, fc3_W, fc3_b):
    N, D = x1.shape
    H = W1.shape[1]
    E = edge_index1.shape[1]
    Etot = E + N
    C = -(-Etot // (_NSUB * _CHUNK))
    C += C % 2
    EP = _NSUB * C * _CHUNK
    A = (N // (_NSUB * _CHUNK) + 1) * _NSUB * _CHUNK

    trash = jnp.full((EP - Etot,), N, jnp.int32)
    loop = jnp.arange(N, dtype=jnp.int32)

    def prep(ei, off):
        src = jnp.concatenate([ei[0] + off, loop + off])
        dst = jnp.concatenate([ei[1], loop])
        src = jnp.pad(src, (0, EP - Etot), constant_values=off)
        dst = jnp.concatenate([dst, trash])
        src = jnp.concatenate(
            [src.reshape(_NSUB, C, _CHUNK),
             jnp.full((_NSUB, 2, _CHUNK), off, jnp.int32)], axis=1)
        dst = jnp.concatenate(
            [dst.reshape(_NSUB, C, _CHUNK),
             jnp.full((_NSUB, 2, _CHUNK), N, jnp.int32)], axis=1)
        return src, dst

    s1, d1 = prep(edge_index1, 0)
    s2, d2 = prep(edge_index2, A)
    src_all = jnp.stack([s1, s2])
    dst_all = jnp.stack([d1, d2])

    zerosD = jnp.zeros((_CHUNK, D), jnp.float32)
    edge_kernel = _make_edge_kernel(C, A, D)

    onesD = jnp.ones((_CHUNK, D), jnp.float32)
    deg16 = _make_deg_kernel(C, A, D)(dst_all, zerosD, onesD).reshape(2 * A, D)

    x_c = jnp.zeros((2, A, D), jnp.float32)
    x_c = x_c.at[0, :N].set(x1).at[1, :N].set(x2).reshape(2 * A, D)
    nblk = (2 * A) // _BR

    def run_pre(x, W):
        return pl.pallas_call(
            _mm_pre_body,
            grid=(nblk,),
            in_specs=[
                pl.BlockSpec((_BR, D), lambda i: (i, 0)),
                pl.BlockSpec((_BR, D), lambda i: (i, 0)),
                pl.BlockSpec((D, H), lambda i: (0, 0)),
            ],
            out_specs=pl.BlockSpec((_BR, H), lambda i: (i, 0)),
            out_shape=jax.ShapeDtypeStruct((2 * A, H), jnp.float32),
        )(x, deg16, W)

    def run_mid(a, b, W):
        return pl.pallas_call(
            _mm_mid_body,
            grid=(nblk,),
            in_specs=[
                pl.BlockSpec((_BR, H), lambda i: (i, 0)),
                pl.BlockSpec((_BR, H), lambda i: (i, 0)),
                pl.BlockSpec((1, H), lambda i: (0, 0)),
                pl.BlockSpec((H, H), lambda i: (0, 0)),
            ],
            out_specs=pl.BlockSpec((_BR, H), lambda i: (i, 0)),
            out_shape=jax.ShapeDtypeStruct((2 * A, H), jnp.float32),
        )(a, deg16, b.reshape(1, H), W)

    y1 = run_pre(x_c, W1)
    a1 = edge_kernel(y1, src_all, dst_all, zerosD).reshape(2 * A, H)
    y2 = run_mid(a1, b1, W2)
    a2 = edge_kernel(y2, src_all, dst_all, zerosD).reshape(2 * A, H)
    y3 = run_mid(a2, b2, W3)
    a3 = edge_kernel(y3, src_all, dst_all, zerosD).reshape(2 * A, H)

    batch_c = jnp.full((2, A), 1000, jnp.int32)
    batch_c = (batch_c.at[0, :N].set(batch1).at[1, :N].set(batch2 + G)
               .reshape(nblk, 1, _BR))
    pooled = pl.pallas_call(
        _pool_body,
        grid=(nblk,),
        in_specs=[
            pl.BlockSpec((_BR, H), lambda i: (i, 0)),
            pl.BlockSpec((_BR, H), lambda i: (i, 0)),
            pl.BlockSpec((1, H), lambda i: (0, 0)),
            pl.BlockSpec((1, 1, _BR), lambda i: (i, 0, 0)),
        ],
        out_specs=pl.BlockSpec((128, H + 128), lambda i: (0, 0)),
        out_shape=jax.ShapeDtypeStruct((128, H + 128), jnp.float32),
        scratch_shapes=[pltpu.VMEM((128, H + 128), jnp.float32)],
    )(a3, deg16, b3.reshape(1, H), batch_c)

    OUT = fc3_W.shape[1]
    fc3_Wp = jnp.pad(fc3_W, ((0, 0), (0, 128 - OUT)))
    fc3_bp = jnp.pad(fc3_b, (0, 128 - OUT)).reshape(1, 128)
    out = pl.pallas_call(
        _head_body,
        out_shape=jax.ShapeDtypeStruct((G, 128), jnp.float32),
    )(pooled, fc1_W, fc1_b.reshape(1, -1), fc2_W, fc2_b.reshape(1, -1),
      fc3_Wp, fc3_bp)
    return out[:, :OUT]

# --- scband reference (transcript-rebuilt; emitter-appended) ---
"""Pipeline reference for scband-siamese-network-17454747091442 (READ-ONLY COPY).

The authoritative reference and input builder live on the scoring server;
editing this copy changes nothing except your own understanding.
"""

import jax, jax.numpy as jnp
import numpy as np

N = 10000
E = 320000
D = 128
H = 128
G = 64
OUT = 2


def setup_inputs(seed: int = 0) -> dict:
    key = jax.random.key(seed)
    ks = jax.random.split(key, 24)
    x1 = jax.random.normal(ks[0], (N, D), dtype=jnp.float32)
    x2 = jax.random.normal(ks[1], (N, D), dtype=jnp.float32)
    edge_index1 = jax.random.randint(ks[2], (2, E), 0, N, dtype=jnp.int32)
    edge_index2 = jax.random.randint(ks[3], (2, E), 0, N, dtype=jnp.int32)
    batch1 = jnp.sort(jax.random.randint(ks[4], (N,), 0, G, dtype=jnp.int32))
    batch2 = jnp.sort(jax.random.randint(ks[5], (N,), 0, G, dtype=jnp.int32))
    # GCN layer weights (shared between siamese branches)
    W1 = jax.random.normal(ks[6], (D, H), dtype=jnp.float32) * (1.0 / np.sqrt(D))
    b1 = jnp.zeros((H,), dtype=jnp.float32)
    W2 = jax.random.normal(ks[7], (H, H), dtype=jnp.float32) * (1.0 / np.sqrt(H))
    b2 = jnp.zeros((H,), dtype=jnp.float32)
    W3 = jax.random.normal(ks[8], (H, H), dtype=jnp.float32) * (1.0 / np.sqrt(H))
    b3 = jnp.zeros((H,), dtype=jnp.float32)
    fc1_W = jax.random.normal(ks[9], (2 * H, 4 * H), dtype=jnp.float32) * (1.0 / np.sqrt(2 * H))
    fc1_b = jnp.zeros((4 * H,), dtype=jnp.float32)
    fc2_W = jax.random.normal(ks[10], (4 * H, 2 * H), dtype=jnp.float32) * (1.0 / np.sqrt(4 * H))
    fc2_b = jnp.zeros((2 * H,), dtype=jnp.float32)
    fc3_W = jax.random.normal(ks[11], (2 * H, OUT), dtype=jnp.float32) * (1.0 / np.sqrt(2 * H))
    fc3_b = jnp.zeros((OUT,), dtype=jnp.float32)
    return {
        "x1": x1, "edge_index1": edge_index1, "batch1": batch1,
        "x2": x2, "edge_index2": edge_index2, "batch2": batch2,
        "W1": W1, "b1": b1, "W2": W2, "b2": b2, "W3": W3, "b3": b3,
        "fc1_W": fc1_W, "fc1_b": fc1_b, "fc2_W": fc2_W, "fc2_b": fc2_b,
        "fc3_W": fc3_W, "fc3_b": fc3_b,
    }


def gcn_conv(x, edge_index, W, b):
    # GCNConv: D^{-1/2} (A + I) D^{-1/2} X W + b
    loop = jnp.arange(N, dtype=edge_index.dtype)
    src = jnp.concatenate([edge_index[0], loop])
    dst = jnp.concatenate([edge_index[1], loop])
    deg = jnp.zeros((N,), dtype=x.dtype).at[dst].add(1.0)
    dinv = jax.lax.rsqrt(deg)
    norm = dinv[src] * dinv[dst]
    xw = x @ W
    msg = xw[src] * norm[:, None]
    out = jnp.zeros((N, W.shape[1]), dtype=x.dtype).at[dst].add(msg)
    return out + b


def global_mean_pool(x, batch):
    s = jax.ops.segment_sum(x, batch, num_segments=G)
    cnt = jax.ops.segment_sum(jnp.ones((x.shape[0],), dtype=x.dtype), batch, num_segments=G)
    return s / jnp.maximum(cnt, 1.0)[:, None]


def forward_once(x, edge_index, batch, W1, b1, W2, b2, W3, b3):
    h = jax.nn.relu(gcn_conv(x, edge_index, W1, b1))
    h = jax.nn.relu(gcn_conv(h, edge_index, W2, b2))
    h = gcn_conv(h, edge_index, W3, b3)
    return global_mean_pool(h, batch)


def reference(x1, edge_index1, batch1, x2, edge_index2, batch2,
              W1, b1, W2, b2, W3, b3,
              fc1_W, fc1_b, fc2_W, fc2_b, fc3_W, fc3_b):
    p1 = forward_once(x1, edge_index1, batch1, W1, b1, W2, b2, W3, b3)
    p2 = forward_once(x2, edge_index2, batch2, W1, b1, W2, b2, W3, b3)
    h = jnp.concatenate([p1, p2], axis=1)
    h = jax.nn.relu(h @ fc1_W + fc1_b)
    h = jax.nn.relu(h @ fc2_W + fc2_b)
    # dropout is identity in eval mode
    out = h @ fc3_W + fc3_b
    return out

if __name__ == "__main__":
    import jax
    _d = setup_inputs()
    print(jax.jit(kernel)(*tuple(_d.values())))

</pallas_src>

<mosaic_0001>
#map = affine_map<(d0, d1) -> (0, 0, 0, 0)>
#map1 = affine_map<(d0, d1) -> (0, 0)>
#map2 = affine_map<(d0, d1) -> (0, 0, 0)>
module attributes {stable_mosaic.version = 14 : i64} {
  func.func @deg_kernel(%arg0: i32, %arg1: i32, %arg2: memref<2x16x164x128xi32, #tpu.memory_space<hbm>>, %arg3: memref<128x128xf32, #tpu.memory_space<hbm>>, %arg4: memref<128x128xf32, #tpu.memory_space<hbm>>, %arg5: memref<2x10240x128xf32, #tpu.memory_space<hbm>>, %arg6: memref<128xi32, #tpu.memory_space<vmem>>, %arg7: memref<128xi32, #tpu.memory_space<vmem>>, %arg8: memref<128x128xf32, #tpu.memory_space<vmem>>, %arg9: memref<128x128xf32, #tpu.memory_space<vmem>>, %arg10: memref<10240x128xf32, #tpu.memory_space<vmem_shared>>, %arg11: memref<!tpu.dma_semaphore, #tpu.memory_space<semaphore_mem>>, %arg12: memref<!tpu.dma_semaphore, #tpu.memory_space<semaphore_mem>>) attributes {dimension_semantics = [#tpu.dimension_semantics<core_parallel>, #tpu.dimension_semantics<subcore_parallel>], iteration_bounds = array<i64: 2, 16>, scalar_prefetch = 0 : i64, scratch_operands = 7 : i64, tpu.core_type = #tpu.core_type<sc_vector_subcore>, window_params = [{transform_indices = #map}, {transform_indices = #map1}, {transform_indices = #map1}, {transform_indices = #map2}]} {
    "tpu.region"() ({
      %run_scoped3A = tpu.sem_alloc : memref<!tpu.dma_semaphore, #tpu.memory_space<semaphore_mem>>
      tpu.enqueue_dma source(%arg3 : memref<128x128xf32, #tpu.memory_space<hbm>>) target(%arg8 : memref<128x128xf32, #tpu.memory_space<vmem>>) target_semaphore(%run_scoped3A : memref<!tpu.dma_semaphore, #tpu.memory_space<semaphore_mem>>)
      tpu.wait_dma2 semaphore(%run_scoped3A : memref<!tpu.dma_semaphore, #tpu.memory_space<semaphore_mem>>) src(%arg3 : memref<128x128xf32, #tpu.memory_space<hbm>>) dst(%arg8 : memref<128x128xf32, #tpu.memory_space<vmem>>)
      tpu.yield
    }) : () -> ()
    %mul3A = arith.constant 5 : i32
    %mul3A_0 = arith.muli %arg1, %mul3A : i32
    %add3A = arith.constant 0 : i32
    %add3A_1 = arith.addi %mul3A_0, %add3A : i32
    %mul3A_2 = arith.constant 128 : i32
    %mul3A_3 = arith.muli %add3A_1, %mul3A_2 : i32
    "tpu.region"() ({
      %run_scoped3A = tpu.sem_alloc : memref<!tpu.dma_semaphore, #tpu.memory_space<semaphore_mem>>
      %dma_start3A_90 = arith.constant 0 : i32
      %dma_start3A_91 = tpu.memref_slice %arg10[%mul3A_3, %dma_start3A_90] : memref<10240x128xf32, #tpu.memory_space<vmem_shared>> -> memref<128x128xf32, #tpu.memory_space<vmem_shared>>
      %dma_start3A_92 = arith.constant 0 : i32
      %dma_start3A_93 = tpu.memref_slice %arg10[%mul3A_3, %dma_start3A_92] : memref<10240x128xf32, #tpu.memory_space<vmem_shared>> -> memref<128x128xf32, #tpu.memory_space<vmem_shared>>
      tpu.enqueue_dma source(%arg8 : memref<128x128xf32, #tpu.memory_space<vmem>>) target(%dma_start3A_93 : memref<128x128xf32, #tpu.memory_space<vmem_shared>>) target_semaphore(%run_scoped3A : memref<!tpu.dma_semaphore, #tpu.memory_space<semaphore_mem>>)
      %dma_wait3A_94 = arith.constant 0 : i32
      %dma_wait3A_95 = tpu.memref_slice %arg10[%mul3A_3, %dma_wait3A_94] : memref<10240x128xf32, #tpu.memory_space<vmem_shared>> -> memref<128x128xf32, #tpu.memory_space<vmem_shared>>
      %dma_wait3A_96 = arith.constant 0 : i32
      %dma_wait3A_97 = tpu.memref_slice %arg10[%mul3A_3, %dma_wait3A_96] : memref<10240x128xf32, #tpu.memory_space<vmem_shared>> -> memref<128x128xf32, #tpu.memory_space<vmem_shared>>
      tpu.wait_dma2 semaphore(%run_scoped3A : memref<!tpu.dma_semaphore, #tpu.memory_space<semaphore_mem>>) src(%arg8 : memref<128x128xf32, #tpu.memory_space<vmem>>) dst(%dma_wait3A_97 : memref<128x128xf32, #tpu.memory_space<vmem_shared>>)
      tpu.yield
    }) : () -> ()
    %mul3A_4 = arith.constant 5 : i32
    %mul3A_5 = arith.muli %arg1, %mul3A_4 : i32
    %add3A_6 = arith.constant 1 : i32
    %add3A_7 = arith.addi %mul3A_5, %add3A_6 : i32
    %mul3A_8 = arith.constant 128 : i32
    %mul3A_9 = arith.muli %add3A_7, %mul3A_8 : i32
    "tpu.region"() ({
      %run_scoped3A = tpu.sem_alloc : memref<!tpu.dma_semaphore, #tpu.memory_space<semaphore_mem>>
      %dma_start3A_90 = arith.constant 0 : i32
      %dma_start3A_91 = tpu.memref_slice %arg10[%mul3A_9, %dma_start3A_90] : memref<10240x128xf32, #tpu.memory_space<vmem_shared>> -> memref<128x128xf32, #tpu.memory_space<vmem_shared>>
      %dma_start3A_92 = arith.constant 0 : i32
      %dma_start3A_93 = tpu.memref_slice %arg10[%mul3A_9, %dma_start3A_92] : memref<10240x128xf32, #tpu.memory_space<vmem_shared>> -> memref<128x128xf32, #tpu.memory_space<vmem_shared>>
      tpu.enqueue_dma source(%arg8 : memref<128x128xf32, #tpu.memory_space<vmem>>) target(%dma_start3A_93 : memref<128x128xf32, #tpu.memory_space<vmem_shared>>) target_semaphore(%run_scoped3A : memref<!tpu.dma_semaphore, #tpu.memory_space<semaphore_mem>>)
      %dma_wait3A_94 = arith.constant 0 : i32
      %dma_wait3A_95 = tpu.memref_slice %arg10[%mul3A_9, %dma_wait3A_94] : memref<10240x128xf32, #tpu.memory_space<vmem_shared>> -> memref<128x128xf32, #tpu.memory_space<vmem_shared>>
      %dma_wait3A_96 = arith.constant 0 : i32
      %dma_wait3A_97 = tpu.memref_slice %arg10[%mul3A_9, %dma_wait3A_96] : memref<10240x128xf32, #tpu.memory_space<vmem_shared>> -> memref<128x128xf32, #tpu.memory_space<vmem_shared>>
      tpu.wait_dma2 semaphore(%run_scoped3A : memref<!tpu.dma_semaphore, #tpu.memory_space<semaphore_mem>>) src(%arg8 : memref<128x128xf32, #tpu.memory_space<vmem>>) dst(%dma_wait3A_97 : memref<128x128xf32, #tpu.memory_space<vmem_shared>>)
      tpu.yield
    }) : () -> ()
    %mul3A_10 = arith.constant 5 : i32
    %mul3A_11 = arith.muli %arg1, %mul3A_10 : i32
    %add3A_12 = arith.constant 2 : i32
    %add3A_13 = arith.addi %mul3A_11, %add3A_12 : i32
    %mul3A_14 = arith.constant 128 : i32
    %mul3A_15 = arith.muli %add3A_13, %mul3A_14 : i32
    "tpu.region"() ({
      %run_scoped3A = tpu.sem_alloc : memref<!tpu.dma_semaphore, #tpu.memory_space<semaphore_mem>>
      %dma_start3A_90 = arith.constant 0 : i32
      %dma_start3A_91 = tpu.memref_slice %arg10[%mul3A_15, %dma_start3A_90] : memref<10240x128xf32, #tpu.memory_space<vmem_shared>> -> memref<128x128xf32, #tpu.memory_space<vmem_shared>>
      %dma_start3A_92 = arith.constant 0 : i32
      %dma_start3A_93 = tpu.memref_slice %arg10[%mul3A_15, %dma_start3A_92] : memref<10240x128xf32, #tpu.memory_space<vmem_shared>> -> memref<128x128xf32, #tpu.memory_space<vmem_shared>>
      tpu.enqueue_dma source(%arg8 : memref<128x128xf32, #tpu.memory_space<vmem>>) target(%dma_start3A_93 : memref<128x128xf32, #tpu.memory_space<vmem_shared>>) target_semaphore(%run_scoped3A : memref<!tpu.dma_semaphore, #tpu.memory_space<semaphore_mem>>)
      %dma_wait3A_94 = arith.constant 0 : i32
      %dma_wait3A_95 = tpu.memref_slice %arg10[%mul3A_15, %dma_wait3A_94] : memref<10240x128xf32, #tpu.memory_space<vmem_shared>> -> memref<128x128xf32, #tpu.memory_space<vmem_shared>>
      %dma_wait3A_96 = arith.constant 0 : i32
      %dma_wait3A_97 = tpu.memref_slice %arg10[%mul3A_15, %dma_wait3A_96] : memref<10240x128xf32, #tpu.memory_space<vmem_shared>> -> memref<128x128xf32, #tpu.memory_space<vmem_shared>>
      tpu.wait_dma2 semaphore(%run_scoped3A : memref<!tpu.dma_semaphore, #tpu.memory_space<semaphore_mem>>) src(%arg8 : memref<128x128xf32, #tpu.memory_space<vmem>>) dst(%dma_wait3A_97 : memref<128x128xf32, #tpu.memory_space<vmem_shared>>)
      tpu.yield
    }) : () -> ()
    %mul3A_16 = arith.constant 5 : i32
    %mul3A_17 = arith.muli %arg1, %mul3A_16 : i32
    %add3A_18 = arith.constant 3 : i32
    %add3A_19 = arith.addi %mul3A_17, %add3A_18 : i32
    %mul3A_20 = arith.constant 128 : i32
    %mul3A_21 = arith.muli %add3A_19, %mul3A_20 : i32
    "tpu.region"() ({
      %run_scoped3A = tpu.sem_alloc : memref<!tpu.dma_semaphore, #tpu.memory_space<semaphore_mem>>
      %dma_start3A_90 = arith.constant 0 : i32
      %dma_start3A_91 = tpu.memref_slice %arg10[%mul3A_21, %dma_start3A_90] : memref<10240x128xf32, #tpu.memory_space<vmem_shared>> -> memref<128x128xf32, #tpu.memory_space<vmem_shared>>
      %dma_start3A_92 = arith.constant 0 : i32
      %dma_start3A_93 = tpu.memref_slice %arg10[%mul3A_21, %dma_start3A_92] : memref<10240x128xf32, #tpu.memory_space<vmem_shared>> -> memref<128x128xf32, #tpu.memory_space<vmem_shared>>
      tpu.enqueue_dma source(%arg8 : memref<128x128xf32, #tpu.memory_space<vmem>>) target(%dma_start3A_93 : memref<128x128xf32, #tpu.memory_space<vmem_shared>>) target_semaphore(%run_scoped3A : memref<!tpu.dma_semaphore, #tpu.memory_space<semaphore_mem>>)
      %dma_wait3A_94 = arith.constant 0 : i32
      %dma_wait3A_95 = tpu.memref_slice %arg10[%mul3A_21, %dma_wait3A_94] : memref<10240x128xf32, #tpu.memory_space<vmem_shared>> -> memref<128x128xf32, #tpu.memory_space<vmem_shared>>
      %dma_wait3A_96 = arith.constant 0 : i32
      %dma_wait3A_97 = tpu.memref_slice %arg10[%mul3A_21, %dma_wait3A_96] : memref<10240x128xf32, #tpu.memory_space<vmem_shared>> -> memref<128x128xf32, #tpu.memory_space<vmem_shared>>
      tpu.wait_dma2 semaphore(%run_scoped3A : memref<!tpu.dma_semaphore, #tpu.memory_space<semaphore_mem>>) src(%arg8 : memref<128x128xf32, #tpu.memory_space<vmem>>) dst(%dma_wait3A_97 : memref<128x128xf32, #tpu.memory_space<vmem_shared>>)
      tpu.yield
    }) : () -> ()
    %mul3A_22 = arith.constant 5 : i32
    %mul3A_23 = arith.muli %arg1, %mul3A_22 : i32
    %add3A_24 = arith.constant 4 : i32
    %add3A_25 = arith.addi %mul3A_23, %add3A_24 : i32
    %mul3A_26 = arith.constant 128 : i32
    %mul3A_27 = arith.muli %add3A_25, %mul3A_26 : i32
    "tpu.region"() ({
      %run_scoped3A = tpu.sem_alloc : memref<!tpu.dma_semaphore, #tpu.memory_space<semaphore_mem>>
      %dma_start3A_90 = arith.constant 0 : i32
      %dma_start3A_91 = tpu.memref_slice %arg10[%mul3A_27, %dma_start3A_90] : memref<10240x128xf32, #tpu.memory_space<vmem_shared>> -> memref<128x128xf32, #tpu.memory_space<vmem_shared>>
      %dma_start3A_92 = arith.constant 0 : i32
      %dma_start3A_93 = tpu.memref_slice %arg10[%mul3A_27, %dma_start3A_92] : memref<10240x128xf32, #tpu.memory_space<vmem_shared>> -> memref<128x128xf32, #tpu.memory_space<vmem_shared>>
      tpu.enqueue_dma source(%arg8 : memref<128x128xf32, #tpu.memory_space<vmem>>) target(%dma_start3A_93 : memref<128x128xf32, #tpu.memory_space<vmem_shared>>) target_semaphore(%run_scoped3A : memref<!tpu.dma_semaphore, #tpu.memory_space<semaphore_mem>>)
      %dma_wait3A_94 = arith.constant 0 : i32
      %dma_wait3A_95 = tpu.memref_slice %arg10[%mul3A_27, %dma_wait3A_94] : memref<10240x128xf32, #tpu.memory_space<vmem_shared>> -> memref<128x128xf32, #tpu.memory_space<vmem_shared>>
      %dma_wait3A_96 = arith.constant 0 : i32
      %dma_wait3A_97 = tpu.memref_slice %arg10[%mul3A_27, %dma_wait3A_96] : memref<10240x128xf32, #tpu.memory_space<vmem_shared>> -> memref<128x128xf32, #tpu.memory_space<vmem_shared>>
      tpu.wait_dma2 semaphore(%run_scoped3A : memref<!tpu.dma_semaphore, #tpu.memory_space<semaphore_mem>>) src(%arg8 : memref<128x128xf32, #tpu.memory_space<vmem>>) dst(%dma_wait3A_97 : memref<128x128xf32, #tpu.memory_space<vmem_shared>>)
      tpu.yield
    }) : () -> ()
    "tpu.region"() ({
      %run_scoped3A = tpu.sem_alloc : memref<!tpu.dma_semaphore, #tpu.memory_space<semaphore_mem>>
      tpu.enqueue_dma source(%arg4 : memref<128x128xf32, #tpu.memory_space<hbm>>) target(%arg9 : memref<128x128xf32, #tpu.memory_space<vmem>>) target_semaphore(%run_scoped3A : memref<!tpu.dma_semaphore, #tpu.memory_space<semaphore_mem>>)
      tpu.wait_dma2 semaphore(%run_scoped3A : memref<!tpu.dma_semaphore, #tpu.memory_space<semaphore_mem>>) src(%arg4 : memref<128x128xf32, #tpu.memory_space<hbm>>) dst(%arg9 : memref<128x128xf32, #tpu.memory_space<vmem>>)
      tpu.yield
    }) : () -> ()
    %dma_start3A = arith.constant 0 : i32
    %dma_start3A_28 = arith.constant 0 : i32
    %dma_start3A_29 = tpu.memref_slice %arg2[%arg0, %arg1, %dma_start3A, %dma_start3A_28] : memref<2x16x164x128xi32, #tpu.memory_space<hbm>> -> memref<1x1x1x128xi32, #tpu.memory_space<hbm>>
    %dma_start3A_30 = tpu.memref_squeeze %dma_start3A_29 : memref<1x1x1x128xi32, #tpu.memory_space<hbm>> -> memref<128xi32, #tpu.memory_space<hbm>>
    %dma_start3A_31 = arith.constant 0 : i32
    %dma_start3A_32 = tpu.memref_slice %arg2[%arg0, %arg1, %dma_start3A, %dma_start3A_31] : memref<2x16x164x128xi32, #tpu.memory_space<hbm>> -> memref<1x1x1x128xi32, #tpu.memory_space<hbm>>
    %dma_start3A_33 = tpu.memref_squeeze %dma_start3A_32 : memref<1x1x1x128xi32, #tpu.memory_space<hbm>> -> memref<128xi32, #tpu.memory_space<hbm>>
    tpu.enqueue_dma source(%dma_start3A_33 : memref<128xi32, #tpu.memory_space<hbm>>) target(%arg6 : memref<128xi32, #tpu.memory_space<vmem>>) target_semaphore(%arg11 : memref<!tpu.dma_semaphore, #tpu.memory_space<semaphore_mem>>)
    %dma_start3A_34 = arith.constant 1 : i32
    %dma_start3A_35 = arith.constant 0 : i32
    %dma_start3A_36 = tpu.memref_slice %arg2[%arg0, %arg1, %dma_start3A_34, %dma_start3A_35] : memref<2x16x164x128xi32, #tpu.memory_space<hbm>> -> memref<1x1x1x128xi32, #tpu.memory_space<hbm>>
    %dma_start3A_37 = tpu.memref_squeeze %dma_start3A_36 : memref<1x1x1x128xi32, #tpu.memory_space<hbm>> -> memref<128xi32, #tpu.memory_space<hbm>>
    %dma_start3A_38 = arith.constant 0 : i32
    %dma_start3A_39 = tpu.memref_slice %arg2[%arg0, %arg1, %dma_start3A_34, %dma_start3A_38] : memref<2x16x164x128xi32, #tpu.memory_space<hbm>> -> memref<1x1x1x128xi32, #tpu.memory_space<hbm>>
    %dma_start3A_40 = tpu.memref_squeeze %dma_start3A_39 : memref<1x1x1x128xi32, #tpu.memory_space<hbm>> -> memref<128xi32, #tpu.memory_space<hbm>>
    tpu.enqueue_dma source(%dma_start3A_40 : memref<128xi32, #tpu.memory_space<hbm>>) target(%arg7 : memref<128xi32, #tpu.memory_space<vmem>>) target_semaphore(%arg12 : memref<!tpu.dma_semaphore, #tpu.memory_space<semaphore_mem>>)
    %barrier3A = arith.constant 0 : index
    tpu.barrier barrier_id(%barrier3A)
    %dma_wait3A = arith.constant 0 : i32
    %dma_wait3A_41 = arith.constant 0 : i32
    %dma_wait3A_42 = tpu.memref_slice %arg2[%arg0, %arg1, %dma_wait3A, %dma_wait3A_41] : memref<2x16x164x128xi32, #tpu.memory_space<hbm>> -> memref<1x1x1x128xi32, #tpu.memory_space<hbm>>
    %dma_wait3A_43 = tpu.memref_squeeze %dma_wait3A_42 : memref<1x1x1x128xi32, #tpu.memory_space<hbm>> -> memref<128xi32, #tpu.memory_space<hbm>>
    %dma_wait3A_44 = arith.constant 0 : i32
    %dma_wait3A_45 = tpu.memref_slice %arg2[%arg0, %arg1, %dma_wait3A, %dma_wait3A_44] : memref<2x16x164x128xi32, #tpu.memory_space<hbm>> -> memref<1x1x1x128xi32, #tpu.memory_space<hbm>>
    %dma_wait3A_46 = tpu.memref_squeeze %dma_wait3A_45 : memref<1x1x1x128xi32, #tpu.memory_space<hbm>> -> memref<128xi32, #tpu.memory_space<hbm>>
    tpu.wait_dma2 semaphore(%arg11 : memref<!tpu.dma_semaphore, #tpu.memory_space<semaphore_mem>>) src(%dma_wait3A_46 : memref<128xi32, #tpu.memory_space<hbm>>) dst(%arg6 : memref<128xi32, #tpu.memory_space<vmem>>)
    %scan3A = arith.constant 0 : i32
    %scan3A_47 = arith.constant 0 : i32
    %scan3A_48 = arith.constant 81 : i32
    %scan3A_49 = arith.addi %scan3A_47, %scan3A_48 : i32
    %scan3A_50 = arith.constant 1 : i32
    scf.for %scan3A_90 = %scan3A_47 to %scan3A_49 step %scan3A_50  : i32 {
      %mul3A_91 = arith.constant 2 : i32
      %mul3A_92 = arith.muli %mul3A_91, %scan3A_90 : i32
      "tpu.region"() ({
        %run_scoped3A = tpu.sem_alloc : memref<!tpu.dma_semaphore, #tpu.memory_space<semaphore_mem>>
        %dma_start3A_123 = arith.constant 0 : i32
        %dma_start3A_124 = arith.constant 0 : i32
        %dma_start3A_125 = tpu.memref_slice %arg10[%dma_start3A_123, %dma_start3A_124] : memref<10240x128xf32, #tpu.memory_space<vmem_shared>> -> memref<10240x128xf32, #tpu.memory_space<vmem_shared>>
        tpu.enqueue_indirect_dma source(%arg9 : memref<128x128xf32, #tpu.memory_space<vmem>>) target(%dma_start3A_125 : memref<10240x128xf32, #tpu.memory_space<vmem_shared>>) offsets(%arg6 : memref<128xi32, #tpu.memory_space<vmem>>) semaphore(%run_scoped3A : memref<!tpu.dma_semaphore, #tpu.memory_space<semaphore_mem>>) {add = true}
        %dma_wait3A_126 = arith.constant 0 : i32
        %dma_wait3A_127 = arith.constant 0 : i32
        %dma_wait3A_128 = tpu.memref_slice %arg10[%dma_wait3A_126, %dma_wait3A_127] : memref<10240x128xf32, #tpu.memory_space<vmem_shared>> -> memref<10240x128xf32, #tpu.memory_space<vmem_shared>>
        tpu.wait_indirect_dma semaphore(%run_scoped3A : memref<!tpu.dma_semaphore, #tpu.memory_space<semaphore_mem>>) src(%arg9 : memref<128x128xf32, #tpu.memory_space<vmem>>) dst(%dma_wait3A_128 : memref<10240x128xf32, #tpu.memory_space<vmem_shared>>)
        tpu.yield
      }) : () -> ()
      %add3A_93 = arith.constant 2 : i32
      %add3A_94 = arith.addi %mul3A_92, %add3A_93 : i32
      %dma_start3A_95 = arith.constant 0 : i32
      %dma_start3A_96 = tpu.memref_slice %arg2[%arg0, %arg1, %add3A_94, %dma_start3A_95] : memref<2x16x164x128xi32, #tpu.memory_space<hbm>> -> memref<1x1x1x128xi32, #tpu.memory_space<hbm>>
      %dma_start3A_97 = tpu.memref_squeeze %dma_start3A_96 : memref<1x1x1x128xi32, #tpu.memory_space<hbm>> -> memref<128xi32, #tpu.memory_space<hbm>>
      %dma_start3A_98 = arith.constant 0 : i32
      %dma_start3A_99 = tpu.memref_slice %arg2[%arg0, %arg1, %add3A_94, %dma_start3A_98] : memref<2x16x164x128xi32, #tpu.memory_space<hbm>> -> memref<1x1x1x128xi32, #tpu.memory_space<hbm>>
      %dma_start3A_100 = tpu.memref_squeeze %dma_start3A_99 : memref<1x1x1x128xi32, #tpu.memory_space<hbm>> -> memref<128xi32, #tpu.memory_space<hbm>>
      tpu.enqueue_dma source(%dma_start3A_100 : memref<128xi32, #tpu.memory_space<hbm>>) target(%arg6 : memref<128xi32, #tpu.memory_space<vmem>>) target_semaphore(%arg11 : memref<!tpu.dma_semaphore, #tpu.memory_space<semaphore_mem>>)
      %dma_wait3A_101 = arith.constant 0 : i32
      %dma_wait3A_102 = arith.constant 0 : i32
      %dma_wait3A_103 = tpu.memref_slice %arg2[%arg0, %arg1, %dma_wait3A_101, %dma_wait3A_102] : memref<2x16x164x128xi32, #tpu.memory_space<hbm>> -> memref<1x1x1x128xi32, #tpu.memory_space<hbm>>
      %dma_wait3A_104 = tpu.memref_squeeze %dma_wait3A_103 : memref<1x1x1x128xi32, #tpu.memory_space<hbm>> -> memref<128xi32, #tpu.memory_space<hbm>>
      %dma_wait3A_105 = arith.constant 0 : i32
      %dma_wait3A_106 = tpu.memref_slice %arg2[%arg0, %arg1, %dma_wait3A_101, %dma_wait3A_105] : memref<2x16x164x128xi32, #tpu.memory_space<hbm>> -> memref<1x1x1x128xi32, #tpu.memory_space<hbm>>
      %dma_wait3A_107 = tpu.memref_squeeze %dma_wait3A_106 : memref<1x1x1x128xi32, #tpu.memory_space<hbm>> -> memref<128xi32, #tpu.memory_space<hbm>>
      tpu.wait_dma2 semaphore(%arg12 : memref<!tpu.dma_semaphore, #tpu.memory_space<semaphore_mem>>) src(%dma_wait3A_107 : memref<128xi32, #tpu.memory_space<hbm>>) dst(%arg7 : memref<128xi32, #tpu.memory_space<vmem>>)
      "tpu.region"() ({
        %run_scoped3A = tpu.sem_alloc : memref<!tpu.dma_semaphore, #tpu.memory_space<semaphore_mem>>
        %dma_start3A_123 = arith.constant 0 : i32
        %dma_start3A_124 = arith.constant 0 : i32
        %dma_start3A_125 = tpu.memref_slice %arg10[%dma_start3A_123, %dma_start3A_124] : memref<10240x128xf32, #tpu.memory_space<vmem_shared>> -> memref<10240x128xf32, #tpu.memory_space<vmem_shared>>
        tpu.enqueue_indirect_dma source(%arg9 : memref<128x128xf32, #tpu.memory_space<vmem>>) target(%dma_start3A_125 : memref<10240x128xf32, #tpu.memory_space<vmem_shared>>) offsets(%arg7 : memref<128xi32, #tpu.memory_space<vmem>>) semaphore(%run_scoped3A : memref<!tpu.dma_semaphore, #tpu.memory_space<semaphore_mem>>) {add = true}
        %dma_wait3A_126 = arith.constant 0 : i32
        %dma_wait3A_127 = arith.constant 0 : i32
        %dma_wait3A_128 = tpu.memref_slice %arg10[%dma_wait3A_126, %dma_wait3A_127] : memref<10240x128xf32, #tpu.memory_space<vmem_shared>> -> memref<10240x128xf32, #tpu.memory_space<vmem_shared>>
        tpu.wait_indirect_dma semaphore(%run_scoped3A : memref<!tpu.dma_semaphore, #tpu.memory_space<semaphore_mem>>) src(%arg9 : memref<128x128xf32, #tpu.memory_space<vmem>>) dst(%dma_wait3A_128 : memref<10240x128xf32, #tpu.memory_space<vmem_shared>>)
        tpu.yield
      }) : () -> ()
      %add3A_108 = arith.constant 3 : i32
      %add3A_109 = arith.addi %mul3A_92, %add3A_108 : i32
      %dma_start3A_110 = arith.constant 0 : i32
      %dma_start3A_111 = tpu.memref_slice %arg2[%arg0, %arg1, %add3A_109, %dma_start3A_110] : memref<2x16x164x128xi32, #tpu.memory_space<hbm>> -> memref<1x1x1x128xi32, #tpu.memory_space<hbm>>
      %dma_start3A_112 = tpu.memref_squeeze %dma_start3A_111 : memref<1x1x1x128xi32, #tpu.memory_space<hbm>> -> memref<128xi32, #tpu.memory_space<hbm>>
      %dma_start3A_113 = arith.constant 0 : i32
      %dma_start3A_114 = tpu.memref_slice %arg2[%arg0, %arg1, %add3A_109, %dma_start3A_113] : memref<2x16x164x128xi32, #tpu.memory_space<hbm>> -> memref<1x1x1x128xi32, #tpu.memory_space<hbm>>
      %dma_start3A_115 = tpu.memref_squeeze %dma_start3A_114 : memref<1x1x1x128xi32, #tpu.memory_space<hbm>> -> memref<128xi32, #tpu.memory_space<hbm>>
      tpu.enqueue_dma source(%dma_start3A_115 : memref<128xi32, #tpu.memory_space<hbm>>) target(%arg7 : memref<128xi32, #tpu.memory_space<vmem>>) target_semaphore(%arg12 : memref<!tpu.dma_semaphore, #tpu.memory_space<semaphore_mem>>)
      %dma_wait3A_116 = arith.constant 0 : i32
      %dma_wait3A_117 = arith.constant 0 : i32
      %dma_wait3A_118 = tpu.memref_slice %arg2[%arg0, %arg1, %dma_wait3A_116, %dma_wait3A_117] : memref<2x16x164x128xi32, #tpu.memory_space<hbm>> -> memref<1x1x1x128xi32, #tpu.memory_space<hbm>>
      %dma_wait3A_119 = tpu.memref_squeeze %dma_wait3A_118 : memref<1x1x1x128xi32, #tpu.memory_space<hbm>> -> memref<128xi32, #tpu.memory_space<hbm>>
      %dma_wait3A_120 = arith.constant 0 : i32
      %dma_wait3A_121 = tpu.memref_slice %arg2[%arg0, %arg1, %dma_wait3A_116, %dma_wait3A_120] : memref<2x16x164x128xi32, #tpu.memory_space<hbm>> -> memref<1x1x1x128xi32, #tpu.memory_space<hbm>>
      %dma_wait3A_122 = tpu.memref_squeeze %dma_wait3A_121 : memref<1x1x1x128xi32, #tpu.memory_space<hbm>> -> memref<128xi32, #tpu.memory_space<hbm>>
      tpu.wait_dma2 semaphore(%arg11 : memref<!tpu.dma_semaphore, #tpu.memory_space<semaphore_mem>>) src(%dma_wait3A_122 : memref<128xi32, #tpu.memory_space<hbm>>) dst(%arg6 : memref<128xi32, #tpu.memory_space<vmem>>)
    }
    %scan3A_51 = arith.constant 81 : i32
    %dma_wait3A_52 = arith.constant 0 : i32
    %dma_wait3A_53 = arith.constant 0 : i32
    %dma_wait3A_54 = tpu.memref_slice %arg2[%arg0, %arg1, %dma_wait3A_52, %dma_wait3A_53] : memref<2x16x164x128xi32, #tpu.memory_space<hbm>> -> memref<1x1x1x128xi32, #tpu.memory_space<hbm>>
    %dma_wait3A_55 = tpu.memref_squeeze %dma_wait3A_54 : memref<1x1x1x128xi32, #tpu.memory_space<hbm>> -> memref<128xi32, #tpu.memory_space<hbm>>
    %dma_wait3A_56 = arith.constant 0 : i32
    %dma_wait3A_57 = tpu.memref_slice %arg2[%arg0, %arg1, %dma_wait3A_52, %dma_wait3A_56] : memref<2x16x164x128xi32, #tpu.memory_space<hbm>> -> memref<1x1x1x128xi32, #tpu.memory_space<hbm>>
    %dma_wait3A_58 = tpu.memref_squeeze %dma_wait3A_57 : memref<1x1x1x128xi32, #tpu.memory_space<hbm>> -> memref<128xi32, #tpu.memory_space<hbm>>
    tpu.wait_dma2 semaphore(%arg12 : memref<!tpu.dma_semaphore, #tpu.memory_space<semaphore_mem>>) src(%dma_wait3A_58 : memref<128xi32, #tpu.memory_space<hbm>>) dst(%arg7 : memref<128xi32, #tpu.memory_space<vmem>>)
    %barrier3A_59 = arith.constant 0 : index
    tpu.barrier barrier_id(%barrier3A_59)
    %mul3A_60 = arith.constant 5 : i32
    %mul3A_61 = arith.muli %arg1, %mul3A_60 : i32
    %add3A_62 = arith.constant 0 : i32
    %add3A_63 = arith.addi %mul3A_61, %add3A_62 : i32
    %mul3A_64 = arith.constant 128 : i32
    %mul3A_65 = arith.muli %add3A_63, %mul3A_64 : i32
    "tpu.region"() ({
      %run_scoped3A = tpu.sem_alloc : memref<!tpu.dma_semaphore, #tpu.memory_space<semaphore_mem>>
      %dma_start3A_90 = arith.constant 0 : i32
      %dma_start3A_91 = tpu.memref_slice %arg10[%mul3A_65, %dma_start3A_90] : memref<10240x128xf32, #tpu.memory_space<vmem_shared>> -> memref<128x128xf32, #tpu.memory_space<vmem_shared>>
      %dma_start3A_92 = arith.constant 0 : i32
      %dma_start3A_93 = tpu.memref_slice %arg10[%mul3A_65, %dma_start3A_92] : memref<10240x128xf32, #tpu.memory_space<vmem_shared>> -> memref<128x128xf32, #tpu.memory_space<vmem_shared>>
      tpu.enqueue_dma source(%dma_start3A_93 : memref<128x128xf32, #tpu.memory_space<vmem_shared>>) target(%arg8 : memref<128x128xf32, #tpu.memory_space<vmem>>) target_semaphore(%run_scoped3A : memref<!tpu.dma_semaphore, #tpu.memory_space<semaphore_mem>>)
      %dma_wait3A_94 = arith.constant 0 : i32
      %dma_wait3A_95 = tpu.memref_slice %arg10[%mul3A_65, %dma_wait3A_94] : memref<10240x128xf32, #tpu.memory_space<vmem_shared>> -> memref<128x128xf32, #tpu.memory_space<vmem_shared>>
      %dma_wait3A_96 = arith.constant 0 : i32
      %dma_wait3A_97 = tpu.memref_slice %arg10[%mul3A_65, %dma_wait3A_96] : memref<10240x128xf32, #tpu.memory_space<vmem_shared>> -> memref<128x128xf32, #tpu.memory_space<vmem_shared>>
      tpu.wait_dma2 semaphore(%run_scoped3A : memref<!tpu.dma_semaphore, #tpu.memory_space<semaphore_mem>>) src(%dma_wait3A_97 : memref<128x128xf32, #tpu.memory_space<vmem_shared>>) dst(%arg8 : memref<128x128xf32, #tpu.memory_space<vmem>>)
      tpu.yield
    }) : () -> ()
    "tpu.region"() ({
      %run_scoped3A = tpu.sem_alloc : memref<!tpu.dma_semaphore, #tpu.memory_space<semaphore_mem>>
      %dma_start3A_90 = arith.constant 0 : i32
      %dma_start3A_91 = tpu.memref_slice %arg5[%arg0, %mul3A_65, %dma_start3A_90] : memref<2x10240x128xf32, #tpu.memory_space<hbm>> -> memref<1x128x128xf32, #tpu.memory_space<hbm>>
      %dma_start3A_92 = tpu.memref_squeeze %dma_start3A_91 : memref<1x128x128xf32, #tpu.memory_space<hbm>> -> memref<128x128xf32, #tpu.memory_space<hbm>>
      %dma_start3A_93 = arith.constant 0 : i32
      %dma_start3A_94 = tpu.memref_slice %arg5[%arg0, %mul3A_65, %dma_start3A_93] : memref<2x10240x128xf32, #tpu.memory_space<hbm>> -> memref<1x128x128xf32, #tpu.memory_space<hbm>>
      %dma_start3A_95 = tpu.memref_squeeze %dma_start3A_94 : memref<1x128x128xf32, #tpu.memory_space<hbm>> -> memref<128x128xf32, #tpu.memory_space<hbm>>
      tpu.enqueue_dma source(%arg8 : memref<128x128xf32, #tpu.memory_space<vmem>>) target(%dma_start3A_95 : memref<128x128xf32, #tpu.memory_space<hbm>>) target_semaphore(%run_scoped3A : memref<!tpu.dma_semaphore, #tpu.memory_space<semaphore_mem>>)
      %dma_wait3A_96 = arith.constant 0 : i32
      %dma_wait3A_97 = tpu.memref_slice %arg5[%arg0, %mul3A_65, %dma_wait3A_96] : memref<2x10240x128xf32, #tpu.memory_space<hbm>> -> memref<1x128x128xf32, #tpu.memory_space<hbm>>
      %dma_wait3A_98 = tpu.memref_squeeze %dma_wait3A_97 : memref<1x128x128xf32, #tpu.memory_space<hbm>> -> memref<128x128xf32, #tpu.memory_space<hbm>>
      %dma_wait3A_99 = arith.constant 0 : i32
      %dma_wait3A_100 = tpu.memref_slice %arg5[%arg0, %mul3A_65, %dma_wait3A_99] : memref<2x10240x128xf32, #tpu.memory_space<hbm>> -> memref<1x128x128xf32, #tpu.memory_space<hbm>>
      %dma_wait3A_101 = tpu.memref_squeeze %dma_wait3A_100 : memref<1x128x128xf32, #tpu.memory_space<hbm>> -> memref<128x128xf32, #tpu.memory_space<hbm>>
      tpu.wait_dma2 semaphore(%run_scoped3A : memref<!tpu.dma_semaphore, #tpu.memory_space<semaphore_mem>>) src(%arg8 : memref<128x128xf32, #tpu.memory_space<vmem>>) dst(%dma_wait3A_101 : memref<128x128xf32, #tpu.memory_space<hbm>>)
      tpu.yield
    }) : () -> ()
    %mul3A_66 = arith.constant 5 : i32
    %mul3A_67 = arith.muli %arg1, %mul3A_66 : i32
    %add3A_68 = arith.constant 1 : i32
    %add3A_69 = arith.addi %mul3A_67, %add3A_68 : i32
    %mul3A_70 = arith.constant 128 : i32
    %mul3A_71 = arith.muli %add3A_69, %mul3A_70 : i32
    "tpu.region"() ({
      %run_scoped3A = tpu.sem_alloc : memref<!tpu.dma_semaphore, #tpu.memory_space<semaphore_mem>>
      %dma_start3A_90 = arith.constant 0 : i32
      %dma_start3A_91 = tpu.memref_slice %arg10[%mul3A_71, %dma_start3A_90] : memref<10240x128xf32, #tpu.memory_space<vmem_shared>> -> memref<128x128xf32, #tpu.memory_space<vmem_shared>>
      %dma_start3A_92 = arith.constant 0 : i32
      %dma_start3A_93 = tpu.memref_slice %arg10[%mul3A_71, %dma_start3A_92] : memref<10240x128xf32, #tpu.memory_space<vmem_shared>> -> memref<128x128xf32, #tpu.memory_space<vmem_shared>>
      tpu.enqueue_dma source(%dma_start3A_93 : memref<128x128xf32, #tpu.memory_space<vmem_shared>>) target(%arg8 : memref<128x128xf32, #tpu.memory_space<vmem>>) target_semaphore(%run_scoped3A : memref<!tpu.dma_semaphore, #tpu.memory_space<semaphore_mem>>)
      %dma_wait3A_94 = arith.constant 0 : i32
      %dma_wait3A_95 = tpu.memref_slice %arg10[%mul3A_71, %dma_wait3A_94] : memref<10240x128xf32, #tpu.memory_space<vmem_shared>> -> memref<128x128xf32, #tpu.memory_space<vmem_shared>>
      %dma_wait3A_96 = arith.constant 0 : i32
      %dma_wait3A_97 = tpu.memref_slice %arg10[%mul3A_71, %dma_wait3A_96] : memref<10240x128xf32, #tpu.memory_space<vmem_shared>> -> memref<128x128xf32, #tpu.memory_space<vmem_shared>>
      tpu.wait_dma2 semaphore(%run_scoped3A : memref<!tpu.dma_semaphore, #tpu.memory_space<semaphore_mem>>) src(%dma_wait3A_97 : memref<128x128xf32, #tpu.memory_space<vmem_shared>>) dst(%arg8 : memref<128x128xf32, #tpu.memory_space<vmem>>)
      tpu.yield
    }) : () -> ()
    "tpu.region"() ({
      %run_scoped3A = tpu.sem_alloc : memref<!tpu.dma_semaphore, #tpu.memory_space<semaphore_mem>>
      %dma_start3A_90 = arith.constant 0 : i32
      %dma_start3A_91 = tpu.memref_slice %arg5[%arg0, %mul3A_71, %dma_start3A_90] : memref<2x10240x128xf32, #tpu.memory_space<hbm>> -> memref<1x128x128xf32, #tpu.memory_space<hbm>>
      %dma_start3A_92 = tpu.memref_squeeze %dma_start3A_91 : memref<1x128x128xf32, #tpu.memory_space<hbm>> -> memref<128x128xf32, #tpu.memory_space<hbm>>
      %dma_start3A_93 = arith.constant 0 : i32
      %dma_start3A_94 = tpu.memref_slice %arg5[%arg0, %mul3A_71, %dma_start3A_93] : memref<2x10240x128xf32, #tpu.memory_space<hbm>> -> memref<1x128x128xf32, #tpu.memory_space<hbm>>
      %dma_start3A_95 = tpu.memref_squeeze %dma_start3A_94 : memref<1x128x128xf32, #tpu.memory_space<hbm>> -> memref<128x128xf32, #tpu.memory_space<hbm>>
      tpu.enqueue_dma source(%arg8 : memref<128x128xf32, #tpu.memory_space<vmem>>) target(%dma_start3A_95 : memref<128x128xf32, #tpu.memory_space<hbm>>) target_semaphore(%run_scoped3A : memref<!tpu.dma_semaphore, #tpu.memory_space<semaphore_mem>>)
      %dma_wait3A_96 = arith.constant 0 : i32
      %dma_wait3A_97 = tpu.memref_slice %arg5[%arg0, %mul3A_71, %dma_wait3A_96] : memref<2x10240x128xf32, #tpu.memory_space<hbm>> -> memref<1x128x128xf32, #tpu.memory_space<hbm>>
      %dma_wait3A_98 = tpu.memref_squeeze %dma_wait3A_97 : memref<1x128x128xf32, #tpu.memory_space<hbm>> -> memref<128x128xf32, #tpu.memory_space<hbm>>
      %dma_wait3A_99 = arith.constant 0 : i32
      %dma_wait3A_100 = tpu.memref_slice %arg5[%arg0, %mul3A_71, %dma_wait3A_99] : memref<2x10240x128xf32, #tpu.memory_space<hbm>> -> memref<1x128x128xf32, #tpu.memory_space<hbm>>
      %dma_wait3A_101 = tpu.memref_squeeze %dma_wait3A_100 : memref<1x128x128xf32, #tpu.memory_space<hbm>> -> memref<128x128xf32, #tpu.memory_space<hbm>>
      tpu.wait_dma2 semaphore(%run_scoped3A : memref<!tpu.dma_semaphore, #tpu.memory_space<semaphore_mem>>) src(%arg8 : memref<128x128xf32, #tpu.memory_space<vmem>>) dst(%dma_wait3A_101 : memref<128x128xf32, #tpu.memory_space<hbm>>)
      tpu.yield
    }) : () -> ()
    %mul3A_72 = arith.constant 5 : i32
    %mul3A_73 = arith.muli %arg1, %mul3A_72 : i32
    %add3A_74 = arith.constant 2 : i32
    %add3A_75 = arith.addi %mul3A_73, %add3A_74 : i32
    %mul3A_76 = arith.constant 128 : i32
    %mul3A_77 = arith.muli %add3A_75, %mul3A_76 : i32
    "tpu.region"() ({
      %run_scoped3A = tpu.sem_alloc : memref<!tpu.dma_semaphore, #tpu.memory_space<semaphore_mem>>
      %dma_start3A_90 = arith.constant 0 : i32
      %dma_start3A_91 = tpu.memref_slice %arg10[%mul3A_77, %dma_start3A_90] : memref<10240x128xf32, #tpu.memory_space<vmem_shared>> -> memref<128x128xf32, #tpu.memory_space<vmem_shared>>
      %dma_start3A_92 = arith.constant 0 : i32
      %dma_start3A_93 = tpu.memref_slice %arg10[%mul3A_77, %dma_start3A_92] : memref<10240x128xf32, #tpu.memory_space<vmem_shared>> -> memref<128x128xf32, #tpu.memory_space<vmem_shared>>
      tpu.enqueue_dma source(%dma_start3A_93 : memref<128x128xf32, #tpu.memory_space<vmem_shared>>) target(%arg8 : memref<128x128xf32, #tpu.memory_space<vmem>>) target_semaphore(%run_scoped3A : memref<!tpu.dma_semaphore, #tpu.memory_space<semaphore_mem>>)
      %dma_wait3A_94 = arith.constant 0 : i32
      %dma_wait3A_95 = tpu.memref_slice %arg10[%mul3A_77, %dma_wait3A_94] : memref<10240x128xf32, #tpu.memory_space<vmem_shared>> -> memref<128x128xf32, #tpu.memory_space<vmem_shared>>
      %dma_wait3A_96 = arith.constant 0 : i32
      %dma_wait3A_97 = tpu.memref_slice %arg10[%mul3A_77, %dma_wait3A_96] : memref<10240x128xf32, #tpu.memory_space<vmem_shared>> -> memref<128x128xf32, #tpu.memory_space<vmem_shared>>
      tpu.wait_dma2 semaphore(%run_scoped3A : memref<!tpu.dma_semaphore, #tpu.memory_space<semaphore_mem>>) src(%dma_wait3A_97 : memref<128x128xf32, #tpu.memory_space<vmem_shared>>) dst(%arg8 : memref<128x128xf32, #tpu.memory_space<vmem>>)
      tpu.yield
    }) : () -> ()
    "tpu.region"() ({
      %run_scoped3A = tpu.sem_alloc : memref<!tpu.dma_semaphore, #tpu.memory_space<semaphore_mem>>
      %dma_start3A_90 = arith.constant 0 : i32
      %dma_start3A_91 = tpu.memref_slice %arg5[%arg0, %mul3A_77, %dma_start3A_90] : memref<2x10240x128xf32, #tpu.memory_space<hbm>> -> memref<1x128x128xf32, #tpu.memory_space<hbm>>
      %dma_start3A_92 = tpu.memref_squeeze %dma_start3A_91 : memref<1x128x128xf32, #tpu.memory_space<hbm>> -> memref<128x128xf32, #tpu.memory_space<hbm>>
      %dma_start3A_93 = arith.constant 0 : i32
      %dma_start3A_94 = tpu.memref_slice %arg5[%arg0, %mul3A_77, %dma_start3A_93] : memref<2x10240x128xf32, #tpu.memory_space<hbm>> -> memref<1x128x128xf32, #tpu.memory_space<hbm>>
      %dma_start3A_95 = tpu.memref_squeeze %dma_start3A_94 : memref<1x128x128xf32, #tpu.memory_space<hbm>> -> memref<128x128xf32, #tpu.memory_space<hbm>>
      tpu.enqueue_dma source(%arg8 : memref<128x128xf32, #tpu.memory_space<vmem>>) target(%dma_start3A_95 : memref<128x128xf32, #tpu.memory_space<hbm>>) target_semaphore(%run_scoped3A : memref<!tpu.dma_semaphore, #tpu.memory_space<semaphore_mem>>)
      %dma_wait3A_96 = arith.constant 0 : i32
      %dma_wait3A_97 = tpu.memref_slice %arg5[%arg0, %mul3A_77, %dma_wait3A_96] : memref<2x10240x128xf32, #tpu.memory_space<hbm>> -> memref<1x128x128xf32, #tpu.memory_space<hbm>>
      %dma_wait3A_98 = tpu.memref_squeeze %dma_wait3A_97 : memref<1x128x128xf32, #tpu.memory_space<hbm>> -> memref<128x128xf32, #tpu.memory_space<hbm>>
      %dma_wait3A_99 = arith.constant 0 : i32
      %dma_wait3A_100 = tpu.memref_slice %arg5[%arg0, %mul3A_77, %dma_wait3A_99] : memref<2x10240x128xf32, #tpu.memory_space<hbm>> -> memref<1x128x128xf32, #tpu.memory_space<hbm>>
      %dma_wait3A_101 = tpu.memref_squeeze %dma_wait3A_100 : memref<1x128x128xf32, #tpu.memory_space<hbm>> -> memref<128x128xf32, #tpu.memory_space<hbm>>
      tpu.wait_dma2 semaphore(%run_scoped3A : memref<!tpu.dma_semaphore, #tpu.memory_space<semaphore_mem>>) src(%arg8 : memref<128x128xf32, #tpu.memory_space<vmem>>) dst(%dma_wait3A_101 : memref<128x128xf32, #tpu.memory_space<hbm>>)
      tpu.yield
    }) : () -> ()
    %mul3A_78 = arith.constant 5 : i32
    %mul3A_79 = arith.muli %arg1, %mul3A_78 : i32
    %add3A_80 = arith.constant 3 : i32
    %add3A_81 = arith.addi %mul3A_79, %add3A_80 : i32
    %mul3A_82 = arith.constant 128 : i32
    %mul3A_83 = arith.muli %add3A_81, %mul3A_82 : i32
    "tpu.region"() ({
      %run_scoped3A = tpu.sem_alloc : memref<!tpu.dma_semaphore, #tpu.memory_space<semaphore_mem>>
      %dma_start3A_90 = arith.constant 0 : i32
      %dma_start3A_91 = tpu.memref_slice %arg10[%mul3A_83, %dma_start3A_90] : memref<10240x128xf32, #tpu.memory_space<vmem_shared>> -> memref<128x128xf32, #tpu.memory_space<vmem_shared>>
      %dma_start3A_92 = arith.constant 0 : i32
      %dma_start3A_93 = tpu.memref_slice %arg10[%mul3A_83, %dma_start3A_92] : memref<10240x128xf32, #tpu.memory_space<vmem_shared>> -> memref<128x128xf32, #tpu.memory_space<vmem_shared>>
      tpu.enqueue_dma source(%dma_start3A_93 : memref<128x128xf32, #tpu.memory_space<vmem_shared>>) target(%arg8 : memref<128x128xf32, #tpu.memory_space<vmem>>) target_semaphore(%run_scoped3A : memref<!tpu.dma_semaphore, #tpu.memory_space<semaphore_mem>>)
      %dma_wait3A_94 = arith.constant 0 : i32
      %dma_wait3A_95 = tpu.memref_slice %arg10[%mul3A_83, %dma_wait3A_94] : memref<10240x128xf32, #tpu.memory_space<vmem_shared>> -> memref<128x128xf32, #tpu.memory_space<vmem_shared>>
      %dma_wait3A_96 = arith.constant 0 : i32
      %dma_wait3A_97 = tpu.memref_slice %arg10[%mul3A_83, %dma_wait3A_96] : memref<10240x128xf32, #tpu.memory_space<vmem_shared>> -> memref<128x128xf32, #tpu.memory_space<vmem_shared>>
      tpu.wait_dma2 semaphore(%run_scoped3A : memref<!tpu.dma_semaphore, #tpu.memory_space<semaphore_mem>>) src(%dma_wait3A_97 : memref<128x128xf32, #tpu.memory_space<vmem_shared>>) dst(%arg8 : memref<128x128xf32, #tpu.memory_space<vmem>>)
      tpu.yield
    }) : () -> ()
    "tpu.region"() ({
      %run_scoped3A = tpu.sem_alloc : memref<!tpu.dma_semaphore, #tpu.memory_space<semaphore_mem>>
      %dma_start3A_90 = arith.constant 0 : i32
      %dma_start3A_91 = tpu.memref_slice %arg5[%arg0, %mul3A_83, %dma_start3A_90] : memref<2x10240x128xf32, #tpu.memory_space<hbm>> -> memref<1x128x128xf32, #tpu.memory_space<hbm>>
      %dma_start3A_92 = tpu.memref_squeeze %dma_start3A_91 : memref<1x128x128xf32, #tpu.memory_space<hbm>> -> memref<128x128xf32, #tpu.memory_space<hbm>>
      %dma_start3A_93 = arith.constant 0 : i32
      %dma_start3A_94 = tpu.memref_slice %arg5[%arg0, %mul3A_83, %dma_start3A_93] : memref<2x10240x128xf32, #tpu.memory_space<hbm>> -> memref<1x128x128xf32, #tpu.memory_space<hbm>>
      %dma_start3A_95 = tpu.memref_squeeze %dma_start3A_94 : memref<1x128x128xf32, #tpu.memory_space<hbm>> -> memref<128x128xf32, #tpu.memory_space<hbm>>
      tpu.enqueue_dma source(%arg8 : memref<128x128xf32, #tpu.memory_space<vmem>>) target(%dma_start3A_95 : memref<128x128xf32, #tpu.memory_space<hbm>>) target_semaphore(%run_scoped3A : memref<!tpu.dma_semaphore, #tpu.memory_space<semaphore_mem>>)
      %dma_wait3A_96 = arith.constant 0 : i32
      %dma_wait3A_97 = tpu.memref_slice %arg5[%arg0, %mul3A_83, %dma_wait3A_96] : memref<2x10240x128xf32, #tpu.memory_space<hbm>> -> memref<1x128x128xf32, #tpu.memory_space<hbm>>
      %dma_wait3A_98 = tpu.memref_squeeze %dma_wait3A_97 : memref<1x128x128xf32, #tpu.memory_space<hbm>> -> memref<128x128xf32, #tpu.memory_space<hbm>>
      %dma_wait3A_99 = arith.constant 0 : i32
      %dma_wait3A_100 = tpu.memref_slice %arg5[%arg0, %mul3A_83, %dma_wait3A_99] : memref<2x10240x128xf32, #tpu.memory_space<hbm>> -> memref<1x128x128xf32, #tpu.memory_space<hbm>>
      %dma_wait3A_101 = tpu.memref_squeeze %dma_wait3A_100 : memref<1x128x128xf32, #tpu.memory_space<hbm>> -> memref<128x128xf32, #tpu.memory_space<hbm>>
      tpu.wait_dma2 semaphore(%run_scoped3A : memref<!tpu.dma_semaphore, #tpu.memory_space<semaphore_mem>>) src(%arg8 : memref<128x128xf32, #tpu.memory_space<vmem>>) dst(%dma_wait3A_101 : memref<128x128xf32, #tpu.memory_space<hbm>>)
      tpu.yield
    }) : () -> ()
    %mul3A_84 = arith.constant 5 : i32
    %mul3A_85 = arith.muli %arg1, %mul3A_84 : i32
    %add3A_86 = arith.constant 4 : i32
    %add3A_87 = arith.addi %mul3A_85, %add3A_86 : i32
    %mul3A_88 = arith.constant 128 : i32
    %mul3A_89 = arith.muli %add3A_87, %mul3A_88 : i32
    "tpu.region"() ({
      %run_scoped3A = tpu.sem_alloc : memref<!tpu.dma_semaphore, #tpu.memory_space<semaphore_mem>>
      %dma_start3A_90 = arith.constant 0 : i32
      %dma_start3A_91 = tpu.memref_slice %arg10[%mul3A_89, %dma_start3A_90] : memref<10240x128xf32, #tpu.memory_space<vmem_shared>> -> memref<128x128xf32, #tpu.memory_space<vmem_shared>>
      %dma_start3A_92 = arith.constant 0 : i32
      %dma_start3A_93 = tpu.memref_slice %arg10[%mul3A_89, %dma_start3A_92] : memref<10240x128xf32, #tpu.memory_space<vmem_shared>> -> memref<128x128xf32, #tpu.memory_space<vmem_shared>>
      tpu.enqueue_dma source(%dma_start3A_93 : memref<128x128xf32, #tpu.memory_space<vmem_shared>>) target(%arg8 : memref<128x128xf32, #tpu.memory_space<vmem>>) target_semaphore(%run_scoped3A : memref<!tpu.dma_semaphore, #tpu.memory_space<semaphore_mem>>)
      %dma_wait3A_94 = arith.constant 0 : i32
      %dma_wait3A_95 = tpu.memref_slice %arg10[%mul3A_89, %dma_wait3A_94] : memref<10240x128xf32, #tpu.memory_space<vmem_shared>> -> memref<128x128xf32, #tpu.memory_space<vmem_shared>>
      %dma_wait3A_96 = arith.constant 0 : i32
      %dma_wait3A_97 = tpu.memref_slice %arg10[%mul3A_89, %dma_wait3A_96] : memref<10240x128xf32, #tpu.memory_space<vmem_shared>> -> memref<128x128xf32, #tpu.memory_space<vmem_shared>>
      tpu.wait_dma2 semaphore(%run_scoped3A : memref<!tpu.dma_semaphore, #tpu.memory_space<semaphore_mem>>) src(%dma_wait3A_97 : memref<128x128xf32, #tpu.memory_space<vmem_shared>>) dst(%arg8 : memref<128x128xf32, #tpu.memory_space<vmem>>)
      tpu.yield
    }) : () -> ()
    "tpu.region"() ({
      %run_scoped3A = tpu.sem_alloc : memref<!tpu.dma_semaphore, #tpu.memory_space<semaphore_mem>>
      %dma_start3A_90 = arith.constant 0 : i32
      %dma_start3A_91 = tpu.memref_slice %arg5[%arg0, %mul3A_89, %dma_start3A_90] : memref<2x10240x128xf32, #tpu.memory_space<hbm>> -> memref<1x128x128xf32, #tpu.memory_space<hbm>>
      %dma_start3A_92 = tpu.memref_squeeze %dma_start3A_91 : memref<1x128x128xf32, #tpu.memory_space<hbm>> -> memref<128x128xf32, #tpu.memory_space<hbm>>
      %dma_start3A_93 = arith.constant 0 : i32
      %dma_start3A_94 = tpu.memref_slice %arg5[%arg0, %mul3A_89, %dma_start3A_93] : memref<2x10240x128xf32, #tpu.memory_space<hbm>> -> memref<1x128x128xf32, #tpu.memory_space<hbm>>
      %dma_start3A_95 = tpu.memref_squeeze %dma_start3A_94 : memref<1x128x128xf32, #tpu.memory_space<hbm>> -> memref<128x128xf32, #tpu.memory_space<hbm>>
      tpu.enqueue_dma source(%arg8 : memref<128x128xf32, #tpu.memory_space<vmem>>) target(%dma_start3A_95 : memref<128x128xf32, #tpu.memory_space<hbm>>) target_semaphore(%run_scoped3A : memref<!tpu.dma_semaphore, #tpu.memory_space<semaphore_mem>>)
      %dma_wait3A_96 = arith.constant 0 : i32
      %dma_wait3A_97 = tpu.memref_slice %arg5[%arg0, %mul3A_89, %dma_wait3A_96] : memref<2x10240x128xf32, #tpu.memory_space<hbm>> -> memref<1x128x128xf32, #tpu.memory_space<hbm>>
      %dma_wait3A_98 = tpu.memref_squeeze %dma_wait3A_97 : memref<1x128x128xf32, #tpu.memory_space<hbm>> -> memref<128x128xf32, #tpu.memory_space<hbm>>
      %dma_wait3A_99 = arith.constant 0 : i32
      %dma_wait3A_100 = tpu.memref_slice %arg5[%arg0, %mul3A_89, %dma_wait3A_99] : memref<2x10240x128xf32, #tpu.memory_space<hbm>> -> memref<1x128x128xf32, #tpu.memory_space<hbm>>
      %dma_wait3A_101 = tpu.memref_squeeze %dma_wait3A_100 : memref<1x128x128xf32, #tpu.memory_space<hbm>> -> memref<128x128xf32, #tpu.memory_space<hbm>>
      tpu.wait_dma2 semaphore(%run_scoped3A : memref<!tpu.dma_semaphore, #tpu.memory_space<semaphore_mem>>) src(%arg8 : memref<128x128xf32, #tpu.memory_space<vmem>>) dst(%dma_wait3A_101 : memref<128x128xf32, #tpu.memory_space<hbm>>)
      tpu.yield
    }) : () -> ()
    return
  }
}

#map = affine_map<(d0, d1) -> (0, 0)>
#map1 = affine_map<(d0, d1) -> (0, 0, 0, 0)>
#map2 = affine_map<(d0, d1) -> (0, 0, 0)>
module attributes {stable_mosaic.version = 14 : i64} {
  func.func @edge_kernel(%arg0: i32, %arg1: i32, %arg2: memref<20480x128xf32, #tpu.memory_space<hbm>>, %arg3: memref<2x16x164x128xi32, #tpu.memory_space<hbm>>, %arg4: memref<2x16x164x128xi32, #tpu.memory_space<hbm>>, %arg5: memref<128x128xf32, #tpu.memory_space<hbm>>, %arg6: memref<2x10240x128xf32, #tpu.memory_space<hbm>>, %arg7: memref<128xi32, #tpu.memory_space<vmem>>, %arg8: memref<128xi32, #tpu.memory_space<vmem>>, %arg9: memref<128xi32, #tpu.memory_space<vmem>>, %arg10: memref<128xi32, #tpu.memory_space<vmem>>, %arg11: memref<128x128xf32, #tpu.memory_space<vmem>>, %arg12: memref<128x128xf32, #tpu.memory_space<vmem>>, %arg13: memref<10240x128xf32, #tpu.memory_space<vmem_shared>>, %arg14: memref<!tpu.dma_semaphore, #tpu.memory_space<semaphore_mem>>, %arg15: memref<!tpu.dma_semaphore, #tpu.memory_space<semaphore_mem>>, %arg16: memref<!tpu.dma_semaphore, #tpu.memory_space<semaphore_mem>>, %arg17: memref<!tpu.dma_semaphore, #tpu.memory_space<semaphore_mem>>, %arg18: memref<!tpu.dma_semaphore, #tpu.memory_space<semaphore_mem>>, %arg19: memref<!tpu.dma_semaphore, #tpu.memory_space<semaphore_mem>>) attributes {dimension_semantics = [#tpu.dimension_semantics<core_parallel>, #tpu.dimension_semantics<subcore_parallel>], iteration_bounds = array<i64: 2, 16>, scalar_prefetch = 0 : i64, scratch_operands = 13 : i64, tpu.core_type = #tpu.core_type<sc_vector_subcore>, window_params = [{transform_indices = #map}, {transform_indices = #map1}, {transform_indices = #map1}, {transform_indices = #map}, {transform_indices = #map2}]} {
    "tpu.region"() ({
      %run_scoped3A = tpu.sem_alloc : memref<!tpu.dma_semaphore, #tpu.memory_space<semaphore_mem>>
      tpu.enqueue_dma source(%arg5 : memref<128x128xf32, #tpu.memory_space<hbm>>) target(%arg11 : memref<128x128xf32, #tpu.memory_space<vmem>>) target_semaphore(%run_scoped3A : memref<!tpu.dma_semaphore, #tpu.memory_space<semaphore_mem>>)
      tpu.wait_dma2 semaphore(%run_scoped3A : memref<!tpu.dma_semaphore, #tpu.memory_space<semaphore_mem>>) src(%arg5 : memref<128x128xf32, #tpu.memory_space<hbm>>) dst(%arg11 : memref<128x128xf32, #tpu.memory_space<vmem>>)
      tpu.yield
    }) : () -> ()
    %mul3A = arith.constant 5 : i32
    %mul3A_0 = arith.muli %arg1, %mul3A : i32
    %add3A = arith.constant 0 : i32
    %add3A_1 = arith.addi %mul3A_0, %add3A : i32
    %mul3A_2 = arith.constant 128 : i32
    %mul3A_3 = arith.muli %add3A_1, %mul3A_2 : i32
    "tpu.region"() ({
      %run_scoped3A = tpu.sem_alloc : memref<!tpu.dma_semaphore, #tpu.memory_space<semaphore_mem>>
      %dma_start3A_124 = arith.constant 0 : i32
      %dma_start3A_125 = tpu.memref_slice %arg13[%mul3A_3, %dma_start3A_124] : memref<10240x128xf32, #tpu.memory_space<vmem_shared>> -> memref<128x128xf32, #tpu.memory_space<vmem_shared>>
      %dma_start3A_126 = arith.constant 0 : i32
      %dma_start3A_127 = tpu.memref_slice %arg13[%mul3A_3, %dma_start3A_126] : memref<10240x128xf32, #tpu.memory_space<vmem_shared>> -> memref<128x128xf32, #tpu.memory_space<vmem_shared>>
      tpu.enqueue_dma source(%arg11 : memref<128x128xf32, #tpu.memory_space<vmem>>) target(%dma_start3A_127 : memref<128x128xf32, #tpu.memory_space<vmem_shared>>) target_semaphore(%run_scoped3A : memref<!tpu.dma_semaphore, #tpu.memory_space<semaphore_mem>>)
      %dma_wait3A_128 = arith.constant 0 : i32
      %dma_wait3A_129 = tpu.memref_slice %arg13[%mul3A_3, %dma_wait3A_128] : memref<10240x128xf32, #tpu.memory_space<vmem_shared>> -> memref<128x128xf32, #tpu.memory_space<vmem_shared>>
      %dma_wait3A_130 = arith.constant 0 : i32
      %dma_wait3A_131 = tpu.memref_slice %arg13[%mul3A_3, %dma_wait3A_130] : memref<10240x128xf32, #tpu.memory_space<vmem_shared>> -> memref<128x128xf32, #tpu.memory_space<vmem_shared>>
      tpu.wait_dma2 semaphore(%run_scoped3A : memref<!tpu.dma_semaphore, #tpu.memory_space<semaphore_mem>>) src(%arg11 : memref<128x128xf32, #tpu.memory_space<vmem>>) dst(%dma_wait3A_131 : memref<128x128xf32, #tpu.memory_space<vmem_shared>>)
      tpu.yield
    }) : () -> ()
    %mul3A_4 = arith.constant 5 : i32
    %mul3A_5 = arith.muli %arg1, %mul3A_4 : i32
    %add3A_6 = arith.constant 1 : i32
    %add3A_7 = arith.addi %mul3A_5, %add3A_6 : i32
    %mul3A_8 = arith.constant 128 : i32
    %mul3A_9 = arith.muli %add3A_7, %mul3A_8 : i32
    "tpu.region"() ({
      %run_scoped3A = tpu.sem_alloc : memref<!tpu.dma_semaphore, #tpu.memory_space<semaphore_mem>>
      %dma_start3A_124 = arith.constant 0 : i32
      %dma_start3A_125 = tpu.memref_slice %arg13[%mul3A_9, %dma_start3A_124] : memref<10240x128xf32, #tpu.memory_space<vmem_shared>> -> memref<128x128xf32, #tpu.memory_space<vmem_shared>>
      %dma_start3A_126 = arith.constant 0 : i32
      %dma_start3A_127 = tpu.memref_slice %arg13[%mul3A_9, %dma_start3A_126] : memref<10240x128xf32, #tpu.memory_space<vmem_shared>> -> memref<128x128xf32, #tpu.memory_space<vmem_shared>>
      tpu.enqueue_dma source(%arg11 : memref<128x128xf32, #tpu.memory_space<vmem>>) target(%dma_start3A_127 : memref<128x128xf32, #tpu.memory_space<vmem_shared>>) target_semaphore(%run_scoped3A : memref<!tpu.dma_semaphore, #tpu.memory_space<semaphore_mem>>)
      %dma_wait3A_128 = arith.constant 0 : i32
      %dma_wait3A_129 = tpu.memref_slice %arg13[%mul3A_9, %dma_wait3A_128] : memref<10240x128xf32, #tpu.memory_space<vmem_shared>> -> memref<128x128xf32, #tpu.memory_space<vmem_shared>>
      %dma_wait3A_130 = arith.constant 0 : i32
      %dma_wait3A_131 = tpu.memref_slice %arg13[%mul3A_9, %dma_wait3A_130] : memref<10240x128xf32, #tpu.memory_space<vmem_shared>> -> memref<128x128xf32, #tpu.memory_space<vmem_shared>>
      tpu.wait_dma2 semaphore(%run_scoped3A : memref<!tpu.dma_semaphore, #tpu.memory_space<semaphore_mem>>) src(%arg11 : memref<128x128xf32, #tpu.memory_space<vmem>>) dst(%dma_wait3A_131 : memref<128x128xf32, #tpu.memory_space<vmem_shared>>)
      tpu.yield
    }) : () -> ()
    %mul3A_10 = arith.constant 5 : i32
    %mul3A_11 = arith.muli %arg1, %mul3A_10 : i32
    %add3A_12 = arith.constant 2 : i32
    %add3A_13 = arith.addi %mul3A_11, %add3A_12 : i32
    %mul3A_14 = arith.constant 128 : i32
    %mul3A_15 = arith.muli %add3A_13, %mul3A_14 : i32
    "tpu.region"() ({
      %run_scoped3A = tpu.sem_alloc : memref<!tpu.dma_semaphore, #tpu.memory_space<semaphore_mem>>
      %dma_start3A_124 = arith.constant 0 : i32
      %dma_start3A_125 = tpu.memref_slice %arg13[%mul3A_15, %dma_start3A_124] : memref<10240x128xf32, #tpu.memory_space<vmem_shared>> -> memref<128x128xf32, #tpu.memory_space<vmem_shared>>
      %dma_start3A_126 = arith.constant 0 : i32
      %dma_start3A_127 = tpu.memref_slice %arg13[%mul3A_15, %dma_start3A_126] : memref<10240x128xf32, #tpu.memory_space<vmem_shared>> -> memref<128x128xf32, #tpu.memory_space<vmem_shared>>
      tpu.enqueue_dma source(%arg11 : memref<128x128xf32, #tpu.memory_space<vmem>>) target(%dma_start3A_127 : memref<128x128xf32, #tpu.memory_space<vmem_shared>>) target_semaphore(%run_scoped3A : memref<!tpu.dma_semaphore, #tpu.memory_space<semaphore_mem>>)
      %dma_wait3A_128 = arith.constant 0 : i32
      %dma_wait3A_129 = tpu.memref_slice %arg13[%mul3A_15, %dma_wait3A_128] : memref<10240x128xf32, #tpu.memory_space<vmem_shared>> -> memref<128x128xf32, #tpu.memory_space<vmem_shared>>
      %dma_wait3A_130 = arith.constant 0 : i32
      %dma_wait3A_131 = tpu.memref_slice %arg13[%mul3A_15, %dma_wait3A_130] : memref<10240x128xf32, #tpu.memory_space<vmem_shared>> -> memref<128x128xf32, #tpu.memory_space<vmem_shared>>
      tpu.wait_dma2 semaphore(%run_scoped3A : memref<!tpu.dma_semaphore, #tpu.memory_space<semaphore_mem>>) src(%arg11 : memref<128x128xf32, #tpu.memory_space<vmem>>) dst(%dma_wait3A_131 : memref<128x128xf32, #tpu.memory_space<vmem_shared>>)
      tpu.yield
    }) : () -> ()
    %mul3A_16 = arith.constant 5 : i32
    %mul3A_17 = arith.muli %arg1, %mul3A_16 : i32
    %add3A_18 = arith.constant 3 : i32
    %add3A_19 = arith.addi %mul3A_17, %add3A_18 : i32
    %mul3A_20 = arith.constant 128 : i32
    %mul3A_21 = arith.muli %add3A_19, %mul3A_20 : i32
    "tpu.region"() ({
      %run_scoped3A = tpu.sem_alloc : memref<!tpu.dma_semaphore, #tpu.memory_space<semaphore_mem>>
      %dma_start3A_124 = arith.constant 0 : i32
      %dma_start3A_125 = tpu.memref_slice %arg13[%mul3A_21, %dma_start3A_124] : memref<10240x128xf32, #tpu.memory_space<vmem_shared>> -> memref<128x128xf32, #tpu.memory_space<vmem_shared>>
      %dma_start3A_126 = arith.constant 0 : i32
      %dma_start3A_127 = tpu.memref_slice %arg13[%mul3A_21, %dma_start3A_126] : memref<10240x128xf32, #tpu.memory_space<vmem_shared>> -> memref<128x128xf32, #tpu.memory_space<vmem_shared>>
      tpu.enqueue_dma source(%arg11 : memref<128x128xf32, #tpu.memory_space<vmem>>) target(%dma_start3A_127 : memref<128x128xf32, #tpu.memory_space<vmem_shared>>) target_semaphore(%run_scoped3A : memref<!tpu.dma_semaphore, #tpu.memory_space<semaphore_mem>>)
      %dma_wait3A_128 = arith.constant 0 : i32
      %dma_wait3A_129 = tpu.memref_slice %arg13[%mul3A_21, %dma_wait3A_128] : memref<10240x128xf32, #tpu.memory_space<vmem_shared>> -> memref<128x128xf32, #tpu.memory_space<vmem_shared>>
      %dma_wait3A_130 = arith.constant 0 : i32
      %dma_wait3A_131 = tpu.memref_slice %arg13[%mul3A_21, %dma_wait3A_130] : memref<10240x128xf32, #tpu.memory_space<vmem_shared>> -> memref<128x128xf32, #tpu.memory_space<vmem_shared>>
      tpu.wait_dma2 semaphore(%run_scoped3A : memref<!tpu.dma_semaphore, #tpu.memory_space<semaphore_mem>>) src(%arg11 : memref<128x128xf32, #tpu.memory_space<vmem>>) dst(%dma_wait3A_131 : memref<128x128xf32, #tpu.memory_space<vmem_shared>>)
      tpu.yield
    }) : () -> ()
    %mul3A_22 = arith.constant 5 : i32
    %mul3A_23 = arith.muli %arg1, %mul3A_22 : i32
    %add3A_24 = arith.constant 4 : i32
    %add3A_25 = arith.addi %mul3A_23, %add3A_24 : i32
    %mul3A_26 = arith.constant 128 : i32
    %mul3A_27 = arith.muli %add3A_25, %mul3A_26 : i32
    "tpu.region"() ({
      %run_scoped3A = tpu.sem_alloc : memref<!tpu.dma_semaphore, #tpu.memory_space<semaphore_mem>>
      %dma_start3A_124 = arith.constant 0 : i32
      %dma_start3A_125 = tpu.memref_slice %arg13[%mul3A_27, %dma_start3A_124] : memref<10240x128xf32, #tpu.memory_space<vmem_shared>> -> memref<128x128xf32, #tpu.memory_space<vmem_shared>>
      %dma_start3A_126 = arith.constant 0 : i32
      %dma_start3A_127 = tpu.memref_slice %arg13[%mul3A_27, %dma_start3A_126] : memref<10240x128xf32, #tpu.memory_space<vmem_shared>> -> memref<128x128xf32, #tpu.memory_space<vmem_shared>>
      tpu.enqueue_dma source(%arg11 : memref<128x128xf32, #tpu.memory_space<vmem>>) target(%dma_start3A_127 : memref<128x128xf32, #tpu.memory_space<vmem_shared>>) target_semaphore(%run_scoped3A : memref<!tpu.dma_semaphore, #tpu.memory_space<semaphore_mem>>)
      %dma_wait3A_128 = arith.constant 0 : i32
      %dma_wait3A_129 = tpu.memref_slice %arg13[%mul3A_27, %dma_wait3A_128] : memref<10240x128xf32, #tpu.memory_space<vmem_shared>> -> memref<128x128xf32, #tpu.memory_space<vmem_shared>>
      %dma_wait3A_130 = arith.constant 0 : i32
      %dma_wait3A_131 = tpu.memref_slice %arg13[%mul3A_27, %dma_wait3A_130] : memref<10240x128xf32, #tpu.memory_space<vmem_shared>> -> memref<128x128xf32, #tpu.memory_space<vmem_shared>>
      tpu.wait_dma2 semaphore(%run_scoped3A : memref<!tpu.dma_semaphore, #tpu.memory_space<semaphore_mem>>) src(%arg11 : memref<128x128xf32, #tpu.memory_space<vmem>>) dst(%dma_wait3A_131 : memref<128x128xf32, #tpu.memory_space<vmem_shared>>)
      tpu.yield
    }) : () -> ()
    %dma_start3A = arith.constant 0 : i32
    %dma_start3A_28 = arith.constant 0 : i32
    %dma_start3A_29 = tpu.memref_slice %arg3[%arg0, %arg1, %dma_start3A, %dma_start3A_28] : memref<2x16x164x128xi32, #tpu.memory_space<hbm>> -> memref<1x1x1x128xi32, #tpu.memory_space<hbm>>
    %dma_start3A_30 = tpu.memref_squeeze %dma_start3A_29 : memref<1x1x1x128xi32, #tpu.memory_space<hbm>> -> memref<128xi32, #tpu.memory_space<hbm>>
    %dma_start3A_31 = arith.constant 0 : i32
    %dma_start3A_32 = tpu.memref_slice %arg3[%arg0, %arg1, %dma_start3A, %dma_start3A_31] : memref<2x16x164x128xi32, #tpu.memory_space<hbm>> -> memref<1x1x1x128xi32, #tpu.memory_space<hbm>>
    %dma_start3A_33 = tpu.memref_squeeze %dma_start3A_32 : memref<1x1x1x128xi32, #tpu.memory_space<hbm>> -> memref<128xi32, #tpu.memory_space<hbm>>
    tpu.enqueue_dma source(%dma_start3A_33 : memref<128xi32, #tpu.memory_space<hbm>>) target(%arg7 : memref<128xi32, #tpu.memory_space<vmem>>) target_semaphore(%arg16 : memref<!tpu.dma_semaphore, #tpu.memory_space<semaphore_mem>>)
    %dma_start3A_34 = arith.constant 0 : i32
    %dma_start3A_35 = arith.constant 0 : i32
    %dma_start3A_36 = tpu.memref_slice %arg4[%arg0, %arg1, %dma_start3A_34, %dma_start3A_35] : memref<2x16x164x128xi32, #tpu.memory_space<hbm>> -> memref<1x1x1x128xi32, #tpu.memory_space<hbm>>
    %dma_start3A_37 = tpu.memref_squeeze %dma_start3A_36 : memref<1x1x1x128xi32, #tpu.memory_space<hbm>> -> memref<128xi32, #tpu.memory_space<hbm>>
    %dma_start3A_38 = arith.constant 0 : i32
    %dma_start3A_39 = tpu.memref_slice %arg4[%arg0, %arg1, %dma_start3A_34, %dma_start3A_38] : memref<2x16x164x128xi32, #tpu.memory_space<hbm>> -> memref<1x1x1x128xi32, #tpu.memory_space<hbm>>
    %dma_start3A_40 = tpu.memref_squeeze %dma_start3A_39 : memref<1x1x1x128xi32, #tpu.memory_space<hbm>> -> memref<128xi32, #tpu.memory_space<hbm>>
    tpu.enqueue_dma source(%dma_start3A_40 : memref<128xi32, #tpu.memory_space<hbm>>) target(%arg8 : memref<128xi32, #tpu.memory_space<vmem>>) target_semaphore(%arg17 : memref<!tpu.dma_semaphore, #tpu.memory_space<semaphore_mem>>)
    %dma_start3A_41 = arith.constant 1 : i32
    %dma_start3A_42 = arith.constant 0 : i32
    %dma_start3A_43 = tpu.memref_slice %arg3[%arg0, %arg1, %dma_start3A_41, %dma_start3A_42] : memref<2x16x164x128xi32, #tpu.memory_space<hbm>> -> memref<1x1x1x128xi32, #tpu.memory_space<hbm>>
    %dma_start3A_44 = tpu.memref_squeeze %dma_start3A_43 : memref<1x1x1x128xi32, #tpu.memory_space<hbm>> -> memref<128xi32, #tpu.memory_space<hbm>>
    %dma_start3A_45 = arith.constant 0 : i32
    %dma_start3A_46 = tpu.memref_slice %arg3[%arg0, %arg1, %dma_start3A_41, %dma_start3A_45] : memref<2x16x164x128xi32, #tpu.memory_space<hbm>> -> memref<1x1x1x128xi32, #tpu.memory_space<hbm>>
    %dma_start3A_47 = tpu.memref_squeeze %dma_start3A_46 : memref<1x1x1x128xi32, #tpu.memory_space<hbm>> -> memref<128xi32, #tpu.memory_space<hbm>>
    tpu.enqueue_dma source(%dma_start3A_47 : memref<128xi32, #tpu.memory_space<hbm>>) target(%arg9 : memref<128xi32, #tpu.memory_space<vmem>>) target_semaphore(%arg18 : memref<!tpu.dma_semaphore, #tpu.memory_space<semaphore_mem>>)
    %dma_start3A_48 = arith.constant 1 : i32
    %dma_start3A_49 = arith.constant 0 : i32
    %dma_start3A_50 = tpu.memref_slice %arg4[%arg0, %arg1, %dma_start3A_48, %dma_start3A_49] : memref<2x16x164x128xi32, #tpu.memory_space<hbm>> -> memref<1x1x1x128xi32, #tpu.memory_space<hbm>>
    %dma_start3A_51 = tpu.memref_squeeze %dma_start3A_50 : memref<1x1x1x128xi32, #tpu.memory_space<hbm>> -> memref<128xi32, #tpu.memory_space<hbm>>
    %dma_start3A_52 = arith.constant 0 : i32
    %dma_start3A_53 = tpu.memref_slice %arg4[%arg0, %arg1, %dma_start3A_48, %dma_start3A_52] : memref<2x16x164x128xi32, #tpu.memory_space<hbm>> -> memref<1x1x1x128xi32, #tpu.memory_space<hbm>>
    %dma_start3A_54 = tpu.memref_squeeze %dma_start3A_53 : memref<1x1x1x128xi32, #tpu.memory_space<hbm>> -> memref<128xi32, #tpu.memory_space<hbm>>
    tpu.enqueue_dma source(%dma_start3A_54 : memref<128xi32, #tpu.memory_space<hbm>>) target(%arg10 : memref<128xi32, #tpu.memory_space<vmem>>) target_semaphore(%arg19 : memref<!tpu.dma_semaphore, #tpu.memory_space<semaphore_mem>>)
    %barrier3A = arith.constant 0 : index
    tpu.barrier barrier_id(%barrier3A)
    %dma_wait3A = arith.constant 0 : i32
    %dma_wait3A_55 = arith.constant 0 : i32
    %dma_wait3A_56 = tpu.memref_slice %arg3[%arg0, %arg1, %dma_wait3A, %dma_wait3A_55] : memref<2x16x164x128xi32, #tpu.memory_space<hbm>> -> memref<1x1x1x128xi32, #tpu.memory_space<hbm>>
    %dma_wait3A_57 = tpu.memref_squeeze %dma_wait3A_56 : memref<1x1x1x128xi32, #tpu.memory_space<hbm>> -> memref<128xi32, #tpu.memory_space<hbm>>
    %dma_wait3A_58 = arith.constant 0 : i32
    %dma_wait3A_59 = tpu.memref_slice %arg3[%arg0, %arg1, %dma_wait3A, %dma_wait3A_58] : memref<2x16x164x128xi32, #tpu.memory_space<hbm>> -> memref<1x1x1x128xi32, #tpu.memory_space<hbm>>
    %dma_wait3A_60 = tpu.memref_squeeze %dma_wait3A_59 : memref<1x1x1x128xi32, #tpu.memory_space<hbm>> -> memref<128xi32, #tpu.memory_space<hbm>>
    tpu.wait_dma2 semaphore(%arg16 : memref<!tpu.dma_semaphore, #tpu.memory_space<semaphore_mem>>) src(%dma_wait3A_60 : memref<128xi32, #tpu.memory_space<hbm>>) dst(%arg7 : memref<128xi32, #tpu.memory_space<vmem>>)
    %dma_wait3A_61 = arith.constant 0 : i32
    %dma_wait3A_62 = arith.constant 0 : i32
    %dma_wait3A_63 = tpu.memref_slice %arg4[%arg0, %arg1, %dma_wait3A_61, %dma_wait3A_62] : memref<2x16x164x128xi32, #tpu.memory_space<hbm>> -> memref<1x1x1x128xi32, #tpu.memory_space<hbm>>
    %dma_wait3A_64 = tpu.memref_squeeze %dma_wait3A_63 : memref<1x1x1x128xi32, #tpu.memory_space<hbm>> -> memref<128xi32, #tpu.memory_space<hbm>>
    %dma_wait3A_65 = arith.constant 0 : i32
    %dma_wait3A_66 = tpu.memref_slice %arg4[%arg0, %arg1, %dma_wait3A_61, %dma_wait3A_65] : memref<2x16x164x128xi32, #tpu.memory_space<hbm>> -> memref<1x1x1x128xi32, #tpu.memory_space<hbm>>
    %dma_wait3A_67 = tpu.memref_squeeze %dma_wait3A_66 : memref<1x1x1x128xi32, #tpu.memory_space<hbm>> -> memref<128xi32, #tpu.memory_space<hbm>>
    tpu.wait_dma2 semaphore(%arg17 : memref<!tpu.dma_semaphore, #tpu.memory_space<semaphore_mem>>) src(%dma_wait3A_67 : memref<128xi32, #tpu.memory_space<hbm>>) dst(%arg8 : memref<128xi32, #tpu.memory_space<vmem>>)
    %dma_start3A_68 = arith.constant 0 : i32
    %dma_start3A_69 = arith.constant 0 : i32
    %dma_start3A_70 = tpu.memref_slice %arg2[%dma_start3A_68, %dma_start3A_69] : memref<20480x128xf32, #tpu.memory_space<hbm>> -> memref<20480x128xf32, #tpu.memory_space<hbm>>
    tpu.enqueue_indirect_dma source(%dma_start3A_70 : memref<20480x128xf32, #tpu.memory_space<hbm>>) target(%arg11 : memref<128x128xf32, #tpu.memory_space<vmem>>) offsets(%arg7 : memref<128xi32, #tpu.memory_space<vmem>>) semaphore(%arg14 : memref<!tpu.dma_semaphore, #tpu.memory_space<semaphore_mem>>)
    %scan3A = arith.constant 0 : i32
    %scan3A_71 = arith.constant 0 : i32
    %scan3A_72 = arith.constant 81 : i32
    %scan3A_73 = arith.addi %scan3A_71, %scan3A_72 : i32
    %scan3A_74 = arith.constant 1 : i32
    scf.for %scan3A_124 = %scan3A_71 to %scan3A_73 step %scan3A_74  : i32 {
      %mul3A_125 = arith.constant 2 : i32
      %mul3A_126 = arith.muli %mul3A_125, %scan3A_124 : i32
      %dma_wait3A_127 = arith.constant 0 : i32
      %dma_wait3A_128 = arith.constant 0 : i32
      %dma_wait3A_129 = tpu.memref_slice %arg3[%arg0, %arg1, %dma_wait3A_127, %dma_wait3A_128] : memref<2x16x164x128xi32, #tpu.memory_space<hbm>> -> memref<1x1x1x128xi32, #tpu.memory_space<hbm>>
      %dma_wait3A_130 = tpu.memref_squeeze %dma_wait3A_129 : memref<1x1x1x128xi32, #tpu.memory_space<hbm>> -> memref<128xi32, #tpu.memory_space<hbm>>
      %dma_wait3A_131 = arith.constant 0 : i32
      %dma_wait3A_132 = tpu.memref_slice %arg3[%arg0, %arg1, %dma_wait3A_127, %dma_wait3A_131] : memref<2x16x164x128xi32, #tpu.memory_space<hbm>> -> memref<1x1x1x128xi32, #tpu.memory_space<hbm>>
      %dma_wait3A_133 = tpu.memref_squeeze %dma_wait3A_132 : memref<1x1x1x128xi32, #tpu.memory_space<hbm>> -> memref<128xi32, #tpu.memory_space<hbm>>
      tpu.wait_dma2 semaphore(%arg18 : memref<!tpu.dma_semaphore, #tpu.memory_space<semaphore_mem>>) src(%dma_wait3A_133 : memref<128xi32, #tpu.memory_space<hbm>>) dst(%arg9 : memref<128xi32, #tpu.memory_space<vmem>>)
      %dma_wait3A_134 = arith.constant 0 : i32
      %dma_wait3A_135 = arith.constant 0 : i32
      %dma_wait3A_136 = tpu.memref_slice %arg4[%arg0, %arg1, %dma_wait3A_134, %dma_wait3A_135] : memref<2x16x164x128xi32, #tpu.memory_space<hbm>> -> memref<1x1x1x128xi32, #tpu.memory_space<hbm>>
      %dma_wait3A_137 = tpu.memref_squeeze %dma_wait3A_136 : memref<1x1x1x128xi32, #tpu.memory_space<hbm>> -> memref<128xi32, #tpu.memory_space<hbm>>
      %dma_wait3A_138 = arith.constant 0 : i32
      %dma_wait3A_139 = tpu.memref_slice %arg4[%arg0, %arg1, %dma_wait3A_134, %dma_wait3A_138] : memref<2x16x164x128xi32, #tpu.memory_space<hbm>> -> memref<1x1x1x128xi32, #tpu.memory_space<hbm>>
      %dma_wait3A_140 = tpu.memref_squeeze %dma_wait3A_139 : memref<1x1x1x128xi32, #tpu.memory_space<hbm>> -> memref<128xi32, #tpu.memory_space<hbm>>
      tpu.wait_dma2 semaphore(%arg19 : memref<!tpu.dma_semaphore, #tpu.memory_space<semaphore_mem>>) src(%dma_wait3A_140 : memref<128xi32, #tpu.memory_space<hbm>>) dst(%arg10 : memref<128xi32, #tpu.memory_space<vmem>>)
      %dma_start3A_141 = arith.constant 0 : i32
      %dma_start3A_142 = arith.constant 0 : i32
      %dma_start3A_143 = tpu.memref_slice %arg2[%dma_start3A_141, %dma_start3A_142] : memref<20480x128xf32, #tpu.memory_space<hbm>> -> memref<20480x128xf32, #tpu.memory_space<hbm>>
      tpu.enqueue_indirect_dma source(%dma_start3A_143 : memref<20480x128xf32, #tpu.memory_space<hbm>>) target(%arg12 : memref<128x128xf32, #tpu.memory_space<vmem>>) offsets(%arg9 : memref<128xi32, #tpu.memory_space<vmem>>) semaphore(%arg15 : memref<!tpu.dma_semaphore, #tpu.memory_space<semaphore_mem>>)
      %dma_wait3A_144 = arith.constant 0 : i32
      %dma_wait3A_145 = arith.constant 0 : i32
      %dma_wait3A_146 = tpu.memref_slice %arg2[%dma_wait3A_144, %dma_wait3A_145] : memref<20480x128xf32, #tpu.memory_space<hbm>> -> memref<20480x128xf32, #tpu.memory_space<hbm>>
      tpu.wait_indirect_dma semaphore(%arg14 : memref<!tpu.dma_semaphore, #tpu.memory_space<semaphore_mem>>) src(%dma_wait3A_146 : memref<20480x128xf32, #tpu.memory_space<hbm>>) dst(%arg11 : memref<128x128xf32, #tpu.memory_space<vmem>>)
      "tpu.region"() ({
        %run_scoped3A = tpu.sem_alloc : memref<!tpu.dma_semaphore, #tpu.memory_space<semaphore_mem>>
        %dma_start3A_199 = arith.constant 0 : i32
        %dma_start3A_200 = arith.constant 0 : i32
        %dma_start3A_201 = tpu.memref_slice %arg13[%dma_start3A_199, %dma_start3A_200] : memref<10240x128xf32, #tpu.memory_space<vmem_shared>> -> memref<10240x128xf32, #tpu.memory_space<vmem_shared>>
        tpu.enqueue_indirect_dma source(%arg11 : memref<128x128xf32, #tpu.memory_space<vmem>>) target(%dma_start3A_201 : memref<10240x128xf32, #tpu.memory_space<vmem_shared>>) offsets(%arg8 : memref<128xi32, #tpu.memory_space<vmem>>) semaphore(%run_scoped3A : memref<!tpu.dma_semaphore, #tpu.memory_space<semaphore_mem>>) {add = true}
        %dma_wait3A_202 = arith.constant 0 : i32
        %dma_wait3A_203 = arith.constant 0 : i32
        %dma_wait3A_204 = tpu.memref_slice %arg13[%dma_wait3A_202, %dma_wait3A_203] : memref<10240x128xf32, #tpu.memory_space<vmem_shared>> -> memref<10240x128xf32, #tpu.memory_space<vmem_shared>>
        tpu.wait_indirect_dma semaphore(%run_scoped3A : memref<!tpu.dma_semaphore, #tpu.memory_space<semaphore_mem>>) src(%arg11 : memref<128x128xf32, #tpu.memory_space<vmem>>) dst(%dma_wait3A_204 : memref<10240x128xf32, #tpu.memory_space<vmem_shared>>)
        tpu.yield
      }) : () -> ()
      %add3A_147 = arith.constant 2 : i32
      %add3A_148 = arith.addi %mul3A_126, %add3A_147 : i32
      %dma_start3A_149 = arith.constant 0 : i32
      %dma_start3A_150 = tpu.memref_slice %arg3[%arg0, %arg1, %add3A_148, %dma_start3A_149] : memref<2x16x164x128xi32, #tpu.memory_space<hbm>> -> memref<1x1x1x128xi32, #tpu.memory_space<hbm>>
      %dma_start3A_151 = tpu.memref_squeeze %dma_start3A_150 : memref<1x1x1x128xi32, #tpu.memory_space<hbm>> -> memref<128xi32, #tpu.memory_space<hbm>>
      %dma_start3A_152 = arith.constant 0 : i32
      %dma_start3A_153 = tpu.memref_slice %arg3[%arg0, %arg1, %add3A_148, %dma_start3A_152] : memref<2x16x164x128xi32, #tpu.memory_space<hbm>> -> memref<1x1x1x128xi32, #tpu.memory_space<hbm>>
      %dma_start3A_154 = tpu.memref_squeeze %dma_start3A_153 : memref<1x1x1x128xi32, #tpu.memory_space<hbm>> -> memref<128xi32, #tpu.memory_space<hbm>>
      tpu.enqueue_dma source(%dma_start3A_154 : memref<128xi32, #tpu.memory_space<hbm>>) target(%arg7 : memref<128xi32, #tpu.memory_space<vmem>>) target_semaphore(%arg16 : memref<!tpu.dma_semaphore, #tpu.memory_space<semaphore_mem>>)
      %add3A_155 = arith.constant 2 : i32
      %add3A_156 = arith.addi %mul3A_126, %add3A_155 : i32
      %dma_start3A_157 = arith.constant 0 : i32
      %dma_start3A_158 = tpu.memref_slice %arg4[%arg0, %arg1, %add3A_156, %dma_start3A_157] : memref<2x16x164x128xi32, #tpu.memory_space<hbm>> -> memref<1x1x1x128xi32, #tpu.memory_space<hbm>>
      %dma_start3A_159 = tpu.memref_squeeze %dma_start3A_158 : memref<1x1x1x128xi32, #tpu.memory_space<hbm>> -> memref<128xi32, #tpu.memory_space<hbm>>
      %dma_start3A_160 = arith.constant 0 : i32
      %dma_start3A_161 = tpu.memref_slice %arg4[%arg0, %arg1, %add3A_156, %dma_start3A_160] : memref<2x16x164x128xi32, #tpu.memory_space<hbm>> -> memref<1x1x1x128xi32, #tpu.memory_space<hbm>>
      %dma_start3A_162 = tpu.memref_squeeze %dma_start3A_161 : memref<1x1x1x128xi32, #tpu.memory_space<hbm>> -> memref<128xi32, #tpu.memory_space<hbm>>
      tpu.enqueue_dma source(%dma_start3A_162 : memref<128xi32, #tpu.memory_space<hbm>>) target(%arg8 : memref<128xi32, #tpu.memory_space<vmem>>) target_semaphore(%arg17 : memref<!tpu.dma_semaphore, #tpu.memory_space<semaphore_mem>>)
      %dma_wait3A_163 = arith.constant 0 : i32
      %dma_wait3A_164 = arith.constant 0 : i32
      %dma_wait3A_165 = tpu.memref_slice %arg3[%arg0, %arg1, %dma_wait3A_163, %dma_wait3A_164] : memref<2x16x164x128xi32, #tpu.memory_space<hbm>> -> memref<1x1x1x128xi32, #tpu.memory_space<hbm>>
      %dma_wait3A_166 = tpu.memref_squeeze %dma_wait3A_165 : memref<1x1x1x128xi32, #tpu.memory_space<hbm>> -> memref<128xi32, #tpu.memory_space<hbm>>
      %dma_wait3A_167 = arith.constant 0 : i32
      %dma_wait3A_168 = tpu.memref_slice %arg3[%arg0, %arg1, %dma_wait3A_163, %dma_wait3A_167] : memref<2x16x164x128xi32, #tpu.memory_space<hbm>> -> memref<1x1x1x128xi32, #tpu.memory_space<hbm>>
      %dma_wait3A_169 = tpu.memref_squeeze %dma_wait3A_168 : memref<1x1x1x128xi32, #tpu.memory_space<hbm>> -> memref<128xi32, #tpu.memory_space<hbm>>
      tpu.wait_dma2 semaphore(%arg16 : memref<!tpu.dma_semaphore, #tpu.memory_space<semaphore_mem>>) src(%dma_wait3A_169 : memref<128xi32, #tpu.memory_space<hbm>>) dst(%arg7 : memref<128xi32, #tpu.memory_space<vmem>>)
      %dma_wait3A_170 = arith.constant 0 : i32
      %dma_wait3A_171 = arith.constant 0 : i32
      %dma_wait3A_172 = tpu.memref_slice %arg4[%arg0, %arg1, %dma_wait3A_170, %dma_wait3A_171] : memref<2x16x164x128xi32, #tpu.memory_space<hbm>> -> memref<1x1x1x128xi32, #tpu.memory_space<hbm>>
      %dma_wait3A_173 = tpu.memref_squeeze %dma_wait3A_172 : memref<1x1x1x128xi32, #tpu.memory_space<hbm>> -> memref<128xi32, #tpu.memory_space<hbm>>
      %dma_wait3A_174 = arith.constant 0 : i32
      %dma_wait3A_175 = tpu.memref_slice %arg4[%arg0, %arg1, %dma_wait3A_170, %dma_wait3A_174] : memref<2x16x164x128xi32, #tpu.memory_space<hbm>> -> memref<1x1x1x128xi32, #tpu.memory_space<hbm>>
      %dma_wait3A_176 = tpu.memref_squeeze %dma_wait3A_175 : memref<1x1x1x128xi32, #tpu.memory_space<hbm>> -> memref<128xi32, #tpu.memory_space<hbm>>
      tpu.wait_dma2 semaphore(%arg17 : memref<!tpu.dma_semaphore, #tpu.memory_space<semaphore_mem>>) src(%dma_wait3A_176 : memref<128xi32, #tpu.memory_space<hbm>>) dst(%arg8 : memref<128xi32, #tpu.memory_space<vmem>>)
      %dma_start3A_177 = arith.constant 0 : i32
      %dma_start3A_178 = arith.constant 0 : i32
      %dma_start3A_179 = tpu.memref_slice %arg2[%dma_start3A_177, %dma_start3A_178] : memref<20480x128xf32, #tpu.memory_space<hbm>> -> memref<20480x128xf32, #tpu.memory_space<hbm>>
      tpu.enqueue_indirect_dma source(%dma_start3A_179 : memref<20480x128xf32, #tpu.memory_space<hbm>>) target(%arg11 : memref<128x128xf32, #tpu.memory_space<vmem>>) offsets(%arg7 : memref<128xi32, #tpu.memory_space<vmem>>) semaphore(%arg14 : memref<!tpu.dma_semaphore, #tpu.memory_space<semaphore_mem>>)
      %dma_wait3A_180 = arith.constant 0 : i32
      %dma_wait3A_181 = arith.constant 0 : i32
      %dma_wait3A_182 = tpu.memref_slice %arg2[%dma_wait3A_180, %dma_wait3A_181] : memref<20480x128xf32, #tpu.memory_space<hbm>> -> memref<20480x128xf32, #tpu.memory_space<hbm>>
      tpu.wait_indirect_dma semaphore(%arg15 : memref<!tpu.dma_semaphore, #tpu.memory_space<semaphore_mem>>) src(%dma_wait3A_182 : memref<20480x128xf32, #tpu.memory_space<hbm>>) dst(%arg12 : memref<128x128xf32, #tpu.memory_space<vmem>>)
      "tpu.region"() ({
        %run_scoped3A = tpu.sem_alloc : memref<!tpu.dma_semaphore, #tpu.memory_space<semaphore_mem>>
        %dma_start3A_199 = arith.constant 0 : i32
        %dma_start3A_200 = arith.constant 0 : i32
        %dma_start3A_201 = tpu.memref_slice %arg13[%dma_start3A_199, %dma_start3A_200] : memref<10240x128xf32, #tpu.memory_space<vmem_shared>> -> memref<10240x128xf32, #tpu.memory_space<vmem_shared>>
        tpu.enqueue_indirect_dma source(%arg12 : memref<128x128xf32, #tpu.memory_space<vmem>>) target(%dma_start3A_201 : memref<10240x128xf32, #tpu.memory_space<vmem_shared>>) offsets(%arg10 : memref<128xi32, #tpu.memory_space<vmem>>) semaphore(%run_scoped3A : memref<!tpu.dma_semaphore, #tpu.memory_space<semaphore_mem>>) {add = true}
        %dma_wait3A_202 = arith.constant 0 : i32
        %dma_wait3A_203 = arith.constant 0 : i32
        %dma_wait3A_204 = tpu.memref_slice %arg13[%dma_wait3A_202, %dma_wait3A_203] : memref<10240x128xf32, #tpu.memory_space<vmem_shared>> -> memref<10240x128xf32, #tpu.memory_space<vmem_shared>>
        tpu.wait_indirect_dma semaphore(%run_scoped3A : memref<!tpu.dma_semaphore, #tpu.memory_space<semaphore_mem>>) src(%arg12 : memref<128x128xf32, #tpu.memory_space<vmem>>) dst(%dma_wait3A_204 : memref<10240x128xf32, #tpu.memory_space<vmem_shared>>)
        tpu.yield
      }) : () -> ()
      %add3A_183 = arith.constant 3 : i32
      %add3A_184 = arith.addi %mul3A_126, %add3A_183 : i32
      %dma_start3A_185 = arith.constant 0 : i32
      %dma_start3A_186 = tpu.memref_slice %arg3[%arg0, %arg1, %add3A_184, %dma_start3A_185] : memref<2x16x164x128xi32, #tpu.memory_space<hbm>> -> memref<1x1x1x128xi32, #tpu.memory_space<hbm>>
      %dma_start3A_187 = tpu.memref_squeeze %dma_start3A_186 : memref<1x1x1x128xi32, #tpu.memory_space<hbm>> -> memref<128xi32, #tpu.memory_space<hbm>>
      %dma_start3A_188 = arith.constant 0 : i32
      %dma_start3A_189 = tpu.memref_slice %arg3[%arg0, %arg1, %add3A_184, %dma_start3A_188] : memref<2x16x164x128xi32, #tpu.memory_space<hbm>> -> memref<1x1x1x128xi32, #tpu.memory_space<hbm>>
      %dma_start3A_190 = tpu.memref_squeeze %dma_start3A_189 : memref<1x1x1x128xi32, #tpu.memory_space<hbm>> -> memref<128xi32, #tpu.memory_space<hbm>>
      tpu.enqueue_dma source(%dma_start3A_190 : memref<128xi32, #tpu.memory_space<hbm>>) target(%arg9 : memref<128xi32, #tpu.memory_space<vmem>>) target_semaphore(%arg18 : memref<!tpu.dma_semaphore, #tpu.memory_space<semaphore_mem>>)
      %add3A_191 = arith.constant 3 : i32
      %add3A_192 = arith.addi %mul3A_126, %add3A_191 : i32
      %dma_start3A_193 = arith.constant 0 : i32
      %dma_start3A_194 = tpu.memref_slice %arg4[%arg0, %arg1, %add3A_192, %dma_start3A_193] : memref<2x16x164x128xi32, #tpu.memory_space<hbm>> -> memref<1x1x1x128xi32, #tpu.memory_space<hbm>>
      %dma_start3A_195 = tpu.memref_squeeze %dma_start3A_194 : memref<1x1x1x128xi32, #tpu.memory_space<hbm>> -> memref<128xi32, #tpu.memory_space<hbm>>
      %dma_start3A_196 = arith.constant 0 : i32
      %dma_start3A_197 = tpu.memref_slice %arg4[%arg0, %arg1, %add3A_192, %dma_start3A_196] : memref<2x16x164x128xi32, #tpu.memory_space<hbm>> -> memref<1x1x1x128xi32, #tpu.memory_space<hbm>>
      %dma_start3A_198 = tpu.memref_squeeze %dma_start3A_197 : memref<1x1x1x128xi32, #tpu.memory_space<hbm>> -> memref<128xi32, #tpu.memory_space<hbm>>
      tpu.enqueue_dma source(%dma_start3A_198 : memref<128xi32, #tpu.memory_space<hbm>>) target(%arg10 : memref<128xi32, #tpu.memory_space<vmem>>) target_semaphore(%arg19 : memref<!tpu.dma_semaphore, #tpu.memory_space<semaphore_mem>>)
    }
    %scan3A_75 = arith.constant 81 : i32
    %dma_wait3A_76 = arith.constant 0 : i32
    %dma_wait3A_77 = arith.constant 0 : i32
    %dma_wait3A_78 = tpu.memref_slice %arg2[%dma_wait3A_76, %dma_wait3A_77] : memref<20480x128xf32, #tpu.memory_space<hbm>> -> memref<20480x128xf32, #tpu.memory_space<hbm>>
    tpu.wait_indirect_dma semaphore(%arg14 : memref<!tpu.dma_semaphore, #tpu.memory_space<semaphore_mem>>) src(%dma_wait3A_78 : memref<20480x128xf32, #tpu.memory_space<hbm>>) dst(%arg11 : memref<128x128xf32, #tpu.memory_space<vmem>>)
    %dma_wait3A_79 = arith.constant 0 : i32
    %dma_wait3A_80 = arith.constant 0 : i32
    %dma_wait3A_81 = tpu.memref_slice %arg3[%arg0, %arg1, %dma_wait3A_79, %dma_wait3A_80] : memref<2x16x164x128xi32, #tpu.memory_space<hbm>> -> memref<1x1x1x128xi32, #tpu.memory_space<hbm>>
    %dma_wait3A_82 = tpu.memref_squeeze %dma_wait3A_81 : memref<1x1x1x128xi32, #tpu.memory_space<hbm>> -> memref<128xi32, #tpu.memory_space<hbm>>
    %dma_wait3A_83 = arith.constant 0 : i32
    %dma_wait3A_84 = tpu.memref_slice %arg3[%arg0, %arg1, %dma_wait3A_79, %dma_wait3A_83] : memref<2x16x164x128xi32, #tpu.memory_space<hbm>> -> memref<1x1x1x128xi32, #tpu.memory_space<hbm>>
    %dma_wait3A_85 = tpu.memref_squeeze %dma_wait3A_84 : memref<1x1x1x128xi32, #tpu.memory_space<hbm>> -> memref<128xi32, #tpu.memory_space<hbm>>
    tpu.wait_dma2 semaphore(%arg18 : memref<!tpu.dma_semaphore, #tpu.memory_space<semaphore_mem>>) src(%dma_wait3A_85 : memref<128xi32, #tpu.memory_space<hbm>>) dst(%arg9 : memref<128xi32, #tpu.memory_space<vmem>>)
    %dma_wait3A_86 = arith.constant 0 : i32
    %dma_wait3A_87 = arith.constant 0 : i32
    %dma_wait3A_88 = tpu.memref_slice %arg4[%arg0, %arg1, %dma_wait3A_86, %dma_wait3A_87] : memref<2x16x164x128xi32, #tpu.memory_space<hbm>> -> memref<1x1x1x128xi32, #tpu.memory_space<hbm>>
    %dma_wait3A_89 = tpu.memref_squeeze %dma_wait3A_88 : memref<1x1x1x128xi32, #tpu.memory_space<hbm>> -> memref<128xi32, #tpu.memory_space<hbm>>
    %dma_wait3A_90 = arith.constant 0 : i32
    %dma_wait3A_91 = tpu.memref_slice %arg4[%arg0, %arg1, %dma_wait3A_86, %dma_wait3A_90] : memref<2x16x164x128xi32, #tpu.memory_space<hbm>> -> memref<1x1x1x128xi32, #tpu.memory_space<hbm>>
    %dma_wait3A_92 = tpu.memref_squeeze %dma_wait3A_91 : memref<1x1x1x128xi32, #tpu.memory_space<hbm>> -> memref<128xi32, #tpu.memory_space<hbm>>
    tpu.wait_dma2 semaphore(%arg19 : memref<!tpu.dma_semaphore, #tpu.memory_space<semaphore_mem>>) src(%dma_wait3A_92 : memref<128xi32, #tpu.memory_space<hbm>>) dst(%arg10 : memref<128xi32, #tpu.memory_space<vmem>>)
    %barrier3A_93 = arith.constant 0 : index
    tpu.barrier barrier_id(%barrier3A_93)
    %mul3A_94 = arith.constant 5 : i32
    %mul3A_95 = arith.muli %arg1, %mul3A_94 : i32
    %add3A_96 = arith.constant 0 : i32
    %add3A_97 = arith.addi %mul3A_95, %add3A_96 : i32
    %mul3A_98 = arith.constant 128 : i32
    %mul3A_99 = arith.muli %add3A_97, %mul3A_98 : i32
    "tpu.region"() ({
      %run_scoped3A = tpu.sem_alloc : memref<!tpu.dma_semaphore, #tpu.memory_space<semaphore_mem>>
      %dma_start3A_124 = arith.constant 0 : i32
      %dma_start3A_125 = tpu.memref_slice %arg13[%mul3A_99, %dma_start3A_124] : memref<10240x128xf32, #tpu.memory_space<vmem_shared>> -> memref<128x128xf32, #tpu.memory_space<vmem_shared>>
      %dma_start3A_126 = arith.constant 0 : i32
      %dma_start3A_127 = tpu.memref_slice %arg13[%mul3A_99, %dma_start3A_126] : memref<10240x128xf32, #tpu.memory_space<vmem_shared>> -> memref<128x128xf32, #tpu.memory_space<vmem_shared>>
      tpu.enqueue_dma source(%dma_start3A_127 : memref<128x128xf32, #tpu.memory_space<vmem_shared>>) target(%arg11 : memref<128x128xf32, #tpu.memory_space<vmem>>) target_semaphore(%run_scoped3A : memref<!tpu.dma_semaphore, #tpu.memory_space<semaphore_mem>>)
      %dma_wait3A_128 = arith.constant 0 : i32
      %dma_wait3A_129 = tpu.memref_slice %arg13[%mul3A_99, %dma_wait3A_128] : memref<10240x128xf32, #tpu.memory_space<vmem_shared>> -> memref<128x128xf32, #tpu.memory_space<vmem_shared>>
      %dma_wait3A_130 = arith.constant 0 : i32
      %dma_wait3A_131 = tpu.memref_slice %arg13[%mul3A_99, %dma_wait3A_130] : memref<10240x128xf32, #tpu.memory_space<vmem_shared>> -> memref<128x128xf32, #tpu.memory_space<vmem_shared>>
      tpu.wait_dma2 semaphore(%run_scoped3A : memref<!tpu.dma_semaphore, #tpu.memory_space<semaphore_mem>>) src(%dma_wait3A_131 : memref<128x128xf32, #tpu.memory_space<vmem_shared>>) dst(%arg11 : memref<128x128xf32, #tpu.memory_space<vmem>>)
      tpu.yield
    }) : () -> ()
    "tpu.region"() ({
      %run_scoped3A = tpu.sem_alloc : memref<!tpu.dma_semaphore, #tpu.memory_space<semaphore_mem>>
      %dma_start3A_124 = arith.constant 0 : i32
      %dma_start3A_125 = tpu.memref_slice %arg6[%arg0, %mul3A_99, %dma_start3A_124] : memref<2x10240x128xf32, #tpu.memory_space<hbm>> -> memref<1x128x128xf32, #tpu.memory_space<hbm>>
      %dma_start3A_126 = tpu.memref_squeeze %dma_start3A_125 : memref<1x128x128xf32, #tpu.memory_space<hbm>> -> memref<128x128xf32, #tpu.memory_space<hbm>>
      %dma_start3A_127 = arith.constant 0 : i32
      %dma_start3A_128 = tpu.memref_slice %arg6[%arg0, %mul3A_99, %dma_start3A_127] : memref<2x10240x128xf32, #tpu.memory_space<hbm>> -> memref<1x128x128xf32, #tpu.memory_space<hbm>>
      %dma_start3A_129 = tpu.memref_squeeze %dma_start3A_128 : memref<1x128x128xf32, #tpu.memory_space<hbm>> -> memref<128x128xf32, #tpu.memory_space<hbm>>
      tpu.enqueue_dma source(%arg11 : memref<128x128xf32, #tpu.memory_space<vmem>>) target(%dma_start3A_129 : memref<128x128xf32, #tpu.memory_space<hbm>>) target_semaphore(%run_scoped3A : memref<!tpu.dma_semaphore, #tpu.memory_space<semaphore_mem>>)
      %dma_wait3A_130 = arith.constant 0 : i32
      %dma_wait3A_131 = tpu.memref_slice %arg6[%arg0, %mul3A_99, %dma_wait3A_130] : memref<2x10240x128xf32, #tpu.memory_space<hbm>> -> memref<1x128x128xf32, #tpu.memory_space<hbm>>
      %dma_wait3A_132 = tpu.memref_squeeze %dma_wait3A_131 : memref<1x128x128xf32, #tpu.memory_space<hbm>> -> memref<128x128xf32, #tpu.memory_space<hbm>>
      %dma_wait3A_133 = arith.constant 0 : i32
      %dma_wait3A_134 = tpu.memref_slice %arg6[%arg0, %mul3A_99, %dma_wait3A_133] : memref<2x10240x128xf32, #tpu.memory_space<hbm>> -> memref<1x128x128xf32, #tpu.memory_space<hbm>>
      %dma_wait3A_135 = tpu.memref_squeeze %dma_wait3A_134 : memref<1x128x128xf32, #tpu.memory_space<hbm>> -> memref<128x128xf32, #tpu.memory_space<hbm>>
      tpu.wait_dma2 semaphore(%run_scoped3A : memref<!tpu.dma_semaphore, #tpu.memory_space<semaphore_mem>>) src(%arg11 : memref<128x128xf32, #tpu.memory_space<vmem>>) dst(%dma_wait3A_135 : memref<128x128xf32, #tpu.memory_space<hbm>>)
      tpu.yield
    }) : () -> ()
    %mul3A_100 = arith.constant 5 : i32
    %mul3A_101 = arith.muli %arg1, %mul3A_100 : i32
    %add3A_102 = arith.constant 1 : i32
    %add3A_103 = arith.addi %mul3A_101, %add3A_102 : i32
    %mul3A_104 = arith.constant 128 : i32
    %mul3A_105 = arith.muli %add3A_103, %mul3A_104 : i32
    "tpu.region"() ({
      %run_scoped3A = tpu.sem_alloc : memref<!tpu.dma_semaphore, #tpu.memory_space<semaphore_mem>>
      %dma_start3A_124 = arith.constant 0 : i32
      %dma_start3A_125 = tpu.memref_slice %arg13[%mul3A_105, %dma_start3A_124] : memref<10240x128xf32, #tpu.memory_space<vmem_shared>> -> memref<128x128xf32, #tpu.memory_space<vmem_shared>>
      %dma_start3A_126 = arith.constant 0 : i32
      %dma_start3A_127 = tpu.memref_slice %arg13[%mul3A_105, %dma_start3A_126] : memref<10240x128xf32, #tpu.memory_space<vmem_shared>> -> memref<128x128xf32, #tpu.memory_space<vmem_shared>>
      tpu.enqueue_dma source(%dma_start3A_127 : memref<128x128xf32, #tpu.memory_space<vmem_shared>>) target(%arg11 : memref<128x128xf32, #tpu.memory_space<vmem>>) target_semaphore(%run_scoped3A : memref<!tpu.dma_semaphore, #tpu.memory_space<semaphore_mem>>)
      %dma_wait3A_128 = arith.constant 0 : i32
      %dma_wait3A_129 = tpu.memref_slice %arg13[%mul3A_105, %dma_wait3A_128] : memref<10240x128xf32, #tpu.memory_space<vmem_shared>> -> memref<128x128xf32, #tpu.memory_space<vmem_shared>>
      %dma_wait3A_130 = arith.constant 0 : i32
      %dma_wait3A_131 = tpu.memref_slice %arg13[%mul3A_105, %dma_wait3A_130] : memref<10240x128xf32, #tpu.memory_space<vmem_shared>> -> memref<128x128xf32, #tpu.memory_space<vmem_shared>>
      tpu.wait_dma2 semaphore(%run_scoped3A : memref<!tpu.dma_semaphore, #tpu.memory_space<semaphore_mem>>) src(%dma_wait3A_131 : memref<128x128xf32, #tpu.memory_space<vmem_shared>>) dst(%arg11 : memref<128x128xf32, #tpu.memory_space<vmem>>)
      tpu.yield
    }) : () -> ()
    "tpu.region"() ({
      %run_scoped3A = tpu.sem_alloc : memref<!tpu.dma_semaphore, #tpu.memory_space<semaphore_mem>>
      %dma_start3A_124 = arith.constant 0 : i32
      %dma_start3A_125 = tpu.memref_slice %arg6[%arg0, %mul3A_105, %dma_start3A_124] : memref<2x10240x128xf32, #tpu.memory_space<hbm>> -> memref<1x128x128xf32, #tpu.memory_space<hbm>>
      %dma_start3A_126 = tpu.memref_squeeze %dma_start3A_125 : memref<1x128x128xf32, #tpu.memory_space<hbm>> -> memref<128x128xf32, #tpu.memory_space<hbm>>
      %dma_start3A_127 = arith.constant 0 : i32
      %dma_start3A_128 = tpu.memref_slice %arg6[%arg0, %mul3A_105, %dma_start3A_127] : memref<2x10240x128xf32, #tpu.memory_space<hbm>> -> memref<1x128x128xf32, #tpu.memory_space<hbm>>
      %dma_start3A_129 = tpu.memref_squeeze %dma_start3A_128 : memref<1x128x128xf32, #tpu.memory_space<hbm>> -> memref<128x128xf32, #tpu.memory_space<hbm>>
      tpu.enqueue_dma source(%arg11 : memref<128x128xf32, #tpu.memory_space<vmem>>) target(%dma_start3A_129 : memref<128x128xf32, #tpu.memory_space<hbm>>) target_semaphore(%run_scoped3A : memref<!tpu.dma_semaphore, #tpu.memory_space<semaphore_mem>>)
      %dma_wait3A_130 = arith.constant 0 : i32
      %dma_wait3A_131 = tpu.memref_slice %arg6[%arg0, %mul3A_105, %dma_wait3A_130] : memref<2x10240x128xf32, #tpu.memory_space<hbm>> -> memref<1x128x128xf32, #tpu.memory_space<hbm>>
      %dma_wait3A_132 = tpu.memref_squeeze %dma_wait3A_131 : memref<1x128x128xf32, #tpu.memory_space<hbm>> -> memref<128x128xf32, #tpu.memory_space<hbm>>
      %dma_wait3A_133 = arith.constant 0 : i32
      %dma_wait3A_134 = tpu.memref_slice %arg6[%arg0, %mul3A_105, %dma_wait3A_133] : memref<2x10240x128xf32, #tpu.memory_space<hbm>> -> memref<1x128x128xf32, #tpu.memory_space<hbm>>
      %dma_wait3A_135 = tpu.memref_squeeze %dma_wait3A_134 : memref<1x128x128xf32, #tpu.memory_space<hbm>> -> memref<128x128xf32, #tpu.memory_space<hbm>>
      tpu.wait_dma2 semaphore(%run_scoped3A : memref<!tpu.dma_semaphore, #tpu.memory_space<semaphore_mem>>) src(%arg11 : memref<128x128xf32, #tpu.memory_space<vmem>>) dst(%dma_wait3A_135 : memref<128x128xf32, #tpu.memory_space<hbm>>)
      tpu.yield
    }) : () -> ()
    %mul3A_106 = arith.constant 5 : i32
    %mul3A_107 = arith.muli %arg1, %mul3A_106 : i32
    %add3A_108 = arith.constant 2 : i32
    %add3A_109 = arith.addi %mul3A_107, %add3A_108 : i32
    %mul3A_110 = arith.constant 128 : i32
    %mul3A_111 = arith.muli %add3A_109, %mul3A_110 : i32
    "tpu.region"() ({
      %run_scoped3A = tpu.sem_alloc : memref<!tpu.dma_semaphore, #tpu.memory_space<semaphore_mem>>
      %dma_start3A_124 = arith.constant 0 : i32
      %dma_start3A_125 = tpu.memref_slice %arg13[%mul3A_111, %dma_start3A_124] : memref<10240x128xf32, #tpu.memory_space<vmem_shared>> -> memref<128x128xf32, #tpu.memory_space<vmem_shared>>
      %dma_start3A_126 = arith.constant 0 : i32
      %dma_start3A_127 = tpu.memref_slice %arg13[%mul3A_111, %dma_start3A_126] : memref<10240x128xf32, #tpu.memory_space<vmem_shared>> -> memref<128x128xf32, #tpu.memory_space<vmem_shared>>
      tpu.enqueue_dma source(%dma_start3A_127 : memref<128x128xf32, #tpu.memory_space<vmem_shared>>) target(%arg11 : memref<128x128xf32, #tpu.memory_space<vmem>>) target_semaphore(%run_scoped3A : memref<!tpu.dma_semaphore, #tpu.memory_space<semaphore_mem>>)
      %dma_wait3A_128 = arith.constant 0 : i32
      %dma_wait3A_129 = tpu.memref_slice %arg13[%mul3A_111, %dma_wait3A_128] : memref<10240x128xf32, #tpu.memory_space<vmem_shared>> -> memref<128x128xf32, #tpu.memory_space<vmem_shared>>
      %dma_wait3A_130 = arith.constant 0 : i32
      %dma_wait3A_131 = tpu.memref_slice %arg13[%mul3A_111, %dma_wait3A_130] : memref<10240x128xf32, #tpu.memory_space<vmem_shared>> -> memref<128x128xf32, #tpu.memory_space<vmem_shared>>
      tpu.wait_dma2 semaphore(%run_scoped3A : memref<!tpu.dma_semaphore, #tpu.memory_space<semaphore_mem>>) src(%dma_wait3A_131 : memref<128x128xf32, #tpu.memory_space<vmem_shared>>) dst(%arg11 : memref<128x128xf32, #tpu.memory_space<vmem>>)
      tpu.yield
    }) : () -> ()
    "tpu.region"() ({
      %run_scoped3A = tpu.sem_alloc : memref<!tpu.dma_semaphore, #tpu.memory_space<semaphore_mem>>
      %dma_start3A_124 = arith.constant 0 : i32
      %dma_start3A_125 = tpu.memref_slice %arg6[%arg0, %mul3A_111, %dma_start3A_124] : memref<2x10240x128xf32, #tpu.memory_space<hbm>> -> memref<1x128x128xf32, #tpu.memory_space<hbm>>
      %dma_start3A_126 = tpu.memref_squeeze %dma_start3A_125 : memref<1x128x128xf32, #tpu.memory_space<hbm>> -> memref<128x128xf32, #tpu.memory_space<hbm>>
      %dma_start3A_127 = arith.constant 0 : i32
      %dma_start3A_128 = tpu.memref_slice %arg6[%arg0, %mul3A_111, %dma_start3A_127] : memref<2x10240x128xf32, #tpu.memory_space<hbm>> -> memref<1x128x128xf32, #tpu.memory_space<hbm>>
      %dma_start3A_129 = tpu.memref_squeeze %dma_start3A_128 : memref<1x128x128xf32, #tpu.memory_space<hbm>> -> memref<128x128xf32, #tpu.memory_space<hbm>>
      tpu.enqueue_dma source(%arg11 : memref<128x128xf32, #tpu.memory_space<vmem>>) target(%dma_start3A_129 : memref<128x128xf32, #tpu.memory_space<hbm>>) target_semaphore(%run_scoped3A : memref<!tpu.dma_semaphore, #tpu.memory_space<semaphore_mem>>)
      %dma_wait3A_130 = arith.constant 0 : i32
      %dma_wait3A_131 = tpu.memref_slice %arg6[%arg0, %mul3A_111, %dma_wait3A_130] : memref<2x10240x128xf32, #tpu.memory_space<hbm>> -> memref<1x128x128xf32, #tpu.memory_space<hbm>>
      %dma_wait3A_132 = tpu.memref_squeeze %dma_wait3A_131 : memref<1x128x128xf32, #tpu.memory_space<hbm>> -> memref<128x128xf32, #tpu.memory_space<hbm>>
      %dma_wait3A_133 = arith.constant 0 : i32
      %dma_wait3A_134 = tpu.memref_slice %arg6[%arg0, %mul3A_111, %dma_wait3A_133] : memref<2x10240x128xf32, #tpu.memory_space<hbm>> -> memref<1x128x128xf32, #tpu.memory_space<hbm>>
      %dma_wait3A_135 = tpu.memref_squeeze %dma_wait3A_134 : memref<1x128x128xf32, #tpu.memory_space<hbm>> -> memref<128x128xf32, #tpu.memory_space<hbm>>
      tpu.wait_dma2 semaphore(%run_scoped3A : memref<!tpu.dma_semaphore, #tpu.memory_space<semaphore_mem>>) src(%arg11 : memref<128x128xf32, #tpu.memory_space<vmem>>) dst(%dma_wait3A_135 : memref<128x128xf32, #tpu.memory_space<hbm>>)
      tpu.yield
    }) : () -> ()
    %mul3A_112 = arith.constant 5 : i32
    %mul3A_113 = arith.muli %arg1, %mul3A_112 : i32
    %add3A_114 = arith.constant 3 : i32
    %add3A_115 = arith.addi %mul3A_113, %add3A_114 : i32
    %mul3A_116 = arith.constant 128 : i32
    %mul3A_117 = arith.muli %add3A_115, %mul3A_116 : i32
    "tpu.region"() ({
      %run_scoped3A = tpu.sem_alloc : memref<!tpu.dma_semaphore, #tpu.memory_space<semaphore_mem>>
      %dma_start3A_124 = arith.constant 0 : i32
      %dma_start3A_125 = tpu.memref_slice %arg13[%mul3A_117, %dma_start3A_124] : memref<10240x128xf32, #tpu.memory_space<vmem_shared>> -> memref<128x128xf32, #tpu.memory_space<vmem_shared>>
      %dma_start3A_126 = arith.constant 0 : i32
      %dma_start3A_127 = tpu.memref_slice %arg13[%mul3A_117, %dma_start3A_126] : memref<10240x128xf32, #tpu.memory_space<vmem_shared>> -> memref<128x128xf32, #tpu.memory_space<vmem_shared>>
      tpu.enqueue_dma source(%dma_start3A_127 : memref<128x128xf32, #tpu.memory_space<vmem_shared>>) target(%arg11 : memref<128x128xf32, #tpu.memory_space<vmem>>) target_semaphore(%run_scoped3A : memref<!tpu.dma_semaphore, #tpu.memory_space<semaphore_mem>>)
      %dma_wait3A_128 = arith.constant 0 : i32
      %dma_wait3A_129 = tpu.memref_slice %arg13[%mul3A_117, %dma_wait3A_128] : memref<10240x128xf32, #tpu.memory_space<vmem_shared>> -> memref<128x128xf32, #tpu.memory_space<vmem_shared>>
      %dma_wait3A_130 = arith.constant 0 : i32
      %dma_wait3A_131 = tpu.memref_slice %arg13[%mul3A_117, %dma_wait3A_130] : memref<10240x128xf32, #tpu.memory_space<vmem_shared>> -> memref<128x128xf32, #tpu.memory_space<vmem_shared>>
      tpu.wait_dma2 semaphore(%run_scoped3A : memref<!tpu.dma_semaphore, #tpu.memory_space<semaphore_mem>>) src(%dma_wait3A_131 : memref<128x128xf32, #tpu.memory_space<vmem_shared>>) dst(%arg11 : memref<128x128xf32, #tpu.memory_space<vmem>>)
      tpu.yield
    }) : () -> ()
    "tpu.region"() ({
      %run_scoped3A = tpu.sem_alloc : memref<!tpu.dma_semaphore, #tpu.memory_space<semaphore_mem>>
      %dma_start3A_124 = arith.constant 0 : i32
      %dma_start3A_125 = tpu.memref_slice %arg6[%arg0, %mul3A_117, %dma_start3A_124] : memref<2x10240x128xf32, #tpu.memory_space<hbm>> -> memref<1x128x128xf32, #tpu.memory_space<hbm>>
      %dma_start3A_126 = tpu.memref_squeeze %dma_start3A_125 : memref<1x128x128xf32, #tpu.memory_space<hbm>> -> memref<128x128xf32, #tpu.memory_space<hbm>>
      %dma_start3A_127 = arith.constant 0 : i32
      %dma_start3A_128 = tpu.memref_slice %arg6[%arg0, %mul3A_117, %dma_start3A_127] : memref<2x10240x128xf32, #tpu.memory_space<hbm>> -> memref<1x128x128xf32, #tpu.memory_space<hbm>>
      %dma_start3A_129 = tpu.memref_squeeze %dma_start3A_128 : memref<1x128x128xf32, #tpu.memory_space<hbm>> -> memref<128x128xf32, #tpu.memory_space<hbm>>
      tpu.enqueue_dma source(%arg11 : memref<128x128xf32, #tpu.memory_space<vmem>>) target(%dma_start3A_129 : memref<128x128xf32, #tpu.memory_space<hbm>>) target_semaphore(%run_scoped3A : memref<!tpu.dma_semaphore, #tpu.memory_space<semaphore_mem>>)
      %dma_wait3A_130 = arith.constant 0 : i32
      %dma_wait3A_131 = tpu.memref_slice %arg6[%arg0, %mul3A_117, %dma_wait3A_130] : memref<2x10240x128xf32, #tpu.memory_space<hbm>> -> memref<1x128x128xf32, #tpu.memory_space<hbm>>
      %dma_wait3A_132 = tpu.memref_squeeze %dma_wait3A_131 : memref<1x128x128xf32, #tpu.memory_space<hbm>> -> memref<128x128xf32, #tpu.memory_space<hbm>>
      %dma_wait3A_133 = arith.constant 0 : i32
      %dma_wait3A_134 = tpu.memref_slice %arg6[%arg0, %mul3A_117, %dma_wait3A_133] : memref<2x10240x128xf32, #tpu.memory_space<hbm>> -> memref<1x128x128xf32, #tpu.memory_space<hbm>>
      %dma_wait3A_135 = tpu.memref_squeeze %dma_wait3A_134 : memref<1x128x128xf32, #tpu.memory_space<hbm>> -> memref<128x128xf32, #tpu.memory_space<hbm>>
      tpu.wait_dma2 semaphore(%run_scoped3A : memref<!tpu.dma_semaphore, #tpu.memory_space<semaphore_mem>>) src(%arg11 : memref<128x128xf32, #tpu.memory_space<vmem>>) dst(%dma_wait3A_135 : memref<128x128xf32, #tpu.memory_space<hbm>>)
      tpu.yield
    }) : () -> ()
    %mul3A_118 = arith.constant 5 : i32
    %mul3A_119 = arith.muli %arg1, %mul3A_118 : i32
    %add3A_120 = arith.constant 4 : i32
    %add3A_121 = arith.addi %mul3A_119, %add3A_120 : i32
    %mul3A_122 = arith.constant 128 : i32
    %mul3A_123 = arith.muli %add3A_121, %mul3A_122 : i32
    "tpu.region"() ({
      %run_scoped3A = tpu.sem_alloc : memref<!tpu.dma_semaphore, #tpu.memory_space<semaphore_mem>>
      %dma_start3A_124 = arith.constant 0 : i32
      %dma_start3A_125 = tpu.memref_slice %arg13[%mul3A_123, %dma_start3A_124] : memref<10240x128xf32, #tpu.memory_space<vmem_shared>> -> memref<128x128xf32, #tpu.memory_space<vmem_shared>>
      %dma_start3A_126 = arith.constant 0 : i32
      %dma_start3A_127 = tpu.memref_slice %arg13[%mul3A_123, %dma_start3A_126] : memref<10240x128xf32, #tpu.memory_space<vmem_shared>> -> memref<128x128xf32, #tpu.memory_space<vmem_shared>>
      tpu.enqueue_dma source(%dma_start3A_127 : memref<128x128xf32, #tpu.memory_space<vmem_shared>>) target(%arg11 : memref<128x128xf32, #tpu.memory_space<vmem>>) target_semaphore(%run_scoped3A : memref<!tpu.dma_semaphore, #tpu.memory_space<semaphore_mem>>)
      %dma_wait3A_128 = arith.constant 0 : i32
      %dma_wait3A_129 = tpu.memref_slice %arg13[%mul3A_123, %dma_wait3A_128] : memref<10240x128xf32, #tpu.memory_space<vmem_shared>> -> memref<128x128xf32, #tpu.memory_space<vmem_shared>>
      %dma_wait3A_130 = arith.constant 0 : i32
      %dma_wait3A_131 = tpu.memref_slice %arg13[%mul3A_123, %dma_wait3A_130] : memref<10240x128xf32, #tpu.memory_space<vmem_shared>> -> memref<128x128xf32, #tpu.memory_space<vmem_shared>>
      tpu.wait_dma2 semaphore(%run_scoped3A : memref<!tpu.dma_semaphore, #tpu.memory_space<semaphore_mem>>) src(%dma_wait3A_131 : memref<128x128xf32, #tpu.memory_space<vmem_shared>>) dst(%arg11 : memref<128x128xf32, #tpu.memory_space<vmem>>)
      tpu.yield
    }) : () -> ()
    "tpu.region"() ({
      %run_scoped3A = tpu.sem_alloc : memref<!tpu.dma_semaphore, #tpu.memory_space<semaphore_mem>>
      %dma_start3A_124 = arith.constant 0 : i32
      %dma_start3A_125 = tpu.memref_slice %arg6[%arg0, %mul3A_123, %dma_start3A_124] : memref<2x10240x128xf32, #tpu.memory_space<hbm>> -> memref<1x128x128xf32, #tpu.memory_space<hbm>>
      %dma_start3A_126 = tpu.memref_squeeze %dma_start3A_125 : memref<1x128x128xf32, #tpu.memory_space<hbm>> -> memref<128x128xf32, #tpu.memory_space<hbm>>
      %dma_start3A_127 = arith.constant 0 : i32
      %dma_start3A_128 = tpu.memref_slice %arg6[%arg0, %mul3A_123, %dma_start3A_127] : memref<2x10240x128xf32, #tpu.memory_space<hbm>> -> memref<1x128x128xf32, #tpu.memory_space<hbm>>
      %dma_start3A_129 = tpu.memref_squeeze %dma_start3A_128 : memref<1x128x128xf32, #tpu.memory_space<hbm>> -> memref<128x128xf32, #tpu.memory_space<hbm>>
      tpu.enqueue_dma source(%arg11 : memref<128x128xf32, #tpu.memory_space<vmem>>) target(%dma_start3A_129 : memref<128x128xf32, #tpu.memory_space<hbm>>) target_semaphore(%run_scoped3A : memref<!tpu.dma_semaphore, #tpu.memory_space<semaphore_mem>>)
      %dma_wait3A_130 = arith.constant 0 : i32
      %dma_wait3A_131 = tpu.memref_slice %arg6[%arg0, %mul3A_123, %dma_wait3A_130] : memref<2x10240x128xf32, #tpu.memory_space<hbm>> -> memref<1x128x128xf32, #tpu.memory_space<hbm>>
      %dma_wait3A_132 = tpu.memref_squeeze %dma_wait3A_131 : memref<1x128x128xf32, #tpu.memory_space<hbm>> -> memref<128x128xf32, #tpu.memory_space<hbm>>
      %dma_wait3A_133 = arith.constant 0 : i32
      %dma_wait3A_134 = tpu.memref_slice %arg6[%arg0, %mul3A_123, %dma_wait3A_133] : memref<2x10240x128xf32, #tpu.memory_space<hbm>> -> memref<1x128x128xf32, #tpu.memory_space<hbm>>
      %dma_wait3A_135 = tpu.memref_squeeze %dma_wait3A_134 : memref<1x128x128xf32, #tpu.memory_space<hbm>> -> memref<128x128xf32, #tpu.memory_space<hbm>>
      tpu.wait_dma2 semaphore(%run_scoped3A : memref<!tpu.dma_semaphore, #tpu.memory_space<semaphore_mem>>) src(%arg11 : memref<128x128xf32, #tpu.memory_space<vmem>>) dst(%dma_wait3A_135 : memref<128x128xf32, #tpu.memory_space<hbm>>)
      tpu.yield
    }) : () -> ()
    return
  }
}

#map = affine_map<(d0, d1) -> (0, 0)>
#map1 = affine_map<(d0, d1) -> (0, 0, 0, 0)>
#map2 = affine_map<(d0, d1) -> (0, 0, 0)>
module attributes {stable_mosaic.version = 14 : i64} {
  func.func @edge_kernel(%arg0: i32, %arg1: i32, %arg2: memref<20480x128xf32, #tpu.memory_space<hbm>>, %arg3: memref<2x16x164x128xi32, #tpu.memory_space<hbm>>, %arg4: memref<2x16x164x128xi32, #tpu.memory_space<hbm>>, %arg5: memref<128x128xf32, #tpu.memory_space<hbm>>, %arg6: memref<2x10240x128xf32, #tpu.memory_space<hbm>>, %arg7: memref<128xi32, #tpu.memory_space<vmem>>, %arg8: memref<128xi32, #tpu.memory_space<vmem>>, %arg9: memref<128xi32, #tpu.memory_space<vmem>>, %arg10: memref<128xi32, #tpu.memory_space<vmem>>, %arg11: memref<128x128xf32, #tpu.memory_space<vmem>>, %arg12: memref<128x128xf32, #tpu.memory_space<vmem>>, %arg13: memref<10240x128xf32, #tpu.memory_space<vmem_shared>>, %arg14: memref<!tpu.dma_semaphore, #tpu.memory_space<semaphore_mem>>, %arg15: memref<!tpu.dma_semaphore, #tpu.memory_space<semaphore_mem>>, %arg16: memref<!tpu.dma_semaphore, #tpu.memory_space<semaphore_mem>>, %arg17: memref<!tpu.dma_semaphore, #tpu.memory_space<semaphore_mem>>, %arg18: memref<!tpu.dma_semaphore, #tpu.memory_space<semaphore_mem>>, %arg19: memref<!tpu.dma_semaphore, #tpu.memory_space<semaphore_mem>>) attributes {dimension_semantics = [#tpu.dimension_semantics<core_parallel>, #tpu.dimension_semantics<subcore_parallel>], iteration_bounds = array<i64: 2, 16>, scalar_prefetch = 0 : i64, scratch_operands = 13 : i64, tpu.core_type = #tpu.core_type<sc_vector_subcore>, window_params = [{transform_indices = #map}, {transform_indices = #map1}, {transform_indices = #map1}, {transform_indices = #map}, {transform_indices = #map2}]} {
    "tpu.region"() ({
      %run_scoped3A = tpu.sem_alloc : memref<!tpu.dma_semaphore, #tpu.memory_space<semaphore_mem>>
      tpu.enqueue_dma source(%arg5 : memref<128x128xf32, #tpu.memory_space<hbm>>) target(%arg11 : memref<128x128xf32, #tpu.memory_space<vmem>>) target_semaphore(%run_scoped3A : memref<!tpu.dma_semaphore, #tpu.memory_space<semaphore_mem>>)
      tpu.wait_dma2 semaphore(%run_scoped3A : memref<!tpu.dma_semaphore, #tpu.memory_space<semaphore_mem>>) src(%arg5 : memref<128x128xf32, #tpu.memory_space<hbm>>) dst(%arg11 : memref<128x128xf32, #tpu.memory_space<vmem>>)
      tpu.yield
    }) : () -> ()
    %mul3A = arith.constant 5 : i32
    %mul3A_0 = arith.muli %arg1, %mul3A : i32
    %add3A = arith.constant 0 : i32
    %add3A_1 = arith.addi %mul3A_0, %add3A : i32
    %mul3A_2 = arith.constant 128 : i32
    %mul3A_3 = arith.muli %add3A_1, %mul3A_2 : i32
    "tpu.region"() ({
      %run_scoped3A = tpu.sem_alloc : memref<!tpu.dma_semaphore, #tpu.memory_space<semaphore_mem>>
      %dma_start3A_124 = arith.constant 0 : i32
      %dma_start3A_125 = tpu.memref_slice %arg13[%mul3A_3, %dma_start3A_124] : memref<10240x128xf32, #tpu.memory_space<vmem_shared>> -> memref<128x128xf32, #tpu.memory_space<vmem_shared>>
      %dma_start3A_126 = arith.constant 0 : i32
      %dma_start3A_127 = tpu.memref_slice %arg13[%mul3A_3, %dma_start3A_126] : memref<10240x128xf32, #tpu.memory_space<vmem_shared>> -> memref<128x128xf32, #tpu.memory_space<vmem_shared>>
      tpu.enqueue_dma source(%arg11 : memref<128x128xf32, #tpu.memory_space<vmem>>) target(%dma_start3A_127 : memref<128x128xf32, #tpu.memory_space<vmem_shared>>) target_semaphore(%run_scoped3A : memref<!tpu.dma_semaphore, #tpu.memory_space<semaphore_mem>>)
      %dma_wait3A_128 = arith.constant 0 : i32
      %dma_wait3A_129 = tpu.memref_slice %arg13[%mul3A_3, %dma_wait3A_128] : memref<10240x128xf32, #tpu.memory_space<vmem_shared>> -> memref<128x128xf32, #tpu.memory_space<vmem_shared>>
      %dma_wait3A_130 = arith.constant 0 : i32
      %dma_wait3A_131 = tpu.memref_slice %arg13[%mul3A_3, %dma_wait3A_130] : memref<10240x128xf32, #tpu.memory_space<vmem_shared>> -> memref<128x128xf32, #tpu.memory_space<vmem_shared>>
      tpu.wait_dma2 semaphore(%run_scoped3A : memref<!tpu.dma_semaphore, #tpu.memory_space<semaphore_mem>>) src(%arg11 : memref<128x128xf32, #tpu.memory_space<vmem>>) dst(%dma_wait3A_131 : memref<128x128xf32, #tpu.memory_space<vmem_shared>>)
      tpu.yield
    }) : () -> ()
    %mul3A_4 = arith.constant 5 : i32
    %mul3A_5 = arith.muli %arg1, %mul3A_4 : i32
    %add3A_6 = arith.constant 1 : i32
    %add3A_7 = arith.addi %mul3A_5, %add3A_6 : i32
    %mul3A_8 = arith.constant 128 : i32
    %mul3A_9 = arith.muli %add3A_7, %mul3A_8 : i32
    "tpu.region"() ({
      %run_scoped3A = tpu.sem_alloc : memref<!tpu.dma_semaphore, #tpu.memory_space<semaphore_mem>>
      %dma_start3A_124 = arith.constant 0 : i32
      %dma_start3A_125 = tpu.memref_slice %arg13[%mul3A_9, %dma_start3A_124] : memref<10240x128xf32, #tpu.memory_space<vmem_shared>> -> memref<128x128xf32, #tpu.memory_space<vmem_shared>>
      %dma_start3A_126 = arith.constant 0 : i32
      %dma_start3A_127 = tpu.memref_slice %arg13[%mul3A_9, %dma_start3A_126] : memref<10240x128xf32, #tpu.memory_space<vmem_shared>> -> memref<128x128xf32, #tpu.memory_space<vmem_shared>>
      tpu.enqueue_dma source(%arg11 : memref<128x128xf32, #tpu.memory_space<vmem>>) target(%dma_start3A_127 : memref<128x128xf32, #tpu.memory_space<vmem_shared>>) target_semaphore(%run_scoped3A : memref<!tpu.dma_semaphore, #tpu.memory_space<semaphore_mem>>)
      %dma_wait3A_128 = arith.constant 0 : i32
      %dma_wait3A_129 = tpu.memref_slice %arg13[%mul3A_9, %dma_wait3A_128] : memref<10240x128xf32, #tpu.memory_space<vmem_shared>> -> memref<128x128xf32, #tpu.memory_space<vmem_shared>>
      %dma_wait3A_130 = arith.constant 0 : i32
      %dma_wait3A_131 = tpu.memref_slice %arg13[%mul3A_9, %dma_wait3A_130] : memref<10240x128xf32, #tpu.memory_space<vmem_shared>> -> memref<128x128xf32, #tpu.memory_space<vmem_shared>>
      tpu.wait_dma2 semaphore(%run_scoped3A : memref<!tpu.dma_semaphore, #tpu.memory_space<semaphore_mem>>) src(%arg11 : memref<128x128xf32, #tpu.memory_space<vmem>>) dst(%dma_wait3A_131 : memref<128x128xf32, #tpu.memory_space<vmem_shared>>)
      tpu.yield
    }) : () -> ()
    %mul3A_10 = arith.constant 5 : i32
    %mul3A_11 = arith.muli %arg1, %mul3A_10 : i32
    %add3A_12 = arith.constant 2 : i32
    %add3A_13 = arith.addi %mul3A_11, %add3A_12 : i32
    %mul3A_14 = arith.constant 128 : i32
    %mul3A_15 = arith.muli %add3A_13, %mul3A_14 : i32
    "tpu.region"() ({
      %run_scoped3A = tpu.sem_alloc : memref<!tpu.dma_semaphore, #tpu.memory_space<semaphore_mem>>
      %dma_start3A_124 = arith.constant 0 : i32
      %dma_start3A_125 = tpu.memref_slice %arg13[%mul3A_15, %dma_start3A_124] : memref<10240x128xf32, #tpu.memory_space<vmem_shared>> -> memref<128x128xf32, #tpu.memory_space<vmem_shared>>
      %dma_start3A_126 = arith.constant 0 : i32
      %dma_start3A_127 = tpu.memref_slice %arg13[%mul3A_15, %dma_start3A_126] : memref<10240x128xf32, #tpu.memory_space<vmem_shared>> -> memref<128x128xf32, #tpu.memory_space<vmem_shared>>
      tpu.enqueue_dma source(%arg11 : memref<128x128xf32, #tpu.memory_space<vmem>>) target(%dma_start3A_127 : memref<128x128xf32, #tpu.memory_space<vmem_shared>>) target_semaphore(%run_scoped3A : memref<!tpu.dma_semaphore, #tpu.memory_space<semaphore_mem>>)
      %dma_wait3A_128 = arith.constant 0 : i32
      %dma_wait3A_129 = tpu.memref_slice %arg13[%mul3A_15, %dma_wait3A_128] : memref<10240x128xf32, #tpu.memory_space<vmem_shared>> -> memref<128x128xf32, #tpu.memory_space<vmem_shared>>
      %dma_wait3A_130 = arith.constant 0 : i32
      %dma_wait3A_131 = tpu.memref_slice %arg13[%mul3A_15, %dma_wait3A_130] : memref<10240x128xf32, #tpu.memory_space<vmem_shared>> -> memref<128x128xf32, #tpu.memory_space<vmem_shared>>
      tpu.wait_dma2 semaphore(%run_scoped3A : memref<!tpu.dma_semaphore, #tpu.memory_space<semaphore_mem>>) src(%arg11 : memref<128x128xf32, #tpu.memory_space<vmem>>) dst(%dma_wait3A_131 : memref<128x128xf32, #tpu.memory_space<vmem_shared>>)
      tpu.yield
    }) : () -> ()
    %mul3A_16 = arith.constant 5 : i32
    %mul3A_17 = arith.muli %arg1, %mul3A_16 : i32
    %add3A_18 = arith.constant 3 : i32
    %add3A_19 = arith.addi %mul3A_17, %add3A_18 : i32
    %mul3A_20 = arith.constant 128 : i32
    %mul3A_21 = arith.muli %add3A_19, %mul3A_20 : i32
    "tpu.region"() ({
      %run_scoped3A = tpu.sem_alloc : memref<!tpu.dma_semaphore, #tpu.memory_space<semaphore_mem>>
      %dma_start3A_124 = arith.constant 0 : i32
      %dma_start3A_125 = tpu.memref_slice %arg13[%mul3A_21, %dma_start3A_124] : memref<10240x128xf32, #tpu.memory_space<vmem_shared>> -> memref<128x128xf32, #tpu.memory_space<vmem_shared>>
      %dma_start3A_126 = arith.constant 0 : i32
      %dma_start3A_127 = tpu.memref_slice %arg13[%mul3A_21, %dma_start3A_126] : memref<10240x128xf32, #tpu.memory_space<vmem_shared>> -> memref<128x128xf32, #tpu.memory_space<vmem_shared>>
      tpu.enqueue_dma source(%arg11 : memref<128x128xf32, #tpu.memory_space<vmem>>) target(%dma_start3A_127 : memref<128x128xf32, #tpu.memory_space<vmem_shared>>) target_semaphore(%run_scoped3A : memref<!tpu.dma_semaphore, #tpu.memory_space<semaphore_mem>>)
      %dma_wait3A_128 = arith.constant 0 : i32
      %dma_wait3A_129 = tpu.memref_slice %arg13[%mul3A_21, %dma_wait3A_128] : memref<10240x128xf32, #tpu.memory_space<vmem_shared>> -> memref<128x128xf32, #tpu.memory_space<vmem_shared>>
      %dma_wait3A_130 = arith.constant 0 : i32
      %dma_wait3A_131 = tpu.memref_slice %arg13[%mul3A_21, %dma_wait3A_130] : memref<10240x128xf32, #tpu.memory_space<vmem_shared>> -> memref<128x128xf32, #tpu.memory_space<vmem_shared>>
      tpu.wait_dma2 semaphore(%run_scoped3A : memref<!tpu.dma_semaphore, #tpu.memory_space<semaphore_mem>>) src(%arg11 : memref<128x128xf32, #tpu.memory_space<vmem>>) dst(%dma_wait3A_131 : memref<128x128xf32, #tpu.memory_space<vmem_shared>>)
      tpu.yield
    }) : () -> ()
    %mul3A_22 = arith.constant 5 : i32
    %mul3A_23 = arith.muli %arg1, %mul3A_22 : i32
    %add3A_24 = arith.constant 4 : i32
    %add3A_25 = arith.addi %mul3A_23, %add3A_24 : i32
    %mul3A_26 = arith.constant 128 : i32
    %mul3A_27 = arith.muli %add3A_25, %mul3A_26 : i32
    "tpu.region"() ({
      %run_scoped3A = tpu.sem_alloc : memref<!tpu.dma_semaphore, #tpu.memory_space<semaphore_mem>>
      %dma_start3A_124 = arith.constant 0 : i32
      %dma_start3A_125 = tpu.memref_slice %arg13[%mul3A_27, %dma_start3A_124] : memref<10240x128xf32, #tpu.memory_space<vmem_shared>> -> memref<128x128xf32, #tpu.memory_space<vmem_shared>>
      %dma_start3A_126 = arith.constant 0 : i32
      %dma_start3A_127 = tpu.memref_slice %arg13[%mul3A_27, %dma_start3A_126] : memref<10240x128xf32, #tpu.memory_space<vmem_shared>> -> memref<128x128xf32, #tpu.memory_space<vmem_shared>>
      tpu.enqueue_dma source(%arg11 : memref<128x128xf32, #tpu.memory_space<vmem>>) target(%dma_start3A_127 : memref<128x128xf32, #tpu.memory_space<vmem_shared>>) target_semaphore(%run_scoped3A : memref<!tpu.dma_semaphore, #tpu.memory_space<semaphore_mem>>)
      %dma_wait3A_128 = arith.constant 0 : i32
      %dma_wait3A_129 = tpu.memref_slice %arg13[%mul3A_27, %dma_wait3A_128] : memref<10240x128xf32, #tpu.memory_space<vmem_shared>> -> memref<128x128xf32, #tpu.memory_space<vmem_shared>>
      %dma_wait3A_130 = arith.constant 0 : i32
      %dma_wait3A_131 = tpu.memref_slice %arg13[%mul3A_27, %dma_wait3A_130] : memref<10240x128xf32, #tpu.memory_space<vmem_shared>> -> memref<128x128xf32, #tpu.memory_space<vmem_shared>>
      tpu.wait_dma2 semaphore(%run_scoped3A : memref<!tpu.dma_semaphore, #tpu.memory_space<semaphore_mem>>) src(%arg11 : memref<128x128xf32, #tpu.memory_space<vmem>>) dst(%dma_wait3A_131 : memref<128x128xf32, #tpu.memory_space<vmem_shared>>)
      tpu.yield
    }) : () -> ()
    %dma_start3A = arith.constant 0 : i32
    %dma_start3A_28 = arith.constant 0 : i32
    %dma_start3A_29 = tpu.memref_slice %arg3[%arg0, %arg1, %dma_start3A, %dma_start3A_28] : memref<2x16x164x128xi32, #tpu.memory_space<hbm>> -> memref<1x1x1x128xi32, #tpu.memory_space<hbm>>
    %dma_start3A_30 = tpu.memref_squeeze %dma_start3A_29 : memref<1x1x1x128xi32, #tpu.memory_space<hbm>> -> memref<128xi32, #tpu.memory_space<hbm>>
    %dma_start3A_31 = arith.constant 0 : i32
    %dma_start3A_32 = tpu.memref_slice %arg3[%arg0, %arg1, %dma_start3A, %dma_start3A_31] : memref<2x16x164x128xi32, #tpu.memory_space<hbm>> -> memref<1x1x1x128xi32, #tpu.memory_space<hbm>>
    %dma_start3A_33 = tpu.memref_squeeze %dma_start3A_32 : memref<1x1x1x128xi32, #tpu.memory_space<hbm>> -> memref<128xi32, #tpu.memory_space<hbm>>
    tpu.enqueue_dma source(%dma_start3A_33 : memref<128xi32, #tpu.memory_space<hbm>>) target(%arg7 : memref<128xi32, #tpu.memory_space<vmem>>) target_semaphore(%arg16 : memref<!tpu.dma_semaphore, #tpu.memory_space<semaphore_mem>>)
    %dma_start3A_34 = arith.constant 0 : i32
    %dma_start3A_35 = arith.constant 0 : i32
    %dma_start3A_36 = tpu.memref_slice %arg4[%arg0, %arg1, %dma_start3A_34, %dma_start3A_35] : memref<2x16x164x128xi32, #tpu.memory_space<hbm>> -> memref<1x1x1x128xi32, #tpu.memory_space<hbm>>
    %dma_start3A_37 = tpu.memref_squeeze %dma_start3A_36 : memref<1x1x1x128xi32, #tpu.memory_space<hbm>> -> memref<128xi32, #tpu.memory_space<hbm>>
    %dma_start3A_38 = arith.constant 0 : i32
    %dma_start3A_39 = tpu.memref_slice %arg4[%arg0, %arg1, %dma_start3A_34, %dma_start3A_38] : memref<2x16x164x128xi32, #tpu.memory_space<hbm>> -> memref<1x1x1x128xi32, #tpu.memory_space<hbm>>
    %dma_start3A_40 = tpu.memref_squeeze %dma_start3A_39 : memref<1x1x1x128xi32, #tpu.memory_space<hbm>> -> memref<128xi32, #tpu.memory_space<hbm>>
    tpu.enqueue_dma source(%dma_start3A_40 : memref<128xi32, #tpu.memory_space<hbm>>) target(%arg8 : memref<128xi32, #tpu.memory_space<vmem>>) target_semaphore(%arg17 : memref<!tpu.dma_semaphore, #tpu.memory_space<semaphore_mem>>)
    %dma_start3A_41 = arith.constant 1 : i32
    %dma_start3A_42 = arith.constant 0 : i32
    %dma_start3A_43 = tpu.memref_slice %arg3[%arg0, %arg1, %dma_start3A_41, %dma_start3A_42] : memref<2x16x164x128xi32, #tpu.memory_space<hbm>> -> memref<1x1x1x128xi32, #tpu.memory_space<hbm>>
    %dma_start3A_44 = tpu.memref_squeeze %dma_start3A_43 : memref<1x1x1x128xi32, #tpu.memory_space<hbm>> -> memref<128xi32, #tpu.memory_space<hbm>>
    %dma_start3A_45 = arith.constant 0 : i32
    %dma_start3A_46 = tpu.memref_slice %arg3[%arg0, %arg1, %dma_start3A_41, %dma_start3A_45] : memref<2x16x164x128xi32, #tpu.memory_space<hbm>> -> memref<1x1x1x128xi32, #tpu.memory_space<hbm>>
    %dma_start3A_47 = tpu.memref_squeeze %dma_start3A_46 : memref<1x1x1x128xi32, #tpu.memory_space<hbm>> -> memref<128xi32, #tpu.memory_space<hbm>>
    tpu.enqueue_dma source(%dma_start3A_47 : memref<128xi32, #tpu.memory_space<hbm>>) target(%arg9 : memref<128xi32, #tpu.memory_space<vmem>>) target_semaphore(%arg18 : memref<!tpu.dma_semaphore, #tpu.memory_space<semaphore_mem>>)
    %dma_start3A_48 = arith.constant 1 : i32
    %dma_start3A_49 = arith.constant 0 : i32
    %dma_start3A_50 = tpu.memref_slice %arg4[%arg0, %arg1, %dma_start3A_48, %dma_start3A_49] : memref<2x16x164x128xi32, #tpu.memory_space<hbm>> -> memref<1x1x1x128xi32, #tpu.memory_space<hbm>>
    %dma_start3A_51 = tpu.memref_squeeze %dma_start3A_50 : memref<1x1x1x128xi32, #tpu.memory_space<hbm>> -> memref<128xi32, #tpu.memory_space<hbm>>
    %dma_start3A_52 = arith.constant 0 : i32
    %dma_start3A_53 = tpu.memref_slice %arg4[%arg0, %arg1, %dma_start3A_48, %dma_start3A_52] : memref<2x16x164x128xi32, #tpu.memory_space<hbm>> -> memref<1x1x1x128xi32, #tpu.memory_space<hbm>>
    %dma_start3A_54 = tpu.memref_squeeze %dma_start3A_53 : memref<1x1x1x128xi32, #tpu.memory_space<hbm>> -> memref<128xi32, #tpu.memory_space<hbm>>
    tpu.enqueue_dma source(%dma_start3A_54 : memref<128xi32, #tpu.memory_space<hbm>>) target(%arg10 : memref<128xi32, #tpu.memory_space<vmem>>) target_semaphore(%arg19 : memref<!tpu.dma_semaphore, #tpu.memory_space<semaphore_mem>>)
    %barrier3A = arith.constant 0 : index
    tpu.barrier barrier_id(%barrier3A)
    %dma_wait3A = arith.constant 0 : i32
    %dma_wait3A_55 = arith.constant 0 : i32
    %dma_wait3A_56 = tpu.memref_slice %arg3[%arg0, %arg1, %dma_wait3A, %dma_wait3A_55] : memref<2x16x164x128xi32, #tpu.memory_space<hbm>> -> memref<1x1x1x128xi32, #tpu.memory_space<hbm>>
    %dma_wait3A_57 = tpu.memref_squeeze %dma_wait3A_56 : memref<1x1x1x128xi32, #tpu.memory_space<hbm>> -> memref<128xi32, #tpu.memory_space<hbm>>
    %dma_wait3A_58 = arith.constant 0 : i32
    %dma_wait3A_59 = tpu.memref_slice %arg3[%arg0, %arg1, %dma_wait3A, %dma_wait3A_58] : memref<2x16x164x128xi32, #tpu.memory_space<hbm>> -> memref<1x1x1x128xi32, #tpu.memory_space<hbm>>
    %dma_wait3A_60 = tpu.memref_squeeze %dma_wait3A_59 : memref<1x1x1x128xi32, #tpu.memory_space<hbm>> -> memref<128xi32, #tpu.memory_space<hbm>>
    tpu.wait_dma2 semaphore(%arg16 : memref<!tpu.dma_semaphore, #tpu.memory_space<semaphore_mem>>) src(%dma_wait3A_60 : memref<128xi32, #tpu.memory_space<hbm>>) dst(%arg7 : memref<128xi32, #tpu.memory_space<vmem>>)
    %dma_wait3A_61 = arith.constant 0 : i32
    %dma_wait3A_62 = arith.constant 0 : i32
    %dma_wait3A_63 = tpu.memref_slice %arg4[%arg0, %arg1, %dma_wait3A_61, %dma_wait3A_62] : memref<2x16x164x128xi32, #tpu.memory_space<hbm>> -> memref<1x1x1x128xi32, #tpu.memory_space<hbm>>
    %dma_wait3A_64 = tpu.memref_squeeze %dma_wait3A_63 : memref<1x1x1x128xi32, #tpu.memory_space<hbm>> -> memref<128xi32, #tpu.memory_space<hbm>>
    %dma_wait3A_65 = arith.constant 0 : i32
    %dma_wait3A_66 = tpu.memref_slice %arg4[%arg0, %arg1, %dma_wait3A_61, %dma_wait3A_65] : memref<2x16x164x128xi32, #tpu.memory_space<hbm>> -> memref<1x1x1x128xi32, #tpu.memory_space<hbm>>
    %dma_wait3A_67 = tpu.memref_squeeze %dma_wait3A_66 : memref<1x1x1x128xi32, #tpu.memory_space<hbm>> -> memref<128xi32, #tpu.memory_space<hbm>>
    tpu.wait_dma2 semaphore(%arg17 : memref<!tpu.dma_semaphore, #tpu.memory_space<semaphore_mem>>) src(%dma_wait3A_67 : memref<128xi32, #tpu.memory_space<hbm>>) dst(%arg8 : memref<128xi32, #tpu.memory_space<vmem>>)
    %dma_start3A_68 = arith.constant 0 : i32
    %dma_start3A_69 = arith.constant 0 : i32
    %dma_start3A_70 = tpu.memref_slice %arg2[%dma_start3A_68, %dma_start3A_69] : memref<20480x128xf32, #tpu.memory_space<hbm>> -> memref<20480x128xf32, #tpu.memory_space<hbm>>
    tpu.enqueue_indirect_dma source(%dma_start3A_70 : memref<20480x128xf32, #tpu.memory_space<hbm>>) target(%arg11 : memref<128x128xf32, #tpu.memory_space<vmem>>) offsets(%arg7 : memref<128xi32, #tpu.memory_space<vmem>>) semaphore(%arg14 : memref<!tpu.dma_semaphore, #tpu.memory_space<semaphore_mem>>)
    %scan3A = arith.constant 0 : i32
    %scan3A_71 = arith.constant 0 : i32
    %scan3A_72 = arith.constant 81 : i32
    %scan3A_73 = arith.addi %scan3A_71, %scan3A_72 : i32
    %scan3A_74 = arith.constant 1 : i32
    scf.for %scan3A_124 = %scan3A_71 to %scan3A_73 step %scan3A_74  : i32 {
      %mul3A_125 = arith.constant 2 : i32
      %mul3A_126 = arith.muli %mul3A_125, %scan3A_124 : i32
      %dma_wait3A_127 = arith.constant 0 : i32
      %dma_wait3A_128 = arith.constant 0 : i32
      %dma_wait3A_129 = tpu.memref_slice %arg3[%arg0, %arg1, %dma_wait3A_127, %dma_wait3A_128] : memref<2x16x164x128xi32, #tpu.memory_space<hbm>> -> memref<1x1x1x128xi32, #tpu.memory_space<hbm>>
      %dma_wait3A_130 = tpu.memref_squeeze %dma_wait3A_129 : memref<1x1x1x128xi32, #tpu.memory_space<hbm>> -> memref<128xi32, #tpu.memory_space<hbm>>
      %dma_wait3A_131 = arith.constant 0 : i32
      %dma_wait3A_132 = tpu.memref_slice %arg3[%arg0, %arg1, %dma_wait3A_127, %dma_wait3A_131] : memref<2x16x164x128xi32, #tpu.memory_space<hbm>> -> memref<1x1x1x128xi32, #tpu.memory_space<hbm>>
      %dma_wait3A_133 = tpu.memref_squeeze %dma_wait3A_132 : memref<1x1x1x128xi32, #tpu.memory_space<hbm>> -> memref<128xi32, #tpu.memory_space<hbm>>
      tpu.wait_dma2 semaphore(%arg18 : memref<!tpu.dma_semaphore, #tpu.memory_space<semaphore_mem>>) src(%dma_wait3A_133 : memref<128xi32, #tpu.memory_space<hbm>>) dst(%arg9 : memref<128xi32, #tpu.memory_space<vmem>>)
      %dma_wait3A_134 = arith.constant 0 : i32
      %dma_wait3A_135 = arith.constant 0 : i32
      %dma_wait3A_136 = tpu.memref_slice %arg4[%arg0, %arg1, %dma_wait3A_134, %dma_wait3A_135] : memref<2x16x164x128xi32, #tpu.memory_space<hbm>> -> memref<1x1x1x128xi32, #tpu.memory_space<hbm>>
      %dma_wait3A_137 = tpu.memref_squeeze %dma_wait3A_136 : memref<1x1x1x128xi32, #tpu.memory_space<hbm>> -> memref<128xi32, #tpu.memory_space<hbm>>
      %dma_wait3A_138 = arith.constant 0 : i32
      %dma_wait3A_139 = tpu.memref_slice %arg4[%arg0, %arg1, %dma_wait3A_134, %dma_wait3A_138] : memref<2x16x164x128xi32, #tpu.memory_space<hbm>> -> memref<1x1x1x128xi32, #tpu.memory_space<hbm>>
      %dma_wait3A_140 = tpu.memref_squeeze %dma_wait3A_139 : memref<1x1x1x128xi32, #tpu.memory_space<hbm>> -> memref<128xi32, #tpu.memory_space<hbm>>
      tpu.wait_dma2 semaphore(%arg19 : memref<!tpu.dma_semaphore, #tpu.memory_space<semaphore_mem>>) src(%dma_wait3A_140 : memref<128xi32, #tpu.memory_space<hbm>>) dst(%arg10 : memref<128xi32, #tpu.memory_space<vmem>>)
      %dma_start3A_141 = arith.constant 0 : i32
      %dma_start3A_142 = arith.constant 0 : i32
      %dma_start3A_143 = tpu.memref_slice %arg2[%dma_start3A_141, %dma_start3A_142] : memref<20480x128xf32, #tpu.memory_space<hbm>> -> memref<20480x128xf32, #tpu.memory_space<hbm>>
      tpu.enqueue_indirect_dma source(%dma_start3A_143 : memref<20480x128xf32, #tpu.memory_space<hbm>>) target(%arg12 : memref<128x128xf32, #tpu.memory_space<vmem>>) offsets(%arg9 : memref<128xi32, #tpu.memory_space<vmem>>) semaphore(%arg15 : memref<!tpu.dma_semaphore, #tpu.memory_space<semaphore_mem>>)
      %dma_wait3A_144 = arith.constant 0 : i32
      %dma_wait3A_145 = arith.constant 0 : i32
      %dma_wait3A_146 = tpu.memref_slice %arg2[%dma_wait3A_144, %dma_wait3A_145] : memref<20480x128xf32, #tpu.memory_space<hbm>> -> memref<20480x128xf32, #tpu.memory_space<hbm>>
      tpu.wait_indirect_dma semaphore(%arg14 : memref<!tpu.dma_semaphore, #tpu.memory_space<semaphore_mem>>) src(%dma_wait3A_146 : memref<20480x128xf32, #tpu.memory_space<hbm>>) dst(%arg11 : memref<128x128xf32, #tpu.memory_space<vmem>>)
      "tpu.region"() ({
        %run_scoped3A = tpu.sem_alloc : memref<!tpu.dma_semaphore, #tpu.memory_space<semaphore_mem>>
        %dma_start3A_199 = arith.constant 0 : i32
        %dma_start3A_200 = arith.constant 0 : i32
        %dma_start3A_201 = tpu.memref_slice %arg13[%dma_start3A_199, %dma_start3A_200] : memref<10240x128xf32, #tpu.memory_space<vmem_shared>> -> memref<10240x128xf32, #tpu.memory_space<vmem_shared>>
        tpu.enqueue_indirect_dma source(%arg11 : memref<128x128xf32, #tpu.memory_space<vmem>>) target(%dma_start3A_201 : memref<10240x128xf32, #tpu.memory_space<vmem_shared>>) offsets(%arg8 : memref<128xi32, #tpu.memory_space<vmem>>) semaphore(%run_scoped3A : memref<!tpu.dma_semaphore, #tpu.memory_space<semaphore_mem>>) {add = true}
        %dma_wait3A_202 = arith.constant 0 : i32
        %dma_wait3A_203 = arith.constant 0 : i32
        %dma_wait3A_204 = tpu.memref_slice %arg13[%dma_wait3A_202, %dma_wait3A_203] : memref<10240x128xf32, #tpu.memory_space<vmem_shared>> -> memref<10240x128xf32, #tpu.memory_space<vmem_shared>>
        tpu.wait_indirect_dma semaphore(%run_scoped3A : memref<!tpu.dma_semaphore, #tpu.memory_space<semaphore_mem>>) src(%arg11 : memref<128x128xf32, #tpu.memory_space<vmem>>) dst(%dma_wait3A_204 : memref<10240x128xf32, #tpu.memory_space<vmem_shared>>)
        tpu.yield
      }) : () -> ()
      %add3A_147 = arith.constant 2 : i32
      %add3A_148 = arith.addi %mul3A_126, %add3A_147 : i32
      %dma_start3A_149 = arith.constant 0 : i32
      %dma_start3A_150 = tpu.memref_slice %arg3[%arg0, %arg1, %add3A_148, %dma_start3A_149] : memref<2x16x164x128xi32, #tpu.memory_space<hbm>> -> memref<1x1x1x128xi32, #tpu.memory_space<hbm>>
      %dma_start3A_151 = tpu.memref_squeeze %dma_start3A_150 : memref<1x1x1x128xi32, #tpu.memory_space<hbm>> -> memref<128xi32, #tpu.memory_space<hbm>>
      %dma_start3A_152 = arith.constant 0 : i32
      %dma_start3A_153 = tpu.memref_slice %arg3[%arg0, %arg1, %add3A_148, %dma_start3A_152] : memref<2x16x164x128xi32, #tpu.memory_space<hbm>> -> memref<1x1x1x128xi32, #tpu.memory_space<hbm>>
      %dma_start3A_154 = tpu.memref_squeeze %dma_start3A_153 : memref<1x1x1x128xi32, #tpu.memory_space<hbm>> -> memref<128xi32, #tpu.memory_space<hbm>>
      tpu.enqueue_dma source(%dma_start3A_154 : memref<128xi32, #tpu.memory_space<hbm>>) target(%arg7 : memref<128xi32, #tpu.memory_space<vmem>>) target_semaphore(%arg16 : memref<!tpu.dma_semaphore, #tpu.memory_space<semaphore_mem>>)
      %add3A_155 = arith.constant 2 : i32
      %add3A_156 = arith.addi %mul3A_126, %add3A_155 : i32
      %dma_start3A_157 = arith.constant 0 : i32
      %dma_start3A_158 = tpu.memref_slice %arg4[%arg0, %arg1, %add3A_156, %dma_start3A_157] : memref<2x16x164x128xi32, #tpu.memory_space<hbm>> -> memref<1x1x1x128xi32, #tpu.memory_space<hbm>>
      %dma_start3A_159 = tpu.memref_squeeze %dma_start3A_158 : memref<1x1x1x128xi32, #tpu.memory_space<hbm>> -> memref<128xi32, #tpu.memory_space<hbm>>
      %dma_start3A_160 = arith.constant 0 : i32
      %dma_start3A_161 = tpu.memref_slice %arg4[%arg0, %arg1, %add3A_156, %dma_start3A_160] : memref<2x16x164x128xi32, #tpu.memory_space<hbm>> -> memref<1x1x1x128xi32, #tpu.memory_space<hbm>>
      %dma_start3A_162 = tpu.memref_squeeze %dma_start3A_161 : memref<1x1x1x128xi32, #tpu.memory_space<hbm>> -> memref<128xi32, #tpu.memory_space<hbm>>
      tpu.enqueue_dma source(%dma_start3A_162 : memref<128xi32, #tpu.memory_space<hbm>>) target(%arg8 : memref<128xi32, #tpu.memory_space<vmem>>) target_semaphore(%arg17 : memref<!tpu.dma_semaphore, #tpu.memory_space<semaphore_mem>>)
      %dma_wait3A_163 = arith.constant 0 : i32
      %dma_wait3A_164 = arith.constant 0 : i32
      %dma_wait3A_165 = tpu.memref_slice %arg3[%arg0, %arg1, %dma_wait3A_163, %dma_wait3A_164] : memref<2x16x164x128xi32, #tpu.memory_space<hbm>> -> memref<1x1x1x128xi32, #tpu.memory_space<hbm>>
      %dma_wait3A_166 = tpu.memref_squeeze %dma_wait3A_165 : memref<1x1x1x128xi32, #tpu.memory_space<hbm>> -> memref<128xi32, #tpu.memory_space<hbm>>
      %dma_wait3A_167 = arith.constant 0 : i32
      %dma_wait3A_168 = tpu.memref_slice %arg3[%arg0, %arg1, %dma_wait3A_163, %dma_wait3A_167] : memref<2x16x164x128xi32, #tpu.memory_space<hbm>> -> memref<1x1x1x128xi32, #tpu.memory_space<hbm>>
      %dma_wait3A_169 = tpu.memref_squeeze %dma_wait3A_168 : memref<1x1x1x128xi32, #tpu.memory_space<hbm>> -> memref<128xi32, #tpu.memory_space<hbm>>
      tpu.wait_dma2 semaphore(%arg16 : memref<!tpu.dma_semaphore, #tpu.memory_space<semaphore_mem>>) src(%dma_wait3A_169 : memref<128xi32, #tpu.memory_space<hbm>>) dst(%arg7 : memref<128xi32, #tpu.memory_space<vmem>>)
      %dma_wait3A_170 = arith.constant 0 : i32
      %dma_wait3A_171 = arith.constant 0 : i32
      %dma_wait3A_172 = tpu.memref_slice %arg4[%arg0, %arg1, %dma_wait3A_170, %dma_wait3A_171] : memref<2x16x164x128xi32, #tpu.memory_space<hbm>> -> memref<1x1x1x128xi32, #tpu.memory_space<hbm>>
      %dma_wait3A_173 = tpu.memref_squeeze %dma_wait3A_172 : memref<1x1x1x128xi32, #tpu.memory_space<hbm>> -> memref<128xi32, #tpu.memory_space<hbm>>
      %dma_wait3A_174 = arith.constant 0 : i32
      %dma_wait3A_175 = tpu.memref_slice %arg4[%arg0, %arg1, %dma_wait3A_170, %dma_wait3A_174] : memref<2x16x164x128xi32, #tpu.memory_space<hbm>> -> memref<1x1x1x128xi32, #tpu.memory_space<hbm>>
      %dma_wait3A_176 = tpu.memref_squeeze %dma_wait3A_175 : memref<1x1x1x128xi32, #tpu.memory_space<hbm>> -> memref<128xi32, #tpu.memory_space<hbm>>
      tpu.wait_dma2 semaphore(%arg17 : memref<!tpu.dma_semaphore, #tpu.memory_space<semaphore_mem>>) src(%dma_wait3A_176 : memref<128xi32, #tpu.memory_space<hbm>>) dst(%arg8 : memref<128xi32, #tpu.memory_space<vmem>>)
      %dma_start3A_177 = arith.constant 0 : i32
      %dma_start3A_178 = arith.constant 0 : i32
      %dma_start3A_179 = tpu.memref_slice %arg2[%dma_start3A_177, %dma_start3A_178] : memref<20480x128xf32, #tpu.memory_space<hbm>> -> memref<20480x128xf32, #tpu.memory_space<hbm>>
      tpu.enqueue_indirect_dma source(%dma_start3A_179 : memref<20480x128xf32, #tpu.memory_space<hbm>>) target(%arg11 : memref<128x128xf32, #tpu.memory_space<vmem>>) offsets(%arg7 : memref<128xi32, #tpu.memory_space<vmem>>) semaphore(%arg14 : memref<!tpu.dma_semaphore, #tpu.memory_space<semaphore_mem>>)
      %dma_wait3A_180 = arith.constant 0 : i32
      %dma_wait3A_181 = arith.constant 0 : i32
      %dma_wait3A_182 = tpu.memref_slice %arg2[%dma_wait3A_180, %dma_wait3A_181] : memref<20480x128xf32, #tpu.memory_space<hbm>> -> memref<20480x128xf32, #tpu.memory_space<hbm>>
      tpu.wait_indirect_dma semaphore(%arg15 : memref<!tpu.dma_semaphore, #tpu.memory_space<semaphore_mem>>) src(%dma_wait3A_182 : memref<20480x128xf32, #tpu.memory_space<hbm>>) dst(%arg12 : memref<128x128xf32, #tpu.memory_space<vmem>>)
      "tpu.region"() ({
        %run_scoped3A = tpu.sem_alloc : memref<!tpu.dma_semaphore, #tpu.memory_space<semaphore_mem>>
        %dma_start3A_199 = arith.constant 0 : i32
        %dma_start3A_200 = arith.constant 0 : i32
        %dma_start3A_201 = tpu.memref_slice %arg13[%dma_start3A_199, %dma_start3A_200] : memref<10240x128xf32, #tpu.memory_space<vmem_shared>> -> memref<10240x128xf32, #tpu.memory_space<vmem_shared>>
        tpu.enqueue_indirect_dma source(%arg12 : memref<128x128xf32, #tpu.memory_space<vmem>>) target(%dma_start3A_201 : memref<10240x128xf32, #tpu.memory_space<vmem_shared>>) offsets(%arg10 : memref<128xi32, #tpu.memory_space<vmem>>) semaphore(%run_scoped3A : memref<!tpu.dma_semaphore, #tpu.memory_space<semaphore_mem>>) {add = true}
        %dma_wait3A_202 = arith.constant 0 : i32
        %dma_wait3A_203 = arith.constant 0 : i32
        %dma_wait3A_204 = tpu.memref_slice %arg13[%dma_wait3A_202, %dma_wait3A_203] : memref<10240x128xf32, #tpu.memory_space<vmem_shared>> -> memref<10240x128xf32, #tpu.memory_space<vmem_shared>>
        tpu.wait_indirect_dma semaphore(%run_scoped3A : memref<!tpu.dma_semaphore, #tpu.memory_space<semaphore_mem>>) src(%arg12 : memref<128x128xf32, #tpu.memory_space<vmem>>) dst(%dma_wait3A_204 : memref<10240x128xf32, #tpu.memory_space<vmem_shared>>)
        tpu.yield
      }) : () -> ()
      %add3A_183 = arith.constant 3 : i32
      %add3A_184 = arith.addi %mul3A_126, %add3A_183 : i32
      %dma_start3A_185 = arith.constant 0 : i32
      %dma_start3A_186 = tpu.memref_slice %arg3[%arg0, %arg1, %add3A_184, %dma_start3A_185] : memref<2x16x164x128xi32, #tpu.memory_space<hbm>> -> memref<1x1x1x128xi32, #tpu.memory_space<hbm>>
      %dma_start3A_187 = tpu.memref_squeeze %dma_start3A_186 : memref<1x1x1x128xi32, #tpu.memory_space<hbm>> -> memref<128xi32, #tpu.memory_space<hbm>>
      %dma_start3A_188 = arith.constant 0 : i32
      %dma_start3A_189 = tpu.memref_slice %arg3[%arg0, %arg1, %add3A_184, %dma_start3A_188] : memref<2x16x164x128xi32, #tpu.memory_space<hbm>> -> memref<1x1x1x128xi32, #tpu.memory_space<hbm>>
      %dma_start3A_190 = tpu.memref_squeeze %dma_start3A_189 : memref<1x1x1x128xi32, #tpu.memory_space<hbm>> -> memref<128xi32, #tpu.memory_space<hbm>>
      tpu.enqueue_dma source(%dma_start3A_190 : memref<128xi32, #tpu.memory_space<hbm>>) target(%arg9 : memref<128xi32, #tpu.memory_space<vmem>>) target_semaphore(%arg18 : memref<!tpu.dma_semaphore, #tpu.memory_space<semaphore_mem>>)
      %add3A_191 = arith.constant 3 : i32
      %add3A_192 = arith.addi %mul3A_126, %add3A_191 : i32
      %dma_start3A_193 = arith.constant 0 : i32
      %dma_start3A_194 = tpu.memref_slice %arg4[%arg0, %arg1, %add3A_192, %dma_start3A_193] : memref<2x16x164x128xi32, #tpu.memory_space<hbm>> -> memref<1x1x1x128xi32, #tpu.memory_space<hbm>>
      %dma_start3A_195 = tpu.memref_squeeze %dma_start3A_194 : memref<1x1x1x128xi32, #tpu.memory_space<hbm>> -> memref<128xi32, #tpu.memory_space<hbm>>
      %dma_start3A_196 = arith.constant 0 : i32
      %dma_start3A_197 = tpu.memref_slice %arg4[%arg0, %arg1, %add3A_192, %dma_start3A_196] : memref<2x16x164x128xi32, #tpu.memory_space<hbm>> -> memref<1x1x1x128xi32, #tpu.memory_space<hbm>>
      %dma_start3A_198 = tpu.memref_squeeze %dma_start3A_197 : memref<1x1x1x128xi32, #tpu.memory_space<hbm>> -> memref<128xi32, #tpu.memory_space<hbm>>
      tpu.enqueue_dma source(%dma_start3A_198 : memref<128xi32, #tpu.memory_space<hbm>>) target(%arg10 : memref<128xi32, #tpu.memory_space<vmem>>) target_semaphore(%arg19 : memref<!tpu.dma_semaphore, #tpu.memory_space<semaphore_mem>>)
    }
    %scan3A_75 = arith.constant 81 : i32
    %dma_wait3A_76 = arith.constant 0 : i32
    %dma_wait3A_77 = arith.constant 0 : i32
    %dma_wait3A_78 = tpu.memref_slice %arg2[%dma_wait3A_76, %dma_wait3A_77] : memref<20480x128xf32, #tpu.memory_space<hbm>> -> memref<20480x128xf32, #tpu.memory_space<hbm>>
    tpu.wait_indirect_dma semaphore(%arg14 : memref<!tpu.dma_semaphore, #tpu.memory_space<semaphore_mem>>) src(%dma_wait3A_78 : memref<20480x128xf32, #tpu.memory_space<hbm>>) dst(%arg11 : memref<128x128xf32, #tpu.memory_space<vmem>>)
    %dma_wait3A_79 = arith.constant 0 : i32
    %dma_wait3A_80 = arith.constant 0 : i32
    %dma_wait3A_81 = tpu.memref_slice %arg3[%arg0, %arg1, %dma_wait3A_79, %dma_wait3A_80] : memref<2x16x164x128xi32, #tpu.memory_space<hbm>> -> memref<1x1x1x128xi32, #tpu.memory_space<hbm>>
    %dma_wait3A_82 = tpu.memref_squeeze %dma_wait3A_81 : memref<1x1x1x128xi32, #tpu.memory_space<hbm>> -> memref<128xi32, #tpu.memory_space<hbm>>
    %dma_wait3A_83 = arith.constant 0 : i32
    %dma_wait3A_84 = tpu.memref_slice %arg3[%arg0, %arg1, %dma_wait3A_79, %dma_wait3A_83] : memref<2x16x164x128xi32, #tpu.memory_space<hbm>> -> memref<1x1x1x128xi32, #tpu.memory_space<hbm>>
    %dma_wait3A_85 = tpu.memref_squeeze %dma_wait3A_84 : memref<1x1x1x128xi32, #tpu.memory_space<hbm>> -> memref<128xi32, #tpu.memory_space<hbm>>
    tpu.wait_dma2 semaphore(%arg18 : memref<!tpu.dma_semaphore, #tpu.memory_space<semaphore_mem>>) src(%dma_wait3A_85 : memref<128xi32, #tpu.memory_space<hbm>>) dst(%arg9 : memref<128xi32, #tpu.memory_space<vmem>>)
    %dma_wait3A_86 = arith.constant 0 : i32
    %dma_wait3A_87 = arith.constant 0 : i32
    %dma_wait3A_88 = tpu.memref_slice %arg4[%arg0, %arg1, %dma_wait3A_86, %dma_wait3A_87] : memref<2x16x164x128xi32, #tpu.memory_space<hbm>> -> memref<1x1x1x128xi32, #tpu.memory_space<hbm>>
    %dma_wait3A_89 = tpu.memref_squeeze %dma_wait3A_88 : memref<1x1x1x128xi32, #tpu.memory_space<hbm>> -> memref<128xi32, #tpu.memory_space<hbm>>
    %dma_wait3A_90 = arith.constant 0 : i32
    %dma_wait3A_91 = tpu.memref_slice %arg4[%arg0, %arg1, %dma_wait3A_86, %dma_wait3A_90] : memref<2x16x164x128xi32, #tpu.memory_space<hbm>> -> memref<1x1x1x128xi32, #tpu.memory_space<hbm>>
    %dma_wait3A_92 = tpu.memref_squeeze %dma_wait3A_91 : memref<1x1x1x128xi32, #tpu.memory_space<hbm>> -> memref<128xi32, #tpu.memory_space<hbm>>
    tpu.wait_dma2 semaphore(%arg19 : memref<!tpu.dma_semaphore, #tpu.memory_space<semaphore_mem>>) src(%dma_wait3A_92 : memref<128xi32, #tpu.memory_space<hbm>>) dst(%arg10 : memref<128xi32, #tpu.memory_space<vmem>>)
    %barrier3A_93 = arith.constant 0 : index
    tpu.barrier barrier_id(%barrier3A_93)
    %mul3A_94 = arith.constant 5 : i32
    %mul3A_95 = arith.muli %arg1, %mul3A_94 : i32
    %add3A_96 = arith.constant 0 : i32
    %add3A_97 = arith.addi %mul3A_95, %add3A_96 : i32
    %mul3A_98 = arith.constant 128 : i32
    %mul3A_99 = arith.muli %add3A_97, %mul3A_98 : i32
    "tpu.region"() ({
      %run_scoped3A = tpu.sem_alloc : memref<!tpu.dma_semaphore, #tpu.memory_space<semaphore_mem>>
      %dma_start3A_124 = arith.constant 0 : i32
      %dma_start3A_125 = tpu.memref_slice %arg13[%mul3A_99, %dma_start3A_124] : memref<10240x128xf32, #tpu.memory_space<vmem_shared>> -> memref<128x128xf32, #tpu.memory_space<vmem_shared>>
      %dma_start3A_126 = arith.constant 0 : i32
      %dma_start3A_127 = tpu.memref_slice %arg13[%mul3A_99, %dma_start3A_126] : memref<10240x128xf32, #tpu.memory_space<vmem_shared>> -> memref<128x128xf32, #tpu.memory_space<vmem_shared>>
      tpu.enqueue_dma source(%dma_start3A_127 : memref<128x128xf32, #tpu.memory_space<vmem_shared>>) target(%arg11 : memref<128x128xf32, #tpu.memory_space<vmem>>) target_semaphore(%run_scoped3A : memref<!tpu.dma_semaphore, #tpu.memory_space<semaphore_mem>>)
      %dma_wait3A_128 = arith.constant 0 : i32
      %dma_wait3A_129 = tpu.memref_slice %arg13[%mul3A_99, %dma_wait3A_128] : memref<10240x128xf32, #tpu.memory_space<vmem_shared>> -> memref<128x128xf32, #tpu.memory_space<vmem_shared>>
      %dma_wait3A_130 = arith.constant 0 : i32
      %dma_wait3A_131 = tpu.memref_slice %arg13[%mul3A_99, %dma_wait3A_130] : memref<10240x128xf32, #tpu.memory_space<vmem_shared>> -> memref<128x128xf32, #tpu.memory_space<vmem_shared>>
      tpu.wait_dma2 semaphore(%run_scoped3A : memref<!tpu.dma_semaphore, #tpu.memory_space<semaphore_mem>>) src(%dma_wait3A_131 : memref<128x128xf32, #tpu.memory_space<vmem_shared>>) dst(%arg11 : memref<128x128xf32, #tpu.memory_space<vmem>>)
      tpu.yield
    }) : () -> ()
    "tpu.region"() ({
      %run_scoped3A = tpu.sem_alloc : memref<!tpu.dma_semaphore, #tpu.memory_space<semaphore_mem>>
      %dma_start3A_124 = arith.constant 0 : i32
      %dma_start3A_125 = tpu.memref_slice %arg6[%arg0, %mul3A_99, %dma_start3A_124] : memref<2x10240x128xf32, #tpu.memory_space<hbm>> -> memref<1x128x128xf32, #tpu.memory_space<hbm>>
      %dma_start3A_126 = tpu.memref_squeeze %dma_start3A_125 : memref<1x128x128xf32, #tpu.memory_space<hbm>> -> memref<128x128xf32, #tpu.memory_space<hbm>>
      %dma_start3A_127 = arith.constant 0 : i32
      %dma_start3A_128 = tpu.memref_slice %arg6[%arg0, %mul3A_99, %dma_start3A_127] : memref<2x10240x128xf32, #tpu.memory_space<hbm>> -> memref<1x128x128xf32, #tpu.memory_space<hbm>>
      %dma_start3A_129 = tpu.memref_squeeze %dma_start3A_128 : memref<1x128x128xf32, #tpu.memory_space<hbm>> -> memref<128x128xf32, #tpu.memory_space<hbm>>
      tpu.enqueue_dma source(%arg11 : memref<128x128xf32, #tpu.memory_space<vmem>>) target(%dma_start3A_129 : memref<128x128xf32, #tpu.memory_space<hbm>>) target_semaphore(%run_scoped3A : memref<!tpu.dma_semaphore, #tpu.memory_space<semaphore_mem>>)
      %dma_wait3A_130 = arith.constant 0 : i32
      %dma_wait3A_131 = tpu.memref_slice %arg6[%arg0, %mul3A_99, %dma_wait3A_130] : memref<2x10240x128xf32, #tpu.memory_space<hbm>> -> memref<1x128x128xf32, #tpu.memory_space<hbm>>
      %dma_wait3A_132 = tpu.memref_squeeze %dma_wait3A_131 : memref<1x128x128xf32, #tpu.memory_space<hbm>> -> memref<128x128xf32, #tpu.memory_space<hbm>>
      %dma_wait3A_133 = arith.constant 0 : i32
      %dma_wait3A_134 = tpu.memref_slice %arg6[%arg0, %mul3A_99, %dma_wait3A_133] : memref<2x10240x128xf32, #tpu.memory_space<hbm>> -> memref<1x128x128xf32, #tpu.memory_space<hbm>>
      %dma_wait3A_135 = tpu.memref_squeeze %dma_wait3A_134 : memref<1x128x128xf32, #tpu.memory_space<hbm>> -> memref<128x128xf32, #tpu.memory_space<hbm>>
      tpu.wait_dma2 semaphore(%run_scoped3A : memref<!tpu.dma_semaphore, #tpu.memory_space<semaphore_mem>>) src(%arg11 : memref<128x128xf32, #tpu.memory_space<vmem>>) dst(%dma_wait3A_135 : memref<128x128xf32, #tpu.memory_space<hbm>>)
      tpu.yield
    }) : () -> ()
    %mul3A_100 = arith.constant 5 : i32
    %mul3A_101 = arith.muli %arg1, %mul3A_100 : i32
    %add3A_102 = arith.constant 1 : i32
    %add3A_103 = arith.addi %mul3A_101, %add3A_102 : i32
    %mul3A_104 = arith.constant 128 : i32
    %mul3A_105 = arith.muli %add3A_103, %mul3A_104 : i32
    "tpu.region"() ({
      %run_scoped3A = tpu.sem_alloc : memref<!tpu.dma_semaphore, #tpu.memory_space<semaphore_mem>>
      %dma_start3A_124 = arith.constant 0 : i32
      %dma_start3A_125 = tpu.memref_slice %arg13[%mul3A_105, %dma_start3A_124] : memref<10240x128xf32, #tpu.memory_space<vmem_shared>> -> memref<128x128xf32, #tpu.memory_space<vmem_shared>>
      %dma_start3A_126 = arith.constant 0 : i32
      %dma_start3A_127 = tpu.memref_slice %arg13[%mul3A_105, %dma_start3A_126] : memref<10240x128xf32, #tpu.memory_space<vmem_shared>> -> memref<128x128xf32, #tpu.memory_space<vmem_shared>>
      tpu.enqueue_dma source(%dma_start3A_127 : memref<128x128xf32, #tpu.memory_space<vmem_shared>>) target(%arg11 : memref<128x128xf32, #tpu.memory_space<vmem>>) target_semaphore(%run_scoped3A : memref<!tpu.dma_semaphore, #tpu.memory_space<semaphore_mem>>)
      %dma_wait3A_128 = arith.constant 0 : i32
      %dma_wait3A_129 = tpu.memref_slice %arg13[%mul3A_105, %dma_wait3A_128] : memref<10240x128xf32, #tpu.memory_space<vmem_shared>> -> memref<128x128xf32, #tpu.memory_space<vmem_shared>>
      %dma_wait3A_130 = arith.constant 0 : i32
      %dma_wait3A_131 = tpu.memref_slice %arg13[%mul3A_105, %dma_wait3A_130] : memref<10240x128xf32, #tpu.memory_space<vmem_shared>> -> memref<128x128xf32, #tpu.memory_space<vmem_shared>>
      tpu.wait_dma2 semaphore(%run_scoped3A : memref<!tpu.dma_semaphore, #tpu.memory_space<semaphore_mem>>) src(%dma_wait3A_131 : memref<128x128xf32, #tpu.memory_space<vmem_shared>>) dst(%arg11 : memref<128x128xf32, #tpu.memory_space<vmem>>)
      tpu.yield
    }) : () -> ()
    "tpu.region"() ({
      %run_scoped3A = tpu.sem_alloc : memref<!tpu.dma_semaphore, #tpu.memory_space<semaphore_mem>>
      %dma_start3A_124 = arith.constant 0 : i32
      %dma_start3A_125 = tpu.memref_slice %arg6[%arg0, %mul3A_105, %dma_start3A_124] : memref<2x10240x128xf32, #tpu.memory_space<hbm>> -> memref<1x128x128xf32, #tpu.memory_space<hbm>>
      %dma_start3A_126 = tpu.memref_squeeze %dma_start3A_125 : memref<1x128x128xf32, #tpu.memory_space<hbm>> -> memref<128x128xf32, #tpu.memory_space<hbm>>
      %dma_start3A_127 = arith.constant 0 : i32
      %dma_start3A_128 = tpu.memref_slice %arg6[%arg0, %mul3A_105, %dma_start3A_127] : memref<2x10240x128xf32, #tpu.memory_space<hbm>> -> memref<1x128x128xf32, #tpu.memory_space<hbm>>
      %dma_start3A_129 = tpu.memref_squeeze %dma_start3A_128 : memref<1x128x128xf32, #tpu.memory_space<hbm>> -> memref<128x128xf32, #tpu.memory_space<hbm>>
      tpu.enqueue_dma source(%arg11 : memref<128x128xf32, #tpu.memory_space<vmem>>) target(%dma_start3A_129 : memref<128x128xf32, #tpu.memory_space<hbm>>) target_semaphore(%run_scoped3A : memref<!tpu.dma_semaphore, #tpu.memory_space<semaphore_mem>>)
      %dma_wait3A_130 = arith.constant 0 : i32
      %dma_wait3A_131 = tpu.memref_slice %arg6[%arg0, %mul3A_105, %dma_wait3A_130] : memref<2x10240x128xf32, #tpu.memory_space<hbm>> -> memref<1x128x128xf32, #tpu.memory_space<hbm>>
      %dma_wait3A_132 = tpu.memref_squeeze %dma_wait3A_131 : memref<1x128x128xf32, #tpu.memory_space<hbm>> -> memref<128x128xf32, #tpu.memory_space<hbm>>
      %dma_wait3A_133 = arith.constant 0 : i32
      %dma_wait3A_134 = tpu.memref_slice %arg6[%arg0, %mul3A_105, %dma_wait3A_133] : memref<2x10240x128xf32, #tpu.memory_space<hbm>> -> memref<1x128x128xf32, #tpu.memory_space<hbm>>
      %dma_wait3A_135 = tpu.memref_squeeze %dma_wait3A_134 : memref<1x128x128xf32, #tpu.memory_space<hbm>> -> memref<128x128xf32, #tpu.memory_space<hbm>>
      tpu.wait_dma2 semaphore(%run_scoped3A : memref<!tpu.dma_semaphore, #tpu.memory_space<semaphore_mem>>) src(%arg11 : memref<128x128xf32, #tpu.memory_space<vmem>>) dst(%dma_wait3A_135 : memref<128x128xf32, #tpu.memory_space<hbm>>)
      tpu.yield
    }) : () -> ()
    %mul3A_106 = arith.constant 5 : i32
    %mul3A_107 = arith.muli %arg1, %mul3A_106 : i32
    %add3A_108 = arith.constant 2 : i32
    %add3A_109 = arith.addi %mul3A_107, %add3A_108 : i32
    %mul3A_110 = arith.constant 128 : i32
    %mul3A_111 = arith.muli %add3A_109, %mul3A_110 : i32
    "tpu.region"() ({
      %run_scoped3A = tpu.sem_alloc : memref<!tpu.dma_semaphore, #tpu.memory_space<semaphore_mem>>
      %dma_start3A_124 = arith.constant 0 : i32
      %dma_start3A_125 = tpu.memref_slice %arg13[%mul3A_111, %dma_start3A_124] : memref<10240x128xf32, #tpu.memory_space<vmem_shared>> -> memref<128x128xf32, #tpu.memory_space<vmem_shared>>
      %dma_start3A_126 = arith.constant 0 : i32
      %dma_start3A_127 = tpu.memref_slice %arg13[%mul3A_111, %dma_start3A_126] : memref<10240x128xf32, #tpu.memory_space<vmem_shared>> -> memref<128x128xf32, #tpu.memory_space<vmem_shared>>
      tpu.enqueue_dma source(%dma_start3A_127 : memref<128x128xf32, #tpu.memory_space<vmem_shared>>) target(%arg11 : memref<128x128xf32, #tpu.memory_space<vmem>>) target_semaphore(%run_scoped3A : memref<!tpu.dma_semaphore, #tpu.memory_space<semaphore_mem>>)
      %dma_wait3A_128 = arith.constant 0 : i32
      %dma_wait3A_129 = tpu.memref_slice %arg13[%mul3A_111, %dma_wait3A_128] : memref<10240x128xf32, #tpu.memory_space<vmem_shared>> -> memref<128x128xf32, #tpu.memory_space<vmem_shared>>
      %dma_wait3A_130 = arith.constant 0 : i32
      %dma_wait3A_131 = tpu.memref_slice %arg13[%mul3A_111, %dma_wait3A_130] : memref<10240x128xf32, #tpu.memory_space<vmem_shared>> -> memref<128x128xf32, #tpu.memory_space<vmem_shared>>
      tpu.wait_dma2 semaphore(%run_scoped3A : memref<!tpu.dma_semaphore, #tpu.memory_space<semaphore_mem>>) src(%dma_wait3A_131 : memref<128x128xf32, #tpu.memory_space<vmem_shared>>) dst(%arg11 : memref<128x128xf32, #tpu.memory_space<vmem>>)
      tpu.yield
    }) : () -> ()
    "tpu.region"() ({
      %run_scoped3A = tpu.sem_alloc : memref<!tpu.dma_semaphore, #tpu.memory_space<semaphore_mem>>
      %dma_start3A_124 = arith.constant 0 : i32
      %dma_start3A_125 = tpu.memref_slice %arg6[%arg0, %mul3A_111, %dma_start3A_124] : memref<2x10240x128xf32, #tpu.memory_space<hbm>> -> memref<1x128x128xf32, #tpu.memory_space<hbm>>
      %dma_start3A_126 = tpu.memref_squeeze %dma_start3A_125 : memref<1x128x128xf32, #tpu.memory_space<hbm>> -> memref<128x128xf32, #tpu.memory_space<hbm>>
      %dma_start3A_127 = arith.constant 0 : i32
      %dma_start3A_128 = tpu.memref_slice %arg6[%arg0, %mul3A_111, %dma_start3A_127] : memref<2x10240x128xf32, #tpu.memory_space<hbm>> -> memref<1x128x128xf32, #tpu.memory_space<hbm>>
      %dma_start3A_129 = tpu.memref_squeeze %dma_start3A_128 : memref<1x128x128xf32, #tpu.memory_space<hbm>> -> memref<128x128xf32, #tpu.memory_space<hbm>>
      tpu.enqueue_dma source(%arg11 : memref<128x128xf32, #tpu.memory_space<vmem>>) target(%dma_start3A_129 : memref<128x128xf32, #tpu.memory_space<hbm>>) target_semaphore(%run_scoped3A : memref<!tpu.dma_semaphore, #tpu.memory_space<semaphore_mem>>)
      %dma_wait3A_130 = arith.constant 0 : i32
      %dma_wait3A_131 = tpu.memref_slice %arg6[%arg0, %mul3A_111, %dma_wait3A_130] : memref<2x10240x128xf32, #tpu.memory_space<hbm>> -> memref<1x128x128xf32, #tpu.memory_space<hbm>>
      %dma_wait3A_132 = tpu.memref_squeeze %dma_wait3A_131 : memref<1x128x128xf32, #tpu.memory_space<hbm>> -> memref<128x128xf32, #tpu.memory_space<hbm>>
      %dma_wait3A_133 = arith.constant 0 : i32
      %dma_wait3A_134 = tpu.memref_slice %arg6[%arg0, %mul3A_111, %dma_wait3A_133] : memref<2x10240x128xf32, #tpu.memory_space<hbm>> -> memref<1x128x128xf32, #tpu.memory_space<hbm>>
      %dma_wait3A_135 = tpu.memref_squeeze %dma_wait3A_134 : memref<1x128x128xf32, #tpu.memory_space<hbm>> -> memref<128x128xf32, #tpu.memory_space<hbm>>
      tpu.wait_dma2 semaphore(%run_scoped3A : memref<!tpu.dma_semaphore, #tpu.memory_space<semaphore_mem>>) src(%arg11 : memref<128x128xf32, #tpu.memory_space<vmem>>) dst(%dma_wait3A_135 : memref<128x128xf32, #tpu.memory_space<hbm>>)
      tpu.yield
    }) : () -> ()
    %mul3A_112 = arith.constant 5 : i32
    %mul3A_113 = arith.muli %arg1, %mul3A_112 : i32
    %add3A_114 = arith.constant 3 : i32
    %add3A_115 = arith.addi %mul3A_113, %add3A_114 : i32
    %mul3A_116 = arith.constant 128 : i32
    %mul3A_117 = arith.muli %add3A_115, %mul3A_116 : i32
    "tpu.region"() ({
      %run_scoped3A = tpu.sem_alloc : memref<!tpu.dma_semaphore, #tpu.memory_space<semaphore_mem>>
      %dma_start3A_124 = arith.constant 0 : i32
      %dma_start3A_125 = tpu.memref_slice %arg13[%mul3A_117, %dma_start3A_124] : memref<10240x128xf32, #tpu.memory_space<vmem_shared>> -> memref<128x128xf32, #tpu.memory_space<vmem_shared>>
      %dma_start3A_126 = arith.constant 0 : i32
      %dma_start3A_127 = tpu.memref_slice %arg13[%mul3A_117, %dma_start3A_126] : memref<10240x128xf32, #tpu.memory_space<vmem_shared>> -> memref<128x128xf32, #tpu.memory_space<vmem_shared>>
      tpu.enqueue_dma source(%dma_start3A_127 : memref<128x128xf32, #tpu.memory_space<vmem_shared>>) target(%arg11 : memref<128x128xf32, #tpu.memory_space<vmem>>) target_semaphore(%run_scoped3A : memref<!tpu.dma_semaphore, #tpu.memory_space<semaphore_mem>>)
      %dma_wait3A_128 = arith.constant 0 : i32
      %dma_wait3A_129 = tpu.memref_slice %arg13[%mul3A_117, %dma_wait3A_128] : memref<10240x128xf32, #tpu.memory_space<vmem_shared>> -> memref<128x128xf32, #tpu.memory_space<vmem_shared>>
      %dma_wait3A_130 = arith.constant 0 : i32
      %dma_wait3A_131 = tpu.memref_slice %arg13[%mul3A_117, %dma_wait3A_130] : memref<10240x128xf32, #tpu.memory_space<vmem_shared>> -> memref<128x128xf32, #tpu.memory_space<vmem_shared>>
      tpu.wait_dma2 semaphore(%run_scoped3A : memref<!tpu.dma_semaphore, #tpu.memory_space<semaphore_mem>>) src(%dma_wait3A_131 : memref<128x128xf32, #tpu.memory_space<vmem_shared>>) dst(%arg11 : memref<128x128xf32, #tpu.memory_space<vmem>>)
      tpu.yield
    }) : () -> ()
    "tpu.region"() ({
      %run_scoped3A = tpu.sem_alloc : memref<!tpu.dma_semaphore, #tpu.memory_space<semaphore_mem>>
      %dma_start3A_124 = arith.constant 0 : i32
      %dma_start3A_125 = tpu.memref_slice %arg6[%arg0, %mul3A_117, %dma_start3A_124] : memref<2x10240x128xf32, #tpu.memory_space<hbm>> -> memref<1x128x128xf32, #tpu.memory_space<hbm>>
      %dma_start3A_126 = tpu.memref_squeeze %dma_start3A_125 : memref<1x128x128xf32, #tpu.memory_space<hbm>> -> memref<128x128xf32, #tpu.memory_space<hbm>>
      %dma_start3A_127 = arith.constant 0 : i32
      %dma_start3A_128 = tpu.memref_slice %arg6[%arg0, %mul3A_117, %dma_start3A_127] : memref<2x10240x128xf32, #tpu.memory_space<hbm>> -> memref<1x128x128xf32, #tpu.memory_space<hbm>>
      %dma_start3A_129 = tpu.memref_squeeze %dma_start3A_128 : memref<1x128x128xf32, #tpu.memory_space<hbm>> -> memref<128x128xf32, #tpu.memory_space<hbm>>
      tpu.enqueue_dma source(%arg11 : memref<128x128xf32, #tpu.memory_space<vmem>>) target(%dma_start3A_129 : memref<128x128xf32, #tpu.memory_space<hbm>>) target_semaphore(%run_scoped3A : memref<!tpu.dma_semaphore, #tpu.memory_space<semaphore_mem>>)
      %dma_wait3A_130 = arith.constant 0 : i32
      %dma_wait3A_131 = tpu.memref_slice %arg6[%arg0, %mul3A_117, %dma_wait3A_130] : memref<2x10240x128xf32, #tpu.memory_space<hbm>> -> memref<1x128x128xf32, #tpu.memory_space<hbm>>
      %dma_wait3A_132 = tpu.memref_squeeze %dma_wait3A_131 : memref<1x128x128xf32, #tpu.memory_space<hbm>> -> memref<128x128xf32, #tpu.memory_space<hbm>>
      %dma_wait3A_133 = arith.constant 0 : i32
      %dma_wait3A_134 = tpu.memref_slice %arg6[%arg0, %mul3A_117, %dma_wait3A_133] : memref<2x10240x128xf32, #tpu.memory_space<hbm>> -> memref<1x128x128xf32, #tpu.memory_space<hbm>>
      %dma_wait3A_135 = tpu.memref_squeeze %dma_wait3A_134 : memref<1x128x128xf32, #tpu.memory_space<hbm>> -> memref<128x128xf32, #tpu.memory_space<hbm>>
      tpu.wait_dma2 semaphore(%run_scoped3A : memref<!tpu.dma_semaphore, #tpu.memory_space<semaphore_mem>>) src(%arg11 : memref<128x128xf32, #tpu.memory_space<vmem>>) dst(%dma_wait3A_135 : memref<128x128xf32, #tpu.memory_space<hbm>>)
      tpu.yield
    }) : () -> ()
    %mul3A_118 = arith.constant 5 : i32
    %mul3A_119 = arith.muli %arg1, %mul3A_118 : i32
    %add3A_120 = arith.constant 4 : i32
    %add3A_121 = arith.addi %mul3A_119, %add3A_120 : i32
    %mul3A_122 = arith.constant 128 : i32
    %mul3A_123 = arith.muli %add3A_121, %mul3A_122 : i32
    "tpu.region"() ({
      %run_scoped3A = tpu.sem_alloc : memref<!tpu.dma_semaphore, #tpu.memory_space<semaphore_mem>>
      %dma_start3A_124 = arith.constant 0 : i32
      %dma_start3A_125 = tpu.memref_slice %arg13[%mul3A_123, %dma_start3A_124] : memref<10240x128xf32, #tpu.memory_space<vmem_shared>> -> memref<128x128xf32, #tpu.memory_space<vmem_shared>>
      %dma_start3A_126 = arith.constant 0 : i32
      %dma_start3A_127 = tpu.memref_slice %arg13[%mul3A_123, %dma_start3A_126] : memref<10240x128xf32, #tpu.memory_space<vmem_shared>> -> memref<128x128xf32, #tpu.memory_space<vmem_shared>>
      tpu.enqueue_dma source(%dma_start3A_127 : memref<128x128xf32, #tpu.memory_space<vmem_shared>>) target(%arg11 : memref<128x128xf32, #tpu.memory_space<vmem>>) target_semaphore(%run_scoped3A : memref<!tpu.dma_semaphore, #tpu.memory_space<semaphore_mem>>)
      %dma_wait3A_128 = arith.constant 0 : i32
      %dma_wait3A_129 = tpu.memref_slice %arg13[%mul3A_123, %dma_wait3A_128] : memref<10240x128xf32, #tpu.memory_space<vmem_shared>> -> memref<128x128xf32, #tpu.memory_space<vmem_shared>>
      %dma_wait3A_130 = arith.constant 0 : i32
      %dma_wait3A_131 = tpu.memref_slice %arg13[%mul3A_123, %dma_wait3A_130] : memref<10240x128xf32, #tpu.memory_space<vmem_shared>> -> memref<128x128xf32, #tpu.memory_space<vmem_shared>>
      tpu.wait_dma2 semaphore(%run_scoped3A : memref<!tpu.dma_semaphore, #tpu.memory_space<semaphore_mem>>) src(%dma_wait3A_131 : memref<128x128xf32, #tpu.memory_space<vmem_shared>>) dst(%arg11 : memref<128x128xf32, #tpu.memory_space<vmem>>)
      tpu.yield
    }) : () -> ()
    "tpu.region"() ({
      %run_scoped3A = tpu.sem_alloc : memref<!tpu.dma_semaphore, #tpu.memory_space<semaphore_mem>>
      %dma_start3A_124 = arith.constant 0 : i32
      %dma_start3A_125 = tpu.memref_slice %arg6[%arg0, %mul3A_123, %dma_start3A_124] : memref<2x10240x128xf32, #tpu.memory_space<hbm>> -> memref<1x128x128xf32, #tpu.memory_space<hbm>>
      %dma_start3A_126 = tpu.memref_squeeze %dma_start3A_125 : memref<1x128x128xf32, #tpu.memory_space<hbm>> -> memref<128x128xf32, #tpu.memory_space<hbm>>
      %dma_start3A_127 = arith.constant 0 : i32
      %dma_start3A_128 = tpu.memref_slice %arg6[%arg0, %mul3A_123, %dma_start3A_127] : memref<2x10240x128xf32, #tpu.memory_space<hbm>> -> memref<1x128x128xf32, #tpu.memory_space<hbm>>
      %dma_start3A_129 = tpu.memref_squeeze %dma_start3A_128 : memref<1x128x128xf32, #tpu.memory_space<hbm>> -> memref<128x128xf32, #tpu.memory_space<hbm>>
      tpu.enqueue_dma source(%arg11 : memref<128x128xf32, #tpu.memory_space<vmem>>) target(%dma_start3A_129 : memref<128x128xf32, #tpu.memory_space<hbm>>) target_semaphore(%run_scoped3A : memref<!tpu.dma_semaphore, #tpu.memory_space<semaphore_mem>>)
      %dma_wait3A_130 = arith.constant 0 : i32
      %dma_wait3A_131 = tpu.memref_slice %arg6[%arg0, %mul3A_123, %dma_wait3A_130] : memref<2x10240x128xf32, #tpu.memory_space<hbm>> -> memref<1x128x128xf32, #tpu.memory_space<hbm>>
      %dma_wait3A_132 = tpu.memref_squeeze %dma_wait3A_131 : memref<1x128x128xf32, #tpu.memory_space<hbm>> -> memref<128x128xf32, #tpu.memory_space<hbm>>
      %dma_wait3A_133 = arith.constant 0 : i32
      %dma_wait3A_134 = tpu.memref_slice %arg6[%arg0, %mul3A_123, %dma_wait3A_133] : memref<2x10240x128xf32, #tpu.memory_space<hbm>> -> memref<1x128x128xf32, #tpu.memory_space<hbm>>
      %dma_wait3A_135 = tpu.memref_squeeze %dma_wait3A_134 : memref<1x128x128xf32, #tpu.memory_space<hbm>> -> memref<128x128xf32, #tpu.memory_space<hbm>>
      tpu.wait_dma2 semaphore(%run_scoped3A : memref<!tpu.dma_semaphore, #tpu.memory_space<semaphore_mem>>) src(%arg11 : memref<128x128xf32, #tpu.memory_space<vmem>>) dst(%dma_wait3A_135 : memref<128x128xf32, #tpu.memory_space<hbm>>)
      tpu.yield
    }) : () -> ()
    return
  }
}

#map = affine_map<(d0, d1) -> (0, 0)>
#map1 = affine_map<(d0, d1) -> (0, 0, 0, 0)>
#map2 = affine_map<(d0, d1) -> (0, 0, 0)>
module attributes {stable_mosaic.version = 14 : i64} {
  func.func @edge_kernel(%arg0: i32, %arg1: i32, %arg2: memref<20480x128xf32, #tpu.memory_space<hbm>>, %arg3: memref<2x16x164x128xi32, #tpu.memory_space<hbm>>, %arg4: memref<2x16x164x128xi32, #tpu.memory_space<hbm>>, %arg5: memref<128x128xf32, #tpu.memory_space<hbm>>, %arg6: memref<2x10240x128xf32, #tpu.memory_space<hbm>>, %arg7: memref<128xi32, #tpu.memory_space<vmem>>, %arg8: memref<128xi32, #tpu.memory_space<vmem>>, %arg9: memref<128xi32, #tpu.memory_space<vmem>>, %arg10: memref<128xi32, #tpu.memory_space<vmem>>, %arg11: memref<128x128xf32, #tpu.memory_space<vmem>>, %arg12: memref<128x128xf32, #tpu.memory_space<vmem>>, %arg13: memref<10240x128xf32, #tpu.memory_space<vmem_shared>>, %arg14: memref<!tpu.dma_semaphore, #tpu.memory_space<semaphore_mem>>, %arg15: memref<!tpu.dma_semaphore, #tpu.memory_space<semaphore_mem>>, %arg16: memref<!tpu.dma_semaphore, #tpu.memory_space<semaphore_mem>>, %arg17: memref<!tpu.dma_semaphore, #tpu.memory_space<semaphore_mem>>, %arg18: memref<!tpu.dma_semaphore, #tpu.memory_space<semaphore_mem>>, %arg19: memref<!tpu.dma_semaphore, #tpu.memory_space<semaphore_mem>>) attributes {dimension_semantics = [#tpu.dimension_semantics<core_parallel>, #tpu.dimension_semantics<subcore_parallel>], iteration_bounds = array<i64: 2, 16>, scalar_prefetch = 0 : i64, scratch_operands = 13 : i64, tpu.core_type = #tpu.core_type<sc_vector_subcore>, window_params = [{transform_indices = #map}, {transform_indices = #map1}, {transform_indices = #map1}, {transform_indices = #map}, {transform_indices = #map2}]} {
    "tpu.region"() ({
      %run_scoped3A = tpu.sem_alloc : memref<!tpu.dma_semaphore, #tpu.memory_space<semaphore_mem>>
      tpu.enqueue_dma source(%arg5 : memref<128x128xf32, #tpu.memory_space<hbm>>) target(%arg11 : memref<128x128xf32, #tpu.memory_space<vmem>>) target_semaphore(%run_scoped3A : memref<!tpu.dma_semaphore, #tpu.memory_space<semaphore_mem>>)
      tpu.wait_dma2 semaphore(%run_scoped3A : memref<!tpu.dma_semaphore, #tpu.memory_space<semaphore_mem>>) src(%arg5 : memref<128x128xf32, #tpu.memory_space<hbm>>) dst(%arg11 : memref<128x128xf32, #tpu.memory_space<vmem>>)
      tpu.yield
    }) : () -> ()
    %mul3A = arith.constant 5 : i32
    %mul3A_0 = arith.muli %arg1, %mul3A : i32
    %add3A = arith.constant 0 : i32
    %add3A_1 = arith.addi %mul3A_0, %add3A : i32
    %mul3A_2 = arith.constant 128 : i32
    %mul3A_3 = arith.muli %add3A_1, %mul3A_2 : i32
    "tpu.region"() ({
      %run_scoped3A = tpu.sem_alloc : memref<!tpu.dma_semaphore, #tpu.memory_space<semaphore_mem>>
      %dma_start3A_124 = arith.constant 0 : i32
      %dma_start3A_125 = tpu.memref_slice %arg13[%mul3A_3, %dma_start3A_124] : memref<10240x128xf32, #tpu.memory_space<vmem_shared>> -> memref<128x128xf32, #tpu.memory_space<vmem_shared>>
      %dma_start3A_126 = arith.constant 0 : i32
      %dma_start3A_127 = tpu.memref_slice %arg13[%mul3A_3, %dma_start3A_126] : memref<10240x128xf32, #tpu.memory_space<vmem_shared>> -> memref<128x128xf32, #tpu.memory_space<vmem_shared>>
      tpu.enqueue_dma source(%arg11 : memref<128x128xf32, #tpu.memory_space<vmem>>) target(%dma_start3A_127 : memref<128x128xf32, #tpu.memory_space<vmem_shared>>) target_semaphore(%run_scoped3A : memref<!tpu.dma_semaphore, #tpu.memory_space<semaphore_mem>>)
      %dma_wait3A_128 = arith.constant 0 : i32
      %dma_wait3A_129 = tpu.memref_slice %arg13[%mul3A_3, %dma_wait3A_128] : memref<10240x128xf32, #tpu.memory_space<vmem_shared>> -> memref<128x128xf32, #tpu.memory_space<vmem_shared>>
      %dma_wait3A_130 = arith.constant 0 : i32
      %dma_wait3A_131 = tpu.memref_slice %arg13[%mul3A_3, %dma_wait3A_130] : memref<10240x128xf32, #tpu.memory_space<vmem_shared>> -> memref<128x128xf32, #tpu.memory_space<vmem_shared>>
      tpu.wait_dma2 semaphore(%run_scoped3A : memref<!tpu.dma_semaphore, #tpu.memory_space<semaphore_mem>>) src(%arg11 : memref<128x128xf32, #tpu.memory_space<vmem>>) dst(%dma_wait3A_131 : memref<128x128xf32, #tpu.memory_space<vmem_shared>>)
      tpu.yield
    }) : () -> ()
    %mul3A_4 = arith.constant 5 : i32
    %mul3A_5 = arith.muli %arg1, %mul3A_4 : i32
    %add3A_6 = arith.constant 1 : i32
    %add3A_7 = arith.addi %mul3A_5, %add3A_6 : i32
    %mul3A_8 = arith.constant 128 : i32
    %mul3A_9 = arith.muli %add3A_7, %mul3A_8 : i32
    "tpu.region"() ({
      %run_scoped3A = tpu.sem_alloc : memref<!tpu.dma_semaphore, #tpu.memory_space<semaphore_mem>>
      %dma_start3A_124 = arith.constant 0 : i32
      %dma_start3A_125 = tpu.memref_slice %arg13[%mul3A_9, %dma_start3A_124] : memref<10240x128xf32, #tpu.memory_space<vmem_shared>> -> memref<128x128xf32, #tpu.memory_space<vmem_shared>>
      %dma_start3A_126 = arith.constant 0 : i32
      %dma_start3A_127 = tpu.memref_slice %arg13[%mul3A_9, %dma_start3A_126] : memref<10240x128xf32, #tpu.memory_space<vmem_shared>> -> memref<128x128xf32, #tpu.memory_space<vmem_shared>>
      tpu.enqueue_dma source(%arg11 : memref<128x128xf32, #tpu.memory_space<vmem>>) target(%dma_start3A_127 : memref<128x128xf32, #tpu.memory_space<vmem_shared>>) target_semaphore(%run_scoped3A : memref<!tpu.dma_semaphore, #tpu.memory_space<semaphore_mem>>)
      %dma_wait3A_128 = arith.constant 0 : i32
      %dma_wait3A_129 = tpu.memref_slice %arg13[%mul3A_9, %dma_wait3A_128] : memref<10240x128xf32, #tpu.memory_space<vmem_shared>> -> memref<128x128xf32, #tpu.memory_space<vmem_shared>>
      %dma_wait3A_130 = arith.constant 0 : i32
      %dma_wait3A_131 = tpu.memref_slice %arg13[%mul3A_9, %dma_wait3A_130] : memref<10240x128xf32, #tpu.memory_space<vmem_shared>> -> memref<128x128xf32, #tpu.memory_space<vmem_shared>>
      tpu.wait_dma2 semaphore(%run_scoped3A : memref<!tpu.dma_semaphore, #tpu.memory_space<semaphore_mem>>) src(%arg11 : memref<128x128xf32, #tpu.memory_space<vmem>>) dst(%dma_wait3A_131 : memref<128x128xf32, #tpu.memory_space<vmem_shared>>)
      tpu.yield
    }) : () -> ()
    %mul3A_10 = arith.constant 5 : i32
    %mul3A_11 = arith.muli %arg1, %mul3A_10 : i32
    %add3A_12 = arith.constant 2 : i32
    %add3A_13 = arith.addi %mul3A_11, %add3A_12 : i32
    %mul3A_14 = arith.constant 128 : i32
    %mul3A_15 = arith.muli %add3A_13, %mul3A_14 : i32
    "tpu.region"() ({
      %run_scoped3A = tpu.sem_alloc : memref<!tpu.dma_semaphore, #tpu.memory_space<semaphore_mem>>
      %dma_start3A_124 = arith.constant 0 : i32
      %dma_start3A_125 = tpu.memref_slice %arg13[%mul3A_15, %dma_start3A_124] : memref<10240x128xf32, #tpu.memory_space<vmem_shared>> -> memref<128x128xf32, #tpu.memory_space<vmem_shared>>
      %dma_start3A_126 = arith.constant 0 : i32
      %dma_start3A_127 = tpu.memref_slice %arg13[%mul3A_15, %dma_start3A_126] : memref<10240x128xf32, #tpu.memory_space<vmem_shared>> -> memref<128x128xf32, #tpu.memory_space<vmem_shared>>
      tpu.enqueue_dma source(%arg11 : memref<128x128xf32, #tpu.memory_space<vmem>>) target(%dma_start3A_127 : memref<128x128xf32, #tpu.memory_space<vmem_shared>>) target_semaphore(%run_scoped3A : memref<!tpu.dma_semaphore, #tpu.memory_space<semaphore_mem>>)
      %dma_wait3A_128 = arith.constant 0 : i32
      %dma_wait3A_129 = tpu.memref_slice %arg13[%mul3A_15, %dma_wait3A_128] : memref<10240x128xf32, #tpu.memory_space<vmem_shared>> -> memref<128x128xf32, #tpu.memory_space<vmem_shared>>
      %dma_wait3A_130 = arith.constant 0 : i32
      %dma_wait3A_131 = tpu.memref_slice %arg13[%mul3A_15, %dma_wait3A_130] : memref<10240x128xf32, #tpu.memory_space<vmem_shared>> -> memref<128x128xf32, #tpu.memory_space<vmem_shared>>
      tpu.wait_dma2 semaphore(%run_scoped3A : memref<!tpu.dma_semaphore, #tpu.memory_space<semaphore_mem>>) src(%arg11 : memref<128x128xf32, #tpu.memory_space<vmem>>) dst(%dma_wait3A_131 : memref<128x128xf32, #tpu.memory_space<vmem_shared>>)
      tpu.yield
    }) : () -> ()
    %mul3A_16 = arith.constant 5 : i32
    %mul3A_17 = arith.muli %arg1, %mul3A_16 : i32
    %add3A_18 = arith.constant 3 : i32
    %add3A_19 = arith.addi %mul3A_17, %add3A_18 : i32
    %mul3A_20 = arith.constant 128 : i32
    %mul3A_21 = arith.muli %add3A_19, %mul3A_20 : i32
    "tpu.region"() ({
      %run_scoped3A = tpu.sem_alloc : memref<!tpu.dma_semaphore, #tpu.memory_space<semaphore_mem>>
      %dma_start3A_124 = arith.constant 0 : i32
      %dma_start3A_125 = tpu.memref_slice %arg13[%mul3A_21, %dma_start3A_124] : memref<10240x128xf32, #tpu.memory_space<vmem_shared>> -> memref<128x128xf32, #tpu.memory_space<vmem_shared>>
      %dma_start3A_126 = arith.constant 0 : i32
      %dma_start3A_127 = tpu.memref_slice %arg13[%mul3A_21, %dma_start3A_126] : memref<10240x128xf32, #tpu.memory_space<vmem_shared>> -> memref<128x128xf32, #tpu.memory_space<vmem_shared>>
      tpu.enqueue_dma source(%arg11 : memref<128x128xf32, #tpu.memory_space<vmem>>) target(%dma_start3A_127 : memref<128x128xf32, #tpu.memory_space<vmem_shared>>) target_semaphore(%run_scoped3A : memref<!tpu.dma_semaphore, #tpu.memory_space<semaphore_mem>>)
      %dma_wait3A_128 = arith.constant 0 : i32
      %dma_wait3A_129 = tpu.memref_slice %arg13[%mul3A_21, %dma_wait3A_128] : memref<10240x128xf32, #tpu.memory_space<vmem_shared>> -> memref<128x128xf32, #tpu.memory_space<vmem_shared>>
      %dma_wait3A_130 = arith.constant 0 : i32
      %dma_wait3A_131 = tpu.memref_slice %arg13[%mul3A_21, %dma_wait3A_130] : memref<10240x128xf32, #tpu.memory_space<vmem_shared>> -> memref<128x128xf32, #tpu.memory_space<vmem_shared>>
      tpu.wait_dma2 semaphore(%run_scoped3A : memref<!tpu.dma_semaphore, #tpu.memory_space<semaphore_mem>>) src(%arg11 : memref<128x128xf32, #tpu.memory_space<vmem>>) dst(%dma_wait3A_131 : memref<128x128xf32, #tpu.memory_space<vmem_shared>>)
      tpu.yield
    }) : () -> ()
    %mul3A_22 = arith.constant 5 : i32
    %mul3A_23 = arith.muli %arg1, %mul3A_22 : i32
    %add3A_24 = arith.constant 4 : i32
    %add3A_25 = arith.addi %mul3A_23, %add3A_24 : i32
    %mul3A_26 = arith.constant 128 : i32
    %mul3A_27 = arith.muli %add3A_25, %mul3A_26 : i32
    "tpu.region"() ({
      %run_scoped3A = tpu.sem_alloc : memref<!tpu.dma_semaphore, #tpu.memory_space<semaphore_mem>>
      %dma_start3A_124 = arith.constant 0 : i32
      %dma_start3A_125 = tpu.memref_slice %arg13[%mul3A_27, %dma_start3A_124] : memref<10240x128xf32, #tpu.memory_space<vmem_shared>> -> memref<128x128xf32, #tpu.memory_space<vmem_shared>>
      %dma_start3A_126 = arith.constant 0 : i32
      %dma_start3A_127 = tpu.memref_slice %arg13[%mul3A_27, %dma_start3A_126] : memref<10240x128xf32, #tpu.memory_space<vmem_shared>> -> memref<128x128xf32, #tpu.memory_space<vmem_shared>>
      tpu.enqueue_dma source(%arg11 : memref<128x128xf32, #tpu.memory_space<vmem>>) target(%dma_start3A_127 : memref<128x128xf32, #tpu.memory_space<vmem_shared>>) target_semaphore(%run_scoped3A : memref<!tpu.dma_semaphore, #tpu.memory_space<semaphore_mem>>)
      %dma_wait3A_128 = arith.constant 0 : i32
      %dma_wait3A_129 = tpu.memref_slice %arg13[%mul3A_27, %dma_wait3A_128] : memref<10240x128xf32, #tpu.memory_space<vmem_shared>> -> memref<128x128xf32, #tpu.memory_space<vmem_shared>>
      %dma_wait3A_130 = arith.constant 0 : i32
      %dma_wait3A_131 = tpu.memref_slice %arg13[%mul3A_27, %dma_wait3A_130] : memref<10240x128xf32, #tpu.memory_space<vmem_shared>> -> memref<128x128xf32, #tpu.memory_space<vmem_shared>>
      tpu.wait_dma2 semaphore(%run_scoped3A : memref<!tpu.dma_semaphore, #tpu.memory_space<semaphore_mem>>) src(%arg11 : memref<128x128xf32, #tpu.memory_space<vmem>>) dst(%dma_wait3A_131 : memref<128x128xf32, #tpu.memory_space<vmem_shared>>)
      tpu.yield
    }) : () -> ()
    %dma_start3A = arith.constant 0 : i32
    %dma_start3A_28 = arith.constant 0 : i32
    %dma_start3A_29 = tpu.memref_slice %arg3[%arg0, %arg1, %dma_start3A, %dma_start3A_28] : memref<2x16x164x128xi32, #tpu.memory_space<hbm>> -> memref<1x1x1x128xi32, #tpu.memory_space<hbm>>
    %dma_start3A_30 = tpu.memref_squeeze %dma_start3A_29 : memref<1x1x1x128xi32, #tpu.memory_space<hbm>> -> memref<128xi32, #tpu.memory_space<hbm>>
    %dma_start3A_31 = arith.constant 0 : i32
    %dma_start3A_32 = tpu.memref_slice %arg3[%arg0, %arg1, %dma_start3A, %dma_start3A_31] : memref<2x16x164x128xi32, #tpu.memory_space<hbm>> -> memref<1x1x1x128xi32, #tpu.memory_space<hbm>>
    %dma_start3A_33 = tpu.memref_squeeze %dma_start3A_32 : memref<1x1x1x128xi32, #tpu.memory_space<hbm>> -> memref<128xi32, #tpu.memory_space<hbm>>
    tpu.enqueue_dma source(%dma_start3A_33 : memref<128xi32, #tpu.memory_space<hbm>>) target(%arg7 : memref<128xi32, #tpu.memory_space<vmem>>) target_semaphore(%arg16 : memref<!tpu.dma_semaphore, #tpu.memory_space<semaphore_mem>>)
    %dma_start3A_34 = arith.constant 0 : i32
    %dma_start3A_35 = arith.constant 0 : i32
    %dma_start3A_36 = tpu.memref_slice %arg4[%arg0, %arg1, %dma_start3A_34, %dma_start3A_35] : memref<2x16x164x128xi32, #tpu.memory_space<hbm>> -> memref<1x1x1x128xi32, #tpu.memory_space<hbm>>
    %dma_start3A_37 = tpu.memref_squeeze %dma_start3A_36 : memref<1x1x1x128xi32, #tpu.memory_space<hbm>> -> memref<128xi32, #tpu.memory_space<hbm>>
    %dma_start3A_38 = arith.constant 0 : i32
    %dma_start3A_39 = tpu.memref_slice %arg4[%arg0, %arg1, %dma_start3A_34, %dma_start3A_38] : memref<2x16x164x128xi32, #tpu.memory_space<hbm>> -> memref<1x1x1x128xi32, #tpu.memory_space<hbm>>
    %dma_start3A_40 = tpu.memref_squeeze %dma_start3A_39 : memref<1x1x1x128xi32, #tpu.memory_space<hbm>> -> memref<128xi32, #tpu.memory_space<hbm>>
    tpu.enqueue_dma source(%dma_start3A_40 : memref<128xi32, #tpu.memory_space<hbm>>) target(%arg8 : memref<128xi32, #tpu.memory_space<vmem>>) target_semaphore(%arg17 : memref<!tpu.dma_semaphore, #tpu.memory_space<semaphore_mem>>)
    %dma_start3A_41 = arith.constant 1 : i32
    %dma_start3A_42 = arith.constant 0 : i32
    %dma_start3A_43 = tpu.memref_slice %arg3[%arg0, %arg1, %dma_start3A_41, %dma_start3A_42] : memref<2x16x164x128xi32, #tpu.memory_space<hbm>> -> memref<1x1x1x128xi32, #tpu.memory_space<hbm>>
    %dma_start3A_44 = tpu.memref_squeeze %dma_start3A_43 : memref<1x1x1x128xi32, #tpu.memory_space<hbm>> -> memref<128xi32, #tpu.memory_space<hbm>>
    %dma_start3A_45 = arith.constant 0 : i32
    %dma_start3A_46 = tpu.memref_slice %arg3[%arg0, %arg1, %dma_start3A_41, %dma_start3A_45] : memref<2x16x164x128xi32, #tpu.memory_space<hbm>> -> memref<1x1x1x128xi32, #tpu.memory_space<hbm>>
    %dma_start3A_47 = tpu.memref_squeeze %dma_start3A_46 : memref<1x1x1x128xi32, #tpu.memory_space<hbm>> -> memref<128xi32, #tpu.memory_space<hbm>>
    tpu.enqueue_dma source(%dma_start3A_47 : memref<128xi32, #tpu.memory_space<hbm>>) target(%arg9 : memref<128xi32, #tpu.memory_space<vmem>>) target_semaphore(%arg18 : memref<!tpu.dma_semaphore, #tpu.memory_space<semaphore_mem>>)
    %dma_start3A_48 = arith.constant 1 : i32
    %dma_start3A_49 = arith.constant 0 : i32
    %dma_start3A_50 = tpu.memref_slice %arg4[%arg0, %arg1, %dma_start3A_48, %dma_start3A_49] : memref<2x16x164x128xi32, #tpu.memory_space<hbm>> -> memref<1x1x1x128xi32, #tpu.memory_space<hbm>>
    %dma_start3A_51 = tpu.memref_squeeze %dma_start3A_50 : memref<1x1x1x128xi32, #tpu.memory_space<hbm>> -> memref<128xi32, #tpu.memory_space<hbm>>
    %dma_start3A_52 = arith.constant 0 : i32
    %dma_start3A_53 = tpu.memref_slice %arg4[%arg0, %arg1, %dma_start3A_48, %dma_start3A_52] : memref<2x16x164x128xi32, #tpu.memory_space<hbm>> -> memref<1x1x1x128xi32, #tpu.memory_space<hbm>>
    %dma_start3A_54 = tpu.memref_squeeze %dma_start3A_53 : memref<1x1x1x128xi32, #tpu.memory_space<hbm>> -> memref<128xi32, #tpu.memory_space<hbm>>
    tpu.enqueue_dma source(%dma_start3A_54 : memref<128xi32, #tpu.memory_space<hbm>>) target(%arg10 : memref<128xi32, #tpu.memory_space<vmem>>) target_semaphore(%arg19 : memref<!tpu.dma_semaphore, #tpu.memory_space<semaphore_mem>>)
    %barrier3A = arith.constant 0 : index
    tpu.barrier barrier_id(%barrier3A)
    %dma_wait3A = arith.constant 0 : i32
    %dma_wait3A_55 = arith.constant 0 : i32
    %dma_wait3A_56 = tpu.memref_slice %arg3[%arg0, %arg1, %dma_wait3A, %dma_wait3A_55] : memref<2x16x164x128xi32, #tpu.memory_space<hbm>> -> memref<1x1x1x128xi32, #tpu.memory_space<hbm>>
    %dma_wait3A_57 = tpu.memref_squeeze %dma_wait3A_56 : memref<1x1x1x128xi32, #tpu.memory_space<hbm>> -> memref<128xi32, #tpu.memory_space<hbm>>
    %dma_wait3A_58 = arith.constant 0 : i32
    %dma_wait3A_59 = tpu.memref_slice %arg3[%arg0, %arg1, %dma_wait3A, %dma_wait3A_58] : memref<2x16x164x128xi32, #tpu.memory_space<hbm>> -> memref<1x1x1x128xi32, #tpu.memory_space<hbm>>
    %dma_wait3A_60 = tpu.memref_squeeze %dma_wait3A_59 : memref<1x1x1x128xi32, #tpu.memory_space<hbm>> -> memref<128xi32, #tpu.memory_space<hbm>>
    tpu.wait_dma2 semaphore(%arg16 : memref<!tpu.dma_semaphore, #tpu.memory_space<semaphore_mem>>) src(%dma_wait3A_60 : memref<128xi32, #tpu.memory_space<hbm>>) dst(%arg7 : memref<128xi32, #tpu.memory_space<vmem>>)
    %dma_wait3A_61 = arith.constant 0 : i32
    %dma_wait3A_62 = arith.constant 0 : i32
    %dma_wait3A_63 = tpu.memref_slice %arg4[%arg0, %arg1, %dma_wait3A_61, %dma_wait3A_62] : memref<2x16x164x128xi32, #tpu.memory_space<hbm>> -> memref<1x1x1x128xi32, #tpu.memory_space<hbm>>
    %dma_wait3A_64 = tpu.memref_squeeze %dma_wait3A_63 : memref<1x1x1x128xi32, #tpu.memory_space<hbm>> -> memref<128xi32, #tpu.memory_space<hbm>>
    %dma_wait3A_65 = arith.constant 0 : i32
    %dma_wait3A_66 = tpu.memref_slice %arg4[%arg0, %arg1, %dma_wait3A_61, %dma_wait3A_65] : memref<2x16x164x128xi32, #tpu.memory_space<hbm>> -> memref<1x1x1x128xi32, #tpu.memory_space<hbm>>
    %dma_wait3A_67 = tpu.memref_squeeze %dma_wait3A_66 : memref<1x1x1x128xi32, #tpu.memory_space<hbm>> -> memref<128xi32, #tpu.memory_space<hbm>>
    tpu.wait_dma2 semaphore(%arg17 : memref<!tpu.dma_semaphore, #tpu.memory_space<semaphore_mem>>) src(%dma_wait3A_67 : memref<128xi32, #tpu.memory_space<hbm>>) dst(%arg8 : memref<128xi32, #tpu.memory_space<vmem>>)
    %dma_start3A_68 = arith.constant 0 : i32
    %dma_start3A_69 = arith.constant 0 : i32
    %dma_start3A_70 = tpu.memref_slice %arg2[%dma_start3A_68, %dma_start3A_69] : memref<20480x128xf32, #tpu.memory_space<hbm>> -> memref<20480x128xf32, #tpu.memory_space<hbm>>
    tpu.enqueue_indirect_dma source(%dma_start3A_70 : memref<20480x128xf32, #tpu.memory_space<hbm>>) target(%arg11 : memref<128x128xf32, #tpu.memory_space<vmem>>) offsets(%arg7 : memref<128xi32, #tpu.memory_space<vmem>>) semaphore(%arg14 : memref<!tpu.dma_semaphore, #tpu.memory_space<semaphore_mem>>)
    %scan3A = arith.constant 0 : i32
    %scan3A_71 = arith.constant 0 : i32
    %scan3A_72 = arith.constant 81 : i32
    %scan3A_73 = arith.addi %scan3A_71, %scan3A_72 : i32
    %scan3A_74 = arith.constant 1 : i32
    scf.for %scan3A_124 = %scan3A_71 to %scan3A_73 step %scan3A_74  : i32 {
      %mul3A_125 = arith.constant 2 : i32
      %mul3A_126 = arith.muli %mul3A_125, %scan3A_124 : i32
      %dma_wait3A_127 = arith.constant 0 : i32
      %dma_wait3A_128 = arith.constant 0 : i32
      %dma_wait3A_129 = tpu.memref_slice %arg3[%arg0, %arg1, %dma_wait3A_127, %dma_wait3A_128] : memref<2x16x164x128xi32, #tpu.memory_space<hbm>> -> memref<1x1x1x128xi32, #tpu.memory_space<hbm>>
      %dma_wait3A_130 = tpu.memref_squeeze %dma_wait3A_129 : memref<1x1x1x128xi32, #tpu.memory_space<hbm>> -> memref<128xi32, #tpu.memory_space<hbm>>
      %dma_wait3A_131 = arith.constant 0 : i32
      %dma_wait3A_132 = tpu.memref_slice %arg3[%arg0, %arg1, %dma_wait3A_127, %dma_wait3A_131] : memref<2x16x164x128xi32, #tpu.memory_space<hbm>> -> memref<1x1x1x128xi32, #tpu.memory_space<hbm>>
      %dma_wait3A_133 = tpu.memref_squeeze %dma_wait3A_132 : memref<1x1x1x128xi32, #tpu.memory_space<hbm>> -> memref<128xi32, #tpu.memory_space<hbm>>
      tpu.wait_dma2 semaphore(%arg18 : memref<!tpu.dma_semaphore, #tpu.memory_space<semaphore_mem>>) src(%dma_wait3A_133 : memref<128xi32, #tpu.memory_space<hbm>>) dst(%arg9 : memref<128xi32, #tpu.memory_space<vmem>>)
      %dma_wait3A_134 = arith.constant 0 : i32
      %dma_wait3A_135 = arith.constant 0 : i32
      %dma_wait3A_136 = tpu.memref_slice %arg4[%arg0, %arg1, %dma_wait3A_134, %dma_wait3A_135] : memref<2x16x164x128xi32, #tpu.memory_space<hbm>> -> memref<1x1x1x128xi32, #tpu.memory_space<hbm>>
      %dma_wait3A_137 = tpu.memref_squeeze %dma_wait3A_136 : memref<1x1x1x128xi32, #tpu.memory_space<hbm>> -> memref<128xi32, #tpu.memory_space<hbm>>
      %dma_wait3A_138 = arith.constant 0 : i32
      %dma_wait3A_139 = tpu.memref_slice %arg4[%arg0, %arg1, %dma_wait3A_134, %dma_wait3A_138] : memref<2x16x164x128xi32, #tpu.memory_space<hbm>> -> memref<1x1x1x128xi32, #tpu.memory_space<hbm>>
      %dma_wait3A_140 = tpu.memref_squeeze %dma_wait3A_139 : memref<1x1x1x128xi32, #tpu.memory_space<hbm>> -> memref<128xi32, #tpu.memory_space<hbm>>
      tpu.wait_dma2 semaphore(%arg19 : memref<!tpu.dma_semaphore, #tpu.memory_space<semaphore_mem>>) src(%dma_wait3A_140 : memref<128xi32, #tpu.memory_space<hbm>>) dst(%arg10 : memref<128xi32, #tpu.memory_space<vmem>>)
      %dma_start3A_141 = arith.constant 0 : i32
      %dma_start3A_142 = arith.constant 0 : i32
      %dma_start3A_143 = tpu.memref_slice %arg2[%dma_start3A_141, %dma_start3A_142] : memref<20480x128xf32, #tpu.memory_space<hbm>> -> memref<20480x128xf32, #tpu.memory_space<hbm>>
      tpu.enqueue_indirect_dma source(%dma_start3A_143 : memref<20480x128xf32, #tpu.memory_space<hbm>>) target(%arg12 : memref<128x128xf32, #tpu.memory_space<vmem>>) offsets(%arg9 : memref<128xi32, #tpu.memory_space<vmem>>) semaphore(%arg15 : memref<!tpu.dma_semaphore, #tpu.memory_space<semaphore_mem>>)
      %dma_wait3A_144 = arith.constant 0 : i32
      %dma_wait3A_145 = arith.constant 0 : i32
      %dma_wait3A_146 = tpu.memref_slice %arg2[%dma_wait3A_144, %dma_wait3A_145] : memref<20480x128xf32, #tpu.memory_space<hbm>> -> memref<20480x128xf32, #tpu.memory_space<hbm>>
      tpu.wait_indirect_dma semaphore(%arg14 : memref<!tpu.dma_semaphore, #tpu.memory_space<semaphore_mem>>) src(%dma_wait3A_146 : memref<20480x128xf32, #tpu.memory_space<hbm>>) dst(%arg11 : memref<128x128xf32, #tpu.memory_space<vmem>>)
      "tpu.region"() ({
        %run_scoped3A = tpu.sem_alloc : memref<!tpu.dma_semaphore, #tpu.memory_space<semaphore_mem>>
        %dma_start3A_199 = arith.constant 0 : i32
        %dma_start3A_200 = arith.constant 0 : i32
        %dma_start3A_201 = tpu.memref_slice %arg13[%dma_start3A_199, %dma_start3A_200] : memref<10240x128xf32, #tpu.memory_space<vmem_shared>> -> memref<10240x128xf32, #tpu.memory_space<vmem_shared>>
        tpu.enqueue_indirect_dma source(%arg11 : memref<128x128xf32, #tpu.memory_space<vmem>>) target(%dma_start3A_201 : memref<10240x128xf32, #tpu.memory_space<vmem_shared>>) offsets(%arg8 : memref<128xi32, #tpu.memory_space<vmem>>) semaphore(%run_scoped3A : memref<!tpu.dma_semaphore, #tpu.memory_space<semaphore_mem>>) {add = true}
        %dma_wait3A_202 = arith.constant 0 : i32
        %dma_wait3A_203 = arith.constant 0 : i32
        %dma_wait3A_204 = tpu.memref_slice %arg13[%dma_wait3A_202, %dma_wait3A_203] : memref<10240x128xf32, #tpu.memory_space<vmem_shared>> -> memref<10240x128xf32, #tpu.memory_space<vmem_shared>>
        tpu.wait_indirect_dma semaphore(%run_scoped3A : memref<!tpu.dma_semaphore, #tpu.memory_space<semaphore_mem>>) src(%arg11 : memref<128x128xf32, #tpu.memory_space<vmem>>) dst(%dma_wait3A_204 : memref<10240x128xf32, #tpu.memory_space<vmem_shared>>)
        tpu.yield
      }) : () -> ()
      %add3A_147 = arith.constant 2 : i32
      %add3A_148 = arith.addi %mul3A_126, %add3A_147 : i32
      %dma_start3A_149 = arith.constant 0 : i32
      %dma_start3A_150 = tpu.memref_slice %arg3[%arg0, %arg1, %add3A_148, %dma_start3A_149] : memref<2x16x164x128xi32, #tpu.memory_space<hbm>> -> memref<1x1x1x128xi32, #tpu.memory_space<hbm>>
      %dma_start3A_151 = tpu.memref_squeeze %dma_start3A_150 : memref<1x1x1x128xi32, #tpu.memory_space<hbm>> -> memref<128xi32, #tpu.memory_space<hbm>>
      %dma_start3A_152 = arith.constant 0 : i32
      %dma_start3A_153 = tpu.memref_slice %arg3[%arg0, %arg1, %add3A_148, %dma_start3A_152] : memref<2x16x164x128xi32, #tpu.memory_space<hbm>> -> memref<1x1x1x128xi32, #tpu.memory_space<hbm>>
      %dma_start3A_154 = tpu.memref_squeeze %dma_start3A_153 : memref<1x1x1x128xi32, #tpu.memory_space<hbm>> -> memref<128xi32, #tpu.memory_space<hbm>>
      tpu.enqueue_dma source(%dma_start3A_154 : memref<128xi32, #tpu.memory_space<hbm>>) target(%arg7 : memref<128xi32, #tpu.memory_space<vmem>>) target_semaphore(%arg16 : memref<!tpu.dma_semaphore, #tpu.memory_space<semaphore_mem>>)
      %add3A_155 = arith.constant 2 : i32
      %add3A_156 = arith.addi %mul3A_126, %add3A_155 : i32
      %dma_start3A_157 = arith.constant 0 : i32
      %dma_start3A_158 = tpu.memref_slice %arg4[%arg0, %arg1, %add3A_156, %dma_start3A_157] : memref<2x16x164x128xi32, #tpu.memory_space<hbm>> -> memref<1x1x1x128xi32, #tpu.memory_space<hbm>>
      %dma_start3A_159 = tpu.memref_squeeze %dma_start3A_158 : memref<1x1x1x128xi32, #tpu.memory_space<hbm>> -> memref<128xi32, #tpu.memory_space<hbm>>
      %dma_start3A_160 = arith.constant 0 : i32
      %dma_start3A_161 = tpu.memref_slice %arg4[%arg0, %arg1, %add3A_156, %dma_start3A_160] : memref<2x16x164x128xi32, #tpu.memory_space<hbm>> -> memref<1x1x1x128xi32, #tpu.memory_space<hbm>>
      %dma_start3A_162 = tpu.memref_squeeze %dma_start3A_161 : memref<1x1x1x128xi32, #tpu.memory_space<hbm>> -> memref<128xi32, #tpu.memory_space<hbm>>
      tpu.enqueue_dma source(%dma_start3A_162 : memref<128xi32, #tpu.memory_space<hbm>>) target(%arg8 : memref<128xi32, #tpu.memory_space<vmem>>) target_semaphore(%arg17 : memref<!tpu.dma_semaphore, #tpu.memory_space<semaphore_mem>>)
      %dma_wait3A_163 = arith.constant 0 : i32
      %dma_wait3A_164 = arith.constant 0 : i32
      %dma_wait3A_165 = tpu.memref_slice %arg3[%arg0, %arg1, %dma_wait3A_163, %dma_wait3A_164] : memref<2x16x164x128xi32, #tpu.memory_space<hbm>> -> memref<1x1x1x128xi32, #tpu.memory_space<hbm>>
      %dma_wait3A_166 = tpu.memref_squeeze %dma_wait3A_165 : memref<1x1x1x128xi32, #tpu.memory_space<hbm>> -> memref<128xi32, #tpu.memory_space<hbm>>
      %dma_wait3A_167 = arith.constant 0 : i32
      %dma_wait3A_168 = tpu.memref_slice %arg3[%arg0, %arg1, %dma_wait3A_163, %dma_wait3A_167] : memref<2x16x164x128xi32, #tpu.memory_space<hbm>> -> memref<1x1x1x128xi32, #tpu.memory_space<hbm>>
      %dma_wait3A_169 = tpu.memref_squeeze %dma_wait3A_168 : memref<1x1x1x128xi32, #tpu.memory_space<hbm>> -> memref<128xi32, #tpu.memory_space<hbm>>
      tpu.wait_dma2 semaphore(%arg16 : memref<!tpu.dma_semaphore, #tpu.memory_space<semaphore_mem>>) src(%dma_wait3A_169 : memref<128xi32, #tpu.memory_space<hbm>>) dst(%arg7 : memref<128xi32, #tpu.memory_space<vmem>>)
      %dma_wait3A_170 = arith.constant 0 : i32
      %dma_wait3A_171 = arith.constant 0 : i32
      %dma_wait3A_172 = tpu.memref_slice %arg4[%arg0, %arg1, %dma_wait3A_170, %dma_wait3A_171] : memref<2x16x164x128xi32, #tpu.memory_space<hbm>> -> memref<1x1x1x128xi32, #tpu.memory_space<hbm>>
      %dma_wait3A_173 = tpu.memref_squeeze %dma_wait3A_172 : memref<1x1x1x128xi32, #tpu.memory_space<hbm>> -> memref<128xi32, #tpu.memory_space<hbm>>
      %dma_wait3A_174 = arith.constant 0 : i32
      %dma_wait3A_175 = tpu.memref_slice %arg4[%arg0, %arg1, %dma_wait3A_170, %dma_wait3A_174] : memref<2x16x164x128xi32, #tpu.memory_space<hbm>> -> memref<1x1x1x128xi32, #tpu.memory_space<hbm>>
      %dma_wait3A_176 = tpu.memref_squeeze %dma_wait3A_175 : memref<1x1x1x128xi32, #tpu.memory_space<hbm>> -> memref<128xi32, #tpu.memory_space<hbm>>
      tpu.wait_dma2 semaphore(%arg17 : memref<!tpu.dma_semaphore, #tpu.memory_space<semaphore_mem>>) src(%dma_wait3A_176 : memref<128xi32, #tpu.memory_space<hbm>>) dst(%arg8 : memref<128xi32, #tpu.memory_space<vmem>>)
      %dma_start3A_177 = arith.constant 0 : i32
      %dma_start3A_178 = arith.constant 0 : i32
      %dma_start3A_179 = tpu.memref_slice %arg2[%dma_start3A_177, %dma_start3A_178] : memref<20480x128xf32, #tpu.memory_space<hbm>> -> memref<20480x128xf32, #tpu.memory_space<hbm>>
      tpu.enqueue_indirect_dma source(%dma_start3A_179 : memref<20480x128xf32, #tpu.memory_space<hbm>>) target(%arg11 : memref<128x128xf32, #tpu.memory_space<vmem>>) offsets(%arg7 : memref<128xi32, #tpu.memory_space<vmem>>) semaphore(%arg14 : memref<!tpu.dma_semaphore, #tpu.memory_space<semaphore_mem>>)
      %dma_wait3A_180 = arith.constant 0 : i32
      %dma_wait3A_181 = arith.constant 0 : i32
      %dma_wait3A_182 = tpu.memref_slice %arg2[%dma_wait3A_180, %dma_wait3A_181] : memref<20480x128xf32, #tpu.memory_space<hbm>> -> memref<20480x128xf32, #tpu.memory_space<hbm>>
      tpu.wait_indirect_dma semaphore(%arg15 : memref<!tpu.dma_semaphore, #tpu.memory_space<semaphore_mem>>) src(%dma_wait3A_182 : memref<20480x128xf32, #tpu.memory_space<hbm>>) dst(%arg12 : memref<128x128xf32, #tpu.memory_space<vmem>>)
      "tpu.region"() ({
        %run_scoped3A = tpu.sem_alloc : memref<!tpu.dma_semaphore, #tpu.memory_space<semaphore_mem>>
        %dma_start3A_199 = arith.constant 0 : i32
        %dma_start3A_200 = arith.constant 0 : i32
        %dma_start3A_201 = tpu.memref_slice %arg13[%dma_start3A_199, %dma_start3A_200] : memref<10240x128xf32, #tpu.memory_space<vmem_shared>> -> memref<10240x128xf32, #tpu.memory_space<vmem_shared>>
        tpu.enqueue_indirect_dma source(%arg12 : memref<128x128xf32, #tpu.memory_space<vmem>>) target(%dma_start3A_201 : memref<10240x128xf32, #tpu.memory_space<vmem_shared>>) offsets(%arg10 : memref<128xi32, #tpu.memory_space<vmem>>) semaphore(%run_scoped3A : memref<!tpu.dma_semaphore, #tpu.memory_space<semaphore_mem>>) {add = true}
        %dma_wait3A_202 = arith.constant 0 : i32
        %dma_wait3A_203 = arith.constant 0 : i32
        %dma_wait3A_204 = tpu.memref_slice %arg13[%dma_wait3A_202, %dma_wait3A_203] : memref<10240x128xf32, #tpu.memory_space<vmem_shared>> -> memref<10240x128xf32, #tpu.memory_space<vmem_shared>>
        tpu.wait_indirect_dma semaphore(%run_scoped3A : memref<!tpu.dma_semaphore, #tpu.memory_space<semaphore_mem>>) src(%arg12 : memref<128x128xf32, #tpu.memory_space<vmem>>) dst(%dma_wait3A_204 : memref<10240x128xf32, #tpu.memory_space<vmem_shared>>)
        tpu.yield
      }) : () -> ()
      %add3A_183 = arith.constant 3 : i32
      %add3A_184 = arith.addi %mul3A_126, %add3A_183 : i32
      %dma_start3A_185 = arith.constant 0 : i32
      %dma_start3A_186 = tpu.memref_slice %arg3[%arg0, %arg1, %add3A_184, %dma_start3A_185] : memref<2x16x164x128xi32, #tpu.memory_space<hbm>> -> memref<1x1x1x128xi32, #tpu.memory_space<hbm>>
      %dma_start3A_187 = tpu.memref_squeeze %dma_start3A_186 : memref<1x1x1x128xi32, #tpu.memory_space<hbm>> -> memref<128xi32, #tpu.memory_space<hbm>>
      %dma_start3A_188 = arith.constant 0 : i32
      %dma_start3A_189 = tpu.memref_slice %arg3[%arg0, %arg1, %add3A_184, %dma_start3A_188] : memref<2x16x164x128xi32, #tpu.memory_space<hbm>> -> memref<1x1x1x128xi32, #tpu.memory_space<hbm>>
      %dma_start3A_190 = tpu.memref_squeeze %dma_start3A_189 : memref<1x1x1x128xi32, #tpu.memory_space<hbm>> -> memref<128xi32, #tpu.memory_space<hbm>>
      tpu.enqueue_dma source(%dma_start3A_190 : memref<128xi32, #tpu.memory_space<hbm>>) target(%arg9 : memref<128xi32, #tpu.memory_space<vmem>>) target_semaphore(%arg18 : memref<!tpu.dma_semaphore, #tpu.memory_space<semaphore_mem>>)
      %add3A_191 = arith.constant 3 : i32
      %add3A_192 = arith.addi %mul3A_126, %add3A_191 : i32
      %dma_start3A_193 = arith.constant 0 : i32
      %dma_start3A_194 = tpu.memref_slice %arg4[%arg0, %arg1, %add3A_192, %dma_start3A_193] : memref<2x16x164x128xi32, #tpu.memory_space<hbm>> -> memref<1x1x1x128xi32, #tpu.memory_space<hbm>>
      %dma_start3A_195 = tpu.memref_squeeze %dma_start3A_194 : memref<1x1x1x128xi32, #tpu.memory_space<hbm>> -> memref<128xi32, #tpu.memory_space<hbm>>
      %dma_start3A_196 = arith.constant 0 : i32
      %dma_start3A_197 = tpu.memref_slice %arg4[%arg0, %arg1, %add3A_192, %dma_start3A_196] : memref<2x16x164x128xi32, #tpu.memory_space<hbm>> -> memref<1x1x1x128xi32, #tpu.memory_space<hbm>>
      %dma_start3A_198 = tpu.memref_squeeze %dma_start3A_197 : memref<1x1x1x128xi32, #tpu.memory_space<hbm>> -> memref<128xi32, #tpu.memory_space<hbm>>
      tpu.enqueue_dma source(%dma_start3A_198 : memref<128xi32, #tpu.memory_space<hbm>>) target(%arg10 : memref<128xi32, #tpu.memory_space<vmem>>) target_semaphore(%arg19 : memref<!tpu.dma_semaphore, #tpu.memory_space<semaphore_mem>>)
    }
    %scan3A_75 = arith.constant 81 : i32
    %dma_wait3A_76 = arith.constant 0 : i32
    %dma_wait3A_77 = arith.constant 0 : i32
    %dma_wait3A_78 = tpu.memref_slice %arg2[%dma_wait3A_76, %dma_wait3A_77] : memref<20480x128xf32, #tpu.memory_space<hbm>> -> memref<20480x128xf32, #tpu.memory_space<hbm>>
    tpu.wait_indirect_dma semaphore(%arg14 : memref<!tpu.dma_semaphore, #tpu.memory_space<semaphore_mem>>) src(%dma_wait3A_78 : memref<20480x128xf32, #tpu.memory_space<hbm>>) dst(%arg11 : memref<128x128xf32, #tpu.memory_space<vmem>>)
    %dma_wait3A_79 = arith.constant 0 : i32
    %dma_wait3A_80 = arith.constant 0 : i32
    %dma_wait3A_81 = tpu.memref_slice %arg3[%arg0, %arg1, %dma_wait3A_79, %dma_wait3A_80] : memref<2x16x164x128xi32, #tpu.memory_space<hbm>> -> memref<1x1x1x128xi32, #tpu.memory_space<hbm>>
    %dma_wait3A_82 = tpu.memref_squeeze %dma_wait3A_81 : memref<1x1x1x128xi32, #tpu.memory_space<hbm>> -> memref<128xi32, #tpu.memory_space<hbm>>
    %dma_wait3A_83 = arith.constant 0 : i32
    %dma_wait3A_84 = tpu.memref_slice %arg3[%arg0, %arg1, %dma_wait3A_79, %dma_wait3A_83] : memref<2x16x164x128xi32, #tpu.memory_space<hbm>> -> memref<1x1x1x128xi32, #tpu.memory_space<hbm>>
    %dma_wait3A_85 = tpu.memref_squeeze %dma_wait3A_84 : memref<1x1x1x128xi32, #tpu.memory_space<hbm>> -> memref<128xi32, #tpu.memory_space<hbm>>
    tpu.wait_dma2 semaphore(%arg18 : memref<!tpu.dma_semaphore, #tpu.memory_space<semaphore_mem>>) src(%dma_wait3A_85 : memref<128xi32, #tpu.memory_space<hbm>>) dst(%arg9 : memref<128xi32, #tpu.memory_space<vmem>>)
    %dma_wait3A_86 = arith.constant 0 : i32
    %dma_wait3A_87 = arith.constant 0 : i32
    %dma_wait3A_88 = tpu.memref_slice %arg4[%arg0, %arg1, %dma_wait3A_86, %dma_wait3A_87] : memref<2x16x164x128xi32, #tpu.memory_space<hbm>> -> memref<1x1x1x128xi32, #tpu.memory_space<hbm>>
    %dma_wait3A_89 = tpu.memref_squeeze %dma_wait3A_88 : memref<1x1x1x128xi32, #tpu.memory_space<hbm>> -> memref<128xi32, #tpu.memory_space<hbm>>
    %dma_wait3A_90 = arith.constant 0 : i32
    %dma_wait3A_91 = tpu.memref_slice %arg4[%arg0, %arg1, %dma_wait3A_86, %dma_wait3A_90] : memref<2x16x164x128xi32, #tpu.memory_space<hbm>> -> memref<1x1x1x128xi32, #tpu.memory_space<hbm>>
    %dma_wait3A_92 = tpu.memref_squeeze %dma_wait3A_91 : memref<1x1x1x128xi32, #tpu.memory_space<hbm>> -> memref<128xi32, #tpu.memory_space<hbm>>
    tpu.wait_dma2 semaphore(%arg19 : memref<!tpu.dma_semaphore, #tpu.memory_space<semaphore_mem>>) src(%dma_wait3A_92 : memref<128xi32, #tpu.memory_space<hbm>>) dst(%arg10 : memref<128xi32, #tpu.memory_space<vmem>>)
    %barrier3A_93 = arith.constant 0 : index
    tpu.barrier barrier_id(%barrier3A_93)
    %mul3A_94 = arith.constant 5 : i32
    %mul3A_95 = arith.muli %arg1, %mul3A_94 : i32
    %add3A_96 = arith.constant 0 : i32
    %add3A_97 = arith.addi %mul3A_95, %add3A_96 : i32
    %mul3A_98 = arith.constant 128 : i32
    %mul3A_99 = arith.muli %add3A_97, %mul3A_98 : i32
    "tpu.region"() ({
      %run_scoped3A = tpu.sem_alloc : memref<!tpu.dma_semaphore, #tpu.memory_space<semaphore_mem>>
      %dma_start3A_124 = arith.constant 0 : i32
      %dma_start3A_125 = tpu.memref_slice %arg13[%mul3A_99, %dma_start3A_124] : memref<10240x128xf32, #tpu.memory_space<vmem_shared>> -> memref<128x128xf32, #tpu.memory_space<vmem_shared>>
      %dma_start3A_126 = arith.constant 0 : i32
      %dma_start3A_127 = tpu.memref_slice %arg13[%mul3A_99, %dma_start3A_126] : memref<10240x128xf32, #tpu.memory_space<vmem_shared>> -> memref<128x128xf32, #tpu.memory_space<vmem_shared>>
      tpu.enqueue_dma source(%dma_start3A_127 : memref<128x128xf32, #tpu.memory_space<vmem_shared>>) target(%arg11 : memref<128x128xf32, #tpu.memory_space<vmem>>) target_semaphore(%run_scoped3A : memref<!tpu.dma_semaphore, #tpu.memory_space<semaphore_mem>>)
      %dma_wait3A_128 = arith.constant 0 : i32
      %dma_wait3A_129 = tpu.memref_slice %arg13[%mul3A_99, %dma_wait3A_128] : memref<10240x128xf32, #tpu.memory_space<vmem_shared>> -> memref<128x128xf32, #tpu.memory_space<vmem_shared>>
      %dma_wait3A_130 = arith.constant 0 : i32
      %dma_wait3A_131 = tpu.memref_slice %arg13[%mul3A_99, %dma_wait3A_130] : memref<10240x128xf32, #tpu.memory_space<vmem_shared>> -> memref<128x128xf32, #tpu.memory_space<vmem_shared>>
      tpu.wait_dma2 semaphore(%run_scoped3A : memref<!tpu.dma_semaphore, #tpu.memory_space<semaphore_mem>>) src(%dma_wait3A_131 : memref<128x128xf32, #tpu.memory_space<vmem_shared>>) dst(%arg11 : memref<128x128xf32, #tpu.memory_space<vmem>>)
      tpu.yield
    }) : () -> ()
    "tpu.region"() ({
      %run_scoped3A = tpu.sem_alloc : memref<!tpu.dma_semaphore, #tpu.memory_space<semaphore_mem>>
      %dma_start3A_124 = arith.constant 0 : i32
      %dma_start3A_125 = tpu.memref_slice %arg6[%arg0, %mul3A_99, %dma_start3A_124] : memref<2x10240x128xf32, #tpu.memory_space<hbm>> -> memref<1x128x128xf32, #tpu.memory_space<hbm>>
      %dma_start3A_126 = tpu.memref_squeeze %dma_start3A_125 : memref<1x128x128xf32, #tpu.memory_space<hbm>> -> memref<128x128xf32, #tpu.memory_space<hbm>>
      %dma_start3A_127 = arith.constant 0 : i32
      %dma_start3A_128 = tpu.memref_slice %arg6[%arg0, %mul3A_99, %dma_start3A_127] : memref<2x10240x128xf32, #tpu.memory_space<hbm>> -> memref<1x128x128xf32, #tpu.memory_space<hbm>>
      %dma_start3A_129 = tpu.memref_squeeze %dma_start3A_128 : memref<1x128x128xf32, #tpu.memory_space<hbm>> -> memref<128x128xf32, #tpu.memory_space<hbm>>
      tpu.enqueue_dma source(%arg11 : memref<128x128xf32, #tpu.memory_space<vmem>>) target(%dma_start3A_129 : memref<128x128xf32, #tpu.memory_space<hbm>>) target_semaphore(%run_scoped3A : memref<!tpu.dma_semaphore, #tpu.memory_space<semaphore_mem>>)
      %dma_wait3A_130 = arith.constant 0 : i32
      %dma_wait3A_131 = tpu.memref_slice %arg6[%arg0, %mul3A_99, %dma_wait3A_130] : memref<2x10240x128xf32, #tpu.memory_space<hbm>> -> memref<1x128x128xf32, #tpu.memory_space<hbm>>
      %dma_wait3A_132 = tpu.memref_squeeze %dma_wait3A_131 : memref<1x128x128xf32, #tpu.memory_space<hbm>> -> memref<128x128xf32, #tpu.memory_space<hbm>>
      %dma_wait3A_133 = arith.constant 0 : i32
      %dma_wait3A_134 = tpu.memref_slice %arg6[%arg0, %mul3A_99, %dma_wait3A_133] : memref<2x10240x128xf32, #tpu.memory_space<hbm>> -> memref<1x128x128xf32, #tpu.memory_space<hbm>>
      %dma_wait3A_135 = tpu.memref_squeeze %dma_wait3A_134 : memref<1x128x128xf32, #tpu.memory_space<hbm>> -> memref<128x128xf32, #tpu.memory_space<hbm>>
      tpu.wait_dma2 semaphore(%run_scoped3A : memref<!tpu.dma_semaphore, #tpu.memory_space<semaphore_mem>>) src(%arg11 : memref<128x128xf32, #tpu.memory_space<vmem>>) dst(%dma_wait3A_135 : memref<128x128xf32, #tpu.memory_space<hbm>>)
      tpu.yield
    }) : () -> ()
    %mul3A_100 = arith.constant 5 : i32
    %mul3A_101 = arith.muli %arg1, %mul3A_100 : i32
    %add3A_102 = arith.constant 1 : i32
    %add3A_103 = arith.addi %mul3A_101, %add3A_102 : i32
    %mul3A_104 = arith.constant 128 : i32
    %mul3A_105 = arith.muli %add3A_103, %mul3A_104 : i32
    "tpu.region"() ({
      %run_scoped3A = tpu.sem_alloc : memref<!tpu.dma_semaphore, #tpu.memory_space<semaphore_mem>>
      %dma_start3A_124 = arith.constant 0 : i32
      %dma_start3A_125 = tpu.memref_slice %arg13[%mul3A_105, %dma_start3A_124] : memref<10240x128xf32, #tpu.memory_space<vmem_shared>> -> memref<128x128xf32, #tpu.memory_space<vmem_shared>>
      %dma_start3A_126 = arith.constant 0 : i32
      %dma_start3A_127 = tpu.memref_slice %arg13[%mul3A_105, %dma_start3A_126] : memref<10240x128xf32, #tpu.memory_space<vmem_shared>> -> memref<128x128xf32, #tpu.memory_space<vmem_shared>>
      tpu.enqueue_dma source(%dma_start3A_127 : memref<128x128xf32, #tpu.memory_space<vmem_shared>>) target(%arg11 : memref<128x128xf32, #tpu.memory_space<vmem>>) target_semaphore(%run_scoped3A : memref<!tpu.dma_semaphore, #tpu.memory_space<semaphore_mem>>)
      %dma_wait3A_128 = arith.constant 0 : i32
      %dma_wait3A_129 = tpu.memref_slice %arg13[%mul3A_105, %dma_wait3A_128] : memref<10240x128xf32, #tpu.memory_space<vmem_shared>> -> memref<128x128xf32, #tpu.memory_space<vmem_shared>>
      %dma_wait3A_130 = arith.constant 0 : i32
      %dma_wait3A_131 = tpu.memref_slice %arg13[%mul3A_105, %dma_wait3A_130] : memref<10240x128xf32, #tpu.memory_space<vmem_shared>> -> memref<128x128xf32, #tpu.memory_space<vmem_shared>>
      tpu.wait_dma2 semaphore(%run_scoped3A : memref<!tpu.dma_semaphore, #tpu.memory_space<semaphore_mem>>) src(%dma_wait3A_131 : memref<128x128xf32, #tpu.memory_space<vmem_shared>>) dst(%arg11 : memref<128x128xf32, #tpu.memory_space<vmem>>)
      tpu.yield
    }) : () -> ()
    "tpu.region"() ({
      %run_scoped3A = tpu.sem_alloc : memref<!tpu.dma_semaphore, #tpu.memory_space<semaphore_mem>>
      %dma_start3A_124 = arith.constant 0 : i32
      %dma_start3A_125 = tpu.memref_slice %arg6[%arg0, %mul3A_105, %dma_start3A_124] : memref<2x10240x128xf32, #tpu.memory_space<hbm>> -> memref<1x128x128xf32, #tpu.memory_space<hbm>>
      %dma_start3A_126 = tpu.memref_squeeze %dma_start3A_125 : memref<1x128x128xf32, #tpu.memory_space<hbm>> -> memref<128x128xf32, #tpu.memory_space<hbm>>
      %dma_start3A_127 = arith.constant 0 : i32
      %dma_start3A_128 = tpu.memref_slice %arg6[%arg0, %mul3A_105, %dma_start3A_127] : memref<2x10240x128xf32, #tpu.memory_space<hbm>> -> memref<1x128x128xf32, #tpu.memory_space<hbm>>
      %dma_start3A_129 = tpu.memref_squeeze %dma_start3A_128 : memref<1x128x128xf32, #tpu.memory_space<hbm>> -> memref<128x128xf32, #tpu.memory_space<hbm>>
      tpu.enqueue_dma source(%arg11 : memref<128x128xf32, #tpu.memory_space<vmem>>) target(%dma_start3A_129 : memref<128x128xf32, #tpu.memory_space<hbm>>) target_semaphore(%run_scoped3A : memref<!tpu.dma_semaphore, #tpu.memory_space<semaphore_mem>>)
      %dma_wait3A_130 = arith.constant 0 : i32
      %dma_wait3A_131 = tpu.memref_slice %arg6[%arg0, %mul3A_105, %dma_wait3A_130] : memref<2x10240x128xf32, #tpu.memory_space<hbm>> -> memref<1x128x128xf32, #tpu.memory_space<hbm>>
      %dma_wait3A_132 = tpu.memref_squeeze %dma_wait3A_131 : memref<1x128x128xf32, #tpu.memory_space<hbm>> -> memref<128x128xf32, #tpu.memory_space<hbm>>
      %dma_wait3A_133 = arith.constant 0 : i32
      %dma_wait3A_134 = tpu.memref_slice %arg6[%arg0, %mul3A_105, %dma_wait3A_133] : memref<2x10240x128xf32, #tpu.memory_space<hbm>> -> memref<1x128x128xf32, #tpu.memory_space<hbm>>
      %dma_wait3A_135 = tpu.memref_squeeze %dma_wait3A_134 : memref<1x128x128xf32, #tpu.memory_space<hbm>> -> memref<128x128xf32, #tpu.memory_space<hbm>>
      tpu.wait_dma2 semaphore(%run_scoped3A : memref<!tpu.dma_semaphore, #tpu.memory_space<semaphore_mem>>) src(%arg11 : memref<128x128xf32, #tpu.memory_space<vmem>>) dst(%dma_wait3A_135 : memref<128x128xf32, #tpu.memory_space<hbm>>)
      tpu.yield
    }) : () -> ()
    %mul3A_106 = arith.constant 5 : i32
    %mul3A_107 = arith.muli %arg1, %mul3A_106 : i32
    %add3A_108 = arith.constant 2 : i32
    %add3A_109 = arith.addi %mul3A_107, %add3A_108 : i32
    %mul3A_110 = arith.constant 128 : i32
    %mul3A_111 = arith.muli %add3A_109, %mul3A_110 : i32
    "tpu.region"() ({
      %run_scoped3A = tpu.sem_alloc : memref<!tpu.dma_semaphore, #tpu.memory_space<semaphore_mem>>
      %dma_start3A_124 = arith.constant 0 : i32
      %dma_start3A_125 = tpu.memref_slice %arg13[%mul3A_111, %dma_start3A_124] : memref<10240x128xf32, #tpu.memory_space<vmem_shared>> -> memref<128x128xf32, #tpu.memory_space<vmem_shared>>
      %dma_start3A_126 = arith.constant 0 : i32
      %dma_start3A_127 = tpu.memref_slice %arg13[%mul3A_111, %dma_start3A_126] : memref<10240x128xf32, #tpu.memory_space<vmem_shared>> -> memref<128x128xf32, #tpu.memory_space<vmem_shared>>
      tpu.enqueue_dma source(%dma_start3A_127 : memref<128x128xf32, #tpu.memory_space<vmem_shared>>) target(%arg11 : memref<128x128xf32, #tpu.memory_space<vmem>>) target_semaphore(%run_scoped3A : memref<!tpu.dma_semaphore, #tpu.memory_space<semaphore_mem>>)
      %dma_wait3A_128 = arith.constant 0 : i32
      %dma_wait3A_129 = tpu.memref_slice %arg13[%mul3A_111, %dma_wait3A_128] : memref<10240x128xf32, #tpu.memory_space<vmem_shared>> -> memref<128x128xf32, #tpu.memory_space<vmem_shared>>
      %dma_wait3A_130 = arith.constant 0 : i32
      %dma_wait3A_131 = tpu.memref_slice %arg13[%mul3A_111, %dma_wait3A_130] : memref<10240x128xf32, #tpu.memory_space<vmem_shared>> -> memref<128x128xf32, #tpu.memory_space<vmem_shared>>
      tpu.wait_dma2 semaphore(%run_scoped3A : memref<!tpu.dma_semaphore, #tpu.memory_space<semaphore_mem>>) src(%dma_wait3A_131 : memref<128x128xf32, #tpu.memory_space<vmem_shared>>) dst(%arg11 : memref<128x128xf32, #tpu.memory_space<vmem>>)
      tpu.yield
    }) : () -> ()
    "tpu.region"() ({
      %run_scoped3A = tpu.sem_alloc : memref<!tpu.dma_semaphore, #tpu.memory_space<semaphore_mem>>
      %dma_start3A_124 = arith.constant 0 : i32
      %dma_start3A_125 = tpu.memref_slice %arg6[%arg0, %mul3A_111, %dma_start3A_124] : memref<2x10240x128xf32, #tpu.memory_space<hbm>> -> memref<1x128x128xf32, #tpu.memory_space<hbm>>
      %dma_start3A_126 = tpu.memref_squeeze %dma_start3A_125 : memref<1x128x128xf32, #tpu.memory_space<hbm>> -> memref<128x128xf32, #tpu.memory_space<hbm>>
      %dma_start3A_127 = arith.constant 0 : i32
      %dma_start3A_128 = tpu.memref_slice %arg6[%arg0, %mul3A_111, %dma_start3A_127] : memref<2x10240x128xf32, #tpu.memory_space<hbm>> -> memref<1x128x128xf32, #tpu.memory_space<hbm>>
      %dma_start3A_129 = tpu.memref_squeeze %dma_start3A_128 : memref<1x128x128xf32, #tpu.memory_space<hbm>> -> memref<128x128xf32, #tpu.memory_space<hbm>>
      tpu.enqueue_dma source(%arg11 : memref<128x128xf32, #tpu.memory_space<vmem>>) target(%dma_start3A_129 : memref<128x128xf32, #tpu.memory_space<hbm>>) target_semaphore(%run_scoped3A : memref<!tpu.dma_semaphore, #tpu.memory_space<semaphore_mem>>)
      %dma_wait3A_130 = arith.constant 0 : i32
      %dma_wait3A_131 = tpu.memref_slice %arg6[%arg0, %mul3A_111, %dma_wait3A_130] : memref<2x10240x128xf32, #tpu.memory_space<hbm>> -> memref<1x128x128xf32, #tpu.memory_space<hbm>>
      %dma_wait3A_132 = tpu.memref_squeeze %dma_wait3A_131 : memref<1x128x128xf32, #tpu.memory_space<hbm>> -> memref<128x128xf32, #tpu.memory_space<hbm>>
      %dma_wait3A_133 = arith.constant 0 : i32
      %dma_wait3A_134 = tpu.memref_slice %arg6[%arg0, %mul3A_111, %dma_wait3A_133] : memref<2x10240x128xf32, #tpu.memory_space<hbm>> -> memref<1x128x128xf32, #tpu.memory_space<hbm>>
      %dma_wait3A_135 = tpu.memref_squeeze %dma_wait3A_134 : memref<1x128x128xf32, #tpu.memory_space<hbm>> -> memref<128x128xf32, #tpu.memory_space<hbm>>
      tpu.wait_dma2 semaphore(%run_scoped3A : memref<!tpu.dma_semaphore, #tpu.memory_space<semaphore_mem>>) src(%arg11 : memref<128x128xf32, #tpu.memory_space<vmem>>) dst(%dma_wait3A_135 : memref<128x128xf32, #tpu.memory_space<hbm>>)
      tpu.yield
    }) : () -> ()
    %mul3A_112 = arith.constant 5 : i32
    %mul3A_113 = arith.muli %arg1, %mul3A_112 : i32
    %add3A_114 = arith.constant 3 : i32
    %add3A_115 = arith.addi %mul3A_113, %add3A_114 : i32
    %mul3A_116 = arith.constant 128 : i32
    %mul3A_117 = arith.muli %add3A_115, %mul3A_116 : i32
    "tpu.region"() ({
      %run_scoped3A = tpu.sem_alloc : memref<!tpu.dma_semaphore, #tpu.memory_space<semaphore_mem>>
      %dma_start3A_124 = arith.constant 0 : i32
      %dma_start3A_125 = tpu.memref_slice %arg13[%mul3A_117, %dma_start3A_124] : memref<10240x128xf32, #tpu.memory_space<vmem_shared>> -> memref<128x128xf32, #tpu.memory_space<vmem_shared>>
      %dma_start3A_126 = arith.constant 0 : i32
      %dma_start3A_127 = tpu.memref_slice %arg13[%mul3A_117, %dma_start3A_126] : memref<10240x128xf32, #tpu.memory_space<vmem_shared>> -> memref<128x128xf32, #tpu.memory_space<vmem_shared>>
      tpu.enqueue_dma source(%dma_start3A_127 : memref<128x128xf32, #tpu.memory_space<vmem_shared>>) target(%arg11 : memref<128x128xf32, #tpu.memory_space<vmem>>) target_semaphore(%run_scoped3A : memref<!tpu.dma_semaphore, #tpu.memory_space<semaphore_mem>>)
      %dma_wait3A_128 = arith.constant 0 : i32
      %dma_wait3A_129 = tpu.memref_slice %arg13[%mul3A_117, %dma_wait3A_128] : memref<10240x128xf32, #tpu.memory_space<vmem_shared>> -> memref<128x128xf32, #tpu.memory_space<vmem_shared>>
      %dma_wait3A_130 = arith.constant 0 : i32
      %dma_wait3A_131 = tpu.memref_slice %arg13[%mul3A_117, %dma_wait3A_130] : memref<10240x128xf32, #tpu.memory_space<vmem_shared>> -> memref<128x128xf32, #tpu.memory_space<vmem_shared>>
      tpu.wait_dma2 semaphore(%run_scoped3A : memref<!tpu.dma_semaphore, #tpu.memory_space<semaphore_mem>>) src(%dma_wait3A_131 : memref<128x128xf32, #tpu.memory_space<vmem_shared>>) dst(%arg11 : memref<128x128xf32, #tpu.memory_space<vmem>>)
      tpu.yield
    }) : () -> ()
    "tpu.region"() ({
      %run_scoped3A = tpu.sem_alloc : memref<!tpu.dma_semaphore, #tpu.memory_space<semaphore_mem>>
      %dma_start3A_124 = arith.constant 0 : i32
      %dma_start3A_125 = tpu.memref_slice %arg6[%arg0, %mul3A_117, %dma_start3A_124] : memref<2x10240x128xf32, #tpu.memory_space<hbm>> -> memref<1x128x128xf32, #tpu.memory_space<hbm>>
      %dma_start3A_126 = tpu.memref_squeeze %dma_start3A_125 : memref<1x128x128xf32, #tpu.memory_space<hbm>> -> memref<128x128xf32, #tpu.memory_space<hbm>>
      %dma_start3A_127 = arith.constant 0 : i32
      %dma_start3A_128 = tpu.memref_slice %arg6[%arg0, %mul3A_117, %dma_start3A_127] : memref<2x10240x128xf32, #tpu.memory_space<hbm>> -> memref<1x128x128xf32, #tpu.memory_space<hbm>>
      %dma_start3A_129 = tpu.memref_squeeze %dma_start3A_128 : memref<1x128x128xf32, #tpu.memory_space<hbm>> -> memref<128x128xf32, #tpu.memory_space<hbm>>
      tpu.enqueue_dma source(%arg11 : memref<128x128xf32, #tpu.memory_space<vmem>>) target(%dma_start3A_129 : memref<128x128xf32, #tpu.memory_space<hbm>>) target_semaphore(%run_scoped3A : memref<!tpu.dma_semaphore, #tpu.memory_space<semaphore_mem>>)
      %dma_wait3A_130 = arith.constant 0 : i32
      %dma_wait3A_131 = tpu.memref_slice %arg6[%arg0, %mul3A_117, %dma_wait3A_130] : memref<2x10240x128xf32, #tpu.memory_space<hbm>> -> memref<1x128x128xf32, #tpu.memory_space<hbm>>
      %dma_wait3A_132 = tpu.memref_squeeze %dma_wait3A_131 : memref<1x128x128xf32, #tpu.memory_space<hbm>> -> memref<128x128xf32, #tpu.memory_space<hbm>>
      %dma_wait3A_133 = arith.constant 0 : i32
      %dma_wait3A_134 = tpu.memref_slice %arg6[%arg0, %mul3A_117, %dma_wait3A_133] : memref<2x10240x128xf32, #tpu.memory_space<hbm>> -> memref<1x128x128xf32, #tpu.memory_space<hbm>>
      %dma_wait3A_135 = tpu.memref_squeeze %dma_wait3A_134 : memref<1x128x128xf32, #tpu.memory_space<hbm>> -> memref<128x128xf32, #tpu.memory_space<hbm>>
      tpu.wait_dma2 semaphore(%run_scoped3A : memref<!tpu.dma_semaphore, #tpu.memory_space<semaphore_mem>>) src(%arg11 : memref<128x128xf32, #tpu.memory_space<vmem>>) dst(%dma_wait3A_135 : memref<128x128xf32, #tpu.memory_space<hbm>>)
      tpu.yield
    }) : () -> ()
    %mul3A_118 = arith.constant 5 : i32
    %mul3A_119 = arith.muli %arg1, %mul3A_118 : i32
    %add3A_120 = arith.constant 4 : i32
    %add3A_121 = arith.addi %mul3A_119, %add3A_120 : i32
    %mul3A_122 = arith.constant 128 : i32
    %mul3A_123 = arith.muli %add3A_121, %mul3A_122 : i32
    "tpu.region"() ({
      %run_scoped3A = tpu.sem_alloc : memref<!tpu.dma_semaphore, #tpu.memory_space<semaphore_mem>>
      %dma_start3A_124 = arith.constant 0 : i32
      %dma_start3A_125 = tpu.memref_slice %arg13[%mul3A_123, %dma_start3A_124] : memref<10240x128xf32, #tpu.memory_space<vmem_shared>> -> memref<128x128xf32, #tpu.memory_space<vmem_shared>>
      %dma_start3A_126 = arith.constant 0 : i32
      %dma_start3A_127 = tpu.memref_slice %arg13[%mul3A_123, %dma_start3A_126] : memref<10240x128xf32, #tpu.memory_space<vmem_shared>> -> memref<128x128xf32, #tpu.memory_space<vmem_shared>>
      tpu.enqueue_dma source(%dma_start3A_127 : memref<128x128xf32, #tpu.memory_space<vmem_shared>>) target(%arg11 : memref<128x128xf32, #tpu.memory_space<vmem>>) target_semaphore(%run_scoped3A : memref<!tpu.dma_semaphore, #tpu.memory_space<semaphore_mem>>)
      %dma_wait3A_128 = arith.constant 0 : i32
      %dma_wait3A_129 = tpu.memref_slice %arg13[%mul3A_123, %dma_wait3A_128] : memref<10240x128xf32, #tpu.memory_space<vmem_shared>> -> memref<128x128xf32, #tpu.memory_space<vmem_shared>>
      %dma_wait3A_130 = arith.constant 0 : i32
      %dma_wait3A_131 = tpu.memref_slice %arg13[%mul3A_123, %dma_wait3A_130] : memref<10240x128xf32, #tpu.memory_space<vmem_shared>> -> memref<128x128xf32, #tpu.memory_space<vmem_shared>>
      tpu.wait_dma2 semaphore(%run_scoped3A : memref<!tpu.dma_semaphore, #tpu.memory_space<semaphore_mem>>) src(%dma_wait3A_131 : memref<128x128xf32, #tpu.memory_space<vmem_shared>>) dst(%arg11 : memref<128x128xf32, #tpu.memory_space<vmem>>)
      tpu.yield
    }) : () -> ()
    "tpu.region"() ({
      %run_scoped3A = tpu.sem_alloc : memref<!tpu.dma_semaphore, #tpu.memory_space<semaphore_mem>>
      %dma_start3A_124 = arith.constant 0 : i32
      %dma_start3A_125 = tpu.memref_slice %arg6[%arg0, %mul3A_123, %dma_start3A_124] : memref<2x10240x128xf32, #tpu.memory_space<hbm>> -> memref<1x128x128xf32, #tpu.memory_space<hbm>>
      %dma_start3A_126 = tpu.memref_squeeze %dma_start3A_125 : memref<1x128x128xf32, #tpu.memory_space<hbm>> -> memref<128x128xf32, #tpu.memory_space<hbm>>
      %dma_start3A_127 = arith.constant 0 : i32
      %dma_start3A_128 = tpu.memref_slice %arg6[%arg0, %mul3A_123, %dma_start3A_127] : memref<2x10240x128xf32, #tpu.memory_space<hbm>> -> memref<1x128x128xf32, #tpu.memory_space<hbm>>
      %dma_start3A_129 = tpu.memref_squeeze %dma_start3A_128 : memref<1x128x128xf32, #tpu.memory_space<hbm>> -> memref<128x128xf32, #tpu.memory_space<hbm>>
      tpu.enqueue_dma source(%arg11 : memref<128x128xf32, #tpu.memory_space<vmem>>) target(%dma_start3A_129 : memref<128x128xf32, #tpu.memory_space<hbm>>) target_semaphore(%run_scoped3A : memref<!tpu.dma_semaphore, #tpu.memory_space<semaphore_mem>>)
      %dma_wait3A_130 = arith.constant 0 : i32
      %dma_wait3A_131 = tpu.memref_slice %arg6[%arg0, %mul3A_123, %dma_wait3A_130] : memref<2x10240x128xf32, #tpu.memory_space<hbm>> -> memref<1x128x128xf32, #tpu.memory_space<hbm>>
      %dma_wait3A_132 = tpu.memref_squeeze %dma_wait3A_131 : memref<1x128x128xf32, #tpu.memory_space<hbm>> -> memref<128x128xf32, #tpu.memory_space<hbm>>
      %dma_wait3A_133 = arith.constant 0 : i32
      %dma_wait3A_134 = tpu.memref_slice %arg6[%arg0, %mul3A_123, %dma_wait3A_133] : memref<2x10240x128xf32, #tpu.memory_space<hbm>> -> memref<1x128x128xf32, #tpu.memory_space<hbm>>
      %dma_wait3A_135 = tpu.memref_squeeze %dma_wait3A_134 : memref<1x128x128xf32, #tpu.memory_space<hbm>> -> memref<128x128xf32, #tpu.memory_space<hbm>>
      tpu.wait_dma2 semaphore(%run_scoped3A : memref<!tpu.dma_semaphore, #tpu.memory_space<semaphore_mem>>) src(%arg11 : memref<128x128xf32, #tpu.memory_space<vmem>>) dst(%dma_wait3A_135 : memref<128x128xf32, #tpu.memory_space<hbm>>)
      tpu.yield
    }) : () -> ()
    return
  }
}

module attributes {stable_mosaic.version = 14 : i64} {
  func.func @_mm_pre_body(%arg0: i32, %arg1: memref<1024x128xf32, #tpu.memory_space<vmem>>, %arg2: memref<1024x128xf32, #tpu.memory_space<vmem>>, %arg3: memref<128x128xf32, #tpu.memory_space<vmem>>, %arg4: memref<1024x128xf32, #tpu.memory_space<vmem>>) attributes {dimension_semantics = [#tpu.dimension_semantics<arbitrary>], iteration_bounds = array<i64: 20>, scalar_prefetch = 0 : i64, scratch_operands = 0 : i64, tpu.core_type = #tpu.core_type<tc>, window_params = [{transform_indices = @transform_0, window_bounds = array<i64: 1024, 128>}, {transform_indices = @transform_1, window_bounds = array<i64: 1024, 128>}, {pipeline_mode = #tpu.pipeline_mode<synchronous>, transform_indices = @transform_2, window_bounds = array<i64: 128, 128>}, {transform_indices = @transform_3, window_bounds = array<i64: 1024, 128>}]} {
    %get3A = arith.constant 0 : index
    %get3A_0 = arith.constant 0 : index
    %get3A_1 = vector.load %arg1[%get3A, %get3A_0] : memref<1024x128xf32, #tpu.memory_space<vmem>>, vector<1024x128xf32>
    %get3A_2 = arith.constant 0 : index
    %get3A_3 = arith.constant 0 : index
    %get3A_4 = vector.load %arg2[%get3A_2, %get3A_3] : memref<1024x128xf32, #tpu.memory_space<vmem>>, vector<1024x1xf32>
    %max3A = arith.constant 1.000000e+00 : f32
    %max3A_5 = vector.broadcast %max3A : f32 to vector<1024x1xf32>
    %max3A_6 = arith.maximumf %get3A_4, %max3A_5 : vector<1024x1xf32>
    %rsqrt3A = math.rsqrt %max3A_6 : vector<1024x1xf32>
    %mul3A = vector.broadcast %rsqrt3A : vector<1024x1xf32> to vector<1024x128xf32>
    %mul3A_7 = arith.mulf %get3A_1, %mul3A : vector<1024x128xf32>
    %get3A_8 = arith.constant 0 : index
    %get3A_9 = arith.constant 0 : index
    %get3A_10 = vector.load %arg3[%get3A_8, %get3A_9] : memref<128x128xf32, #tpu.memory_space<vmem>>, vector<128x128xf32>
    %dot_general3A = arith.constant dense<0.000000e+00> : vector<1024x128xf32>
    %dot_general3A_11 = tpu.matmul %mul3A_7, %get3A_10, %dot_general3A {dimension_numbers = #tpu.dot_dimension_numbers<[1], [0], [0], [1], [0, 0, 1, 1], [], []>, transpose_lhs_hint = false} : vector<1024x128xf32>, vector<128x128xf32>, vector<1024x128xf32> -> vector<1024x128xf32>
    %swap3A = arith.constant 0 : index
    %swap3A_12 = arith.constant 0 : index
    %swap3A_13 = vector.load %arg4[%swap3A, %swap3A_12] : memref<1024x128xf32, #tpu.memory_space<vmem>>, vector<1024x128xf32>
    tpu.vector_store %arg4[%swap3A, %swap3A_12], %dot_general3A_11 {strides = array<i32>} : memref<1024x128xf32, #tpu.memory_space<vmem>>, vector<1024x128xf32>,
    return
  }
  func.func @transform_0(%arg0: i32) -> (i32, i32) {
    %c0_i32 = arith.constant 0 : i32
    %c0_i32_0 = arith.constant 0 : i32
    return %arg0, %c0_i32 : i32, i32
  }
  func.func @transform_1(%arg0: i32) -> (i32, i32) {
    %c0_i32 = arith.constant 0 : i32
    %c0_i32_0 = arith.constant 0 : i32
    return %arg0, %c0_i32 : i32, i32
  }
  func.func @transform_2(%arg0: i32) -> (i32, i32) {
    %c0_i32 = arith.constant 0 : i32
    %c0_i32_0 = arith.constant 0 : i32
    %c0_i32_1 = arith.constant 0 : i32
    return %c0_i32, %c0_i32_0 : i32, i32
  }
  func.func @transform_3(%arg0: i32) -> (i32, i32) {
    %c0_i32 = arith.constant 0 : i32
    %c0_i32_0 = arith.constant 0 : i32
    return %arg0, %c0_i32 : i32, i32
  }
}

module attributes {stable_mosaic.version = 14 : i64} {
  func.func @_mm_mid_body(%arg0: i32, %arg1: memref<1024x128xf32, #tpu.memory_space<vmem>>, %arg2: memref<1024x128xf32, #tpu.memory_space<vmem>>, %arg3: memref<1x128xf32, #tpu.memory_space<vmem>>, %arg4: memref<128x128xf32, #tpu.memory_space<vmem>>, %arg5: memref<1024x128xf32, #tpu.memory_space<vmem>>) attributes {dimension_semantics = [#tpu.dimension_semantics<arbitrary>], iteration_bounds = array<i64: 20>, scalar_prefetch = 0 : i64, scratch_operands = 0 : i64, tpu.core_type = #tpu.core_type<tc>, window_params = [{transform_indices = @transform_0, window_bounds = array<i64: 1024, 128>}, {transform_indices = @transform_1, window_bounds = array<i64: 1024, 128>}, {pipeline_mode = #tpu.pipeline_mode<synchronous>, transform_indices = @transform_2, window_bounds = array<i64: 1, 128>}, {pipeline_mode = #tpu.pipeline_mode<synchronous>, transform_indices = @transform_3, window_bounds = array<i64: 128, 128>}, {transform_indices = @transform_4, window_bounds = array<i64: 1024, 128>}]} {
    %get3A = arith.constant 0 : index
    %get3A_0 = arith.constant 0 : index
    %get3A_1 = vector.load %arg2[%get3A, %get3A_0] : memref<1024x128xf32, #tpu.memory_space<vmem>>, vector<1024x1xf32>
    %max3A = arith.constant 1.000000e+00 : f32
    %max3A_2 = vector.broadcast %max3A : f32 to vector<1024x1xf32>
    %max3A_3 = arith.maximumf %get3A_1, %max3A_2 : vector<1024x1xf32>
    %rsqrt3A = math.rsqrt %max3A_3 : vector<1024x1xf32>
    %get3A_4 = arith.constant 0 : index
    %get3A_5 = arith.constant 0 : index
    %get3A_6 = vector.load %arg1[%get3A_4, %get3A_5] : memref<1024x128xf32, #tpu.memory_space<vmem>>, vector<1024x128xf32>
    %mul3A = vector.broadcast %rsqrt3A : vector<1024x1xf32> to vector<1024x128xf32>
    %mul3A_7 = arith.mulf %get3A_6, %mul3A : vector<1024x128xf32>
    %get3A_8 = arith.constant 0 : index
    %get3A_9 = arith.constant 0 : index
    %get3A_10 = vector.load %arg3[%get3A_8, %get3A_9] : memref<1x128xf32, #tpu.memory_space<vmem>>, vector<1x128xf32>
    %add3A = vector.broadcast %get3A_10 : vector<1x128xf32> to vector<1024x128xf32>
    %add3A_11 = arith.addf %mul3A_7, %add3A : vector<1024x128xf32>
    %max3A_12 = arith.constant 0.000000e+00 : f32
    %max3A_13 = vector.broadcast %max3A_12 : f32 to vector<1024x128xf32>
    %max3A_14 = arith.maximumf %add3A_11, %max3A_13 : vector<1024x128xf32>
    %mul3A_15 = vector.broadcast %rsqrt3A : vector<1024x1xf32> to vector<1024x128xf32>
    %mul3A_16 = arith.mulf %max3A_14, %mul3A_15 : vector<1024x128xf32>
    %get3A_17 = arith.constant 0 : index
    %get3A_18 = arith.constant 0 : index
    %get3A_19 = vector.load %arg4[%get3A_17, %get3A_18] : memref<128x128xf32, #tpu.memory_space<vmem>>, vector<128x128xf32>
    %dot_general3A = arith.constant dense<0.000000e+00> : vector<1024x128xf32>
    %dot_general3A_20 = tpu.matmul %mul3A_16, %get3A_19, %dot_general3A {dimension_numbers = #tpu.dot_dimension_numbers<[1], [0], [0], [1], [0, 0, 1, 1], [], []>, transpose_lhs_hint = false} : vector<1024x128xf32>, vector<128x128xf32>, vector<1024x128xf32> -> vector<1024x128xf32>
    %swap3A = arith.constant 0 : index
    %swap3A_21 = arith.constant 0 : index
    %swap3A_22 = vector.load %arg5[%swap3A, %swap3A_21] : memref<1024x128xf32, #tpu.memory_space<vmem>>, vector<1024x128xf32>
    tpu.vector_store %arg5[%swap3A, %swap3A_21], %dot_general3A_20 {strides = array<i32>} : memref<1024x128xf32, #tpu.memory_space<vmem>>, vector<1024x128xf32>,
    return
  }
  func.func @transform_0(%arg0: i32) -> (i32, i32) {
    %c0_i32 = arith.constant 0 : i32
    %c0_i32_0 = arith.constant 0 : i32
    return %arg0, %c0_i32 : i32, i32
  }
  func.func @transform_1(%arg0: i32) -> (i32, i32) {
    %c0_i32 = arith.constant 0 : i32
    %c0_i32_0 = arith.constant 0 : i32
    return %arg0, %c0_i32 : i32, i32
  }
  func.func @transform_2(%arg0: i32) -> (i32, i32) {
    %c0_i32 = arith.constant 0 : i32
    %c0_i32_0 = arith.constant 0 : i32
    %c0_i32_1 = arith.constant 0 : i32
    return %c0_i32, %c0_i32_0 : i32, i32
  }
  func.func @transform_3(%arg0: i32) -> (i32, i32) {
    %c0_i32 = arith.constant 0 : i32
    %c0_i32_0 = arith.constant 0 : i32
    %c0_i32_1 = arith.constant 0 : i32
    return %c0_i32, %c0_i32_0 : i32, i32
  }
  func.func @transform_4(%arg0: i32) -> (i32, i32) {
    %c0_i32 = arith.constant 0 : i32
    %c0_i32_0 = arith.constant 0 : i32
    return %arg0, %c0_i32 : i32, i32
  }
}

module attributes {stable_mosaic.version = 14 : i64} {
  func.func @_pool_body(%arg0: i32, %arg1: memref<1024x128xf32, #tpu.memory_space<vmem>>, %arg2: memref<1024x128xf32, #tpu.memory_space<vmem>>, %arg3: memref<1x128xf32, #tpu.memory_space<vmem>>, %arg4: memref<1x1x1024xi32, #tpu.memory_space<vmem>>, %arg5: memref<128x256xf32, #tpu.memory_space<vmem>>, %arg6: memref<128x256xf32, #tpu.memory_space<vmem>>) attributes {dimension_semantics = [#tpu.dimension_semantics<arbitrary>], iteration_bounds = array<i64: 20>, scalar_prefetch = 0 : i64, scratch_operands = 1 : i64, tpu.core_type = #tpu.core_type<tc>, window_params = [{transform_indices = @transform_0, window_bounds = array<i64: 1024, 128>}, {transform_indices = @transform_1, window_bounds = array<i64: 1024, 128>}, {pipeline_mode = #tpu.pipeline_mode<synchronous>, transform_indices = @transform_2, window_bounds = array<i64: 1, 128>}, {transform_indices = @transform_3, window_bounds = array<i64: 1, 1, 1024>}, {pipeline_mode = #tpu.pipeline_mode<synchronous>, transform_indices = @transform_4, window_bounds = array<i64: 128, 256>}]} {
    %eq3A = arith.constant 0 : i32
    %eq3A_0 = arith.cmpi eq, %arg0, %eq3A : i32
    %convert_element_type3A = arith.extui %eq3A_0 : i1 to i32
    %cond3A = arith.constant 0 : i32
    %cond3A_1 = arith.cmpi ne, %convert_element_type3A, %cond3A : i32
    scf.if %cond3A_1 {
      %broadcast_in_dim3A_36 = arith.constant 0.000000e+00 : f32
      %broadcast_in_dim3A_37 = vector.broadcast %broadcast_in_dim3A_36 : f32 to vector<128x256xf32>
      %swap3A_38 = arith.constant 0 : index
      %swap3A_39 = arith.constant 0 : index
      %swap3A_40 = vector.load %arg6[%swap3A_38, %swap3A_39] : memref<128x256xf32, #tpu.memory_space<vmem>>, vector<128x256xf32>
      tpu.vector_store %arg6[%swap3A_38, %swap3A_39], %broadcast_in_dim3A_37 {strides = array<i32>} : memref<128x256xf32, #tpu.memory_space<vmem>>, vector<128x256xf32>,
    } else {
    }
    %get3A = arith.constant 0 : index
    %get3A_2 = arith.constant 0 : index
    %get3A_3 = vector.load %arg1[%get3A, %get3A_2] : memref<1024x128xf32, #tpu.memory_space<vmem>>, vector<1024x128xf32>
    %get3A_4 = arith.constant 0 : index
    %get3A_5 = arith.constant 0 : index
    %get3A_6 = vector.load %arg2[%get3A_4, %get3A_5] : memref<1024x128xf32, #tpu.memory_space<vmem>>, vector<1024x1xf32>
    %max3A = arith.constant 1.000000e+00 : f32
    %max3A_7 = vector.broadcast %max3A : f32 to vector<1024x1xf32>
    %max3A_8 = arith.maximumf %get3A_6, %max3A_7 : vector<1024x1xf32>
    %rsqrt3A = math.rsqrt %max3A_8 : vector<1024x1xf32>
    %mul3A = vector.broadcast %rsqrt3A : vector<1024x1xf32> to vector<1024x128xf32>
    %mul3A_9 = arith.mulf %get3A_3, %mul3A : vector<1024x128xf32>
    %get3A_10 = arith.constant 0 : index
    %get3A_11 = arith.constant 0 : index
    %get3A_12 = vector.load %arg3[%get3A_10, %get3A_11] : memref<1x128xf32, #tpu.memory_space<vmem>>, vector<1x128xf32>
    %add3A = vector.broadcast %get3A_12 : vector<1x128xf32> to vector<1024x128xf32>
    %add3A_13 = arith.addf %mul3A_9, %add3A : vector<1024x128xf32>
    %broadcast_in_dim3A = arith.constant 1.000000e+00 : f32
    %broadcast_in_dim3A_14 = vector.broadcast %broadcast_in_dim3A : f32 to vector<1024x128xf32>
    %concatenate3A = tpu.concatenate %add3A_13, %broadcast_in_dim3A_14 in 1 : vector<1024x128xf32>, vector<1024x128xf32> -> vector<1024x256xf32>
    %get3A_15 = arith.constant 0 : index
    %get3A_16 = arith.constant 0 : index
    %get3A_17 = arith.constant 0 : index
    %get3A_18 = vector.load %arg4[%get3A_15, %get3A_16, %get3A_17] : memref<1x1x1024xi32, #tpu.memory_space<vmem>>, vector<1x1x1024xi32>
    %get3A_19 = vector.shape_cast %get3A_18 : vector<1x1x1024xi32> to vector<1x1024xi32>
    %iota3A = tpu.iota {dimensions = array<i32: 0>} : vector<128x1024xi32>
    %eq3A_20 = vector.broadcast %get3A_19 : vector<1x1024xi32> to vector<128x1024xi32>
    %eq3A_21 = arith.cmpi eq, %iota3A, %eq3A_20 : vector<128x1024xi32>
    %convert_element_type3A_22 = arith.extui %eq3A_21 : vector<128x1024xi1> to vector<128x1024xi32>
    %convert_element_type3A_23 = arith.sitofp %convert_element_type3A_22 : vector<128x1024xi32> to vector<128x1024xf32>
    %get3A_24 = arith.constant 0 : index
    %get3A_25 = arith.constant 0 : index
    %get3A_26 = vector.load %arg6[%get3A_24, %get3A_25] : memref<128x256xf32, #tpu.memory_space<vmem>>, vector<128x256xf32>
    %dot_general3A = arith.constant dense<0.000000e+00> : vector<128x256xf32>
    %dot_general3A_27 = tpu.matmul %convert_element_type3A_23, %concatenate3A, %dot_general3A {dimension_numbers = #tpu.dot_dimension_numbers<[1], [0], [0], [1], [0, 0, 1, 1], [], []>, transpose_lhs_hint = false} : vector<128x1024xf32>, vector<1024x256xf32>, vector<128x256xf32> -> vector<128x256xf32>
    %add3A_28 = arith.addf %get3A_26, %dot_general3A_27 : vector<128x256xf32>
    %swap3A = arith.constant 0 : index
    %swap3A_29 = arith.constant 0 : index
    %swap3A_30 = vector.load %arg6[%swap3A, %swap3A_29] : memref<128x256xf32, #tpu.memory_space<vmem>>, vector<128x256xf32>
    tpu.vector_store %arg6[%swap3A, %swap3A_29], %add3A_28 {strides = array<i32>} : memref<128x256xf32, #tpu.memory_space<vmem>>, vector<128x256xf32>,
    %eq3A_31 = arith.constant 19 : i32
    %eq3A_32 = arith.cmpi eq, %arg0, %eq3A_31 : i32
    %convert_element_type3A_33 = arith.extui %eq3A_32 : i1 to i32
    %cond3A_34 = arith.constant 0 : i32
    %cond3A_35 = arith.cmpi ne, %convert_element_type3A_33, %cond3A_34 : i32
    scf.if %cond3A_35 {
      %get3A_36 = arith.constant 0 : index
      %get3A_37 = arith.constant 0 : index
      %get3A_38 = vector.load %arg6[%get3A_36, %get3A_37] : memref<128x256xf32, #tpu.memory_space<vmem>>, vector<128x256xf32>
      %swap3A_39 = arith.constant 0 : index
      %swap3A_40 = arith.constant 0 : index
      %swap3A_41 = vector.load %arg5[%swap3A_39, %swap3A_40] : memref<128x256xf32, #tpu.memory_space<vmem>>, vector<128x256xf32>
      tpu.vector_store %arg5[%swap3A_39, %swap3A_40], %get3A_38 {strides = array<i32>} : memref<128x256xf32, #tpu.memory_space<vmem>>, vector<128x256xf32>,
    } else {
    }
    return
  }
  func.func @transform_0(%arg0: i32) -> (i32, i32) {
    %c0_i32 = arith.constant 0 : i32
    %c0_i32_0 = arith.constant 0 : i32
    return %arg0, %c0_i32 : i32, i32
  }
  func.func @transform_1(%arg0: i32) -> (i32, i32) {
    %c0_i32 = arith.constant 0 : i32
    %c0_i32_0 = arith.constant 0 : i32
    return %arg0, %c0_i32 : i32, i32
  }
  func.func @transform_2(%arg0: i32) -> (i32, i32) {
    %c0_i32 = arith.constant 0 : i32
    %c0_i32_0 = arith.constant 0 : i32
    %c0_i32_1 = arith.constant 0 : i32
    return %c0_i32, %c0_i32_0 : i32, i32
  }
  func.func @transform_3(%arg0: i32) -> (i32, i32, i32) {
    %c0_i32 = arith.constant 0 : i32
    %c0_i32_0 = arith.constant 0 : i32
    %c0_i32_1 = arith.constant 0 : i32
    return %arg0, %c0_i32, %c0_i32_0 : i32, i32, i32
  }
  func.func @transform_4(%arg0: i32) -> (i32, i32) {
    %c0_i32 = arith.constant 0 : i32
    %c0_i32_0 = arith.constant 0 : i32
    %c0_i32_1 = arith.constant 0 : i32
    return %c0_i32, %c0_i32_0 : i32, i32
  }
}

module attributes {stable_mosaic.version = 14 : i64} {
  func.func @_head_body(%arg0: memref<128x256xf32, #tpu.memory_space<vmem>>, %arg1: memref<256x512xf32, #tpu.memory_space<vmem>>, %arg2: memref<1x512xf32, #tpu.memory_space<vmem>>, %arg3: memref<512x256xf32, #tpu.memory_space<vmem>>, %arg4: memref<1x256xf32, #tpu.memory_space<vmem>>, %arg5: memref<256x128xf32, #tpu.memory_space<vmem>>, %arg6: memref<1x128xf32, #tpu.memory_space<vmem>>, %arg7: memref<64x128xf32, #tpu.memory_space<vmem>>) attributes {dimension_semantics = [], scalar_prefetch = 0 : i64, scratch_operands = 0 : i64, tpu.core_type = #tpu.core_type<tc>} {
    %get3A = arith.constant 0 : index
    %get3A_0 = arith.constant 0 : index
    %get3A_1 = vector.load %arg0[%get3A, %get3A_0] : memref<128x256xf32, #tpu.memory_space<vmem>>, vector<128x256xf32>
    %slice3A = vector.extract_strided_slice %get3A_1 {offsets = [0, 128], sizes = [128, 1], strides = [1, 1]} : vector<128x256xf32> to vector<128x1xf32>
    %max3A = arith.constant 1.000000e+00 : f32
    %max3A_2 = vector.broadcast %max3A : f32 to vector<128x1xf32>
    %max3A_3 = arith.maximumf %slice3A, %max3A_2 : vector<128x1xf32>
    %slice3A_4 = vector.extract_strided_slice %get3A_1 {offsets = [0, 0], sizes = [128, 128], strides = [1, 1]} : vector<128x256xf32> to vector<128x128xf32>
    %div3A = vector.broadcast %max3A_3 : vector<128x1xf32> to vector<128x128xf32>
    %div3A_5 = arith.divf %slice3A_4, %div3A : vector<128x128xf32>
    %slice3A_6 = vector.extract_strided_slice %div3A_5 {offsets = [0, 0], sizes = [64, 128], strides = [1, 1]} : vector<128x128xf32> to vector<64x128xf32>
    %slice3A_7 = vector.extract_strided_slice %div3A_5 {offsets = [64, 0], sizes = [64, 128], strides = [1, 1]} : vector<128x128xf32> to vector<64x128xf32>
    %concatenate3A = tpu.concatenate %slice3A_6, %slice3A_7 in 1 : vector<64x128xf32>, vector<64x128xf32> -> vector<64x256xf32>
    %get3A_8 = arith.constant 0 : index
    %get3A_9 = arith.constant 0 : index
    %get3A_10 = vector.load %arg1[%get3A_8, %get3A_9] : memref<256x512xf32, #tpu.memory_space<vmem>>, vector<256x512xf32>
    %dot_general3A = arith.constant dense<0.000000e+00> : vector<64x512xf32>
    %dot_general3A_11 = tpu.matmul %concatenate3A, %get3A_10, %dot_general3A {dimension_numbers = #tpu.dot_dimension_numbers<[1], [0], [0], [1], [0, 0, 1, 1], [], []>, transpose_lhs_hint = false} : vector<64x256xf32>, vector<256x512xf32>, vector<64x512xf32> -> vector<64x512xf32>
    %get3A_12 = arith.constant 0 : index
    %get3A_13 = arith.constant 0 : index
    %get3A_14 = vector.load %arg2[%get3A_12, %get3A_13] : memref<1x512xf32, #tpu.memory_space<vmem>>, vector<1x512xf32>
    %add3A = vector.broadcast %get3A_14 : vector<1x512xf32> to vector<64x512xf32>
    %add3A_15 = arith.addf %dot_general3A_11, %add3A : vector<64x512xf32>
    %max3A_16 = arith.constant 0.000000e+00 : f32
    %max3A_17 = vector.broadcast %max3A_16 : f32 to vector<64x512xf32>
    %max3A_18 = arith.maximumf %add3A_15, %max3A_17 : vector<64x512xf32>
    %get3A_19 = arith.constant 0 : index
    %get3A_20 = arith.constant 0 : index
    %get3A_21 = vector.load %arg3[%get3A_19, %get3A_20] : memref<512x256xf32, #tpu.memory_space<vmem>>, vector<512x256xf32>
    %dot_general3A_22 = arith.constant dense<0.000000e+00> : vector<64x256xf32>
    %dot_general3A_23 = tpu.matmul %max3A_18, %get3A_21, %dot_general3A_22 {dimension_numbers = #tpu.dot_dimension_numbers<[1], [0], [0], [1], [0, 0, 1, 1], [], []>, transpose_lhs_hint = false} : vector<64x512xf32>, vector<512x256xf32>, vector<64x256xf32> -> vector<64x256xf32>
    %get3A_24 = arith.constant 0 : index
    %get3A_25 = arith.constant 0 : index
    %get3A_26 = vector.load %arg4[%get3A_24, %get3A_25] : memref<1x256xf32, #tpu.memory_space<vmem>>, vector<1x256xf32>
    %add3A_27 = vector.broadcast %get3A_26 : vector<1x256xf32> to vector<64x256xf32>
    %add3A_28 = arith.addf %dot_general3A_23, %add3A_27 : vector<64x256xf32>
    %max3A_29 = arith.constant 0.000000e+00 : f32
    %max3A_30 = vector.broadcast %max3A_29 : f32 to vector<64x256xf32>
    %max3A_31 = arith.maximumf %add3A_28, %max3A_30 : vector<64x256xf32>
    %get3A_32 = arith.constant 0 : index
    %get3A_33 = arith.constant 0 : index
    %get3A_34 = vector.load %arg5[%get3A_32, %get3A_33] : memref<256x128xf32, #tpu.memory_space<vmem>>, vector<256x128xf32>
    %dot_general3A_35 = arith.constant dense<0.000000e+00> : vector<64x128xf32>
    %dot_general3A_36 = tpu.matmul %max3A_31, %get3A_34, %dot_general3A_35 {dimension_numbers = #tpu.dot_dimension_numbers<[1], [0], [0], [1], [0, 0, 1, 1], [], []>, transpose_lhs_hint = false} : vector<64x256xf32>, vector<256x128xf32>, vector<64x128xf32> -> vector<64x128xf32>
    %get3A_37 = arith.constant 0 : index
    %get3A_38 = arith.constant 0 : index
    %get3A_39 = vector.load %arg6[%get3A_37, %get3A_38] : memref<1x128xf32, #tpu.memory_space<vmem>>, vector<1x128xf32>
    %add3A_40 = vector.broadcast %get3A_39 : vector<1x128xf32> to vector<64x128xf32>
    %add3A_41 = arith.addf %dot_general3A_36, %add3A_40 : vector<64x128xf32>
    %swap3A = arith.constant 0 : index
    %swap3A_42 = arith.constant 0 : index
    %swap3A_43 = vector.load %arg7[%swap3A, %swap3A_42] : memref<64x128xf32, #tpu.memory_space<vmem>>, vector<64x128xf32>
    tpu.vector_store %arg7[%swap3A, %swap3A_42], %add3A_41 {strides = array<i32>} : memref<64x128xf32, #tpu.memory_space<vmem>>, vector<64x128xf32>,
    return
  }
}

</mosaic_0001>

<sc_bundles>
// kernel: kernel.11.cloned.1.call-start
scs
__scs_entry_jumppad:
0x0: {  	(pc) =	sbr.rel $0x88, $3  }
0x1: {  	(tag) =	ssettag $0x0;
	lr =	simm.s32 $0x1  }
0x2: {  	[smem:$0x3F8F] =	sst lr;
	_ =	strace $0xD0000000  }
0x3: {  	_ = 	snop  }
0x4: {  	_ = 	snop  }
0x5: {  	_ = 	snop  }
0x6: {  	_ = 	snop  }
0x7: {  	_ = 	snop  }
__scs_overlays_trampoline_lowered:
0x8: {  	[smem:$0x3F9E] =	sst s0  }
0x9: {  	[smem:$0x3F9F] =	sst s1  }
0xa: {  	[smem:$0x3FA0] =	sst s2  }
0xb: {  	[smem:$0x3FA1] =	sst s3  }
0xc: {  	[smem:$0x3FA2] =	sst s4  }
0xd: {  	[smem:$0x3FA3] =	sst s5  }
0xe: {  	[smem:$0x3FA4] =	sst s6  }
0xf: {  	[smem:$0x3FA5] =	sst s7  }
0x10: {  	[smem:$0x3FA6] =	sst s8  }
0x11: {  	[smem:$0x3FA7] =	sst s9;
	s0 =	simm.s32 @!p0 $0x0  }
0x12: {  	s1 =	sld [smem:$0x3F8D];
	s0 =	simm.s32 @p0 $0x1  }
0x13: {  	[smem:$0x3FA8] =	sst s0;
	s0 =	simm.s32 @!p1 $0x0  }
0x14: {  	s2 =	sld [smem:$0x3F8C];
	s0 =	simm.s32 @p1 $0x1  }
0x15: {  	[smem:$0x3FA9] =	sst s0;
	s0 =	simm.s32 @!p2 $0x0  }
0x16: {  	s3 =	sld [smem:$0x3FDB];
	s0 =	simm.s32 @p2 $0x1  }
0x17: {  	s4 =	simm.s32 $0x1BF5;
	[smem:$0x3FAB] =	sst s0  }
0x18: {  	s0 =	sld [smem:$0x3F8E];
	_ =	swait.ge [sflag:s4], $0x0  }
0x19: {  	s7 =	sld [smem:$0x3F8F]  }
0x1a: {  	s8 =	sadd.s32 $0xFFFFE003, lr  }
0x1b: {  	s9 =	sadd.s32 $0xFFFFFEF7, lr;
	s5 =	simm.s32 $0xFFFFFFFF;
	p2 =	slt.u32 s8, $0xFFFFF086  }
0x1c: {  	p1 =	slt.u32 s9, $0xF7A;
	s5 =	simm.s32 @!p2 $0x0  }
0x1d: {  	s5 =	simm.s32 @p1 $0x1;
	p0 =	seq.s32 s7, s2  }
0x1e: {  	s7 =	smul.u32 @!p0 $0xF7A, s2;
	p2 =	seq.s32 @!p0 s5, $0x0  }
0x1f: {  	s9 =	smul.u32 $0xF7A, s1;
	s8 =	simm.s32 @!p0 $0x1BF5;
	p2 =	por !p2, p0  }
0x20: {  	[sflag:s8] =	ssyncset.s32 @!p0 $0xFFFFF086;
	s6 =	sadd.s32 @!p0 s3, s7;
	s7 =	simm.s32 @!p0 $0x108  }
0x21: {  	s3 =	sadd.s32 s3, s9;
	s6 =	sadd.s32 @!p0 $0x88, s6;
	s7 =	simm.s32 @p2 $0x1082  }
0x22: {  	[simem:s7], [sflag:s8] =	dma.local @!p0 [hbm:s6], $0xF7A  }
0x23: {  	s9 =	sor.u32 $0xD0000000, s2;
	s6 =	simm.s32 $0x108;
	_ =	swait.ge @!p0 [sflag:s8], $0x0  }
0x24: {  	s3 =	sadd.s32 $0x88, s3;
	s6 =	simm.s32 @!p1 $0x1082;
	[sflag:s4] =	ssyncset.s32 $0xFFFFF086  }
0x25: {  	[simem:s6], [sflag:s4] =	dma.local [hbm:s3], $0xF7A  }
0x26: {  	[smem:$0x3F8F] =	sst s1;
	(tag) =	ssettag s2;
	_ =	strace s9  }
0x27: {  	s1 =	sld [smem:$0x3F9F]  }
0x28: {  	s2 =	sld [smem:$0x3FA0]  }
0x29: {  	s4 =	sld [smem:$0x3FA2]  }
0x2a: {  	p0 =	seq.s32 s5, $0x0;
	s5 =	sld [smem:$0x3FA3]  }
0x2b: {  	s6 =	sld [smem:$0x3FA4]  }
0x2c: {  	s7 =	sld [smem:$0x3FA5]  }
0x2d: {  	s3 =	simm.s32 $0x108;
	s8 =	sld [smem:$0x3FA6]  }
0x2e: {  	s3 =	simm.s32 @!p0 $0x1082;
	s9 =	sld [smem:$0x3FA7]  }
0x2f: {  	lr =	sadd.s32 s0, s3;
	s0 =	sld [smem:$0x3F9E]  }
0x30: {  	s3 =	sld [smem:$0x3FA1]  }
0x31: {  	[smem:$0x3FAA] =	sst s10  }
0x32: {  	s10 =	sld [smem:$0x3FA8];
	_ =	sdelay $0x3  }
0x33: {  	p0 =	seq.s32 s10, $0x1;
	s10 =	sld [smem:$0x3FAA];
	_ =	sdelay $0x3  }
0x34: {  	[smem:$0x3FAA] =	sst s10  }
0x35: {  	s10 =	sld [smem:$0x3FA9];
	_ =	sdelay $0x3  }
0x36: {  	p1 =	seq.s32 s10, $0x1;
	s10 =	sld [smem:$0x3FAA];
	_ =	sdelay $0x3  }
0x37: {  	[smem:$0x3FAA] =	sst s10  }
0x38: {  	s10 =	sld [smem:$0x3FAB]  }
0x39: {  	_ = 	snop;
	(pc) =	sbr.ind lr, $3  }
0x3a: {  	_ = 	snop  }
0x3b: {  	_ = 	snop  }
0x3c: {  	p2 =	seq.s32 s10, $0x1;
	s10 =	sld [smem:$0x3FAA]  }
0x3d: {  	_ =	shalt  }
0x3e: {  	_ =	shalt  }
0x3f: {  	_ =	shalt  }
0x40: {  	_ =	shalt  }
0x41: {  	_ =	shalt  }
0x42: {  	_ =	shalt  }
0x43: {  	_ =	shalt  }
0x44: {  	_ =	shalt  }
0x45: {  	_ =	shalt  }
0x46: {  	_ =	shalt  }
0x47: {  	_ =	shalt  }
0x48: {  	_ =	shalt  }
0x49: {  	_ =	shalt  }
0x4a: {  	_ =	shalt  }
0x4b: {  	_ =	shalt  }
0x4c: {  	_ =	shalt  }
0x4d: {  	_ =	shalt  }
0x4e: {  	_ =	shalt  }
0x4f: {  	_ =	shalt  }
0x50: {  	_ =	shalt  }
0x51: {  	_ =	shalt  }
0x52: {  	_ =	shalt  }
0x53: {  	_ =	shalt  }
0x54: {  	_ =	shalt  }
0x55: {  	_ =	shalt  }
0x56: {  	_ =	shalt  }
0x57: {  	_ =	shalt  }
0x58: {  	_ =	shalt  }
0x59: {  	_ =	shalt  }
0x5a: {  	_ =	shalt  }
0x5b: {  	_ =	shalt  }
0x5c: {  	_ =	shalt  }
0x5d: {  	_ =	shalt  }
0x5e: {  	_ =	shalt  }
0x5f: {  	_ =	shalt  }
0x60: {  	_ =	shalt  }
0x61: {  	_ =	shalt  }
0x62: {  	_ =	shalt  }
0x63: {  	_ =	shalt  }
0x64: {  	_ =	shalt  }
0x65: {  	_ =	shalt  }
0x66: {  	_ =	shalt  }
0x67: {  	_ =	shalt  }
0x68: {  	_ =	shalt  }
0x69: {  	_ =	shalt  }
0x6a: {  	_ =	shalt  }
0x6b: {  	_ =	shalt  }
0x6c: {  	_ =	shalt  }
0x6d: {  	_ =	shalt  }
0x6e: {  	_ =	shalt  }
0x6f: {  	_ =	shalt  }
0x70: {  	_ =	shalt  }
0x71: {  	_ =	shalt  }
0x72: {  	_ =	shalt  }
0x73: {  	_ =	shalt  }
0x74: {  	_ =	shalt  }
0x75: {  	_ =	shalt  }
0x76: {  	_ =	shalt  }
0x77: {  	_ =	shalt  }
0x78: {  	_ =	shalt  }
0x79: {  	_ =	shalt  }
0x7a: {  	_ =	shalt  }
0x7b: {  	_ =	shalt  }
0x7c: {  	_ =	shalt  }
0x7d: {  	_ =	shalt  }
0x7e: {  	_ =	shalt  }
0x7f: {  	_ =	shalt  }
0x80: {  	_ =	shalt  }
0x81: {  	_ =	shalt  }
0x82: {  	_ =	shalt  }
0x83: {  	_ =	shalt  }
0x84: {  	_ =	shalt  }
0x85: {  	_ =	shalt  }
0x86: {  	_ =	shalt  }
0x87: {  	_ =	shalt  }
.Lfunc_end0:
.L_simem_size_0:
called_computation_lowered:
.L_overlay_start_0:
0x88: {  	s2 =	sld [smem:$0x3FD9]  }
0x89: {  	s3 =	sld [smem:$0x3FFE];
	_ =	sdelay $0x1  }
0x8a: {  	s1 =	srdreg.scid  }
0x8b: {  	s0 =	sand.u32 $0x1, s1  }
0x8c: {  	s16 =	sshll.u32 s0, $0xA;
	s2 =	sadd.s32 s3, s2  }
0x8d: {  	s2 =	sadd.s32 s2, s16  }
0x8e: {  	[smem:$0x3FB6] =	sst s2  }
0x8f: {  	_ = 	snop  }
0x90: {  	(tm) =	ssettm $0x1  }
0x91: {  	s17 =	sld [smem:$0x3FFB];
	_ =	sdelay $0x3  }
0x92: {  	_ =	strace s17  }
0x93: {  	s2 =	sld [smem:$0x3FFC];
	_ =	sdelay $0x3  }
0x94: {  	_ =	strace s2  }
0x95: {  	s2 =	sld [smem:$0x3FFD];
	_ =	sdelay $0x3  }
0x96: {  	_ =	strace s2  }
0x97: {  	_ =	strace $0x8FFFFFFF  }
0x98: {  	s18 =	sld [smem:$0x3FDB];
	_ =	sdelay $0x1  }
0x99: {  	s19 =	simm.s32 $_scs_section_size  }
0x9a: {  	s4 =	simm.s32 $_size__tile_overlayer_lowered;
	s5 =	simm.s32 $_tile_overlayer_lowered  }
0x9b: {  	s22 =	simm.s32 $0x1BFF;
	s21 =	sshll.u32 s5, $0x1;
	s2 =	sadd.s32 s19, s18  }
0x9c: {  	s6 =	simm.s32 $0x0;
	s20 =	sshll.u32 s4, $0x1;
	s4 =	sadd.s32 s21, s2  }
0x9d: {  	[timem:s6], [sflag:s22] =	dma.local [hbm:s4], s20  }
0x9e: {  	_ =	swait.ge [sflag:s22], s20  }
0x9f: {  	s3 =	ssub.s32 $0x0, s20;
	[sflag:s22] =	ssyncset.done $0x0  }
0xa0: {  	[sflag:s22] =	ssyncadd.s32 s3;
	_ =	sdelay $0x1  }
0xa1: {  	s23 =	simm.s32 $0x1B8B  }
0xa2: {  	_ =	swait.ge [sflag:s23], $0x1  }
0xa3: {  	[sflag:s23] =	ssyncset.done $0x0  }
0xa4: {  	s25 =	simm.s32 $0x1B8E;
	s24 =	sld [smem:$0x3FFE];
	[sflag:s23] =	ssyncadd.s32 $0xFFFFFFFF  }
0xa5: {  	s26 =	simm.s32 $execute0_lowered;
	[smem:$0x3FD2] =	sst s25  }
0xa6: {  	s4 =	sshll.u32 s26, $0x1;
	_ =	strace $0x80000046;
	[dreg:$0x1] =	wrdreg $0xFFFFFFFF  }
0xa7: {  	s28 =	simm.s32 $_size_execute0_lowered;
	s2 =	sadd.s32 s2, s4;
	[dreg:$0x0] =	wrdreg $0x0  }
0xa8: {  	s4 =	sshll.u32 s28, $0x1;
	[dreg:$0x2] =	wrdreg s2  }
0xa9: {  	[dreg:$0x3] =	wrdreg s4  }
0xaa: {  	[dreg:$0x4] =	wrdreg $0xC0  }
0xab: {  	_ =	task [dreg:s6], $0x5FFFF  }
0xac: {  	[dreg:$0x1] =	wrdreg $0xFFFFFFFF  }
0xad: {  	[dreg:$0x0] =	wrdreg $0x60  }
0xae: {  	[dreg:$0x2] =	wrdreg s24  }
0xaf: {  	[dreg:$0x3] =	wrdreg $0x81000  }
0xb0: {  	[dreg:$0x4] =	wrdreg $0x9  }
0xb1: {  	_ =	task.clear_ibuf [dreg:s6], $0x5FFFF;
	_ =	strace $0x90000046  }
0xb2: {  	s29 =	simm.s32 $0x9;
	_ =	strace $0x80000048  }
0xb3: {  	_ =	swait.ge [sflag:s29], $0x1  }
0xb4: {  	[sflag:s29] =	ssyncadd.s32 $0xFFFFFFFF  }
0xb5: {  	_ =	strace $0x90000048  }
0xb6: {  	_ =	sfence  }
0xb7: {  	s30 =	sld [smem:$0x0];
	_ =	sdelay $0x2  }
0xb8: {  	s31 =	sshll.u32 s1, $0xD;
	s1 =	sshrl.u32 s1, $0x2  }
0xb9: {  	s3 =	sand.u32 $0x4000, s31;
	s1 =	sadd.s32 s1, s30  }
0xba: {  	s0 =	sor.u32 s3, s0;
	s1 =	sshll.u32 s1, $0x11  }
0xbb: {  	s0 =	sor.u32 s1, s0  }
0xbc: {  	s0 =	sadd.s32 $0x8F2B, s0  }
0xbd: {  	[sflag:s0] =	ssyncadd.remote.s32 $0x1  }
0xbe: {  	_ =	sfence.sel $0xFFFF  }
0xbf: {  	[dreg:$0x0] =	wrdreg $0xFFFFFFFF;
	(pc) =	sbr.abs _section_cstart, $3  }
0xc0: {  	[dreg:$0x1] =	wrdreg $0xFFFFFFFF  }
0xc1: {  	_ =	task.clear_ibuf [dreg:s6], $0x2FFFF;
	_ =	strace $0x9FFFFFFF  }
0xc2: {  	(tm) =	ssettm $0x7FFFFFFF  }
0xc3: {  	_ =	shalt  }
tec
execute0_lowered:
.L_overlay_start_1:
0x0: {  	(tag) =	ssettag $0x1  }
0x1: {  	s0 =	rddreg [dreg:$0x0]  }
0x2: {  	s1 =	rddreg [dreg:$0x1]  }
0x3: {  	s2 =	simm.s32 $0x0;
	s5 =	srdreg.scid;
	s3 =	stileid.u32  }
0x4: {  	s22 =	simm.s32 $0x3;
	s23 =	simm.s32 $0x4100;
	s24 =	simm.s32 $0x80  }
0x5: {  	s28 =	simm.s32 $0x0;
	[smem:$0x7FF] =	sst s2;
	s4 =	sadd.s32 $0x4800, s0  }
0x6: {  	s10 =	sand.u32 $0x1, s5;
	s25 =	sadd.s32 $0x19800, s0;
	s8 =	smul.u32 $0x50000, s3  }
0x7: {  	s26 =	sadd.s32 $0x1A000, s0;
	s13 =	smul.u32 $0x14000, s3;
	s0 =	sadd.s32 $0x1A800, s0  }
0x8: {  	s12 =	smul.u32 $0x5400, s3;
	_ =	strace $0x80000047;
	[dreg:$0x3] =	wrdreg s25  }
0x9: {  	s7 =	ssub.s32 $0x2, s10;
	[dreg:$0x4] =	wrdreg s26;
	s11 =	smul.u32 $0x54000, s10  }
0xa: {  	s19 =	smul.u32 $0x140000, s10;
	s25 =	simm.s32 $0x1;
	s26 =	simm.s32 $0x2  }
0xb: {  	s9 =	sshrl.u32 s7, $0x1;
	s29 =	sshrl.u32 s8, $0x2;
	s14 =	sadd.s32 $0x4000, s13  }
0xc: {  	s17 =	sadd.s32 $0x8000, s13;
	s18 =	sadd.s32 $0xC000, s13;
	s21 =	sadd.s32 $0x10000, s13  }
0xd: {  	s20 =	ssub.s32 s7, s9;
	s7 =	sadd.s32 s29, s1;
	s8 =	sadd.s32 s14, s1  }
0xe: {  	s9 =	sadd.s32 s17, s1;
	s10 =	sadd.s32 s18, s1;
	s11 =	sadd.s32 s12, s11  }
0xf: {  	s12 =	sadd.s32 s21, s1;
	s16 =	sadd.s32 s13, s19;
	s31 =	sadd.s32 s19, s14  }
0x10: {  	s17 =	sadd.s32 s19, s17;
	s18 =	sadd.s32 s19, s18;
	s19 =	sadd.s32 s19, s21  }
0x11: {  	s21 =	simm.s32 $0x100;
	s15 =	sshrl.u32 s11, $0x3;
	s30 =	sshrl.u32 s16, $0x3  }
0x12: {  	s16 =	sshrl.u32 s31, $0x3;
	s17 =	sshrl.u32 s17, $0x3;
	s18 =	sshrl.u32 s18, $0x3  }
0x13: {  	s19 =	sshrl.u32 s19, $0x3;
	s20 =	smax.u32 s20, $0x1;
	s13 =	sadd.s32 s4, s15  }
0x14: {  	s15 =	sadd.s32 s0, s30;
	s16 =	sadd.s32 s0, s16;
	s17 =	sadd.s32 s0, s17  }
0x15: {  	s18 =	sadd.s32 s0, s18;
	s19 =	sadd.s32 s0, s19;
	s14 =	sadd.s32 $0x10, s13  }
.LBB2_1:
0x16: {  	s0 =	rddreg [dreg:$0x3]  }
0x17: {  	[tilespmem:s21], [sflag:$0x3] =	stream.linear.gather [hbm4b:s0+s2], $0x4000, $0x38;
	[tilespmem:$0x1C100] =	vst v63  }
0x18: {  	_ =	swait.ge [sflag:s22], $0x4000  }
0x19: {  	[sflag:s22] =	ssyncset.done $0x0  }
0x1a: {  	[sflag:s22] =	ssyncadd.s32 $0xFFFFC000  }
0x1b: {  	[spmem:s7] =	stream.linear.scatter [tilespmem:s21], [sflag:$0x3], $0x4000, $0x38;
	[tilespmem:$0x1C100] =	vst v63  }
0x1c: {  	_ =	swait.ge [sflag:s22], $0x4000  }
0x1d: {  	[sflag:s22] =	ssyncset.done $0x0  }
0x1e: {  	[sflag:s22] =	ssyncadd.s32 $0xFFFFC000  }
0x1f: {  	[spmem:s8] =	stream.linear.scatter [tilespmem:s21], [sflag:$0x3], $0x4000, $0x38;
	[tilespmem:$0x1C100] =	vst v63  }
0x20: {  	_ =	swait.ge [sflag:s22], $0x4000  }
0x21: {  	[sflag:s22] =	ssyncset.done $0x0  }
0x22: {  	[sflag:s22] =	ssyncadd.s32 $0xFFFFC000  }
0x23: {  	[spmem:s9] =	stream.linear.scatter [tilespmem:s21], [sflag:$0x3], $0x4000, $0x38;
	[tilespmem:$0x1C100] =	vst v63  }
0x24: {  	_ =	swait.ge [sflag:s22], $0x4000  }
0x25: {  	[sflag:s22] =	ssyncset.done $0x0  }
0x26: {  	[sflag:s22] =	ssyncadd.s32 $0xFFFFC000  }
0x27: {  	[spmem:s10] =	stream.linear.scatter [tilespmem:s21], [sflag:$0x3], $0x4000, $0x38;
	[tilespmem:$0x1C100] =	vst v63  }
0x28: {  	_ =	swait.ge [sflag:s22], $0x4000  }
0x29: {  	[sflag:s22] =	ssyncset.done $0x0  }
0x2a: {  	[sflag:s22] =	ssyncadd.s32 $0xFFFFC000  }
0x2b: {  	[spmem:s12] =	stream.linear.scatter [tilespmem:s21], [sflag:$0x3], $0x4000, $0x38;
	[tilespmem:$0x1C100] =	vst v63  }
0x2c: {  	_ =	swait.ge [sflag:s22], $0x4000  }
0x2d: {  	[sflag:s22] =	ssyncset.done $0x0  }
0x2e: {  	s3 =	rddreg [dreg:$0x4];
	[sflag:s22] =	ssyncadd.s32 $0xFFFFC000  }
0x2f: {  	[tilespmem:s23], [sflag:$0x3] =	stream.linear.gather [hbm4b:s3+s2], $0x4000, $0x38;
	[tilespmem:$0x1C100] =	vst v63  }
0x30: {  	_ =	swait.ge [sflag:s22], $0x4000  }
0x31: {  	[sflag:s22] =	ssyncset.done $0x0  }
0x32: {  	[sflag:s22] =	ssyncadd.s32 $0xFFFFC000  }
0x33: {  	[tilespmem:s2], [sflag:$0x1] =	stream.linear.gather [hbm4b:s13+s2], $0x80, $0x38;
	[tilespmem:$0x1C100] =	vst v63  }
0x34: {  	_ = 	snop  }
0x35: {  	[tilespmem:s24], [sflag:$0x2] =	stream.linear.gather [hbm4b:s14+s2], $0x80, $0x38;
	[tilespmem:$0x1C100] =	vst v63  }
0x36: {  	[bflag:$0x0] =	sbarrier.arrive $0xFFFF  }
0x37: {  	s5 =	simm.s32 $0x100;
	_ =	swait.ge [sflag:s25], $0x80  }
0x38: {  	s29 =	sand.u32 $0xFC00, s5;
	[sflag:s25] =	ssyncset.done $0x0  }
0x39: {  	s0 =	sand.u32 $0x300, s5;
	s29 =	sadd.s32 s11, s29;
	[sflag:s25] =	ssyncadd.s32 $0xFFFFFF80  }
0x3a: {  	[spmem:s1] =	stream.indirect.scatter.add.f32 [tilespmem:s23], [sflag:$0x3], $0x80, s2, s24, $0xb8;
	[tilespmem:$0x1C100] =	vst v63  }
0x3b: {  	s0 =	sor.u32 s0, s29;
	_ =	swait.ge [sflag:s22], $0x4000  }
0x3c: {  	s0 =	sshrl.u32 s0, $0x3;
	[sflag:s22] =	ssyncset.done $0x0  }
0x3d: {  	s0 =	sadd.s32 s4, s0;
	[sflag:s22] =	ssyncadd.s32 $0xFFFFC000  }
0x3e: {  	[tilespmem:s2], [sflag:$0x1] =	stream.linear.gather [hbm4b:s0+s2], $0x80, $0x38;
	[tilespmem:$0x1C100] =	vst v63  }
0x3f: {  	s6 =	simm.s32 $0x180;
	_ =	swait.ge [sflag:s26], $0x80  }
0x40: {  	s29 =	sand.u32 $0xFC00, s6;
	[sflag:s26] =	ssyncset.done $0x0  }
0x41: {  	s30 =	sadd.s32 s11, s29;
	s0 =	sand.u32 $0x380, s6;
	[sflag:s26] =	ssyncadd.s32 $0xFFFFFF80  }
0x42: {  	[spmem:s1] =	stream.indirect.scatter.add.f32 [tilespmem:s23], [sflag:$0x3], $0x80, s24, s24, $0xb8;
	[tilespmem:$0x1C100] =	vst v63  }
0x43: {  	s31 =	simm.s32 $0x380;
	s0 =	sor.u32 s0, s30;
	_ =	swait.ge [sflag:s22], $0x4000  }
0x44: {  	s29 =	simm.s32 $0x280;
	s0 =	sshrl.u32 s0, $0x3;
	[sflag:s22] =	ssyncset.done $0x0  }
0x45: {  	s30 =	simm.s32 $0x200;
	s0 =	sadd.s32 s4, s0;
	[sflag:s22] =	ssyncadd.s32 $0xFFFFC000  }
.LBB2_2:
0x46: {  	[tilespmem:s24], [sflag:$0x2] =	stream.linear.gather [hbm4b:s0+s2], $0x80, $0x38;
	[tilespmem:$0x1C100] =	vst v63  }
0x47: {  	s0 =	smov.u32 s31  }
0x48: {  	s3 =	sadd.s32 $0xFFFFFF80, s31;
	s5 =	sand.u32 $0xFC00, s30;
	_ =	swait.ge [sflag:s25], $0x80  }
0x49: {  	s30 =	sand.u32 $0x300, s30;
	s5 =	sadd.s32 s11, s5;
	[sflag:s25] =	ssyncset.done $0x0  }
0x4a: {  	s6 =	sadd.s32 $0x100, s31;
	s5 =	sor.u32 s30, s5;
	[sflag:s25] =	ssyncadd.s32 $0xFFFFFF80  }
0x4b: {  	p0 =	sne.s32 s31, $0x5180;
	s30 =	smov.u32 s3;
	s5 =	sshrl.u32 s5, $0x3  }
0x4c: {  	[spmem:s1] =	stream.indirect.scatter.add.f32 [tilespmem:s23], [sflag:$0x3], $0x80, s2, s24, $0xb8;
	[tilespmem:$0x1C100] =	vst v63  }
0x4d: {  	_ =	swait.ge [sflag:s22], $0x4000  }
0x4e: {  	s3 =	sadd.s32 s4, s5;
	[sflag:s22] =	ssyncset.done $0x0  }
0x4f: {  	[sflag:s22] =	ssyncadd.s32 $0xFFFFC000  }
0x50: {  	[tilespmem:s2], [sflag:$0x1] =	stream.linear.gather [hbm4b:s3+s2], $0x80, $0x38;
	[tilespmem:$0x1C100] =	vst v63  }
0x51: {  	s3 =	sand.u32 $0xFC00, s29;
	_ =	swait.ge [sflag:s26], $0x80  }
0x52: {  	s5 =	sand.u32 $0x380, s29;
	s3 =	sadd.s32 s11, s3;
	[sflag:s26] =	ssyncset.done $0x0  }
.Ltmp0:
0x53: {  	s3 =	sor.u32 s5, s3;
	[sflag:s26] =	ssyncadd.s32 $0xFFFFFF80;
	(pc) =	sbr.rel @p0 .LBB2_2-.Ltmp0, $4  }
0x54: {  	[spmem:s1] =	stream.indirect.scatter.add.f32 [tilespmem:s23], [sflag:$0x3], $0x80, s24, s24, $0xb8;
	[tilespmem:$0x1C100] =	vst v63  }
0x55: {  	s29 =	smov.u32 s0;
	s3 =	sshrl.u32 s3, $0x3;
	_ =	swait.ge [sflag:s22], $0x4000  }
0x56: {  	s0 =	sadd.s32 s4, s3;
	[sflag:s22] =	ssyncset.done $0x0  }
0x57: {  	s31 =	smov.u32 s6;
	[sflag:s22] =	ssyncadd.s32 $0xFFFFC000  }
0x58: {  	[tilespmem:s24], [sflag:$0x2] =	stream.linear.gather [hbm4b:s0+s2], $0x80, $0x38;
	[tilespmem:$0x1C100] =	vst v63  }
0x59: {  	_ =	swait.ge [sflag:s25], $0x80  }
0x5a: {  	s6 =	sand.u32 $0xFC00, s30;
	[sflag:s25] =	ssyncset.done $0x0  }
0x5b: {  	s3 =	sand.u32 $0x300, s30;
	s0 =	sadd.s32 s11, s6;
	[sflag:s25] =	ssyncadd.s32 $0xFFFFFF80  }
0x5c: {  	[spmem:s1] =	stream.indirect.scatter.add.f32 [tilespmem:s23], [sflag:$0x3], $0x80, s2, s24, $0xb8;
	[tilespmem:$0x1C100] =	vst v63  }
0x5d: {  	s0 =	sor.u32 s3, s0;
	_ =	swait.ge [sflag:s22], $0x4000  }
0x5e: {  	s0 =	sshrl.u32 s0, $0x3;
	[sflag:s22] =	ssyncset.done $0x0  }
0x5f: {  	s0 =	sadd.s32 s4, s0;
	[sflag:s22] =	ssyncadd.s32 $0xFFFFC000  }
0x60: {  	[tilespmem:s2], [sflag:$0x1] =	stream.linear.gather [hbm4b:s0+s2], $0x80, $0x38;
	[tilespmem:$0x1C100] =	vst v63  }
0x61: {  	_ =	swait.ge [sflag:s26], $0x80  }
0x62: {  	s30 =	sand.u32 $0xFC00, s29;
	[sflag:s26] =	ssyncset.done $0x0  }
0x63: {  	s31 =	sand.u32 $0x380, s29;
	s0 =	sadd.s32 s11, s30;
	[sflag:s26] =	ssyncadd.s32 $0xFFFFFF80  }
0x64: {  	[spmem:s1] =	stream.indirect.scatter.add.f32 [tilespmem:s23], [sflag:$0x3], $0x80, s24, s24, $0xb8;
	[tilespmem:$0x1C100] =	vst v63  }
0x65: {  	s0 =	sor.u32 s31, s0;
	_ =	swait.ge [sflag:s22], $0x4000  }
0x66: {  	s0 =	sshrl.u32 s0, $0x3;
	[sflag:s22] =	ssyncset.done $0x0  }
0x67: {  	s0 =	sadd.s32 s4, s0;
	[sflag:s22] =	ssyncadd.s32 $0xFFFFC000  }
0x68: {  	[tilespmem:s24], [sflag:$0x2] =	stream.linear.gather [hbm4b:s0+s2], $0x80, $0x38;
	[tilespmem:$0x1C100] =	vst v63  }
0x69: {  	_ =	swait.ge [sflag:s25], $0x80  }
0x6a: {  	[sflag:s25] =	ssyncset.done $0x0  }
0x6b: {  	[sflag:s25] =	ssyncadd.s32 $0xFFFFFF80  }
0x6c: {  	_ =	swait.ge [sflag:s26], $0x80  }
0x6d: {  	[sflag:s26] =	ssyncset.done $0x0  }
0x6e: {  	[sflag:s26] =	ssyncadd.s32 $0xFFFFFF80  }
0x6f: {  	[bflag:$0x0] =	sbarrier.arrive $0xFFFF  }
0x70: {  	[tilespmem:s21], [sflag:$0x3] =	stream.linear.gather [spmem:s7], $0x4000, $0x38;
	[tilespmem:$0x1C100] =	vst v63  }
0x71: {  	_ =	swait.ge [sflag:s22], $0x4000  }
0x72: {  	[sflag:s22] =	ssyncset.done $0x0  }
0x73: {  	[sflag:s22] =	ssyncadd.s32 $0xFFFFC000  }
0x74: {  	[hbm4b:s15+s2] =	stream.linear.scatter [tilespmem:s21], [sflag:$0x3], $0x4000, $0x38;
	[tilespmem:$0x1C100] =	vst v63  }
0x75: {  	_ =	swait.ge [sflag:s22], $0x4000  }
0x76: {  	[sflag:s22] =	ssyncset.done $0x0  }
0x77: {  	[sflag:s22] =	ssyncadd.s32 $0xFFFFC000  }
0x78: {  	[tilespmem:s21], [sflag:$0x3] =	stream.linear.gather [spmem:s8], $0x4000, $0x38;
	[tilespmem:$0x1C100] =	vst v63  }
0x79: {  	_ =	swait.ge [sflag:s22], $0x4000  }
0x7a: {  	[sflag:s22] =	ssyncset.done $0x0  }
0x7b: {  	[sflag:s22] =	ssyncadd.s32 $0xFFFFC000  }
0x7c: {  	[hbm4b:s16+s2] =	stream.linear.scatter [tilespmem:s21], [sflag:$0x3], $0x4000, $0x38;
	[tilespmem:$0x1C100] =	vst v63  }
0x7d: {  	_ =	swait.ge [sflag:s22], $0x4000  }
0x7e: {  	[sflag:s22] =	ssyncset.done $0x0  }
0x7f: {  	[sflag:s22] =	ssyncadd.s32 $0xFFFFC000  }
0x80: {  	[tilespmem:s21], [sflag:$0x3] =	stream.linear.gather [spmem:s9], $0x4000, $0x38;
	[tilespmem:$0x1C100] =	vst v63  }
0x81: {  	_ =	swait.ge [sflag:s22], $0x4000  }
0x82: {  	[sflag:s22] =	ssyncset.done $0x0  }
0x83: {  	[sflag:s22] =	ssyncadd.s32 $0xFFFFC000  }
0x84: {  	[hbm4b:s17+s2] =	stream.linear.scatter [tilespmem:s21], [sflag:$0x3], $0x4000, $0x38;
	[tilespmem:$0x1C100] =	vst v63  }
0x85: {  	_ =	swait.ge [sflag:s22], $0x4000  }
0x86: {  	[sflag:s22] =	ssyncset.done $0x0  }
0x87: {  	[sflag:s22] =	ssyncadd.s32 $0xFFFFC000  }
0x88: {  	[tilespmem:s21], [sflag:$0x3] =	stream.linear.gather [spmem:s10], $0x4000, $0x38;
	[tilespmem:$0x1C100] =	vst v63  }
0x89: {  	_ =	swait.ge [sflag:s22], $0x4000  }
0x8a: {  	[sflag:s22] =	ssyncset.done $0x0  }
0x8b: {  	[sflag:s22] =	ssyncadd.s32 $0xFFFFC000  }
0x8c: {  	[hbm4b:s18+s2] =	stream.linear.scatter [tilespmem:s21], [sflag:$0x3], $0x4000, $0x38;
	[tilespmem:$0x1C100] =	vst v63  }
0x8d: {  	_ =	swait.ge [sflag:s22], $0x4000  }
0x8e: {  	[sflag:s22] =	ssyncset.done $0x0  }
0x8f: {  	[sflag:s22] =	ssyncadd.s32 $0xFFFFC000  }
0x90: {  	[tilespmem:s21], [sflag:$0x3] =	stream.linear.gather [spmem:s12], $0x4000, $0x38;
	[tilespmem:$0x1C100] =	vst v63  }
0x91: {  	s28 =	sadd.s32 $0x1, s28;
	_ =	swait.ge [sflag:s22], $0x4000  }
0x92: {  	p0 =	sne.s32 s28, s20;
	[sflag:s22] =	ssyncset.done $0x0  }
.Ltmp1:
0x93: {  	[sflag:s22] =	ssyncadd.s32 $0xFFFFC000;
	(pc) =	sbr.rel @p0 .LBB2_1-.Ltmp1, $4  }
0x94: {  	[hbm4b:s19+s2] =	stream.linear.scatter [tilespmem:s21], [sflag:$0x3], $0x4000, $0x38;
	[tilespmem:$0x1C100] =	vst v63  }
0x95: {  	_ =	swait.ge [sflag:s22], $0x4000  }
0x96: {  	[sflag:s22] =	ssyncset.done $0x0  }
0x97: {  	[sflag:s22] =	ssyncadd.s32 $0xFFFFC000  }
0x98: {  	_ =	sfence.sel $0x180000  }
0x99: {  	[bflag:$0x0] =	sbarrier.arrive $0xFFFF  }
0x9a: {  	_ =	strace $0x90000047  }
0x9b: {  	s0 =	stileid.u32;
	[bflag:$0x2] =	sbarrier.arrive $0xFFFF  }
0x9c: {  	p0 =	sne.s32 s0, $0x0;
	s0 =	rddreg [dreg:$0x2]  }
0x9d: {  	s0 =	sadd.s32 @!p0 $0x100000, s0  }
0x9e: {  	[sflag:s0] =	ssyncadd.tile.s32 @!p0 $0x1;
	_ =	shalt  }
.Lfunc_end2:
_tile_overlayer_lowered:
.L_overlay_start_2:
0x9f: {  	(tag) =	ssettag $0x2  }
0xa0: {  	s0 =	rddreg [dreg:$0x0];
	s2 =	stileid.u32  }
0xa1: {  	s1 =	rddreg [dreg:$0x1];
	p0 =	sne.s32 s2, $0x0  }
0xa2: {  	s3 =	rddreg [dreg:$0x2];
	[bflag:$0x3] =	sbarrier.arrive $0xFFFF;
	s2 =	simm.s32 @!p0 $0x1C03  }
0xa3: {  	[timem:s3], [sflag:s2] =	dma.local @!p0 [hbm:s0], s1  }
0xa4: {  	s0 =	simm.s32 @!p0 $0x3  }
0xa5: {  	_ =	swait.ge @!p0 [sflag:s0], s1  }
0xa6: {  	s1 =	ssub.s32 @!p0 $0x0, s1;
	[sflag:s0] =	ssyncset.done @!p0 $0x0  }
0xa7: {  	[sflag:s0] =	ssyncadd.s32 @!p0 s1  }
0xa8: {  	[bflag:$0x3] =	sbarrier.arrive $0xFFFF  }
0xa9: {  	_ =	shalt  }

// kernel: kernel.14.cloned.1.call-start
scs
__scs_entry_jumppad:
0x0: {  	(pc) =	sbr.rel $0x88, $3  }
0x1: {  	(tag) =	ssettag $0x0;
	lr =	simm.s32 $0x1  }
0x2: {  	[smem:$0x3F8F] =	sst lr;
	_ =	strace $0xD0000000  }
0x3: {  	_ = 	snop  }
0x4: {  	_ = 	snop  }
0x5: {  	_ = 	snop  }
0x6: {  	_ = 	snop  }
0x7: {  	_ = 	snop  }
__scs_overlays_trampoline_lowered:
0x8: {  	[smem:$0x3F9E] =	sst s0  }
0x9: {  	[smem:$0x3F9F] =	sst s1  }
0xa: {  	[smem:$0x3FA0] =	sst s2  }
0xb: {  	[smem:$0x3FA1] =	sst s3  }
0xc: {  	[smem:$0x3FA2] =	sst s4  }
0xd: {  	[smem:$0x3FA3] =	sst s5  }
0xe: {  	[smem:$0x3FA4] =	sst s6  }
0xf: {  	[smem:$0x3FA5] =	sst s7  }
0x10: {  	[smem:$0x3FA6] =	sst s8  }
0x11: {  	[smem:$0x3FA7] =	sst s9;
	s0 =	simm.s32 @!p0 $0x0  }
0x12: {  	s1 =	sld [smem:$0x3F8D];
	s0 =	simm.s32 @p0 $0x1  }
0x13: {  	[smem:$0x3FA8] =	sst s0;
	s0 =	simm.s32 @!p1 $0x0  }
0x14: {  	s2 =	sld [smem:$0x3F8C];
	s0 =	simm.s32 @p1 $0x1  }
0x15: {  	[smem:$0x3FA9] =	sst s0;
	s0 =	simm.s32 @!p2 $0x0  }
0x16: {  	s3 =	sld [smem:$0x3FDB];
	s0 =	simm.s32 @p2 $0x1  }
0x17: {  	s4 =	simm.s32 $0x1BF5;
	[smem:$0x3FAB] =	sst s0  }
0x18: {  	s0 =	sld [smem:$0x3F8E];
	_ =	swait.ge [sflag:s4], $0x0  }
0x19: {  	s7 =	sld [smem:$0x3F8F]  }
0x1a: {  	s8 =	sadd.s32 $0xFFFFE003, lr  }
0x1b: {  	s9 =	sadd.s32 $0xFFFFFEF7, lr;
	s5 =	simm.s32 $0xFFFFFFFF;
	p2 =	slt.u32 s8, $0xFFFFF086  }
0x1c: {  	p1 =	slt.u32 s9, $0xF7A;
	s5 =	simm.s32 @!p2 $0x0  }
0x1d: {  	s5 =	simm.s32 @p1 $0x1;
	p0 =	seq.s32 s7, s2  }
0x1e: {  	s7 =	smul.u32 @!p0 $0xF7A, s2;
	p2 =	seq.s32 @!p0 s5, $0x0  }
0x1f: {  	s9 =	smul.u32 $0xF7A, s1;
	s8 =	simm.s32 @!p0 $0x1BF5;
	p2 =	por !p2, p0  }
0x20: {  	[sflag:s8] =	ssyncset.s32 @!p0 $0xFFFFF086;
	s6 =	sadd.s32 @!p0 s3, s7;
	s7 =	simm.s32 @!p0 $0x108  }
0x21: {  	s3 =	sadd.s32 s3, s9;
	s6 =	sadd.s32 @!p0 $0x88, s6;
	s7 =	simm.s32 @p2 $0x1082  }
0x22: {  	[simem:s7], [sflag:s8] =	dma.local @!p0 [hbm:s6], $0xF7A  }
0x23: {  	s9 =	sor.u32 $0xD0000000, s2;
	s6 =	simm.s32 $0x108;
	_ =	swait.ge @!p0 [sflag:s8], $0x0  }
0x24: {  	s3 =	sadd.s32 $0x88, s3;
	s6 =	simm.s32 @!p1 $0x1082;
	[sflag:s4] =	ssyncset.s32 $0xFFFFF086  }
0x25: {  	[simem:s6], [sflag:s4] =	dma.local [hbm:s3], $0xF7A  }
0x26: {  	[smem:$0x3F8F] =	sst s1;
	(tag) =	ssettag s2;
	_ =	strace s9  }
0x27: {  	s1 =	sld [smem:$0x3F9F]  }
0x28: {  	s2 =	sld [smem:$0x3FA0]  }
0x29: {  	s4 =	sld [smem:$0x3FA2]  }
0x2a: {  	p0 =	seq.s32 s5, $0x0;
	s5 =	sld [smem:$0x3FA3]  }
0x2b: {  	s6 =	sld [smem:$0x3FA4]  }
0x2c: {  	s7 =	sld [smem:$0x3FA5]  }
0x2d: {  	s3 =	simm.s32 $0x108;
	s8 =	sld [smem:$0x3FA6]  }
0x2e: {  	s3 =	simm.s32 @!p0 $0x1082;
	s9 =	sld [smem:$0x3FA7]  }
0x2f: {  	lr =	sadd.s32 s0, s3;
	s0 =	sld [smem:$0x3F9E]  }
0x30: {  	s3 =	sld [smem:$0x3FA1]  }
0x31: {  	[smem:$0x3FAA] =	sst s10  }
0x32: {  	s10 =	sld [smem:$0x3FA8];
	_ =	sdelay $0x3  }
0x33: {  	p0 =	seq.s32 s10, $0x1;
	s10 =	sld [smem:$0x3FAA];
	_ =	sdelay $0x3  }
0x34: {  	[smem:$0x3FAA] =	sst s10  }
0x35: {  	s10 =	sld [smem:$0x3FA9];
	_ =	sdelay $0x3  }
0x36: {  	p1 =	seq.s32 s10, $0x1;
	s10 =	sld [smem:$0x3FAA];
	_ =	sdelay $0x3  }
0x37: {  	[smem:$0x3FAA] =	sst s10  }
0x38: {  	s10 =	sld [smem:$0x3FAB]  }
0x39: {  	_ = 	snop;
	(pc) =	sbr.ind lr, $3  }
0x3a: {  	_ = 	snop  }
0x3b: {  	_ = 	snop  }
0x3c: {  	p2 =	seq.s32 s10, $0x1;
	s10 =	sld [smem:$0x3FAA]  }
0x3d: {  	_ =	shalt  }
0x3e: {  	_ =	shalt  }
0x3f: {  	_ =	shalt  }
0x40: {  	_ =	shalt  }
0x41: {  	_ =	shalt  }
0x42: {  	_ =	shalt  }
0x43: {  	_ =	shalt  }
0x44: {  	_ =	shalt  }
0x45: {  	_ =	shalt  }
0x46: {  	_ =	shalt  }
0x47: {  	_ =	shalt  }
0x48: {  	_ =	shalt  }
0x49: {  	_ =	shalt  }
0x4a: {  	_ =	shalt  }
0x4b: {  	_ =	shalt  }
0x4c: {  	_ =	shalt  }
0x4d: {  	_ =	shalt  }
0x4e: {  	_ =	shalt  }
0x4f: {  	_ =	shalt  }
0x50: {  	_ =	shalt  }
0x51: {  	_ =	shalt  }
0x52: {  	_ =	shalt  }
0x53: {  	_ =	shalt  }
0x54: {  	_ =	shalt  }
0x55: {  	_ =	shalt  }
0x56: {  	_ =	shalt  }
0x57: {  	_ =	shalt  }
0x58: {  	_ =	shalt  }
0x59: {  	_ =	shalt  }
0x5a: {  	_ =	shalt  }
0x5b: {  	_ =	shalt  }
0x5c: {  	_ =	shalt  }
0x5d: {  	_ =	shalt  }
0x5e: {  	_ =	shalt  }
0x5f: {  	_ =	shalt  }
0x60: {  	_ =	shalt  }
0x61: {  	_ =	shalt  }
0x62: {  	_ =	shalt  }
0x63: {  	_ =	shalt  }
0x64: {  	_ =	shalt  }
0x65: {  	_ =	shalt  }
0x66: {  	_ =	shalt  }
0x67: {  	_ =	shalt  }
0x68: {  	_ =	shalt  }
0x69: {  	_ =	shalt  }
0x6a: {  	_ =	shalt  }
0x6b: {  	_ =	shalt  }
0x6c: {  	_ =	shalt  }
0x6d: {  	_ =	shalt  }
0x6e: {  	_ =	shalt  }
0x6f: {  	_ =	shalt  }
0x70: {  	_ =	shalt  }
0x71: {  	_ =	shalt  }
0x72: {  	_ =	shalt  }
0x73: {  	_ =	shalt  }
0x74: {  	_ =	shalt  }
0x75: {  	_ =	shalt  }
0x76: {  	_ =	shalt  }
0x77: {  	_ =	shalt  }
0x78: {  	_ =	shalt  }
0x79: {  	_ =	shalt  }
0x7a: {  	_ =	shalt  }
0x7b: {  	_ =	shalt  }
0x7c: {  	_ =	shalt  }
0x7d: {  	_ =	shalt  }
0x7e: {  	_ =	shalt  }
0x7f: {  	_ =	shalt  }
0x80: {  	_ =	shalt  }
0x81: {  	_ =	shalt  }
0x82: {  	_ =	shalt  }
0x83: {  	_ =	shalt  }
0x84: {  	_ =	shalt  }
0x85: {  	_ =	shalt  }
0x86: {  	_ =	shalt  }
0x87: {  	_ =	shalt  }
.Lfunc_end0:
.L_simem_size_0:
called_computation.1_lowered:
.L_overlay_start_0:
0x88: {  	s2 =	sld [smem:$0x3FD9]  }
0x89: {  	s3 =	sld [smem:$0x3FFE];
	_ =	sdelay $0x1  }
0x8a: {  	s1 =	srdreg.scid  }
0x8b: {  	s0 =	sand.u32 $0x1, s1  }
0x8c: {  	s16 =	sshll.u32 s0, $0xA;
	s2 =	sadd.s32 s3, s2  }
0x8d: {  	s2 =	sadd.s32 s2, s16  }
0x8e: {  	[smem:$0x3FB6] =	sst s2  }
0x8f: {  	_ = 	snop  }
0x90: {  	(tm) =	ssettm $0x1  }
0x91: {  	s17 =	sld [smem:$0x3FFB];
	_ =	sdelay $0x3  }
0x92: {  	_ =	strace s17  }
0x93: {  	s2 =	sld [smem:$0x3FFC];
	_ =	sdelay $0x3  }
0x94: {  	_ =	strace s2  }
0x95: {  	s2 =	sld [smem:$0x3FFD];
	_ =	sdelay $0x3  }
0x96: {  	_ =	strace s2  }
0x97: {  	_ =	strace $0x8FFFFFFF  }
0x98: {  	s18 =	sld [smem:$0x3FDB];
	_ =	sdelay $0x1  }
0x99: {  	s19 =	simm.s32 $_scs_section_size  }
0x9a: {  	s4 =	simm.s32 $_size__tile_overlayer_lowered;
	s5 =	simm.s32 $_tile_overlayer_lowered  }
0x9b: {  	s22 =	simm.s32 $0x1BFF;
	s21 =	sshll.u32 s5, $0x1;
	s2 =	sadd.s32 s19, s18  }
0x9c: {  	s6 =	simm.s32 $0x0;
	s20 =	sshll.u32 s4, $0x1;
	s4 =	sadd.s32 s21, s2  }
0x9d: {  	[timem:s6], [sflag:s22] =	dma.local [hbm:s4], s20  }
0x9e: {  	_ =	swait.ge [sflag:s22], s20  }
0x9f: {  	s3 =	ssub.s32 $0x0, s20;
	[sflag:s22] =	ssyncset.done $0x0  }
0xa0: {  	[sflag:s22] =	ssyncadd.s32 s3;
	_ =	sdelay $0x1  }
0xa1: {  	s23 =	simm.s32 $0x1B8B  }
0xa2: {  	_ =	swait.ge [sflag:s23], $0x1  }
0xa3: {  	[sflag:s23] =	ssyncset.done $0x0  }
0xa4: {  	s25 =	simm.s32 $0x1B8E;
	s24 =	sld [smem:$0x3FFE];
	[sflag:s23] =	ssyncadd.s32 $0xFFFFFFFF  }
0xa5: {  	s26 =	simm.s32 $execute0_lowered;
	[smem:$0x3FD2] =	sst s25  }
0xa6: {  	s4 =	sshll.u32 s26, $0x1;
	_ =	strace $0x80000049;
	[dreg:$0x1] =	wrdreg $0xFFFFFFFF  }
0xa7: {  	s28 =	simm.s32 $_size_execute0_lowered;
	s2 =	sadd.s32 s2, s4;
	[dreg:$0x0] =	wrdreg $0x0  }
0xa8: {  	s4 =	sshll.u32 s28, $0x1;
	[dreg:$0x2] =	wrdreg s2  }
0xa9: {  	[dreg:$0x3] =	wrdreg s4  }
0xaa: {  	[dreg:$0x4] =	wrdreg $0xC0  }
0xab: {  	_ =	task [dreg:s6], $0x5FFFF  }
0xac: {  	[dreg:$0x1] =	wrdreg $0xFFFFFFFF  }
0xad: {  	[dreg:$0x0] =	wrdreg $0x60  }
0xae: {  	[dreg:$0x2] =	wrdreg s24  }
0xaf: {  	[dreg:$0x3] =	wrdreg $0x82000  }
0xb0: {  	[dreg:$0x4] =	wrdreg $0x9  }
0xb1: {  	_ =	task.clear_ibuf [dreg:s6], $0x5FFFF;
	_ =	strace $0x90000049  }
0xb2: {  	s29 =	simm.s32 $0x9;
	_ =	strace $0x8000004B  }
0xb3: {  	_ =	swait.ge [sflag:s29], $0x1  }
0xb4: {  	[sflag:s29] =	ssyncadd.s32 $0xFFFFFFFF  }
0xb5: {  	_ =	strace $0x9000004B  }
0xb6: {  	_ =	sfence  }
0xb7: {  	s30 =	sld [smem:$0x0];
	_ =	sdelay $0x2  }
0xb8: {  	s31 =	sshll.u32 s1, $0xD;
	s1 =	sshrl.u32 s1, $0x2  }
0xb9: {  	s3 =	sand.u32 $0x4000, s31;
	s1 =	sadd.s32 s1, s30  }
0xba: {  	s0 =	sor.u32 s3, s0;
	s1 =	sshll.u32 s1, $0x11  }
0xbb: {  	s0 =	sor.u32 s1, s0  }
0xbc: {  	s0 =	sadd.s32 $0x8F2B, s0  }
0xbd: {  	[sflag:s0] =	ssyncadd.remote.s32 $0x1  }
0xbe: {  	_ =	sfence.sel $0xFFFF  }
0xbf: {  	[dreg:$0x0] =	wrdreg $0xFFFFFFFF;
	(pc) =	sbr.abs _section_cstart, $3  }
0xc0: {  	[dreg:$0x1] =	wrdreg $0xFFFFFFFF  }
0xc1: {  	_ =	task.clear_ibuf [dreg:s6], $0x2FFFF;
	_ =	strace $0x9FFFFFFF  }
0xc2: {  	(tm) =	ssettm $0x7FFFFFFF  }
0xc3: {  	_ =	shalt  }
tec
execute0_lowered:
.L_overlay_start_1:
0x0: {  	(tag) =	ssettag $0x1  }
0x1: {  	s0 =	rddreg [dreg:$0x0]  }
0x2: {  	s1 =	rddreg [dreg:$0x1];
	s2 =	simm.s32 $0x0  }
0x3: {  	s3 =	srdreg.scid;
	s10 =	stileid.u32;
	s28 =	simm.s32 $0x100  }
0x4: {  	s29 =	simm.s32 $0x3;
	s30 =	simm.s32 $0x4;
	s31 =	simm.s32 $0x5  }
0x5: {  	[smem:$0x7FF] =	sst s2;
	s4 =	sadd.s32 $0x7F800, s0;
	s8 =	smul.u32 $0x50000, s10  }
0x6: {  	s5 =	sadd.s32 $0x6A800, s0;
	s3 =	sand.u32 $0x1, s3;
	s14 =	smul.u32 $0x14000, s10  }
0x7: {  	s6 =	sadd.s32 $0x4800, s0;
	s9 =	sadd.s32 $0x19800, s0;
	s12 =	smul.u32 $0x5400, s10  }
0x8: {  	s0 =	sadd.s32 $0xCF800, s0;
	_ =	strace $0x8000004A;
	s11 =	smul.u32 $0x54000, s3  }
0x9: {  	s7 =	ssub.s32 $0x2, s3;
	[dreg:$0x3] =	wrdreg s9;
	s3 =	smul.u32 $0x140000, s3  }
0xa: {  	s21 =	sshrl.u32 s7, $0x1;
	s8 =	sshrl.u32 s8, $0x2;
	s15 =	sadd.s32 $0x4000, s14  }
0xb: {  	s16 =	sadd.s32 $0x8000, s14;
	s17 =	sadd.s32 $0xC000, s14;
	s18 =	sadd.s32 $0x10000, s14  }
0xc: {  	s7 =	ssub.s32 s7, s21;
	s8 =	sadd.s32 s8, s1;
	s9 =	sadd.s32 s15, s1  }
0xd: {  	s10 =	sadd.s32 s16, s1;
	s11 =	sadd.s32 s12, s11;
	s12 =	sadd.s32 s17, s1  }
0xe: {  	s13 =	sadd.s32 s18, s1;
	s14 =	sadd.s32 s14, s3;
	s15 =	sadd.s32 s3, s15  }
0xf: {  	s25 =	sadd.s32 s3, s16;
	s26 =	sadd.s32 s3, s17;
	s3 =	sadd.s32 s3, s18  }
0x10: {  	s16 =	simm.s32 $0x0;
	s19 =	sshrl.u32 s11, $0x3;
	s14 =	sshrl.u32 s14, $0x3  }
0x11: {  	s24 =	sshrl.u32 s15, $0x3;
	s15 =	sshrl.u32 s26, $0x3;
	s3 =	sshrl.u32 s3, $0x3  }
0x12: {  	s26 =	simm.s32 $0x80;
	s20 =	sadd.s32 s5, s19;
	s22 =	sadd.s32 s6, s19  }
0x13: {  	s19 =	sor.u32 $0x10, s19;
	s14 =	sadd.s32 s0, s14;
	[dreg:$0x4] =	wrdreg s20  }
0x14: {  	s21 =	sadd.s32 s0, s15;
	s15 =	simm.s32 $0x180;
	[dreg:$0x5] =	wrdreg s22  }
0x15: {  	s23 =	sadd.s32 s5, s19;
	s19 =	sadd.s32 s6, s19;
	[dreg:$0x8] =	wrdreg s14  }
0x16: {  	s14 =	sadd.s32 s0, s24;
	s22 =	sadd.s32 s0, s3;
	[dreg:$0x6] =	wrdreg s23  }
0x17: {  	s24 =	simm.s32 $0x200;
	s3 =	simm.s32 $0x4200;
	[dreg:$0x7] =	wrdreg s19  }
0x18: {  	[dreg:$0x9] =	wrdreg s14;
	s14 =	sshrl.u32 s25, $0x3;
	s23 =	smax.u32 s7, $0x1  }
0x19: {  	s25 =	simm.s32 $0x7;
	s7 =	simm.s32 $0x1;
	s14 =	sadd.s32 s0, s14  }
0x1a: {  	s0 =	simm.s32 $0x6;
	[dreg:$0xa] =	wrdreg s14;
	s14 =	simm.s32 $0x2  }
.LBB2_1:
0x1b: {  	s17 =	rddreg [dreg:$0x3]  }
0x1c: {  	[tilespmem:s24], [sflag:$0x7] =	stream.linear.gather [hbm4b:s17+s2], $0x4000, $0x38;
	[tilespmem:$0x1C200] =	vst v63  }
0x1d: {  	_ =	swait.ge [sflag:s25], $0x4000  }
0x1e: {  	[sflag:s25] =	ssyncset.done $0x0  }
0x1f: {  	[sflag:s25] =	ssyncadd.s32 $0xFFFFC000  }
0x20: {  	[spmem:s8] =	stream.linear.scatter [tilespmem:s24], [sflag:$0x7], $0x4000, $0x38;
	[tilespmem:$0x1C200] =	vst v63  }
0x21: {  	_ =	swait.ge [sflag:s25], $0x4000  }
0x22: {  	[sflag:s25] =	ssyncset.done $0x0  }
0x23: {  	[sflag:s25] =	ssyncadd.s32 $0xFFFFC000  }
0x24: {  	[spmem:s9] =	stream.linear.scatter [tilespmem:s24], [sflag:$0x7], $0x4000, $0x38;
	[tilespmem:$0x1C200] =	vst v63  }
0x25: {  	_ =	swait.ge [sflag:s25], $0x4000  }
0x26: {  	[sflag:s25] =	ssyncset.done $0x0  }
0x27: {  	[sflag:s25] =	ssyncadd.s32 $0xFFFFC000  }
0x28: {  	[spmem:s10] =	stream.linear.scatter [tilespmem:s24], [sflag:$0x7], $0x4000, $0x38;
	[tilespmem:$0x1C200] =	vst v63  }
0x29: {  	_ =	swait.ge [sflag:s25], $0x4000  }
0x2a: {  	[sflag:s25] =	ssyncset.done $0x0  }
0x2b: {  	[sflag:s25] =	ssyncadd.s32 $0xFFFFC000  }
0x2c: {  	[spmem:s12] =	stream.linear.scatter [tilespmem:s24], [sflag:$0x7], $0x4000, $0x38;
	[tilespmem:$0x1C200] =	vst v63  }
0x2d: {  	_ =	swait.ge [sflag:s25], $0x4000  }
0x2e: {  	[sflag:s25] =	ssyncset.done $0x0  }
0x2f: {  	[sflag:s25] =	ssyncadd.s32 $0xFFFFC000  }
0x30: {  	[spmem:s13] =	stream.linear.scatter [tilespmem:s24], [sflag:$0x7], $0x4000, $0x38;
	[tilespmem:$0x1C200] =	vst v63  }
0x31: {  	_ =	swait.ge [sflag:s25], $0x4000  }
0x32: {  	[sflag:s25] =	ssyncset.done $0x0  }
0x33: {  	s18 =	rddreg [dreg:$0x4];
	[sflag:s25] =	ssyncadd.s32 $0xFFFFC000  }
0x34: {  	[tilespmem:s2], [sflag:$0x3] =	stream.linear.gather [hbm4b:s18+s2], $0x80, $0x38;
	[tilespmem:$0x1C200] =	vst v63  }
0x35: {  	s19 =	rddreg [dreg:$0x5]  }
0x36: {  	[tilespmem:s26], [sflag:$0x4] =	stream.linear.gather [hbm4b:s19+s2], $0x80, $0x38;
	[tilespmem:$0x1C200] =	vst v63  }
0x37: {  	s20 =	rddreg [dreg:$0x6]  }
0x38: {  	[tilespmem:s28], [sflag:$0x5] =	stream.linear.gather [hbm4b:s20+s2], $0x80, $0x38;
	[tilespmem:$0x1C200] =	vst v63  }
0x39: {  	s18 =	rddreg [dreg:$0x7]  }
0x3a: {  	[tilespmem:s15], [sflag:$0x6] =	stream.linear.gather [hbm4b:s18+s2], $0x80, $0x38;
	[tilespmem:$0x1C200] =	vst v63  }
0x3b: {  	[bflag:$0x0] =	sbarrier.arrive $0xFFFF  }
0x3c: {  	_ =	swait.ge [sflag:s29], $0x80  }
0x3d: {  	[sflag:s29] =	ssyncset.done $0x0  }
0x3e: {  	[sflag:s29] =	ssyncadd.s32 $0xFFFFFF80  }
0x3f: {  	_ =	swait.ge [sflag:s30], $0x80  }
0x40: {  	[sflag:s30] =	ssyncset.done $0x0  }
0x41: {  	[sflag:s30] =	ssyncadd.s32 $0xFFFFFF80  }
0x42: {  	[tilespmem:s24], [sflag:$0x1] =	stream.indirect.gather [hbm4b:s4+s26], $0x80, s2, s26, $0xb8;
	[tilespmem:$0x1C200] =	vst v63  }
0x43: {  	_ =	swait.ge [sflag:s31], $0x80  }
0x44: {  	[sflag:s31] =	ssyncset.done $0x0  }
0x45: {  	[sflag:s31] =	ssyncadd.s32 $0xFFFFFF80  }
0x46: {  	_ =	swait.ge [sflag:s0], $0x80  }
0x47: {  	[sflag:s0] =	ssyncset.done $0x0  }
0x48: {  	[sflag:s0] =	ssyncadd.s32 $0xFFFFFF80  }
0x49: {  	[tilespmem:s3], [sflag:$0x2] =	stream.indirect.gather [hbm4b:s4+s26], $0x80, s28, s26, $0xb8;
	[tilespmem:$0x1C200] =	vst v63  }
0x4a: {  	s19 =	simm.s32 $0x100;
	_ =	swait.ge [sflag:s7], $0x4000  }
0x4b: {  	s18 =	sand.u32 $0xFC00, s19;
	[sflag:s7] =	ssyncset.done $0x0  }
0x4c: {  	s17 =	sand.u32 $0x300, s19;
	s18 =	sadd.s32 s11, s18;
	[sflag:s7] =	ssyncadd.s32 $0xFFFFC000  }
0x4d: {  	[spmem:s1] =	stream.indirect.scatter.add.f32 [tilespmem:s24], [sflag:$0x7], $0x80, s26, s26, $0xb8;
	[tilespmem:$0x1C200] =	vst v63  }
0x4e: {  	s17 =	sor.u32 s17, s18;
	_ =	swait.ge [sflag:s25], $0x4000  }
0x4f: {  	s17 =	sshrl.u32 s17, $0x3;
	[sflag:s25] =	ssyncset.done $0x0  }
0x50: {  	s20 =	sadd.s32 s5, s17;
	[sflag:s25] =	ssyncadd.s32 $0xFFFFC000  }
0x51: {  	[tilespmem:s2], [sflag:$0x3] =	stream.linear.gather [hbm4b:s20+s2], $0x80, $0x38;
	[tilespmem:$0x1C200] =	vst v63  }
0x52: {  	s17 =	sadd.s32 s6, s17  }
0x53: {  	[tilespmem:s26], [sflag:$0x4] =	stream.linear.gather [hbm4b:s17+s2], $0x80, $0x38;
	[tilespmem:$0x1C200] =	vst v63  }
0x54: {  	_ =	swait.ge [sflag:s29], $0x80  }
0x55: {  	[sflag:s29] =	ssyncset.done $0x0  }
0x56: {  	[sflag:s29] =	ssyncadd.s32 $0xFFFFFF80  }
0x57: {  	_ =	swait.ge [sflag:s30], $0x80  }
0x58: {  	[sflag:s30] =	ssyncset.done $0x0  }
0x59: {  	[sflag:s30] =	ssyncadd.s32 $0xFFFFFF80  }
0x5a: {  	[tilespmem:s24], [sflag:$0x1] =	stream.indirect.gather [hbm4b:s4+s26], $0x80, s2, s26, $0xb8;
	[tilespmem:$0x1C200] =	vst v63  }
0x5b: {  	_ =	swait.ge [sflag:s14], $0x4000  }
0x5c: {  	s19 =	sand.u32 $0xFC00, s15;
	[sflag:s14] =	ssyncset.done $0x0  }
0x5d: {  	s20 =	sand.u32 $0x380, s15;
	s17 =	sadd.s32 s11, s19;
	[sflag:s14] =	ssyncadd.s32 $0xFFFFC000  }
0x5e: {  	[spmem:s1] =	stream.indirect.scatter.add.f32 [tilespmem:s3], [sflag:$0x7], $0x80, s15, s26, $0xb8;
	[tilespmem:$0x1C200] =	vst v63  }
0x5f: {  	s17 =	sor.u32 s20, s17;
	_ =	swait.ge [sflag:s25], $0x4000  }
0x60: {  	s18 =	sshrl.u32 s17, $0x3;
	[sflag:s25] =	ssyncset.done $0x0  }
0x61: {  	s17 =	sadd.s32 s5, s18;
	[sflag:s25] =	ssyncadd.s32 $0xFFFFC000  }
0x62: {  	[tilespmem:s28], [sflag:$0x5] =	stream.linear.gather [hbm4b:s17+s2], $0x80, $0x38;
	[tilespmem:$0x1C200] =	vst v63  }
0x63: {  	s19 =	sadd.s32 s6, s18;
	s17 =	simm.s32 $0x280  }
.LBB2_2:
0x64: {  	p0 =	sne.s32 s17, $0x5180;
	s18 =	smov.u32 s17;
	s17 =	sadd.s32 $0x100, s17  }
0x65: {  	[tilespmem:s15], [sflag:$0x6] =	stream.linear.gather [hbm4b:s19+s2], $0x80, $0x38;
	[tilespmem:$0x1C200] =	vst v63  }
0x66: {  	_ =	swait.ge [sflag:s31], $0x80  }
0x67: {  	[sflag:s31] =	ssyncset.done $0x0  }
0x68: {  	[sflag:s31] =	ssyncadd.s32 $0xFFFFFF80  }
0x69: {  	_ =	swait.ge [sflag:s0], $0x80  }
0x6a: {  	[sflag:s0] =	ssyncset.done $0x0  }
0x6b: {  	[sflag:s0] =	ssyncadd.s32 $0xFFFFFF80  }
0x6c: {  	[tilespmem:s3], [sflag:$0x2] =	stream.indirect.gather [hbm4b:s4+s26], $0x80, s28, s26, $0xb8;
	[tilespmem:$0x1C200] =	vst v63  }
0x6d: {  	_ =	swait.ge [sflag:s7], $0x4000  }
0x6e: {  	s19 =	sadd.s32 $0xFFFFFF80, s18;
	[sflag:s7] =	ssyncset.done $0x0  }
0x6f: {  	s20 =	sand.u32 $0xFC00, s19;
	s19 =	sand.u32 $0x300, s19;
	[sflag:s7] =	ssyncadd.s32 $0xFFFFC000  }
0x70: {  	[spmem:s1] =	stream.indirect.scatter.add.f32 [tilespmem:s24], [sflag:$0x7], $0x80, s26, s26, $0xb8;
	[tilespmem:$0x1C200] =	vst v63  }
0x71: {  	s20 =	sadd.s32 s11, s20;
	_ =	swait.ge [sflag:s25], $0x4000  }
0x72: {  	s19 =	sor.u32 s19, s20;
	[sflag:s25] =	ssyncset.done $0x0  }
0x73: {  	s19 =	sshrl.u32 s19, $0x3;
	[sflag:s25] =	ssyncadd.s32 $0xFFFFC000  }
0x74: {  	s20 =	sadd.s32 s5, s19;
	s19 =	sadd.s32 s6, s19  }
0x75: {  	[tilespmem:s2], [sflag:$0x3] =	stream.linear.gather [hbm4b:s20+s2], $0x80, $0x38;
	[tilespmem:$0x1C200] =	vst v63  }
0x76: {  	_ = 	snop  }
0x77: {  	[tilespmem:s26], [sflag:$0x4] =	stream.linear.gather [hbm4b:s19+s2], $0x80, $0x38;
	[tilespmem:$0x1C200] =	vst v63  }
0x78: {  	_ =	swait.ge [sflag:s29], $0x80  }
0x79: {  	[sflag:s29] =	ssyncset.done $0x0  }
0x7a: {  	[sflag:s29] =	ssyncadd.s32 $0xFFFFFF80  }
0x7b: {  	_ =	swait.ge [sflag:s30], $0x80  }
0x7c: {  	[sflag:s30] =	ssyncset.done $0x0  }
0x7d: {  	[sflag:s30] =	ssyncadd.s32 $0xFFFFFF80  }
0x7e: {  	[tilespmem:s24], [sflag:$0x1] =	stream.indirect.gather [hbm4b:s4+s26], $0x80, s2, s26, $0xb8;
	[tilespmem:$0x1C200] =	vst v63  }
0x7f: {  	_ =	swait.ge [sflag:s14], $0x4000  }
0x80: {  	s19 =	sand.u32 $0xFC00, s18;
	[sflag:s14] =	ssyncset.done $0x0  }
0x81: {  	s18 =	sand.u32 $0x380, s18;
	s19 =	sadd.s32 s11, s19;
	[sflag:s14] =	ssyncadd.s32 $0xFFFFC000  }
0x82: {  	[spmem:s1] =	stream.indirect.scatter.add.f32 [tilespmem:s3], [sflag:$0x7], $0x80, s15, s26, $0xb8;
	[tilespmem:$0x1C200] =	vst v63  }
.Ltmp0:
0x83: {  	_ = 	snop;
	(pc) =	sbr.rel @p0 .LBB2_2-.Ltmp0, $4  }
0x84: {  	s18 =	sor.u32 s18, s19;
	_ =	swait.ge [sflag:s25], $0x4000  }
0x85: {  	s18 =	sshrl.u32 s18, $0x3;
	[sflag:s25] =	ssyncset.done $0x0  }
0x86: {  	s20 =	sadd.s32 s5, s18;
	s19 =	sadd.s32 s6, s18;
	[sflag:s25] =	ssyncadd.s32 $0xFFFFC000  }
0x87: {  	[tilespmem:s28], [sflag:$0x5] =	stream.linear.gather [hbm4b:s20+s2], $0x80, $0x38;
	[tilespmem:$0x1C200] =	vst v63  }
0x88: {  	[tilespmem:s15], [sflag:$0x6] =	stream.linear.gather [hbm4b:s19+s2], $0x80, $0x38;
	[tilespmem:$0x1C200] =	vst v63  }
0x89: {  	_ =	swait.ge [sflag:s7], $0x4000  }
0x8a: {  	[sflag:s7] =	ssyncset.done $0x0  }
0x8b: {  	[sflag:s7] =	ssyncadd.s32 $0xFFFFC000  }
0x8c: {  	_ =	swait.ge [sflag:s31], $0x80  }
0x8d: {  	[sflag:s31] =	ssyncset.done $0x0  }
0x8e: {  	[sflag:s31] =	ssyncadd.s32 $0xFFFFFF80  }
0x8f: {  	_ =	swait.ge [sflag:s0], $0x80  }
0x90: {  	[sflag:s0] =	ssyncset.done $0x0  }
0x91: {  	[sflag:s0] =	ssyncadd.s32 $0xFFFFFF80  }
0x92: {  	[bflag:$0x0] =	sbarrier.arrive $0xFFFF  }
0x93: {  	[tilespmem:s24], [sflag:$0x7] =	stream.linear.gather [spmem:s8], $0x4000, $0x38;
	[tilespmem:$0x1C200] =	vst v63  }
0x94: {  	_ =	swait.ge [sflag:s25], $0x4000  }
0x95: {  	[sflag:s25] =	ssyncset.done $0x0  }
0x96: {  	s17 =	rddreg [dreg:$0x8];
	[sflag:s25] =	ssyncadd.s32 $0xFFFFC000  }
0x97: {  	[hbm4b:s17+s2] =	stream.linear.scatter [tilespmem:s24], [sflag:$0x7], $0x4000, $0x38;
	[tilespmem:$0x1C200] =	vst v63  }
0x98: {  	_ =	swait.ge [sflag:s25], $0x4000  }
0x99: {  	[sflag:s25] =	ssyncset.done $0x0  }
0x9a: {  	[sflag:s25] =	ssyncadd.s32 $0xFFFFC000  }
0x9b: {  	[tilespmem:s24], [sflag:$0x7] =	stream.linear.gather [spmem:s9], $0x4000, $0x38;
	[tilespmem:$0x1C200] =	vst v63  }
0x9c: {  	_ =	swait.ge [sflag:s25], $0x4000  }
0x9d: {  	[sflag:s25] =	ssyncset.done $0x0  }
0x9e: {  	s19 =	rddreg [dreg:$0x9];
	[sflag:s25] =	ssyncadd.s32 $0xFFFFC000  }
0x9f: {  	[hbm4b:s19+s2] =	stream.linear.scatter [tilespmem:s24], [sflag:$0x7], $0x4000, $0x38;
	[tilespmem:$0x1C200] =	vst v63  }
0xa0: {  	_ =	swait.ge [sflag:s25], $0x4000  }
0xa1: {  	[sflag:s25] =	ssyncset.done $0x0  }
0xa2: {  	[sflag:s25] =	ssyncadd.s32 $0xFFFFC000  }
0xa3: {  	[tilespmem:s24], [sflag:$0x7] =	stream.linear.gather [spmem:s10], $0x4000, $0x38;
	[tilespmem:$0x1C200] =	vst v63  }
0xa4: {  	_ =	swait.ge [sflag:s25], $0x4000  }
0xa5: {  	[sflag:s25] =	ssyncset.done $0x0  }
0xa6: {  	s20 =	rddreg [dreg:$0xa];
	[sflag:s25] =	ssyncadd.s32 $0xFFFFC000  }
0xa7: {  	[hbm4b:s20+s2] =	stream.linear.scatter [tilespmem:s24], [sflag:$0x7], $0x4000, $0x38;
	[tilespmem:$0x1C200] =	vst v63  }
0xa8: {  	_ =	swait.ge [sflag:s25], $0x4000  }
0xa9: {  	[sflag:s25] =	ssyncset.done $0x0  }
0xaa: {  	[sflag:s25] =	ssyncadd.s32 $0xFFFFC000  }
0xab: {  	[tilespmem:s24], [sflag:$0x7] =	stream.linear.gather [spmem:s12], $0x4000, $0x38;
	[tilespmem:$0x1C200] =	vst v63  }
0xac: {  	_ =	swait.ge [sflag:s25], $0x4000  }
0xad: {  	[sflag:s25] =	ssyncset.done $0x0  }
0xae: {  	[sflag:s25] =	ssyncadd.s32 $0xFFFFC000  }
0xaf: {  	[hbm4b:s21+s2] =	stream.linear.scatter [tilespmem:s24], [sflag:$0x7], $0x4000, $0x38;
	[tilespmem:$0x1C200] =	vst v63  }
0xb0: {  	_ =	swait.ge [sflag:s25], $0x4000  }
0xb1: {  	[sflag:s25] =	ssyncset.done $0x0  }
0xb2: {  	[sflag:s25] =	ssyncadd.s32 $0xFFFFC000  }
0xb3: {  	[tilespmem:s24], [sflag:$0x7] =	stream.linear.gather [spmem:s13], $0x4000, $0x38;
	[tilespmem:$0x1C200] =	vst v63  }
0xb4: {  	s16 =	sadd.s32 $0x1, s16;
	_ =	swait.ge [sflag:s25], $0x4000  }
0xb5: {  	p0 =	sne.s32 s16, s23;
	[sflag:s25] =	ssyncset.done $0x0  }
.Ltmp1:
0xb6: {  	[sflag:s25] =	ssyncadd.s32 $0xFFFFC000;
	(pc) =	sbr.rel @p0 .LBB2_1-.Ltmp1, $4  }
0xb7: {  	[hbm4b:s22+s2] =	stream.linear.scatter [tilespmem:s24], [sflag:$0x7], $0x4000, $0x38;
	[tilespmem:$0x1C200] =	vst v63  }
0xb8: {  	_ =	swait.ge [sflag:s25], $0x4000  }
0xb9: {  	[sflag:s25] =	ssyncset.done $0x0  }
0xba: {  	[sflag:s25] =	ssyncadd.s32 $0xFFFFC000  }
0xbb: {  	_ =	sfence.sel $0x180000  }
0xbc: {  	[bflag:$0x0] =	sbarrier.arrive $0xFFFF  }
0xbd: {  	_ =	strace $0x9000004A  }
0xbe: {  	s0 =	stileid.u32;
	[bflag:$0x2] =	sbarrier.arrive $0xFFFF  }
0xbf: {  	p0 =	sne.s32 s0, $0x0;
	s0 =	rddreg [dreg:$0x2]  }
0xc0: {  	s0 =	sadd.s32 @!p0 $0x100000, s0  }
0xc1: {  	[sflag:s0] =	ssyncadd.tile.s32 @!p0 $0x1;
	_ =	shalt  }
.Lfunc_end2:
_tile_overlayer_lowered:
.L_overlay_start_2:
0xc2: {  	(tag) =	ssettag $0x2  }
0xc3: {  	s0 =	rddreg [dreg:$0x0];
	s2 =	stileid.u32  }
0xc4: {  	s1 =	rddreg [dreg:$0x1];
	p0 =	sne.s32 s2, $0x0  }
0xc5: {  	s3 =	rddreg [dreg:$0x2];
	[bflag:$0x3] =	sbarrier.arrive $0xFFFF;
	s2 =	simm.s32 @!p0 $0x1C07  }
0xc6: {  	[timem:s3], [sflag:s2] =	dma.local @!p0 [hbm:s0], s1  }
0xc7: {  	s0 =	simm.s32 @!p0 $0x7  }
0xc8: {  	_ =	swait.ge @!p0 [sflag:s0], s1  }
0xc9: {  	s1 =	ssub.s32 @!p0 $0x0, s1;
	[sflag:s0] =	ssyncset.done @!p0 $0x0  }
0xca: {  	[sflag:s0] =	ssyncadd.s32 @!p0 s1  }
0xcb: {  	[bflag:$0x3] =	sbarrier.arrive $0xFFFF  }
0xcc: {  	_ =	shalt  }

// kernel: kernel.17.cloned.1.call-start
scs
__scs_entry_jumppad:
0x0: {  	(pc) =	sbr.rel $0x88, $3  }
0x1: {  	(tag) =	ssettag $0x0;
	lr =	simm.s32 $0x1  }
0x2: {  	[smem:$0x3F8F] =	sst lr;
	_ =	strace $0xD0000000  }
0x3: {  	_ = 	snop  }
0x4: {  	_ = 	snop  }
0x5: {  	_ = 	snop  }
0x6: {  	_ = 	snop  }
0x7: {  	_ = 	snop  }
__scs_overlays_trampoline_lowered:
0x8: {  	[smem:$0x3F9E] =	sst s0  }
0x9: {  	[smem:$0x3F9F] =	sst s1  }
0xa: {  	[smem:$0x3FA0] =	sst s2  }
0xb: {  	[smem:$0x3FA1] =	sst s3  }
0xc: {  	[smem:$0x3FA2] =	sst s4  }
0xd: {  	[smem:$0x3FA3] =	sst s5  }
0xe: {  	[smem:$0x3FA4] =	sst s6  }
0xf: {  	[smem:$0x3FA5] =	sst s7  }
0x10: {  	[smem:$0x3FA6] =	sst s8  }
0x11: {  	[smem:$0x3FA7] =	sst s9;
	s0 =	simm.s32 @!p0 $0x0  }
0x12: {  	s1 =	sld [smem:$0x3F8D];
	s0 =	simm.s32 @p0 $0x1  }
0x13: {  	[smem:$0x3FA8] =	sst s0;
	s0 =	simm.s32 @!p1 $0x0  }
0x14: {  	s2 =	sld [smem:$0x3F8C];
	s0 =	simm.s32 @p1 $0x1  }
0x15: {  	[smem:$0x3FA9] =	sst s0;
	s0 =	simm.s32 @!p2 $0x0  }
0x16: {  	s3 =	sld [smem:$0x3FDB];
	s0 =	simm.s32 @p2 $0x1  }
0x17: {  	s4 =	simm.s32 $0x1BF5;
	[smem:$0x3FAB] =	sst s0  }
0x18: {  	s0 =	sld [smem:$0x3F8E];
	_ =	swait.ge [sflag:s4], $0x0  }
0x19: {  	s7 =	sld [smem:$0x3F8F]  }
0x1a: {  	s8 =	sadd.s32 $0xFFFFE003, lr  }
0x1b: {  	s9 =	sadd.s32 $0xFFFFFEF7, lr;
	s5 =	simm.s32 $0xFFFFFFFF;
	p2 =	slt.u32 s8, $0xFFFFF086  }
0x1c: {  	p1 =	slt.u32 s9, $0xF7A;
	s5 =	simm.s32 @!p2 $0x0  }
0x1d: {  	s5 =	simm.s32 @p1 $0x1;
	p0 =	seq.s32 s7, s2  }
0x1e: {  	s7 =	smul.u32 @!p0 $0xF7A, s2;
	p2 =	seq.s32 @!p0 s5, $0x0  }
0x1f: {  	s9 =	smul.u32 $0xF7A, s1;
	s8 =	simm.s32 @!p0 $0x1BF5;
	p2 =	por !p2, p0  }
0x20: {  	[sflag:s8] =	ssyncset.s32 @!p0 $0xFFFFF086;
	s6 =	sadd.s32 @!p0 s3, s7;
	s7 =	simm.s32 @!p0 $0x108  }
0x21: {  	s3 =	sadd.s32 s3, s9;
	s6 =	sadd.s32 @!p0 $0x88, s6;
	s7 =	simm.s32 @p2 $0x1082  }
0x22: {  	[simem:s7], [sflag:s8] =	dma.local @!p0 [hbm:s6], $0xF7A  }
0x23: {  	s9 =	sor.u32 $0xD0000000, s2;
	s6 =	simm.s32 $0x108;
	_ =	swait.ge @!p0 [sflag:s8], $0x0  }
0x24: {  	s3 =	sadd.s32 $0x88, s3;
	s6 =	simm.s32 @!p1 $0x1082;
	[sflag:s4] =	ssyncset.s32 $0xFFFFF086  }
0x25: {  	[simem:s6], [sflag:s4] =	dma.local [hbm:s3], $0xF7A  }
0x26: {  	[smem:$0x3F8F] =	sst s1;
	(tag) =	ssettag s2;
	_ =	strace s9  }
0x27: {  	s1 =	sld [smem:$0x3F9F]  }
0x28: {  	s2 =	sld [smem:$0x3FA0]  }
0x29: {  	s4 =	sld [smem:$0x3FA2]  }
0x2a: {  	p0 =	seq.s32 s5, $0x0;
	s5 =	sld [smem:$0x3FA3]  }
0x2b: {  	s6 =	sld [smem:$0x3FA4]  }
0x2c: {  	s7 =	sld [smem:$0x3FA5]  }
0x2d: {  	s3 =	simm.s32 $0x108;
	s8 =	sld [smem:$0x3FA6]  }
0x2e: {  	s3 =	simm.s32 @!p0 $0x1082;
	s9 =	sld [smem:$0x3FA7]  }
0x2f: {  	lr =	sadd.s32 s0, s3;
	s0 =	sld [smem:$0x3F9E]  }
0x30: {  	s3 =	sld [smem:$0x3FA1]  }
0x31: {  	[smem:$0x3FAA] =	sst s10  }
0x32: {  	s10 =	sld [smem:$0x3FA8];
	_ =	sdelay $0x3  }
0x33: {  	p0 =	seq.s32 s10, $0x1;
	s10 =	sld [smem:$0x3FAA];
	_ =	sdelay $0x3  }
0x34: {  	[smem:$0x3FAA] =	sst s10  }
0x35: {  	s10 =	sld [smem:$0x3FA9];
	_ =	sdelay $0x3  }
0x36: {  	p1 =	seq.s32 s10, $0x1;
	s10 =	sld [smem:$0x3FAA];
	_ =	sdelay $0x3  }
0x37: {  	[smem:$0x3FAA] =	sst s10  }
0x38: {  	s10 =	sld [smem:$0x3FAB]  }
0x39: {  	_ = 	snop;
	(pc) =	sbr.ind lr, $3  }
0x3a: {  	_ = 	snop  }
0x3b: {  	_ = 	snop  }
0x3c: {  	p2 =	seq.s32 s10, $0x1;
	s10 =	sld [smem:$0x3FAA]  }
0x3d: {  	_ =	shalt  }
0x3e: {  	_ =	shalt  }
0x3f: {  	_ =	shalt  }
0x40: {  	_ =	shalt  }
0x41: {  	_ =	shalt  }
0x42: {  	_ =	shalt  }
0x43: {  	_ =	shalt  }
0x44: {  	_ =	shalt  }
0x45: {  	_ =	shalt  }
0x46: {  	_ =	shalt  }
0x47: {  	_ =	shalt  }
0x48: {  	_ =	shalt  }
0x49: {  	_ =	shalt  }
0x4a: {  	_ =	shalt  }
0x4b: {  	_ =	shalt  }
0x4c: {  	_ =	shalt  }
0x4d: {  	_ =	shalt  }
0x4e: {  	_ =	shalt  }
0x4f: {  	_ =	shalt  }
0x50: {  	_ =	shalt  }
0x51: {  	_ =	shalt  }
0x52: {  	_ =	shalt  }
0x53: {  	_ =	shalt  }
0x54: {  	_ =	shalt  }
0x55: {  	_ =	shalt  }
0x56: {  	_ =	shalt  }
0x57: {  	_ =	shalt  }
0x58: {  	_ =	shalt  }
0x59: {  	_ =	shalt  }
0x5a: {  	_ =	shalt  }
0x5b: {  	_ =	shalt  }
0x5c: {  	_ =	shalt  }
0x5d: {  	_ =	shalt  }
0x5e: {  	_ =	shalt  }
0x5f: {  	_ =	shalt  }
0x60: {  	_ =	shalt  }
0x61: {  	_ =	shalt  }
0x62: {  	_ =	shalt  }
0x63: {  	_ =	shalt  }
0x64: {  	_ =	shalt  }
0x65: {  	_ =	shalt  }
0x66: {  	_ =	shalt  }
0x67: {  	_ =	shalt  }
0x68: {  	_ =	shalt  }
0x69: {  	_ =	shalt  }
0x6a: {  	_ =	shalt  }
0x6b: {  	_ =	shalt  }
0x6c: {  	_ =	shalt  }
0x6d: {  	_ =	shalt  }
0x6e: {  	_ =	shalt  }
0x6f: {  	_ =	shalt  }
0x70: {  	_ =	shalt  }
0x71: {  	_ =	shalt  }
0x72: {  	_ =	shalt  }
0x73: {  	_ =	shalt  }
0x74: {  	_ =	shalt  }
0x75: {  	_ =	shalt  }
0x76: {  	_ =	shalt  }
0x77: {  	_ =	shalt  }
0x78: {  	_ =	shalt  }
0x79: {  	_ =	shalt  }
0x7a: {  	_ =	shalt  }
0x7b: {  	_ =	shalt  }
0x7c: {  	_ =	shalt  }
0x7d: {  	_ =	shalt  }
0x7e: {  	_ =	shalt  }
0x7f: {  	_ =	shalt  }
0x80: {  	_ =	shalt  }
0x81: {  	_ =	shalt  }
0x82: {  	_ =	shalt  }
0x83: {  	_ =	shalt  }
0x84: {  	_ =	shalt  }
0x85: {  	_ =	shalt  }
0x86: {  	_ =	shalt  }
0x87: {  	_ =	shalt  }
.Lfunc_end0:
.L_simem_size_0:
called_computation.2_lowered:
.L_overlay_start_0:
0x88: {  	s2 =	sld [smem:$0x3FD9]  }
0x89: {  	s3 =	sld [smem:$0x3FFE];
	_ =	sdelay $0x1  }
0x8a: {  	s1 =	srdreg.scid  }
0x8b: {  	s0 =	sand.u32 $0x1, s1  }
0x8c: {  	s16 =	sshll.u32 s0, $0xA;
	s2 =	sadd.s32 s3, s2  }
0x8d: {  	s2 =	sadd.s32 s2, s16  }
0x8e: {  	[smem:$0x3FB6] =	sst s2  }
0x8f: {  	_ = 	snop  }
0x90: {  	(tm) =	ssettm $0x1  }
0x91: {  	s17 =	sld [smem:$0x3FFB];
	_ =	sdelay $0x3  }
0x92: {  	_ =	strace s17  }
0x93: {  	s2 =	sld [smem:$0x3FFC];
	_ =	sdelay $0x3  }
0x94: {  	_ =	strace s2  }
0x95: {  	s2 =	sld [smem:$0x3FFD];
	_ =	sdelay $0x3  }
0x96: {  	_ =	strace s2  }
0x97: {  	_ =	strace $0x8FFFFFFF  }
0x98: {  	s18 =	sld [smem:$0x3FDB];
	_ =	sdelay $0x1  }
0x99: {  	s19 =	simm.s32 $_scs_section_size  }
0x9a: {  	s4 =	simm.s32 $_size__tile_overlayer_lowered;
	s5 =	simm.s32 $_tile_overlayer_lowered  }
0x9b: {  	s22 =	simm.s32 $0x1BFF;
	s21 =	sshll.u32 s5, $0x1;
	s2 =	sadd.s32 s19, s18  }
0x9c: {  	s6 =	simm.s32 $0x0;
	s20 =	sshll.u32 s4, $0x1;
	s4 =	sadd.s32 s21, s2  }
0x9d: {  	[timem:s6], [sflag:s22] =	dma.local [hbm:s4], s20  }
0x9e: {  	_ =	swait.ge [sflag:s22], s20  }
0x9f: {  	s3 =	ssub.s32 $0x0, s20;
	[sflag:s22] =	ssyncset.done $0x0  }
0xa0: {  	[sflag:s22] =	ssyncadd.s32 s3;
	_ =	sdelay $0x1  }
0xa1: {  	s23 =	simm.s32 $0x1B8B  }
0xa2: {  	_ =	swait.ge [sflag:s23], $0x1  }
0xa3: {  	[sflag:s23] =	ssyncset.done $0x0  }
0xa4: {  	s25 =	simm.s32 $0x1B8E;
	s24 =	sld [smem:$0x3FFE];
	[sflag:s23] =	ssyncadd.s32 $0xFFFFFFFF  }
0xa5: {  	s26 =	simm.s32 $execute0_lowered;
	[smem:$0x3FD2] =	sst s25  }
0xa6: {  	s4 =	sshll.u32 s26, $0x1;
	_ =	strace $0x8000004C;
	[dreg:$0x1] =	wrdreg $0xFFFFFFFF  }
0xa7: {  	s28 =	simm.s32 $_size_execute0_lowered;
	s2 =	sadd.s32 s2, s4;
	[dreg:$0x0] =	wrdreg $0x0  }
0xa8: {  	s4 =	sshll.u32 s28, $0x1;
	[dreg:$0x2] =	wrdreg s2  }
0xa9: {  	[dreg:$0x3] =	wrdreg s4  }
0xaa: {  	[dreg:$0x4] =	wrdreg $0xC0  }
0xab: {  	_ =	task [dreg:s6], $0x5FFFF  }
0xac: {  	[dreg:$0x1] =	wrdreg $0xFFFFFFFF  }
0xad: {  	[dreg:$0x0] =	wrdreg $0x60  }
0xae: {  	[dreg:$0x2] =	wrdreg s24  }
0xaf: {  	[dreg:$0x3] =	wrdreg $0x82000  }
0xb0: {  	[dreg:$0x4] =	wrdreg $0x9  }
0xb1: {  	_ =	task.clear_ibuf [dreg:s6], $0x5FFFF;
	_ =	strace $0x9000004C  }
0xb2: {  	s29 =	simm.s32 $0x9;
	_ =	strace $0x8000004E  }
0xb3: {  	_ =	swait.ge [sflag:s29], $0x1  }
0xb4: {  	[sflag:s29] =	ssyncadd.s32 $0xFFFFFFFF  }
0xb5: {  	_ =	strace $0x9000004E  }
0xb6: {  	_ =	sfence  }
0xb7: {  	s30 =	sld [smem:$0x0];
	_ =	sdelay $0x2  }
0xb8: {  	s31 =	sshll.u32 s1, $0xD;
	s1 =	sshrl.u32 s1, $0x2  }
0xb9: {  	s3 =	sand.u32 $0x4000, s31;
	s1 =	sadd.s32 s1, s30  }
0xba: {  	s0 =	sor.u32 s3, s0;
	s1 =	sshll.u32 s1, $0x11  }
0xbb: {  	s0 =	sor.u32 s1, s0  }
0xbc: {  	s0 =	sadd.s32 $0x8F2B, s0  }
0xbd: {  	[sflag:s0] =	ssyncadd.remote.s32 $0x1  }
0xbe: {  	_ =	sfence.sel $0xFFFF  }
0xbf: {  	[dreg:$0x0] =	wrdreg $0xFFFFFFFF;
	(pc) =	sbr.abs _section_cstart, $3  }
0xc0: {  	[dreg:$0x1] =	wrdreg $0xFFFFFFFF  }
0xc1: {  	_ =	task.clear_ibuf [dreg:s6], $0x2FFFF;
	_ =	strace $0x9FFFFFFF  }
0xc2: {  	(tm) =	ssettm $0x7FFFFFFF  }
0xc3: {  	_ =	shalt  }
tec
execute0_lowered:
.L_overlay_start_1:
0x0: {  	(tag) =	ssettag $0x1  }
0x1: {  	s0 =	rddreg [dreg:$0x0]  }
0x2: {  	s1 =	rddreg [dreg:$0x1];
	s2 =	simm.s32 $0x0  }
0x3: {  	s3 =	srdreg.scid;
	s10 =	stileid.u32;
	s28 =	simm.s32 $0x100  }
0x4: {  	s29 =	simm.s32 $0x3;
	s30 =	simm.s32 $0x4;
	s31 =	simm.s32 $0x5  }
0x5: {  	[smem:$0x7FF] =	sst s2;
	s4 =	sadd.s32 $0x7F800, s0;
	s8 =	smul.u32 $0x50000, s10  }
0x6: {  	s5 =	sadd.s32 $0x6A800, s0;
	s3 =	sand.u32 $0x1, s3;
	s14 =	smul.u32 $0x14000, s10  }
0x7: {  	s6 =	sadd.s32 $0x4800, s0;
	s9 =	sadd.s32 $0x19800, s0;
	s12 =	smul.u32 $0x5400, s10  }
0x8: {  	s0 =	sadd.s32 $0xCF800, s0;
	_ =	strace $0x8000004D;
	s11 =	smul.u32 $0x54000, s3  }
0x9: {  	s7 =	ssub.s32 $0x2, s3;
	[dreg:$0x3] =	wrdreg s9;
	s3 =	smul.u32 $0x140000, s3  }
0xa: {  	s21 =	sshrl.u32 s7, $0x1;
	s8 =	sshrl.u32 s8, $0x2;
	s15 =	sadd.s32 $0x4000, s14  }
0xb: {  	s16 =	sadd.s32 $0x8000, s14;
	s17 =	sadd.s32 $0xC000, s14;
	s18 =	sadd.s32 $0x10000, s14  }
0xc: {  	s7 =	ssub.s32 s7, s21;
	s8 =	sadd.s32 s8, s1;
	s9 =	sadd.s32 s15, s1  }
0xd: {  	s10 =	sadd.s32 s16, s1;
	s11 =	sadd.s32 s12, s11;
	s12 =	sadd.s32 s17, s1  }
0xe: {  	s13 =	sadd.s32 s18, s1;
	s14 =	sadd.s32 s14, s3;
	s15 =	sadd.s32 s3, s15  }
0xf: {  	s25 =	sadd.s32 s3, s16;
	s26 =	sadd.s32 s3, s17;
	s3 =	sadd.s32 s3, s18  }
0x10: {  	s16 =	simm.s32 $0x0;
	s19 =	sshrl.u32 s11, $0x3;
	s14 =	sshrl.u32 s14, $0x3  }
0x11: {  	s24 =	sshrl.u32 s15, $0x3;
	s15 =	sshrl.u32 s26, $0x3;
	s3 =	sshrl.u32 s3, $0x3  }
0x12: {  	s26 =	simm.s32 $0x80;
	s20 =	sadd.s32 s5, s19;
	s22 =	sadd.s32 s6, s19  }
0x13: {  	s19 =	sor.u32 $0x10, s19;
	s14 =	sadd.s32 s0, s14;
	[dreg:$0x4] =	wrdreg s20  }
0x14: {  	s21 =	sadd.s32 s0, s15;
	s15 =	simm.s32 $0x180;
	[dreg:$0x5] =	wrdreg s22  }
0x15: {  	s23 =	sadd.s32 s5, s19;
	s19 =	sadd.s32 s6, s19;
	[dreg:$0x8] =	wrdreg s14  }
0x16: {  	s14 =	sadd.s32 s0, s24;
	s22 =	sadd.s32 s0, s3;
	[dreg:$0x6] =	wrdreg s23  }
0x17: {  	s24 =	simm.s32 $0x200;
	s3 =	simm.s32 $0x4200;
	[dreg:$0x7] =	wrdreg s19  }
0x18: {  	[dreg:$0x9] =	wrdreg s14;
	s14 =	sshrl.u32 s25, $0x3;
	s23 =	smax.u32 s7, $0x1  }
0x19: {  	s25 =	simm.s32 $0x7;
	s7 =	simm.s32 $0x1;
	s14 =	sadd.s32 s0, s14  }
0x1a: {  	s0 =	simm.s32 $0x6;
	[dreg:$0xa] =	wrdreg s14;
	s14 =	simm.s32 $0x2  }
.LBB2_1:
0x1b: {  	s17 =	rddreg [dreg:$0x3]  }
0x1c: {  	[tilespmem:s24], [sflag:$0x7] =	stream.linear.gather [hbm4b:s17+s2], $0x4000, $0x38;
	[tilespmem:$0x1C200] =	vst v63  }
0x1d: {  	_ =	swait.ge [sflag:s25], $0x4000  }
0x1e: {  	[sflag:s25] =	ssyncset.done $0x0  }
0x1f: {  	[sflag:s25] =	ssyncadd.s32 $0xFFFFC000  }
0x20: {  	[spmem:s8] =	stream.linear.scatter [tilespmem:s24], [sflag:$0x7], $0x4000, $0x38;
	[tilespmem:$0x1C200] =	vst v63  }
0x21: {  	_ =	swait.ge [sflag:s25], $0x4000  }
0x22: {  	[sflag:s25] =	ssyncset.done $0x0  }
0x23: {  	[sflag:s25] =	ssyncadd.s32 $0xFFFFC000  }
0x24: {  	[spmem:s9] =	stream.linear.scatter [tilespmem:s24], [sflag:$0x7], $0x4000, $0x38;
	[tilespmem:$0x1C200] =	vst v63  }
0x25: {  	_ =	swait.ge [sflag:s25], $0x4000  }
0x26: {  	[sflag:s25] =	ssyncset.done $0x0  }
0x27: {  	[sflag:s25] =	ssyncadd.s32 $0xFFFFC000  }
0x28: {  	[spmem:s10] =	stream.linear.scatter [tilespmem:s24], [sflag:$0x7], $0x4000, $0x38;
	[tilespmem:$0x1C200] =	vst v63  }
0x29: {  	_ =	swait.ge [sflag:s25], $0x4000  }
0x2a: {  	[sflag:s25] =	ssyncset.done $0x0  }
0x2b: {  	[sflag:s25] =	ssyncadd.s32 $0xFFFFC000  }
0x2c: {  	[spmem:s12] =	stream.linear.scatter [tilespmem:s24], [sflag:$0x7], $0x4000, $0x38;
	[tilespmem:$0x1C200] =	vst v63  }
0x2d: {  	_ =	swait.ge [sflag:s25], $0x4000  }
0x2e: {  	[sflag:s25] =	ssyncset.done $0x0  }
0x2f: {  	[sflag:s25] =	ssyncadd.s32 $0xFFFFC000  }
0x30: {  	[spmem:s13] =	stream.linear.scatter [tilespmem:s24], [sflag:$0x7], $0x4000, $0x38;
	[tilespmem:$0x1C200] =	vst v63  }
0x31: {  	_ =	swait.ge [sflag:s25], $0x4000  }
0x32: {  	[sflag:s25] =	ssyncset.done $0x0  }
0x33: {  	s18 =	rddreg [dreg:$0x4];
	[sflag:s25] =	ssyncadd.s32 $0xFFFFC000  }
0x34: {  	[tilespmem:s2], [sflag:$0x3] =	stream.linear.gather [hbm4b:s18+s2], $0x80, $0x38;
	[tilespmem:$0x1C200] =	vst v63  }
0x35: {  	s19 =	rddreg [dreg:$0x5]  }
0x36: {  	[tilespmem:s26], [sflag:$0x4] =	stream.linear.gather [hbm4b:s19+s2], $0x80, $0x38;
	[tilespmem:$0x1C200] =	vst v63  }
0x37: {  	s20 =	rddreg [dreg:$0x6]  }
0x38: {  	[tilespmem:s28], [sflag:$0x5] =	stream.linear.gather [hbm4b:s20+s2], $0x80, $0x38;
	[tilespmem:$0x1C200] =	vst v63  }
0x39: {  	s18 =	rddreg [dreg:$0x7]  }
0x3a: {  	[tilespmem:s15], [sflag:$0x6] =	stream.linear.gather [hbm4b:s18+s2], $0x80, $0x38;
	[tilespmem:$0x1C200] =	vst v63  }
0x3b: {  	[bflag:$0x0] =	sbarrier.arrive $0xFFFF  }
0x3c: {  	_ =	swait.ge [sflag:s29], $0x80  }
0x3d: {  	[sflag:s29] =	ssyncset.done $0x0  }
0x3e: {  	[sflag:s29] =	ssyncadd.s32 $0xFFFFFF80  }
0x3f: {  	_ =	swait.ge [sflag:s30], $0x80  }
0x40: {  	[sflag:s30] =	ssyncset.done $0x0  }
0x41: {  	[sflag:s30] =	ssyncadd.s32 $0xFFFFFF80  }
0x42: {  	[tilespmem:s24], [sflag:$0x1] =	stream.indirect.gather [hbm4b:s4+s26], $0x80, s2, s26, $0xb8;
	[tilespmem:$0x1C200] =	vst v63  }
0x43: {  	_ =	swait.ge [sflag:s31], $0x80  }
0x44: {  	[sflag:s31] =	ssyncset.done $0x0  }
0x45: {  	[sflag:s31] =	ssyncadd.s32 $0xFFFFFF80  }
0x46: {  	_ =	swait.ge [sflag:s0], $0x80  }
0x47: {  	[sflag:s0] =	ssyncset.done $0x0  }
0x48: {  	[sflag:s0] =	ssyncadd.s32 $0xFFFFFF80  }
0x49: {  	[tilespmem:s3], [sflag:$0x2] =	stream.indirect.gather [hbm4b:s4+s26], $0x80, s28, s26, $0xb8;
	[tilespmem:$0x1C200] =	vst v63  }
0x4a: {  	s19 =	simm.s32 $0x100;
	_ =	swait.ge [sflag:s7], $0x4000  }
0x4b: {  	s18 =	sand.u32 $0xFC00, s19;
	[sflag:s7] =	ssyncset.done $0x0  }
0x4c: {  	s17 =	sand.u32 $0x300, s19;
	s18 =	sadd.s32 s11, s18;
	[sflag:s7] =	ssyncadd.s32 $0xFFFFC000  }
0x4d: {  	[spmem:s1] =	stream.indirect.scatter.add.f32 [tilespmem:s24], [sflag:$0x7], $0x80, s26, s26, $0xb8;
	[tilespmem:$0x1C200] =	vst v63  }
0x4e: {  	s17 =	sor.u32 s17, s18;
	_ =	swait.ge [sflag:s25], $0x4000  }
0x4f: {  	s17 =	sshrl.u32 s17, $0x3;
	[sflag:s25] =	ssyncset.done $0x0  }
0x50: {  	s20 =	sadd.s32 s5, s17;
	[sflag:s25] =	ssyncadd.s32 $0xFFFFC000  }
0x51: {  	[tilespmem:s2], [sflag:$0x3] =	stream.linear.gather [hbm4b:s20+s2], $0x80, $0x38;
	[tilespmem:$0x1C200] =	vst v63  }
0x52: {  	s17 =	sadd.s32 s6, s17  }
0x53: {  	[tilespmem:s26], [sflag:$0x4] =	stream.linear.gather [hbm4b:s17+s2], $0x80, $0x38;
	[tilespmem:$0x1C200] =	vst v63  }
0x54: {  	_ =	swait.ge [sflag:s29], $0x80  }
0x55: {  	[sflag:s29] =	ssyncset.done $0x0  }
0x56: {  	[sflag:s29] =	ssyncadd.s32 $0xFFFFFF80  }
0x57: {  	_ =	swait.ge [sflag:s30], $0x80  }
0x58: {  	[sflag:s30] =	ssyncset.done $0x0  }
0x59: {  	[sflag:s30] =	ssyncadd.s32 $0xFFFFFF80  }
0x5a: {  	[tilespmem:s24], [sflag:$0x1] =	stream.indirect.gather [hbm4b:s4+s26], $0x80, s2, s26, $0xb8;
	[tilespmem:$0x1C200] =	vst v63  }
0x5b: {  	_ =	swait.ge [sflag:s14], $0x4000  }
0x5c: {  	s19 =	sand.u32 $0xFC00, s15;
	[sflag:s14] =	ssyncset.done $0x0  }
0x5d: {  	s20 =	sand.u32 $0x380, s15;
	s17 =	sadd.s32 s11, s19;
	[sflag:s14] =	ssyncadd.s32 $0xFFFFC000  }
0x5e: {  	[spmem:s1] =	stream.indirect.scatter.add.f32 [tilespmem:s3], [sflag:$0x7], $0x80, s15, s26, $0xb8;
	[tilespmem:$0x1C200] =	vst v63  }
0x5f: {  	s17 =	sor.u32 s20, s17;
	_ =	swait.ge [sflag:s25], $0x4000  }
0x60: {  	s18 =	sshrl.u32 s17, $0x3;
	[sflag:s25] =	ssyncset.done $0x0  }
0x61: {  	s17 =	sadd.s32 s5, s18;
	[sflag:s25] =	ssyncadd.s32 $0xFFFFC000  }
0x62: {  	[tilespmem:s28], [sflag:$0x5] =	stream.linear.gather [hbm4b:s17+s2], $0x80, $0x38;
	[tilespmem:$0x1C200] =	vst v63  }
0x63: {  	s19 =	sadd.s32 s6, s18;
	s17 =	simm.s32 $0x280  }
.LBB2_2:
0x64: {  	p0 =	sne.s32 s17, $0x5180;
	s18 =	smov.u32 s17;
	s17 =	sadd.s32 $0x100, s17  }
0x65: {  	[tilespmem:s15], [sflag:$0x6] =	stream.linear.gather [hbm4b:s19+s2], $0x80, $0x38;
	[tilespmem:$0x1C200] =	vst v63  }
0x66: {  	_ =	swait.ge [sflag:s31], $0x80  }
0x67: {  	[sflag:s31] =	ssyncset.done $0x0  }
0x68: {  	[sflag:s31] =	ssyncadd.s32 $0xFFFFFF80  }
0x69: {  	_ =	swait.ge [sflag:s0], $0x80  }
0x6a: {  	[sflag:s0] =	ssyncset.done $0x0  }
0x6b: {  	[sflag:s0] =	ssyncadd.s32 $0xFFFFFF80  }
0x6c: {  	[tilespmem:s3], [sflag:$0x2] =	stream.indirect.gather [hbm4b:s4+s26], $0x80, s28, s26, $0xb8;
	[tilespmem:$0x1C200] =	vst v63  }
0x6d: {  	_ =	swait.ge [sflag:s7], $0x4000  }
0x6e: {  	s19 =	sadd.s32 $0xFFFFFF80, s18;
	[sflag:s7] =	ssyncset.done $0x0  }
0x6f: {  	s20 =	sand.u32 $0xFC00, s19;
	s19 =	sand.u32 $0x300, s19;
	[sflag:s7] =	ssyncadd.s32 $0xFFFFC000  }
0x70: {  	[spmem:s1] =	stream.indirect.scatter.add.f32 [tilespmem:s24], [sflag:$0x7], $0x80, s26, s26, $0xb8;
	[tilespmem:$0x1C200] =	vst v63  }
0x71: {  	s20 =	sadd.s32 s11, s20;
	_ =	swait.ge [sflag:s25], $0x4000  }
0x72: {  	s19 =	sor.u32 s19, s20;
	[sflag:s25] =	ssyncset.done $0x0  }
0x73: {  	s19 =	sshrl.u32 s19, $0x3;
	[sflag:s25] =	ssyncadd.s32 $0xFFFFC000  }
0x74: {  	s20 =	sadd.s32 s5, s19;
	s19 =	sadd.s32 s6, s19  }
0x75: {  	[tilespmem:s2], [sflag:$0x3] =	stream.linear.gather [hbm4b:s20+s2], $0x80, $0x38;
	[tilespmem:$0x1C200] =	vst v63  }
0x76: {  	_ = 	snop  }
0x77: {  	[tilespmem:s26], [sflag:$0x4] =	stream.linear.gather [hbm4b:s19+s2], $0x80, $0x38;
	[tilespmem:$0x1C200] =	vst v63  }
0x78: {  	_ =	swait.ge [sflag:s29], $0x80  }
0x79: {  	[sflag:s29] =	ssyncset.done $0x0  }
0x7a: {  	[sflag:s29] =	ssyncadd.s32 $0xFFFFFF80  }
0x7b: {  	_ =	swait.ge [sflag:s30], $0x80  }
0x7c: {  	[sflag:s30] =	ssyncset.done $0x0  }
0x7d: {  	[sflag:s30] =	ssyncadd.s32 $0xFFFFFF80  }
0x7e: {  	[tilespmem:s24], [sflag:$0x1] =	stream.indirect.gather [hbm4b:s4+s26], $0x80, s2, s26, $0xb8;
	[tilespmem:$0x1C200] =	vst v63  }
0x7f: {  	_ =	swait.ge [sflag:s14], $0x4000  }
0x80: {  	s19 =	sand.u32 $0xFC00, s18;
	[sflag:s14] =	ssyncset.done $0x0  }
0x81: {  	s18 =	sand.u32 $0x380, s18;
	s19 =	sadd.s32 s11, s19;
	[sflag:s14] =	ssyncadd.s32 $0xFFFFC000  }
0x82: {  	[spmem:s1] =	stream.indirect.scatter.add.f32 [tilespmem:s3], [sflag:$0x7], $0x80, s15, s26, $0xb8;
	[tilespmem:$0x1C200] =	vst v63  }
.Ltmp0:
0x83: {  	_ = 	snop;
	(pc) =	sbr.rel @p0 .LBB2_2-.Ltmp0, $4  }
0x84: {  	s18 =	sor.u32 s18, s19;
	_ =	swait.ge [sflag:s25], $0x4000  }
0x85: {  	s18 =	sshrl.u32 s18, $0x3;
	[sflag:s25] =	ssyncset.done $0x0  }
0x86: {  	s20 =	sadd.s32 s5, s18;
	s19 =	sadd.s32 s6, s18;
	[sflag:s25] =	ssyncadd.s32 $0xFFFFC000  }
0x87: {  	[tilespmem:s28], [sflag:$0x5] =	stream.linear.gather [hbm4b:s20+s2], $0x80, $0x38;
	[tilespmem:$0x1C200] =	vst v63  }
0x88: {  	[tilespmem:s15], [sflag:$0x6] =	stream.linear.gather [hbm4b:s19+s2], $0x80, $0x38;
	[tilespmem:$0x1C200] =	vst v63  }
0x89: {  	_ =	swait.ge [sflag:s7], $0x4000  }
0x8a: {  	[sflag:s7] =	ssyncset.done $0x0  }
0x8b: {  	[sflag:s7] =	ssyncadd.s32 $0xFFFFC000  }
0x8c: {  	_ =	swait.ge [sflag:s31], $0x80  }
0x8d: {  	[sflag:s31] =	ssyncset.done $0x0  }
0x8e: {  	[sflag:s31] =	ssyncadd.s32 $0xFFFFFF80  }
0x8f: {  	_ =	swait.ge [sflag:s0], $0x80  }
0x90: {  	[sflag:s0] =	ssyncset.done $0x0  }
0x91: {  	[sflag:s0] =	ssyncadd.s32 $0xFFFFFF80  }
0x92: {  	[bflag:$0x0] =	sbarrier.arrive $0xFFFF  }
0x93: {  	[tilespmem:s24], [sflag:$0x7] =	stream.linear.gather [spmem:s8], $0x4000, $0x38;
	[tilespmem:$0x1C200] =	vst v63  }
0x94: {  	_ =	swait.ge [sflag:s25], $0x4000  }
0x95: {  	[sflag:s25] =	ssyncset.done $0x0  }
0x96: {  	s17 =	rddreg [dreg:$0x8];
	[sflag:s25] =	ssyncadd.s32 $0xFFFFC000  }
0x97: {  	[hbm4b:s17+s2] =	stream.linear.scatter [tilespmem:s24], [sflag:$0x7], $0x4000, $0x38;
	[tilespmem:$0x1C200] =	vst v63  }
0x98: {  	_ =	swait.ge [sflag:s25], $0x4000  }
0x99: {  	[sflag:s25] =	ssyncset.done $0x0  }
0x9a: {  	[sflag:s25] =	ssyncadd.s32 $0xFFFFC000  }
0x9b: {  	[tilespmem:s24], [sflag:$0x7] =	stream.linear.gather [spmem:s9], $0x4000, $0x38;
	[tilespmem:$0x1C200] =	vst v63  }
0x9c: {  	_ =	swait.ge [sflag:s25], $0x4000  }
0x9d: {  	[sflag:s25] =	ssyncset.done $0x0  }
0x9e: {  	s19 =	rddreg [dreg:$0x9];
	[sflag:s25] =	ssyncadd.s32 $0xFFFFC000  }
0x9f: {  	[hbm4b:s19+s2] =	stream.linear.scatter [tilespmem:s24], [sflag:$0x7], $0x4000, $0x38;
	[tilespmem:$0x1C200] =	vst v63  }
0xa0: {  	_ =	swait.ge [sflag:s25], $0x4000  }
0xa1: {  	[sflag:s25] =	ssyncset.done $0x0  }
0xa2: {  	[sflag:s25] =	ssyncadd.s32 $0xFFFFC000  }
0xa3: {  	[tilespmem:s24], [sflag:$0x7] =	stream.linear.gather [spmem:s10], $0x4000, $0x38;
	[tilespmem:$0x1C200] =	vst v63  }
0xa4: {  	_ =	swait.ge [sflag:s25], $0x4000  }
0xa5: {  	[sflag:s25] =	ssyncset.done $0x0  }
0xa6: {  	s20 =	rddreg [dreg:$0xa];
	[sflag:s25] =	ssyncadd.s32 $0xFFFFC000  }
0xa7: {  	[hbm4b:s20+s2] =	stream.linear.scatter [tilespmem:s24], [sflag:$0x7], $0x4000, $0x38;
	[tilespmem:$0x1C200] =	vst v63  }
0xa8: {  	_ =	swait.ge [sflag:s25], $0x4000  }
0xa9: {  	[sflag:s25] =	ssyncset.done $0x0  }
0xaa: {  	[sflag:s25] =	ssyncadd.s32 $0xFFFFC000  }
0xab: {  	[tilespmem:s24], [sflag:$0x7] =	stream.linear.gather [spmem:s12], $0x4000, $0x38;
	[tilespmem:$0x1C200] =	vst v63  }
0xac: {  	_ =	swait.ge [sflag:s25], $0x4000  }
0xad: {  	[sflag:s25] =	ssyncset.done $0x0  }
0xae: {  	[sflag:s25] =	ssyncadd.s32 $0xFFFFC000  }
0xaf: {  	[hbm4b:s21+s2] =	stream.linear.scatter [tilespmem:s24], [sflag:$0x7], $0x4000, $0x38;
	[tilespmem:$0x1C200] =	vst v63  }
0xb0: {  	_ =	swait.ge [sflag:s25], $0x4000  }
0xb1: {  	[sflag:s25] =	ssyncset.done $0x0  }
0xb2: {  	[sflag:s25] =	ssyncadd.s32 $0xFFFFC000  }
0xb3: {  	[tilespmem:s24], [sflag:$0x7] =	stream.linear.gather [spmem:s13], $0x4000, $0x38;
	[tilespmem:$0x1C200] =	vst v63  }
0xb4: {  	s16 =	sadd.s32 $0x1, s16;
	_ =	swait.ge [sflag:s25], $0x4000  }
0xb5: {  	p0 =	sne.s32 s16, s23;
	[sflag:s25] =	ssyncset.done $0x0  }
.Ltmp1:
0xb6: {  	[sflag:s25] =	ssyncadd.s32 $0xFFFFC000;
	(pc) =	sbr.rel @p0 .LBB2_1-.Ltmp1, $4  }
0xb7: {  	[hbm4b:s22+s2] =	stream.linear.scatter [tilespmem:s24], [sflag:$0x7], $0x4000, $0x38;
	[tilespmem:$0x1C200] =	vst v63  }
0xb8: {  	_ =	swait.ge [sflag:s25], $0x4000  }
0xb9: {  	[sflag:s25] =	ssyncset.done $0x0  }
0xba: {  	[sflag:s25] =	ssyncadd.s32 $0xFFFFC000  }
0xbb: {  	_ =	sfence.sel $0x180000  }
0xbc: {  	[bflag:$0x0] =	sbarrier.arrive $0xFFFF  }
0xbd: {  	_ =	strace $0x9000004D  }
0xbe: {  	s0 =	stileid.u32;
	[bflag:$0x2] =	sbarrier.arrive $0xFFFF  }
0xbf: {  	p0 =	sne.s32 s0, $0x0;
	s0 =	rddreg [dreg:$0x2]  }
0xc0: {  	s0 =	sadd.s32 @!p0 $0x100000, s0  }
0xc1: {  	[sflag:s0] =	ssyncadd.tile.s32 @!p0 $0x1;
	_ =	shalt  }
.Lfunc_end2:
_tile_overlayer_lowered:
.L_overlay_start_2:
0xc2: {  	(tag) =	ssettag $0x2  }
0xc3: {  	s0 =	rddreg [dreg:$0x0];
	s2 =	stileid.u32  }
0xc4: {  	s1 =	rddreg [dreg:$0x1];
	p0 =	sne.s32 s2, $0x0  }
0xc5: {  	s3 =	rddreg [dreg:$0x2];
	[bflag:$0x3] =	sbarrier.arrive $0xFFFF;
	s2 =	simm.s32 @!p0 $0x1C07  }
0xc6: {  	[timem:s3], [sflag:s2] =	dma.local @!p0 [hbm:s0], s1  }
0xc7: {  	s0 =	simm.s32 @!p0 $0x7  }
0xc8: {  	_ =	swait.ge @!p0 [sflag:s0], s1  }
0xc9: {  	s1 =	ssub.s32 @!p0 $0x0, s1;
	[sflag:s0] =	ssyncset.done @!p0 $0x0  }
0xca: {  	[sflag:s0] =	ssyncadd.s32 @!p0 s1  }
0xcb: {  	[bflag:$0x3] =	sbarrier.arrive $0xFFFF  }
0xcc: {  	_ =	shalt  }

// kernel: kernel.20.cloned.1.call-start
scs
__scs_entry_jumppad:
0x0: {  	(pc) =	sbr.rel $0x88, $3  }
0x1: {  	(tag) =	ssettag $0x0;
	lr =	simm.s32 $0x1  }
0x2: {  	[smem:$0x3F8F] =	sst lr;
	_ =	strace $0xD0000000  }
0x3: {  	_ = 	snop  }
0x4: {  	_ = 	snop  }
0x5: {  	_ = 	snop  }
0x6: {  	_ = 	snop  }
0x7: {  	_ = 	snop  }
__scs_overlays_trampoline_lowered:
0x8: {  	[smem:$0x3F9E] =	sst s0  }
0x9: {  	[smem:$0x3F9F] =	sst s1  }
0xa: {  	[smem:$0x3FA0] =	sst s2  }
0xb: {  	[smem:$0x3FA1] =	sst s3  }
0xc: {  	[smem:$0x3FA2] =	sst s4  }
0xd: {  	[smem:$0x3FA3] =	sst s5  }
0xe: {  	[smem:$0x3FA4] =	sst s6  }
0xf: {  	[smem:$0x3FA5] =	sst s7  }
0x10: {  	[smem:$0x3FA6] =	sst s8  }
0x11: {  	[smem:$0x3FA7] =	sst s9;
	s0 =	simm.s32 @!p0 $0x0  }
0x12: {  	s1 =	sld [smem:$0x3F8D];
	s0 =	simm.s32 @p0 $0x1  }
0x13: {  	[smem:$0x3FA8] =	sst s0;
	s0 =	simm.s32 @!p1 $0x0  }
0x14: {  	s2 =	sld [smem:$0x3F8C];
	s0 =	simm.s32 @p1 $0x1  }
0x15: {  	[smem:$0x3FA9] =	sst s0;
	s0 =	simm.s32 @!p2 $0x0  }
0x16: {  	s3 =	sld [smem:$0x3FDB];
	s0 =	simm.s32 @p2 $0x1  }
0x17: {  	s4 =	simm.s32 $0x1BF5;
	[smem:$0x3FAB] =	sst s0  }
0x18: {  	s0 =	sld [smem:$0x3F8E];
	_ =	swait.ge [sflag:s4], $0x0  }
0x19: {  	s7 =	sld [smem:$0x3F8F]  }
0x1a: {  	s8 =	sadd.s32 $0xFFFFE003, lr  }
0x1b: {  	s9 =	sadd.s32 $0xFFFFFEF7, lr;
	s5 =	simm.s32 $0xFFFFFFFF;
	p2 =	slt.u32 s8, $0xFFFFF086  }
0x1c: {  	p1 =	slt.u32 s9, $0xF7A;
	s5 =	simm.s32 @!p2 $0x0  }
0x1d: {  	s5 =	simm.s32 @p1 $0x1;
	p0 =	seq.s32 s7, s2  }
0x1e: {  	s7 =	smul.u32 @!p0 $0xF7A, s2;
	p2 =	seq.s32 @!p0 s5, $0x0  }
0x1f: {  	s9 =	smul.u32 $0xF7A, s1;
	s8 =	simm.s32 @!p0 $0x1BF5;
	p2 =	por !p2, p0  }
0x20: {  	[sflag:s8] =	ssyncset.s32 @!p0 $0xFFFFF086;
	s6 =	sadd.s32 @!p0 s3, s7;
	s7 =	simm.s32 @!p0 $0x108  }
0x21: {  	s3 =	sadd.s32 s3, s9;
	s6 =	sadd.s32 @!p0 $0x88, s6;
	s7 =	simm.s32 @p2 $0x1082  }
0x22: {  	[simem:s7], [sflag:s8] =	dma.local @!p0 [hbm:s6], $0xF7A  }
0x23: {  	s9 =	sor.u32 $0xD0000000, s2;
	s6 =	simm.s32 $0x108;
	_ =	swait.ge @!p0 [sflag:s8], $0x0  }
0x24: {  	s3 =	sadd.s32 $0x88, s3;
	s6 =	simm.s32 @!p1 $0x1082;
	[sflag:s4] =	ssyncset.s32 $0xFFFFF086  }
0x25: {  	[simem:s6], [sflag:s4] =	dma.local [hbm:s3], $0xF7A  }
0x26: {  	[smem:$0x3F8F] =	sst s1;
	(tag) =	ssettag s2;
	_ =	strace s9  }
0x27: {  	s1 =	sld [smem:$0x3F9F]  }
0x28: {  	s2 =	sld [smem:$0x3FA0]  }
0x29: {  	s4 =	sld [smem:$0x3FA2]  }
0x2a: {  	p0 =	seq.s32 s5, $0x0;
	s5 =	sld [smem:$0x3FA3]  }
0x2b: {  	s6 =	sld [smem:$0x3FA4]  }
0x2c: {  	s7 =	sld [smem:$0x3FA5]  }
0x2d: {  	s3 =	simm.s32 $0x108;
	s8 =	sld [smem:$0x3FA6]  }
0x2e: {  	s3 =	simm.s32 @!p0 $0x1082;
	s9 =	sld [smem:$0x3FA7]  }
0x2f: {  	lr =	sadd.s32 s0, s3;
	s0 =	sld [smem:$0x3F9E]  }
0x30: {  	s3 =	sld [smem:$0x3FA1]  }
0x31: {  	[smem:$0x3FAA] =	sst s10  }
0x32: {  	s10 =	sld [smem:$0x3FA8];
	_ =	sdelay $0x3  }
0x33: {  	p0 =	seq.s32 s10, $0x1;
	s10 =	sld [smem:$0x3FAA];
	_ =	sdelay $0x3  }
0x34: {  	[smem:$0x3FAA] =	sst s10  }
0x35: {  	s10 =	sld [smem:$0x3FA9];
	_ =	sdelay $0x3  }
0x36: {  	p1 =	seq.s32 s10, $0x1;
	s10 =	sld [smem:$0x3FAA];
	_ =	sdelay $0x3  }
0x37: {  	[smem:$0x3FAA] =	sst s10  }
0x38: {  	s10 =	sld [smem:$0x3FAB]  }
0x39: {  	_ = 	snop;
	(pc) =	sbr.ind lr, $3  }
0x3a: {  	_ = 	snop  }
0x3b: {  	_ = 	snop  }
0x3c: {  	p2 =	seq.s32 s10, $0x1;
	s10 =	sld [smem:$0x3FAA]  }
0x3d: {  	_ =	shalt  }
0x3e: {  	_ =	shalt  }
0x3f: {  	_ =	shalt  }
0x40: {  	_ =	shalt  }
0x41: {  	_ =	shalt  }
0x42: {  	_ =	shalt  }
0x43: {  	_ =	shalt  }
0x44: {  	_ =	shalt  }
0x45: {  	_ =	shalt  }
0x46: {  	_ =	shalt  }
0x47: {  	_ =	shalt  }
0x48: {  	_ =	shalt  }
0x49: {  	_ =	shalt  }
0x4a: {  	_ =	shalt  }
0x4b: {  	_ =	shalt  }
0x4c: {  	_ =	shalt  }
0x4d: {  	_ =	shalt  }
0x4e: {  	_ =	shalt  }
0x4f: {  	_ =	shalt  }
0x50: {  	_ =	shalt  }
0x51: {  	_ =	shalt  }
0x52: {  	_ =	shalt  }
0x53: {  	_ =	shalt  }
0x54: {  	_ =	shalt  }
0x55: {  	_ =	shalt  }
0x56: {  	_ =	shalt  }
0x57: {  	_ =	shalt  }
0x58: {  	_ =	shalt  }
0x59: {  	_ =	shalt  }
0x5a: {  	_ =	shalt  }
0x5b: {  	_ =	shalt  }
0x5c: {  	_ =	shalt  }
0x5d: {  	_ =	shalt  }
0x5e: {  	_ =	shalt  }
0x5f: {  	_ =	shalt  }
0x60: {  	_ =	shalt  }
0x61: {  	_ =	shalt  }
0x62: {  	_ =	shalt  }
0x63: {  	_ =	shalt  }
0x64: {  	_ =	shalt  }
0x65: {  	_ =	shalt  }
0x66: {  	_ =	shalt  }
0x67: {  	_ =	shalt  }
0x68: {  	_ =	shalt  }
0x69: {  	_ =	shalt  }
0x6a: {  	_ =	shalt  }
0x6b: {  	_ =	shalt  }
0x6c: {  	_ =	shalt  }
0x6d: {  	_ =	shalt  }
0x6e: {  	_ =	shalt  }
0x6f: {  	_ =	shalt  }
0x70: {  	_ =	shalt  }
0x71: {  	_ =	shalt  }
0x72: {  	_ =	shalt  }
0x73: {  	_ =	shalt  }
0x74: {  	_ =	shalt  }
0x75: {  	_ =	shalt  }
0x76: {  	_ =	shalt  }
0x77: {  	_ =	shalt  }
0x78: {  	_ =	shalt  }
0x79: {  	_ =	shalt  }
0x7a: {  	_ =	shalt  }
0x7b: {  	_ =	shalt  }
0x7c: {  	_ =	shalt  }
0x7d: {  	_ =	shalt  }
0x7e: {  	_ =	shalt  }
0x7f: {  	_ =	shalt  }
0x80: {  	_ =	shalt  }
0x81: {  	_ =	shalt  }
0x82: {  	_ =	shalt  }
0x83: {  	_ =	shalt  }
0x84: {  	_ =	shalt  }
0x85: {  	_ =	shalt  }
0x86: {  	_ =	shalt  }
0x87: {  	_ =	shalt  }
.Lfunc_end0:
.L_simem_size_0:
called_computation.3_lowered:
.L_overlay_start_0:
0x88: {  	s2 =	sld [smem:$0x3FD9]  }
0x89: {  	s3 =	sld [smem:$0x3FFE];
	_ =	sdelay $0x1  }
0x8a: {  	s1 =	srdreg.scid  }
0x8b: {  	s0 =	sand.u32 $0x1, s1  }
0x8c: {  	s16 =	sshll.u32 s0, $0xA;
	s2 =	sadd.s32 s3, s2  }
0x8d: {  	s2 =	sadd.s32 s2, s16  }
0x8e: {  	[smem:$0x3FB6] =	sst s2  }
0x8f: {  	_ = 	snop  }
0x90: {  	(tm) =	ssettm $0x1  }
0x91: {  	s17 =	sld [smem:$0x3FFB];
	_ =	sdelay $0x3  }
0x92: {  	_ =	strace s17  }
0x93: {  	s2 =	sld [smem:$0x3FFC];
	_ =	sdelay $0x3  }
0x94: {  	_ =	strace s2  }
0x95: {  	s2 =	sld [smem:$0x3FFD];
	_ =	sdelay $0x3  }
0x96: {  	_ =	strace s2  }
0x97: {  	_ =	strace $0x8FFFFFFF  }
0x98: {  	s18 =	sld [smem:$0x3FDB];
	_ =	sdelay $0x1  }
0x99: {  	s19 =	simm.s32 $_scs_section_size  }
0x9a: {  	s4 =	simm.s32 $_size__tile_overlayer_lowered;
	s5 =	simm.s32 $_tile_overlayer_lowered  }
0x9b: {  	s22 =	simm.s32 $0x1BFF;
	s21 =	sshll.u32 s5, $0x1;
	s2 =	sadd.s32 s19, s18  }
0x9c: {  	s6 =	simm.s32 $0x0;
	s20 =	sshll.u32 s4, $0x1;
	s4 =	sadd.s32 s21, s2  }
0x9d: {  	[timem:s6], [sflag:s22] =	dma.local [hbm:s4], s20  }
0x9e: {  	_ =	swait.ge [sflag:s22], s20  }
0x9f: {  	s3 =	ssub.s32 $0x0, s20;
	[sflag:s22] =	ssyncset.done $0x0  }
0xa0: {  	[sflag:s22] =	ssyncadd.s32 s3;
	_ =	sdelay $0x1  }
0xa1: {  	s23 =	simm.s32 $0x1B8B  }
0xa2: {  	_ =	swait.ge [sflag:s23], $0x1  }
0xa3: {  	[sflag:s23] =	ssyncset.done $0x0  }
0xa4: {  	s25 =	simm.s32 $0x1B8E;
	s24 =	sld [smem:$0x3FFE];
	[sflag:s23] =	ssyncadd.s32 $0xFFFFFFFF  }
0xa5: {  	s26 =	simm.s32 $execute0_lowered;
	[smem:$0x3FD2] =	sst s25  }
0xa6: {  	s4 =	sshll.u32 s26, $0x1;
	_ =	strace $0x8000004F;
	[dreg:$0x1] =	wrdreg $0xFFFFFFFF  }
0xa7: {  	s28 =	simm.s32 $_size_execute0_lowered;
	s2 =	sadd.s32 s2, s4;
	[dreg:$0x0] =	wrdreg $0x0  }
0xa8: {  	s4 =	sshll.u32 s28, $0x1;
	[dreg:$0x2] =	wrdreg s2  }
0xa9: {  	[dreg:$0x3] =	wrdreg s4  }
0xaa: {  	[dreg:$0x4] =	wrdreg $0xC0  }
0xab: {  	_ =	task [dreg:s6], $0x5FFFF  }
0xac: {  	[dreg:$0x1] =	wrdreg $0xFFFFFFFF  }
0xad: {  	[dreg:$0x0] =	wrdreg $0x60  }
0xae: {  	[dreg:$0x2] =	wrdreg s24  }
0xaf: {  	[dreg:$0x3] =	wrdreg $0x82000  }
0xb0: {  	[dreg:$0x4] =	wrdreg $0x9  }
0xb1: {  	_ =	task.clear_ibuf [dreg:s6], $0x5FFFF;
	_ =	strace $0x9000004F  }
0xb2: {  	s29 =	simm.s32 $0x9;
	_ =	strace $0x80000051  }
0xb3: {  	_ =	swait.ge [sflag:s29], $0x1  }
0xb4: {  	[sflag:s29] =	ssyncadd.s32 $0xFFFFFFFF  }
0xb5: {  	_ =	strace $0x90000051  }
0xb6: {  	_ =	sfence  }
0xb7: {  	s30 =	sld [smem:$0x0];
	_ =	sdelay $0x2  }
0xb8: {  	s31 =	sshll.u32 s1, $0xD;
	s1 =	sshrl.u32 s1, $0x2  }
0xb9: {  	s3 =	sand.u32 $0x4000, s31;
	s1 =	sadd.s32 s1, s30  }
0xba: {  	s0 =	sor.u32 s3, s0;
	s1 =	sshll.u32 s1, $0x11  }
0xbb: {  	s0 =	sor.u32 s1, s0  }
0xbc: {  	s0 =	sadd.s32 $0x8F2B, s0  }
0xbd: {  	[sflag:s0] =	ssyncadd.remote.s32 $0x1  }
0xbe: {  	_ =	sfence.sel $0xFFFF  }
0xbf: {  	[dreg:$0x0] =	wrdreg $0xFFFFFFFF;
	(pc) =	sbr.abs _section_cstart, $3  }
0xc0: {  	[dreg:$0x1] =	wrdreg $0xFFFFFFFF  }
0xc1: {  	_ =	task.clear_ibuf [dreg:s6], $0x2FFFF;
	_ =	strace $0x9FFFFFFF  }
0xc2: {  	(tm) =	ssettm $0x7FFFFFFF  }
0xc3: {  	_ =	shalt  }
tec
execute0_lowered:
.L_overlay_start_1:
0x0: {  	(tag) =	ssettag $0x1  }
0x1: {  	s0 =	rddreg [dreg:$0x0]  }
0x2: {  	s1 =	rddreg [dreg:$0x1];
	s2 =	simm.s32 $0x0  }
0x3: {  	s3 =	srdreg.scid;
	s10 =	stileid.u32;
	s28 =	simm.s32 $0x100  }
0x4: {  	s29 =	simm.s32 $0x3;
	s30 =	simm.s32 $0x4;
	s31 =	simm.s32 $0x5  }
0x5: {  	[smem:$0x7FF] =	sst s2;
	s4 =	sadd.s32 $0x7F800, s0;
	s8 =	smul.u32 $0x50000, s10  }
0x6: {  	s5 =	sadd.s32 $0x6A800, s0;
	s3 =	sand.u32 $0x1, s3;
	s14 =	smul.u32 $0x14000, s10  }
0x7: {  	s6 =	sadd.s32 $0x4800, s0;
	s9 =	sadd.s32 $0x19800, s0;
	s12 =	smul.u32 $0x5400, s10  }
0x8: {  	s0 =	sadd.s32 $0xCF800, s0;
	_ =	strace $0x80000050;
	s11 =	smul.u32 $0x54000, s3  }
0x9: {  	s7 =	ssub.s32 $0x2, s3;
	[dreg:$0x3] =	wrdreg s9;
	s3 =	smul.u32 $0x140000, s3  }
0xa: {  	s21 =	sshrl.u32 s7, $0x1;
	s8 =	sshrl.u32 s8, $0x2;
	s15 =	sadd.s32 $0x4000, s14  }
0xb: {  	s16 =	sadd.s32 $0x8000, s14;
	s17 =	sadd.s32 $0xC000, s14;
	s18 =	sadd.s32 $0x10000, s14  }
0xc: {  	s7 =	ssub.s32 s7, s21;
	s8 =	sadd.s32 s8, s1;
	s9 =	sadd.s32 s15, s1  }
0xd: {  	s10 =	sadd.s32 s16, s1;
	s11 =	sadd.s32 s12, s11;
	s12 =	sadd.s32 s17, s1  }
0xe: {  	s13 =	sadd.s32 s18, s1;
	s14 =	sadd.s32 s14, s3;
	s15 =	sadd.s32 s3, s15  }
0xf: {  	s25 =	sadd.s32 s3, s16;
	s26 =	sadd.s32 s3, s17;
	s3 =	sadd.s32 s3, s18  }
0x10: {  	s16 =	simm.s32 $0x0;
	s19 =	sshrl.u32 s11, $0x3;
	s14 =	sshrl.u32 s14, $0x3  }
0x11: {  	s24 =	sshrl.u32 s15, $0x3;
	s15 =	sshrl.u32 s26, $0x3;
	s3 =	sshrl.u32 s3, $0x3  }
0x12: {  	s26 =	simm.s32 $0x80;
	s20 =	sadd.s32 s5, s19;
	s22 =	sadd.s32 s6, s19  }
0x13: {  	s19 =	sor.u32 $0x10, s19;
	s14 =	sadd.s32 s0, s14;
	[dreg:$0x4] =	wrdreg s20  }
0x14: {  	s21 =	sadd.s32 s0, s15;
	s15 =	simm.s32 $0x180;
	[dreg:$0x5] =	wrdreg s22  }
0x15: {  	s23 =	sadd.s32 s5, s19;
	s19 =	sadd.s32 s6, s19;
	[dreg:$0x8] =	wrdreg s14  }
0x16: {  	s14 =	sadd.s32 s0, s24;
	s22 =	sadd.s32 s0, s3;
	[dreg:$0x6] =	wrdreg s23  }
0x17: {  	s24 =	simm.s32 $0x200;
	s3 =	simm.s32 $0x4200;
	[dreg:$0x7] =	wrdreg s19  }
0x18: {  	[dreg:$0x9] =	wrdreg s14;
	s14 =	sshrl.u32 s25, $0x3;
	s23 =	smax.u32 s7, $0x1  }
0x19: {  	s25 =	simm.s32 $0x7;
	s7 =	simm.s32 $0x1;
	s14 =	sadd.s32 s0, s14  }
0x1a: {  	s0 =	simm.s32 $0x6;
	[dreg:$0xa] =	wrdreg s14;
	s14 =	simm.s32 $0x2  }
.LBB2_1:
0x1b: {  	s17 =	rddreg [dreg:$0x3]  }
0x1c: {  	[tilespmem:s24], [sflag:$0x7] =	stream.linear.gather [hbm4b:s17+s2], $0x4000, $0x38;
	[tilespmem:$0x1C200] =	vst v63  }
0x1d: {  	_ =	swait.ge [sflag:s25], $0x4000  }
0x1e: {  	[sflag:s25] =	ssyncset.done $0x0  }
0x1f: {  	[sflag:s25] =	ssyncadd.s32 $0xFFFFC000  }
0x20: {  	[spmem:s8] =	stream.linear.scatter [tilespmem:s24], [sflag:$0x7], $0x4000, $0x38;
	[tilespmem:$0x1C200] =	vst v63  }
0x21: {  	_ =	swait.ge [sflag:s25], $0x4000  }
0x22: {  	[sflag:s25] =	ssyncset.done $0x0  }
0x23: {  	[sflag:s25] =	ssyncadd.s32 $0xFFFFC000  }
0x24: {  	[spmem:s9] =	stream.linear.scatter [tilespmem:s24], [sflag:$0x7], $0x4000, $0x38;
	[tilespmem:$0x1C200] =	vst v63  }
0x25: {  	_ =	swait.ge [sflag:s25], $0x4000  }
0x26: {  	[sflag:s25] =	ssyncset.done $0x0  }
0x27: {  	[sflag:s25] =	ssyncadd.s32 $0xFFFFC000  }
0x28: {  	[spmem:s10] =	stream.linear.scatter [tilespmem:s24], [sflag:$0x7], $0x4000, $0x38;
	[tilespmem:$0x1C200] =	vst v63  }
0x29: {  	_ =	swait.ge [sflag:s25], $0x4000  }
0x2a: {  	[sflag:s25] =	ssyncset.done $0x0  }
0x2b: {  	[sflag:s25] =	ssyncadd.s32 $0xFFFFC000  }
0x2c: {  	[spmem:s12] =	stream.linear.scatter [tilespmem:s24], [sflag:$0x7], $0x4000, $0x38;
	[tilespmem:$0x1C200] =	vst v63  }
0x2d: {  	_ =	swait.ge [sflag:s25], $0x4000  }
0x2e: {  	[sflag:s25] =	ssyncset.done $0x0  }
0x2f: {  	[sflag:s25] =	ssyncadd.s32 $0xFFFFC000  }
0x30: {  	[spmem:s13] =	stream.linear.scatter [tilespmem:s24], [sflag:$0x7], $0x4000, $0x38;
	[tilespmem:$0x1C200] =	vst v63  }
0x31: {  	_ =	swait.ge [sflag:s25], $0x4000  }
0x32: {  	[sflag:s25] =	ssyncset.done $0x0  }
0x33: {  	s18 =	rddreg [dreg:$0x4];
	[sflag:s25] =	ssyncadd.s32 $0xFFFFC000  }
0x34: {  	[tilespmem:s2], [sflag:$0x3] =	stream.linear.gather [hbm4b:s18+s2], $0x80, $0x38;
	[tilespmem:$0x1C200] =	vst v63  }
0x35: {  	s19 =	rddreg [dreg:$0x5]  }
0x36: {  	[tilespmem:s26], [sflag:$0x4] =	stream.linear.gather [hbm4b:s19+s2], $0x80, $0x38;
	[tilespmem:$0x1C200] =	vst v63  }
0x37: {  	s20 =	rddreg [dreg:$0x6]  }
0x38: {  	[tilespmem:s28], [sflag:$0x5] =	stream.linear.gather [hbm4b:s20+s2], $0x80, $0x38;
	[tilespmem:$0x1C200] =	vst v63  }
0x39: {  	s18 =	rddreg [dreg:$0x7]  }
0x3a: {  	[tilespmem:s15], [sflag:$0x6] =	stream.linear.gather [hbm4b:s18+s2], $0x80, $0x38;
	[tilespmem:$0x1C200] =	vst v63  }
0x3b: {  	[bflag:$0x0] =	sbarrier.arrive $0xFFFF  }
0x3c: {  	_ =	swait.ge [sflag:s29], $0x80  }
0x3d: {  	[sflag:s29] =	ssyncset.done $0x0  }
0x3e: {  	[sflag:s29] =	ssyncadd.s32 $0xFFFFFF80  }
0x3f: {  	_ =	swait.ge [sflag:s30], $0x80  }
0x40: {  	[sflag:s30] =	ssyncset.done $0x0  }
0x41: {  	[sflag:s30] =	ssyncadd.s32 $0xFFFFFF80  }
0x42: {  	[tilespmem:s24], [sflag:$0x1] =	stream.indirect.gather [hbm4b:s4+s26], $0x80, s2, s26, $0xb8;
	[tilespmem:$0x1C200] =	vst v63  }
0x43: {  	_ =	swait.ge [sflag:s31], $0x80  }
0x44: {  	[sflag:s31] =	ssyncset.done $0x0  }
0x45: {  	[sflag:s31] =	ssyncadd.s32 $0xFFFFFF80  }
0x46: {  	_ =	swait.ge [sflag:s0], $0x80  }
0x47: {  	[sflag:s0] =	ssyncset.done $0x0  }
0x48: {  	[sflag:s0] =	ssyncadd.s32 $0xFFFFFF80  }
0x49: {  	[tilespmem:s3], [sflag:$0x2] =	stream.indirect.gather [hbm4b:s4+s26], $0x80, s28, s26, $0xb8;
	[tilespmem:$0x1C200] =	vst v63  }
0x4a: {  	s19 =	simm.s32 $0x100;
	_ =	swait.ge [sflag:s7], $0x4000  }
0x4b: {  	s18 =	sand.u32 $0xFC00, s19;
	[sflag:s7] =	ssyncset.done $0x0  }
0x4c: {  	s17 =	sand.u32 $0x300, s19;
	s18 =	sadd.s32 s11, s18;
	[sflag:s7] =	ssyncadd.s32 $0xFFFFC000  }
0x4d: {  	[spmem:s1] =	stream.indirect.scatter.add.f32 [tilespmem:s24], [sflag:$0x7], $0x80, s26, s26, $0xb8;
	[tilespmem:$0x1C200] =	vst v63  }
0x4e: {  	s17 =	sor.u32 s17, s18;
	_ =	swait.ge [sflag:s25], $0x4000  }
0x4f: {  	s17 =	sshrl.u32 s17, $0x3;
	[sflag:s25] =	ssyncset.done $0x0  }
0x50: {  	s20 =	sadd.s32 s5, s17;
	[sflag:s25] =	ssyncadd.s32 $0xFFFFC000  }
0x51: {  	[tilespmem:s2], [sflag:$0x3] =	stream.linear.gather [hbm4b:s20+s2], $0x80, $0x38;
	[tilespmem:$0x1C200] =	vst v63  }
0x52: {  	s17 =	sadd.s32 s6, s17  }
0x53: {  	[tilespmem:s26], [sflag:$0x4] =	stream.linear.gather [hbm4b:s17+s2], $0x80, $0x38;
	[tilespmem:$0x1C200] =	vst v63  }
0x54: {  	_ =	swait.ge [sflag:s29], $0x80  }
0x55: {  	[sflag:s29] =	ssyncset.done $0x0  }
0x56: {  	[sflag:s29] =	ssyncadd.s32 $0xFFFFFF80  }
0x57: {  	_ =	swait.ge [sflag:s30], $0x80  }
0x58: {  	[sflag:s30] =	ssyncset.done $0x0  }
0x59: {  	[sflag:s30] =	ssyncadd.s32 $0xFFFFFF80  }
0x5a: {  	[tilespmem:s24], [sflag:$0x1] =	stream.indirect.gather [hbm4b:s4+s26], $0x80, s2, s26, $0xb8;
	[tilespmem:$0x1C200] =	vst v63  }
0x5b: {  	_ =	swait.ge [sflag:s14], $0x4000  }
0x5c: {  	s19 =	sand.u32 $0xFC00, s15;
	[sflag:s14] =	ssyncset.done $0x0  }
0x5d: {  	s20 =	sand.u32 $0x380, s15;
	s17 =	sadd.s32 s11, s19;
	[sflag:s14] =	ssyncadd.s32 $0xFFFFC000  }
0x5e: {  	[spmem:s1] =	stream.indirect.scatter.add.f32 [tilespmem:s3], [sflag:$0x7], $0x80, s15, s26, $0xb8;
	[tilespmem:$0x1C200] =	vst v63  }
0x5f: {  	s17 =	sor.u32 s20, s17;
	_ =	swait.ge [sflag:s25], $0x4000  }
0x60: {  	s18 =	sshrl.u32 s17, $0x3;
	[sflag:s25] =	ssyncset.done $0x0  }
0x61: {  	s17 =	sadd.s32 s5, s18;
	[sflag:s25] =	ssyncadd.s32 $0xFFFFC000  }
0x62: {  	[tilespmem:s28], [sflag:$0x5] =	stream.linear.gather [hbm4b:s17+s2], $0x80, $0x38;
	[tilespmem:$0x1C200] =	vst v63  }
0x63: {  	s19 =	sadd.s32 s6, s18;
	s17 =	simm.s32 $0x280  }
.LBB2_2:
0x64: {  	p0 =	sne.s32 s17, $0x5180;
	s18 =	smov.u32 s17;
	s17 =	sadd.s32 $0x100, s17  }
0x65: {  	[tilespmem:s15], [sflag:$0x6] =	stream.linear.gather [hbm4b:s19+s2], $0x80, $0x38;
	[tilespmem:$0x1C200] =	vst v63  }
0x66: {  	_ =	swait.ge [sflag:s31], $0x80  }
0x67: {  	[sflag:s31] =	ssyncset.done $0x0  }
0x68: {  	[sflag:s31] =	ssyncadd.s32 $0xFFFFFF80  }
0x69: {  	_ =	swait.ge [sflag:s0], $0x80  }
0x6a: {  	[sflag:s0] =	ssyncset.done $0x0  }
0x6b: {  	[sflag:s0] =	ssyncadd.s32 $0xFFFFFF80  }
0x6c: {  	[tilespmem:s3], [sflag:$0x2] =	stream.indirect.gather [hbm4b:s4+s26], $0x80, s28, s26, $0xb8;
	[tilespmem:$0x1C200] =	vst v63  }
0x6d: {  	_ =	swait.ge [sflag:s7], $0x4000  }
0x6e: {  	s19 =	sadd.s32 $0xFFFFFF80, s18;
	[sflag:s7] =	ssyncset.done $0x0  }
0x6f: {  	s20 =	sand.u32 $0xFC00, s19;
	s19 =	sand.u32 $0x300, s19;
	[sflag:s7] =	ssyncadd.s32 $0xFFFFC000  }
0x70: {  	[spmem:s1] =	stream.indirect.scatter.add.f32 [tilespmem:s24], [sflag:$0x7], $0x80, s26, s26, $0xb8;
	[tilespmem:$0x1C200] =	vst v63  }
0x71: {  	s20 =	sadd.s32 s11, s20;
	_ =	swait.ge [sflag:s25], $0x4000  }
0x72: {  	s19 =	sor.u32 s19, s20;
	[sflag:s25] =	ssyncset.done $0x0  }
0x73: {  	s19 =	sshrl.u32 s19, $0x3;
	[sflag:s25] =	ssyncadd.s32 $0xFFFFC000  }
0x74: {  	s20 =	sadd.s32 s5, s19;
	s19 =	sadd.s32 s6, s19  }
0x75: {  	[tilespmem:s2], [sflag:$0x3] =	stream.linear.gather [hbm4b:s20+s2], $0x80, $0x38;
	[tilespmem:$0x1C200] =	vst v63  }
0x76: {  	_ = 	snop  }
0x77: {  	[tilespmem:s26], [sflag:$0x4] =	stream.linear.gather [hbm4b:s19+s2], $0x80, $0x38;
	[tilespmem:$0x1C200] =	vst v63  }
0x78: {  	_ =	swait.ge [sflag:s29], $0x80  }
0x79: {  	[sflag:s29] =	ssyncset.done $0x0  }
0x7a: {  	[sflag:s29] =	ssyncadd.s32 $0xFFFFFF80  }
0x7b: {  	_ =	swait.ge [sflag:s30], $0x80  }
0x7c: {  	[sflag:s30] =	ssyncset.done $0x0  }
0x7d: {  	[sflag:s30] =	ssyncadd.s32 $0xFFFFFF80  }
0x7e: {  	[tilespmem:s24], [sflag:$0x1] =	stream.indirect.gather [hbm4b:s4+s26], $0x80, s2, s26, $0xb8;
	[tilespmem:$0x1C200] =	vst v63  }
0x7f: {  	_ =	swait.ge [sflag:s14], $0x4000  }
0x80: {  	s19 =	sand.u32 $0xFC00, s18;
	[sflag:s14] =	ssyncset.done $0x0  }
0x81: {  	s18 =	sand.u32 $0x380, s18;
	s19 =	sadd.s32 s11, s19;
	[sflag:s14] =	ssyncadd.s32 $0xFFFFC000  }
0x82: {  	[spmem:s1] =	stream.indirect.scatter.add.f32 [tilespmem:s3], [sflag:$0x7], $0x80, s15, s26, $0xb8;
	[tilespmem:$0x1C200] =	vst v63  }
.Ltmp0:
0x83: {  	_ = 	snop;
	(pc) =	sbr.rel @p0 .LBB2_2-.Ltmp0, $4  }
0x84: {  	s18 =	sor.u32 s18, s19;
	_ =	swait.ge [sflag:s25], $0x4000  }
0x85: {  	s18 =	sshrl.u32 s18, $0x3;
	[sflag:s25] =	ssyncset.done $0x0  }
0x86: {  	s20 =	sadd.s32 s5, s18;
	s19 =	sadd.s32 s6, s18;
	[sflag:s25] =	ssyncadd.s32 $0xFFFFC000  }
0x87: {  	[tilespmem:s28], [sflag:$0x5] =	stream.linear.gather [hbm4b:s20+s2], $0x80, $0x38;
	[tilespmem:$0x1C200] =	vst v63  }
0x88: {  	[tilespmem:s15], [sflag:$0x6] =	stream.linear.gather [hbm4b:s19+s2], $0x80, $0x38;
	[tilespmem:$0x1C200] =	vst v63  }
0x89: {  	_ =	swait.ge [sflag:s7], $0x4000  }
0x8a: {  	[sflag:s7] =	ssyncset.done $0x0  }
0x8b: {  	[sflag:s7] =	ssyncadd.s32 $0xFFFFC000  }
0x8c: {  	_ =	swait.ge [sflag:s31], $0x80  }
0x8d: {  	[sflag:s31] =	ssyncset.done $0x0  }
0x8e: {  	[sflag:s31] =	ssyncadd.s32 $0xFFFFFF80  }
0x8f: {  	_ =	swait.ge [sflag:s0], $0x80  }
0x90: {  	[sflag:s0] =	ssyncset.done $0x0  }
0x91: {  	[sflag:s0] =	ssyncadd.s32 $0xFFFFFF80  }
0x92: {  	[bflag:$0x0] =	sbarrier.arrive $0xFFFF  }
0x93: {  	[tilespmem:s24], [sflag:$0x7] =	stream.linear.gather [spmem:s8], $0x4000, $0x38;
	[tilespmem:$0x1C200] =	vst v63  }
0x94: {  	_ =	swait.ge [sflag:s25], $0x4000  }
0x95: {  	[sflag:s25] =	ssyncset.done $0x0  }
0x96: {  	s17 =	rddreg [dreg:$0x8];
	[sflag:s25] =	ssyncadd.s32 $0xFFFFC000  }
0x97: {  	[hbm4b:s17+s2] =	stream.linear.scatter [tilespmem:s24], [sflag:$0x7], $0x4000, $0x38;
	[tilespmem:$0x1C200] =	vst v63  }
0x98: {  	_ =	swait.ge [sflag:s25], $0x4000  }
0x99: {  	[sflag:s25] =	ssyncset.done $0x0  }
0x9a: {  	[sflag:s25] =	ssyncadd.s32 $0xFFFFC000  }
0x9b: {  	[tilespmem:s24], [sflag:$0x7] =	stream.linear.gather [spmem:s9], $0x4000, $0x38;
	[tilespmem:$0x1C200] =	vst v63  }
0x9c: {  	_ =	swait.ge [sflag:s25], $0x4000  }
0x9d: {  	[sflag:s25] =	ssyncset.done $0x0  }
0x9e: {  	s19 =	rddreg [dreg:$0x9];
	[sflag:s25] =	ssyncadd.s32 $0xFFFFC000  }
0x9f: {  	[hbm4b:s19+s2] =	stream.linear.scatter [tilespmem:s24], [sflag:$0x7], $0x4000, $0x38;
	[tilespmem:$0x1C200] =	vst v63  }
0xa0: {  	_ =	swait.ge [sflag:s25], $0x4000  }
0xa1: {  	[sflag:s25] =	ssyncset.done $0x0  }
0xa2: {  	[sflag:s25] =	ssyncadd.s32 $0xFFFFC000  }
0xa3: {  	[tilespmem:s24], [sflag:$0x7] =	stream.linear.gather [spmem:s10], $0x4000, $0x38;
	[tilespmem:$0x1C200] =	vst v63  }
0xa4: {  	_ =	swait.ge [sflag:s25], $0x4000  }
0xa5: {  	[sflag:s25] =	ssyncset.done $0x0  }
0xa6: {  	s20 =	rddreg [dreg:$0xa];
	[sflag:s25] =	ssyncadd.s32 $0xFFFFC000  }
0xa7: {  	[hbm4b:s20+s2] =	stream.linear.scatter [tilespmem:s24], [sflag:$0x7], $0x4000, $0x38;
	[tilespmem:$0x1C200] =	vst v63  }
0xa8: {  	_ =	swait.ge [sflag:s25], $0x4000  }
0xa9: {  	[sflag:s25] =	ssyncset.done $0x0  }
0xaa: {  	[sflag:s25] =	ssyncadd.s32 $0xFFFFC000  }
0xab: {  	[tilespmem:s24], [sflag:$0x7] =	stream.linear.gather [spmem:s12], $0x4000, $0x38;
	[tilespmem:$0x1C200] =	vst v63  }
0xac: {  	_ =	swait.ge [sflag:s25], $0x4000  }
0xad: {  	[sflag:s25] =	ssyncset.done $0x0  }
0xae: {  	[sflag:s25] =	ssyncadd.s32 $0xFFFFC000  }
0xaf: {  	[hbm4b:s21+s2] =	stream.linear.scatter [tilespmem:s24], [sflag:$0x7], $0x4000, $0x38;
	[tilespmem:$0x1C200] =	vst v63  }
0xb0: {  	_ =	swait.ge [sflag:s25], $0x4000  }
0xb1: {  	[sflag:s25] =	ssyncset.done $0x0  }
0xb2: {  	[sflag:s25] =	ssyncadd.s32 $0xFFFFC000  }
0xb3: {  	[tilespmem:s24], [sflag:$0x7] =	stream.linear.gather [spmem:s13], $0x4000, $0x38;
	[tilespmem:$0x1C200] =	vst v63  }
0xb4: {  	s16 =	sadd.s32 $0x1, s16;
	_ =	swait.ge [sflag:s25], $0x4000  }
0xb5: {  	p0 =	sne.s32 s16, s23;
	[sflag:s25] =	ssyncset.done $0x0  }
.Ltmp1:
0xb6: {  	[sflag:s25] =	ssyncadd.s32 $0xFFFFC000;
	(pc) =	sbr.rel @p0 .LBB2_1-.Ltmp1, $4  }
0xb7: {  	[hbm4b:s22+s2] =	stream.linear.scatter [tilespmem:s24], [sflag:$0x7], $0x4000, $0x38;
	[tilespmem:$0x1C200] =	vst v63  }
0xb8: {  	_ =	swait.ge [sflag:s25], $0x4000  }
0xb9: {  	[sflag:s25] =	ssyncset.done $0x0  }
0xba: {  	[sflag:s25] =	ssyncadd.s32 $0xFFFFC000  }
0xbb: {  	_ =	sfence.sel $0x180000  }
0xbc: {  	[bflag:$0x0] =	sbarrier.arrive $0xFFFF  }
0xbd: {  	_ =	strace $0x90000050  }
0xbe: {  	s0 =	stileid.u32;
	[bflag:$0x2] =	sbarrier.arrive $0xFFFF  }
0xbf: {  	p0 =	sne.s32 s0, $0x0;
	s0 =	rddreg [dreg:$0x2]  }
0xc0: {  	s0 =	sadd.s32 @!p0 $0x100000, s0  }
0xc1: {  	[sflag:s0] =	ssyncadd.tile.s32 @!p0 $0x1;
	_ =	shalt  }
.Lfunc_end2:
_tile_overlayer_lowered:
.L_overlay_start_2:
0xc2: {  	(tag) =	ssettag $0x2  }
0xc3: {  	s0 =	rddreg [dreg:$0x0];
	s2 =	stileid.u32  }
0xc4: {  	s1 =	rddreg [dreg:$0x1];
	p0 =	sne.s32 s2, $0x0  }
0xc5: {  	s3 =	rddreg [dreg:$0x2];
	[bflag:$0x3] =	sbarrier.arrive $0xFFFF;
	s2 =	simm.s32 @!p0 $0x1C07  }
0xc6: {  	[timem:s3], [sflag:s2] =	dma.local @!p0 [hbm:s0], s1  }
0xc7: {  	s0 =	simm.s32 @!p0 $0x7  }
0xc8: {  	_ =	swait.ge @!p0 [sflag:s0], s1  }
0xc9: {  	s1 =	ssub.s32 @!p0 $0x0, s1;
	[sflag:s0] =	ssyncset.done @!p0 $0x0  }
0xca: {  	[sflag:s0] =	ssyncadd.s32 @!p0 s1  }
0xcb: {  	[bflag:$0x3] =	sbarrier.arrive $0xFFFF  }
0xcc: {  	_ =	shalt  }

</sc_bundles>
